<compile_context>
chip_gen: v7x
topology: tpu7x:2x2x1
jax: 0.10.2.dev20260603
libtpu: 0.0.44.dev20260713+nightly
codegen_flags: <defaults>
</compile_context>

<pallas_src>
import jax
import jax.numpy as jnp
from jax import lax
from jax.experimental import pallas as pl
from jax.experimental.pallas import tpu as pltpu
from jax.experimental.pallas import tpu_sc as plsc

N = 10000
NP = 10240
D = 128
E = 320000
NC = 2
NS = 16
NRANGE = NP // NC
NTRASH = 512
NACC = NRANGE + NTRASH
CHUNK = 128
NBUF = 2
LOOK = 1
EPS = 20480
FILL = NBUF * CHUNK
EPS2 = EPS + FILL + 16
DUMP = EPS + FILL
EPAD = NS * EPS
ZROWS = NACC // NS
ORAW = NRANGE // NS
ZB = 32


def _make_sc_aggregate(with_deg: bool):
  mesh = plsc.VectorSubcoreMesh(
      core_axis_name="c", subcore_axis_name="s", num_cores=NC, num_subcores=NS)
  out_type = [jax.ShapeDtypeStruct((NP, D), jnp.float32)]
  scratch = [
      pltpu.VMEM((EPS2,), jnp.int32),
      pltpu.VMEM((EPS2,), jnp.int32),
  ] + [pltpu.VMEM((CHUNK, D), jnp.float32) for _ in range(NBUF)] + [
      pltpu.VMEM((ZB, D), jnp.float32),
      pltpu.VMEM_SHARED((NACC, D), jnp.float32),
  ] + [pltpu.SemaphoreType.DMA] * (2 * NBUF)
  if with_deg:
    out_type.append(jax.ShapeDtypeStruct((NP,), jnp.float32))
    scratch += [
        pltpu.VMEM((CHUNK,), jnp.float32),
        pltpu.VMEM((ZROWS,), jnp.float32),
        pltpu.VMEM_SHARED((NACC,), jnp.float32),
    ] + [pltpu.SemaphoreType.DMA] * NBUF

  def body(x_hbm, src_hbm, dst_hbm, *rest):
    if with_deg:
      out_hbm, deg_hbm, r = rest[0], rest[1], rest[2:]
    else:
      out_hbm, r = rest[0], rest[1:]
    idx_s, idx_d = r[0], r[1]
    rows = r[2:2 + NBUF]
    zbuf, acc = r[2 + NBUF], r[3 + NBUF]
    sg = r[4 + NBUF:4 + 2 * NBUF]
    ss = r[4 + 2 * NBUF:4 + 3 * NBUF]
    if with_deg:
      ones_v, dz, dacc = r[4 + 3 * NBUF:7 + 3 * NBUF]
      sd = r[7 + 3 * NBUF:7 + 4 * NBUF]
    c = lax.axis_index("c")
    s = lax.axis_index("s")
    base = c * NRANGE

    def zrow(i, _):
      def zcol(j, _):
        zbuf[i, pl.ds(j * 16, 16)] = jnp.zeros((16,), jnp.float32)
        return 0
      return lax.fori_loop(0, D // 16, zcol, 0)
    lax.fori_loop(0, ZB, zrow, 0)
    for k in range(ZROWS // ZB):
      pltpu.sync_copy(zbuf, acc.at[pl.ds(s * ZROWS + k * ZB, ZB)])
    if with_deg:
      for k in range(CHUNK // 16):
        ones_v[pl.ds(k * 16, 16)] = jnp.ones((16,), jnp.float32)
      for k in range(ZROWS // 16):
        dz[pl.ds(k * 16, 16)] = jnp.zeros((16,), jnp.float32)
      pltpu.sync_copy(dz, dacc.at[pl.ds(s * ZROWS, ZROWS)])

    pltpu.sync_copy(src_hbm.at[s], idx_s.at[pl.ds(0, EPS)])
    pltpu.sync_copy(dst_hbm.at[s], idx_d.at[pl.ds(0, EPS)])
    lane = lax.iota(jnp.int32, 16)
    def compact(i, cnt):
      vd = idx_d[pl.ds(i * 16, 16)]
      vs = idx_s[pl.ds(i * 16, 16)]
      t = vd - base
      ok = (t >= 0) & (t < NRANGE)
      cum = plsc.cumsum(ok.astype(jnp.int32))
      pos = jnp.where(ok, cnt + cum - 1, DUMP + lane)
      plsc.store_scatter(idx_d, [pos], t)
      plsc.store_scatter(idx_s, [pos], vs)
      return cnt + jnp.max(cum)
    kept = lax.fori_loop(0, EPS // 16, compact, jnp.int32(0))
    for k in range(FILL // 16):
      pos = kept + k * 16 + lane
      plsc.store_scatter(idx_d, [pos], NRANGE + ((k * 16 + lane) & (NTRASH - 1)))
      plsc.store_scatter(idx_s, [pos], jnp.zeros((16,), jnp.int32))
    nch = kept // CHUNK + NBUF
    plsc.subcore_barrier()

    def g_issue(j, b):
      pltpu.async_copy(x_hbm.at[idx_s.at[pl.ds(j * CHUNK, CHUNK)]],
                       rows[b], sg[b])
    def g_wait(b):
      pltpu.make_async_copy(x_hbm.at[pl.ds(0, CHUNK)], rows[b], sg[b]).wait()
    def s_issue(j, b):
      pltpu.async_copy(rows[b], acc.at[idx_d.at[pl.ds(j * CHUNK, CHUNK)]],
                       ss[b], add=True)
    def s_wait(b):
      pltpu.make_async_copy(x_hbm.at[pl.ds(0, CHUNK)], rows[b], ss[b]).wait()
    if with_deg:
      def d_issue(j, b):
        pltpu.async_copy(ones_v, dacc.at[idx_d.at[pl.ds(j * CHUNK, CHUNK)]],
                         sd[b], add=True)
      def d_wait(b):
        pltpu.make_async_copy(deg_hbm.at[pl.ds(0, CHUNK)], ones_v, sd[b]).wait()

    for i in range(LOOK):
      g_issue(i, i % NBUF)
    def step(j, b):
      bL = (b + LOOK) % NBUF
      @pl.when(j + LOOK < nch)
      def _():
        @pl.when(j >= NBUF - LOOK)
        def _():
          s_wait(bL)
        g_issue(j + LOOK, bL)
      g_wait(b)
      s_issue(j, b)
      if with_deg:
        @pl.when(j >= NBUF)
        def _():
          d_wait(b)
        d_issue(j, b)
    def chunk_body(j, _):
      @pl.when(j < nch)
      def _():
        for b in range(NBUF):
          @pl.when(j % NBUF == b)
          def _(b=b):
            step(j, b)
      return 0
    lax.fori_loop(0, EPS2 // CHUNK, chunk_body, 0)
    for b in range(NBUF):
      s_wait(b)
      if with_deg:
        d_wait(b)
    plsc.subcore_barrier()

    for k in range(ORAW // ZB):
      pltpu.sync_copy(acc.at[pl.ds(s * ORAW + k * ZB, ZB)], zbuf)
      pltpu.sync_copy(zbuf, out_hbm.at[pl.ds(base + s * ORAW + k * ZB, ZB)])
    if with_deg:
      pltpu.sync_copy(dacc.at[pl.ds(s * ORAW, ORAW)], dz.at[pl.ds(0, ORAW)])
      pltpu.sync_copy(dz.at[pl.ds(0, ORAW)],
                      deg_hbm.at[pl.ds(base + s * ORAW, ORAW)])

  return pl.kernel(
      body, out_type=out_type, mesh=mesh, scratch_types=scratch,
      compiler_params=pltpu.CompilerParams(needs_layout_passes=False))


_sc_aggregate_deg = _make_sc_aggregate(True)
_sc_aggregate = _make_sc_aggregate(False)

BS = 1024


def _tc_layer1(x_ref, a_ref, d_ref, wx_ref, wn_ref, b_ref, o_ref):
  inv = 1.0 / jnp.maximum(d_ref[...], 1.0)
  o_ref[...] = jnp.maximum(
      jnp.dot(x_ref[...], wx_ref[...], preferred_element_type=jnp.float32)
      + jnp.dot(a_ref[...] * inv, wn_ref[...],
                preferred_element_type=jnp.float32)
      + b_ref[...], 0.0)


def _tc_layer2(x_ref, a_ref, d_ref, wx_ref, wn_ref, b_ref,
               wc1_ref, bc1_ref, wc2_ref, bc2_ref, o_ref):
  inv = 1.0 / jnp.maximum(d_ref[...], 1.0)
  x2 = jnp.maximum(
      jnp.dot(x_ref[...], wx_ref[...], preferred_element_type=jnp.float32)
      + jnp.dot(a_ref[...] * inv, wn_ref[...],
                preferred_element_type=jnp.float32)
      + b_ref[...], 0.0)
  h = jnp.maximum(
      jnp.dot(x2, wc1_ref[...], preferred_element_type=jnp.float32)
      + bc1_ref[...], 0.0)
  o_ref[...] = (
      jnp.dot(h, wc2_ref[...], preferred_element_type=jnp.float32)
      + bc2_ref[...])


def _row_spec(w):
  return pl.BlockSpec((BS, w), lambda i: (i, 0))


def _full_spec(shape):
  nd = len(shape)
  return pl.BlockSpec(shape, lambda i, _nd=nd: (0,) * nd)


def _tc1_call(x, agg, d, wx, wn, b):
  return pl.pallas_call(
      _tc_layer1,
      grid=(NP // BS,),
      in_specs=[
          _row_spec(D), _row_spec(D), _row_spec(1),
          _full_spec((D, D)), _full_spec((D, D)), _full_spec((1, D)),
      ],
      out_specs=_row_spec(D),
      out_shape=jax.ShapeDtypeStruct((NP, D), jnp.float32),
  )(x, agg, d, wx, wn, b)


def _tc2_call(x, agg, d, wx, wn, b, wc1, bc1, wc2, bc2):
  return pl.pallas_call(
      _tc_layer2,
      grid=(NP // BS,),
      in_specs=[
          _row_spec(D), _row_spec(D), _row_spec(1),
          _full_spec((D, D)), _full_spec((D, D)), _full_spec((1, D)),
          _full_spec((D, D // 2)), _full_spec((1, D // 2)),
          _full_spec((D // 2, 2)), _full_spec((1, 2)),
      ],
      out_specs=_row_spec(2),
      out_shape=jax.ShapeDtypeStruct((NP, 2), jnp.float32),
  )(x, agg, d, wx, wn, b, wc1, bc1, wc2, bc2)


@jax.jit
def kernel(features, edge_indices, edge_weights, W1, b1, W2, b2,
           Wc1, bc1, Wc2, bc2):
  del edge_weights
  x0 = jnp.pad(features, ((0, NP - N), (0, 0)))
  src3 = jnp.pad(edge_indices[0, 0], (0, EPAD - E)).reshape(NS, EPS)
  pad_dst = N + (jnp.arange(EPAD - E, dtype=jnp.int32) % (NP - N))
  dst3 = jnp.concatenate([edge_indices[0, 1], pad_dst]).reshape(NS, EPS)
  w1x = W1[:, :D].T
  w1n = W1[:, D:].T
  w2x = W2[:, :D].T
  w2n = W2[:, D:].T

  agg1, deg = _sc_aggregate_deg(x0, src3, dst3)
  d = deg.reshape(NP, 1)
  x1 = _tc1_call(x0, agg1, d, w1x, w1n, b1.reshape(1, D))

  (agg2,) = _sc_aggregate(x1, src3, dst3)
  logits = _tc2_call(x1, agg2, d, w2x, w2n, b2.reshape(1, D),
                     Wc1.T, bc1.reshape(1, D // 2),
                     Wc2.T, bc2.reshape(1, 2))
  return logits[:N]

# --- scband reference (transcript-rebuilt; emitter-appended) ---
"""Pipeline reference for scband-semi-supervised-graph-sage-43499428774650 (READ-ONLY COPY).

The authoritative reference and input builder live on the scoring server;
editing this copy changes nothing except your own understanding.
"""

import jax, jax.numpy as jnp
import numpy as np

N_NODES = 10000
N_EDGES = 320000
D_IN = 128
D_HID = 128
N_CLASSES = 2


def setup_inputs(seed: int = 0) -> dict:
    key = jax.random.key(seed)
    ks = jax.random.split(key, 12)
    features = jax.random.normal(ks[0], (N_NODES, D_IN), dtype=jnp.float32)
    # edge_indices is a length-1 'list' of [2, E] edge index tensors, materialized as [1, 2, E]
    edge_indices = jax.random.randint(ks[1], (1, 2, N_EDGES), 0, N_NODES, dtype=jnp.int32)
    edge_weights = jnp.ones((1, N_EDGES), dtype=jnp.float32)  # unused by the module's forward
    # Layer 1: Linear(2*D_IN -> D_HID)
    W1 = jax.random.normal(ks[2], (D_HID, 2 * D_IN), dtype=jnp.float32) * 0.05
    b1 = jnp.zeros((D_HID,), dtype=jnp.float32)
    # Layer 2: Linear(2*D_HID -> D_HID)
    W2 = jax.random.normal(ks[3], (D_HID, 2 * D_HID), dtype=jnp.float32) * 0.05
    b2 = jnp.zeros((D_HID,), dtype=jnp.float32)
    # Classifier: Linear(D_HID -> D_HID//2), ReLU, Linear(D_HID//2 -> N_CLASSES)
    Wc1 = jax.random.normal(ks[4], (D_HID // 2, D_HID), dtype=jnp.float32) * 0.05
    bc1 = jnp.zeros((D_HID // 2,), dtype=jnp.float32)
    Wc2 = jax.random.normal(ks[5], (N_CLASSES, D_HID // 2), dtype=jnp.float32) * 0.05
    bc2 = jnp.zeros((N_CLASSES,), dtype=jnp.float32)
    return {"features": features, "edge_indices": edge_indices, "edge_weights": edge_weights,
            "W1": W1, "b1": b1, "W2": W2, "b2": b2,
            "Wc1": Wc1, "bc1": bc1, "Wc2": Wc2, "bc2": bc2}


def _sage_layer(x, edge_index, W, b):
    n = x.shape[0]
    src = edge_index[0]
    dst = edge_index[1]
    src_features = jnp.take(x, src, axis=0)                 # gather
    deg = jnp.zeros((n,), dtype=jnp.float32).at[dst].add(1.0)  # scatter-add degree
    deg = jnp.maximum(deg, 1.0)
    neighbor = jnp.zeros_like(x).at[dst].add(src_features)     # scatter-add aggregation
    neighbor = neighbor / deg[:, None]
    combined = jnp.concatenate([x, neighbor], axis=-1)
    return combined @ W.T + b


def reference(features, edge_indices, edge_weights, W1, b1, W2, b2, Wc1, bc1, Wc2, bc2):
    edge_index = edge_indices[0]
    x = jax.nn.relu(_sage_layer(features, edge_index, W1, b1))
    x = jax.nn.relu(_sage_layer(x, edge_index, W2, b2))
    h = jax.nn.relu(x @ Wc1.T + bc1)
    logits = h @ Wc2.T + bc2
    return logits

if __name__ == "__main__":
    import jax
    _d = setup_inputs()
    print(jax.jit(kernel)(*tuple(_d.values())))

</pallas_src>

<mosaic_0001>
#map = affine_map<(d0, d1) -> (0, 0)>
#map1 = affine_map<(d0, d1) -> (0)>
module attributes {stable_mosaic.version = 14 : i64} {
  func.func @body(%arg0: i32, %arg1: i32, %arg2: memref<10240x128xf32, #tpu.memory_space<hbm>>, %arg3: memref<16x20480xi32, #tpu.memory_space<hbm>>, %arg4: memref<16x20480xi32, #tpu.memory_space<hbm>>, %arg5: memref<10240x128xf32, #tpu.memory_space<hbm>>, %arg6: memref<10240xf32, #tpu.memory_space<hbm>>, %arg7: memref<20752xi32, #tpu.memory_space<vmem>>, %arg8: memref<20752xi32, #tpu.memory_space<vmem>>, %arg9: memref<128x128xf32, #tpu.memory_space<vmem>>, %arg10: memref<128x128xf32, #tpu.memory_space<vmem>>, %arg11: memref<32x128xf32, #tpu.memory_space<vmem>>, %arg12: memref<5632x128xf32, #tpu.memory_space<vmem_shared>>, %arg13: memref<!tpu.dma_semaphore, #tpu.memory_space<semaphore_mem>>, %arg14: memref<!tpu.dma_semaphore, #tpu.memory_space<semaphore_mem>>, %arg15: memref<!tpu.dma_semaphore, #tpu.memory_space<semaphore_mem>>, %arg16: memref<!tpu.dma_semaphore, #tpu.memory_space<semaphore_mem>>, %arg17: memref<128xf32, #tpu.memory_space<vmem>>, %arg18: memref<352xf32, #tpu.memory_space<vmem>>, %arg19: memref<5632xf32, #tpu.memory_space<vmem_shared>>, %arg20: memref<!tpu.dma_semaphore, #tpu.memory_space<semaphore_mem>>, %arg21: memref<!tpu.dma_semaphore, #tpu.memory_space<semaphore_mem>>) attributes {dimension_semantics = [#tpu.dimension_semantics<core_parallel>, #tpu.dimension_semantics<subcore_parallel>], iteration_bounds = array<i64: 2, 16>, scalar_prefetch = 0 : i64, scratch_operands = 15 : i64, tpu.core_type = #tpu.core_type<sc_vector_subcore>, window_params = [{transform_indices = #map}, {transform_indices = #map}, {transform_indices = #map}, {transform_indices = #map}, {transform_indices = #map1}]} {
    %mul3A = arith.constant 5120 : i32
    %mul3A_0 = arith.muli %arg0, %mul3A : i32
    %scan3A = arith.constant 0 : i32
    %scan3A_1 = arith.constant 0 : i32
    %scan3A_2 = arith.constant 32 : i32
    %scan3A_3 = arith.addi %scan3A_1, %scan3A_2 : i32
    %scan3A_4 = arith.constant 1 : i32
    %scan3A_5 = scf.for %scan3A_561 = %scan3A_1 to %scan3A_3 step %scan3A_4 iter_args(%scan3A_562 = %scan3A) -> (i32)  : i32 {
      %scan3A_563 = arith.constant 0 : i32
      %scan3A_564 = arith.constant 0 : i32
      %scan3A_565 = arith.constant 8 : i32
      %scan3A_566 = arith.addi %scan3A_564, %scan3A_565 : i32
      %scan3A_567 = arith.constant 1 : i32
      %scan3A_568 = scf.for %scan3A_570 = %scan3A_564 to %scan3A_566 step %scan3A_567 iter_args(%scan3A_571 = %scan3A_563) -> (i32)  : i32 {
        %broadcast_in_dim3A_572 = arith.constant 0.000000e+00 : f32
        %broadcast_in_dim3A_573 = vector.broadcast %broadcast_in_dim3A_572 : f32 to vector<16xf32>
        %mul3A_574 = arith.constant 16 : i32
        %mul3A_575 = arith.muli %scan3A_570, %mul3A_574 : i32
        %swap3A_576 = arith.index_cast %scan3A_561 : i32 to index
        %swap3A_577 = arith.index_cast %mul3A_575 : i32 to index
        %swap3A_578 = tpu.vector_load %arg11[%swap3A_576, %swap3A_577] {strides = array<i32>} : memref<32x128xf32, #tpu.memory_space<vmem>>, vector<16xf32>,
        tpu.vector_store %arg11[%swap3A_576, %swap3A_577], %broadcast_in_dim3A_573 {strides = array<i32>} : memref<32x128xf32, #tpu.memory_space<vmem>>, vector<16xf32>,
        %scan3A_579 = arith.constant 0 : i32
        scf.yield %scan3A_579 : i32
      }
      %scan3A_569 = arith.constant 8 : i32
      scf.yield %scan3A_568 : i32
    }
    %scan3A_6 = arith.constant 32 : i32
    %mul3A_7 = arith.constant 352 : i32
    %mul3A_8 = arith.muli %arg1, %mul3A_7 : i32
    %add3A = arith.constant 0 : i32
    %add3A_9 = arith.addi %mul3A_8, %add3A : i32
    "tpu.region"() ({
      %run_scoped3A = tpu.sem_alloc : memref<!tpu.dma_semaphore, #tpu.memory_space<semaphore_mem>>
      %dma_start3A_561 = arith.constant 0 : i32
      %dma_start3A_562 = tpu.memref_slice %arg12[%add3A_9, %dma_start3A_561] : memref<5632x128xf32, #tpu.memory_space<vmem_shared>> -> memref<32x128xf32, #tpu.memory_space<vmem_shared>>
      %dma_start3A_563 = arith.constant 0 : i32
      %dma_start3A_564 = tpu.memref_slice %arg12[%add3A_9, %dma_start3A_563] : memref<5632x128xf32, #tpu.memory_space<vmem_shared>> -> memref<32x128xf32, #tpu.memory_space<vmem_shared>>
      tpu.enqueue_dma source(%arg11 : memref<32x128xf32, #tpu.memory_space<vmem>>) target(%dma_start3A_564 : memref<32x128xf32, #tpu.memory_space<vmem_shared>>) target_semaphore(%run_scoped3A : memref<!tpu.dma_semaphore, #tpu.memory_space<semaphore_mem>>)
      %dma_wait3A_565 = arith.constant 0 : i32
      %dma_wait3A_566 = tpu.memref_slice %arg12[%add3A_9, %dma_wait3A_565] : memref<5632x128xf32, #tpu.memory_space<vmem_shared>> -> memref<32x128xf32, #tpu.memory_space<vmem_shared>>
      %dma_wait3A_567 = arith.constant 0 : i32
      %dma_wait3A_568 = tpu.memref_slice %arg12[%add3A_9, %dma_wait3A_567] : memref<5632x128xf32, #tpu.memory_space<vmem_shared>> -> memref<32x128xf32, #tpu.memory_space<vmem_shared>>
      tpu.wait_dma2 semaphore(%run_scoped3A : memref<!tpu.dma_semaphore, #tpu.memory_space<semaphore_mem>>) src(%arg11 : memref<32x128xf32, #tpu.memory_space<vmem>>) dst(%dma_wait3A_568 : memref<32x128xf32, #tpu.memory_space<vmem_shared>>)
      tpu.yield
    }) : () -> ()
    %mul3A_10 = arith.constant 352 : i32
    %mul3A_11 = arith.muli %arg1, %mul3A_10 : i32
    %add3A_12 = arith.constant 32 : i32
    %add3A_13 = arith.addi %mul3A_11, %add3A_12 : i32
    "tpu.region"() ({
      %run_scoped3A = tpu.sem_alloc : memref<!tpu.dma_semaphore, #tpu.memory_space<semaphore_mem>>
      %dma_start3A_561 = arith.constant 0 : i32
      %dma_start3A_562 = tpu.memref_slice %arg12[%add3A_13, %dma_start3A_561] : memref<5632x128xf32, #tpu.memory_space<vmem_shared>> -> memref<32x128xf32, #tpu.memory_space<vmem_shared>>
      %dma_start3A_563 = arith.constant 0 : i32
      %dma_start3A_564 = tpu.memref_slice %arg12[%add3A_13, %dma_start3A_563] : memref<5632x128xf32, #tpu.memory_space<vmem_shared>> -> memref<32x128xf32, #tpu.memory_space<vmem_shared>>
      tpu.enqueue_dma source(%arg11 : memref<32x128xf32, #tpu.memory_space<vmem>>) target(%dma_start3A_564 : memref<32x128xf32, #tpu.memory_space<vmem_shared>>) target_semaphore(%run_scoped3A : memref<!tpu.dma_semaphore, #tpu.memory_space<semaphore_mem>>)
      %dma_wait3A_565 = arith.constant 0 : i32
      %dma_wait3A_566 = tpu.memref_slice %arg12[%add3A_13, %dma_wait3A_565] : memref<5632x128xf32, #tpu.memory_space<vmem_shared>> -> memref<32x128xf32, #tpu.memory_space<vmem_shared>>
      %dma_wait3A_567 = arith.constant 0 : i32
      %dma_wait3A_568 = tpu.memref_slice %arg12[%add3A_13, %dma_wait3A_567] : memref<5632x128xf32, #tpu.memory_space<vmem_shared>> -> memref<32x128xf32, #tpu.memory_space<vmem_shared>>
      tpu.wait_dma2 semaphore(%run_scoped3A : memref<!tpu.dma_semaphore, #tpu.memory_space<semaphore_mem>>) src(%arg11 : memref<32x128xf32, #tpu.memory_space<vmem>>) dst(%dma_wait3A_568 : memref<32x128xf32, #tpu.memory_space<vmem_shared>>)
      tpu.yield
    }) : () -> ()
    %mul3A_14 = arith.constant 352 : i32
    %mul3A_15 = arith.muli %arg1, %mul3A_14 : i32
    %add3A_16 = arith.constant 64 : i32
    %add3A_17 = arith.addi %mul3A_15, %add3A_16 : i32
    "tpu.region"() ({
      %run_scoped3A = tpu.sem_alloc : memref<!tpu.dma_semaphore, #tpu.memory_space<semaphore_mem>>
      %dma_start3A_561 = arith.constant 0 : i32
      %dma_start3A_562 = tpu.memref_slice %arg12[%add3A_17, %dma_start3A_561] : memref<5632x128xf32, #tpu.memory_space<vmem_shared>> -> memref<32x128xf32, #tpu.memory_space<vmem_shared>>
      %dma_start3A_563 = arith.constant 0 : i32
      %dma_start3A_564 = tpu.memref_slice %arg12[%add3A_17, %dma_start3A_563] : memref<5632x128xf32, #tpu.memory_space<vmem_shared>> -> memref<32x128xf32, #tpu.memory_space<vmem_shared>>
      tpu.enqueue_dma source(%arg11 : memref<32x128xf32, #tpu.memory_space<vmem>>) target(%dma_start3A_564 : memref<32x128xf32, #tpu.memory_space<vmem_shared>>) target_semaphore(%run_scoped3A : memref<!tpu.dma_semaphore, #tpu.memory_space<semaphore_mem>>)
      %dma_wait3A_565 = arith.constant 0 : i32
      %dma_wait3A_566 = tpu.memref_slice %arg12[%add3A_17, %dma_wait3A_565] : memref<5632x128xf32, #tpu.memory_space<vmem_shared>> -> memref<32x128xf32, #tpu.memory_space<vmem_shared>>
      %dma_wait3A_567 = arith.constant 0 : i32
      %dma_wait3A_568 = tpu.memref_slice %arg12[%add3A_17, %dma_wait3A_567] : memref<5632x128xf32, #tpu.memory_space<vmem_shared>> -> memref<32x128xf32, #tpu.memory_space<vmem_shared>>
      tpu.wait_dma2 semaphore(%run_scoped3A : memref<!tpu.dma_semaphore, #tpu.memory_space<semaphore_mem>>) src(%arg11 : memref<32x128xf32, #tpu.memory_space<vmem>>) dst(%dma_wait3A_568 : memref<32x128xf32, #tpu.memory_space<vmem_shared>>)
      tpu.yield
    }) : () -> ()
    %mul3A_18 = arith.constant 352 : i32
    %mul3A_19 = arith.muli %arg1, %mul3A_18 : i32
    %add3A_20 = arith.constant 96 : i32
    %add3A_21 = arith.addi %mul3A_19, %add3A_20 : i32
    "tpu.region"() ({
      %run_scoped3A = tpu.sem_alloc : memref<!tpu.dma_semaphore, #tpu.memory_space<semaphore_mem>>
      %dma_start3A_561 = arith.constant 0 : i32
      %dma_start3A_562 = tpu.memref_slice %arg12[%add3A_21, %dma_start3A_561] : memref<5632x128xf32, #tpu.memory_space<vmem_shared>> -> memref<32x128xf32, #tpu.memory_space<vmem_shared>>
      %dma_start3A_563 = arith.constant 0 : i32
      %dma_start3A_564 = tpu.memref_slice %arg12[%add3A_21, %dma_start3A_563] : memref<5632x128xf32, #tpu.memory_space<vmem_shared>> -> memref<32x128xf32, #tpu.memory_space<vmem_shared>>
      tpu.enqueue_dma source(%arg11 : memref<32x128xf32, #tpu.memory_space<vmem>>) target(%dma_start3A_564 : memref<32x128xf32, #tpu.memory_space<vmem_shared>>) target_semaphore(%run_scoped3A : memref<!tpu.dma_semaphore, #tpu.memory_space<semaphore_mem>>)
      %dma_wait3A_565 = arith.constant 0 : i32
      %dma_wait3A_566 = tpu.memref_slice %arg12[%add3A_21, %dma_wait3A_565] : memref<5632x128xf32, #tpu.memory_space<vmem_shared>> -> memref<32x128xf32, #tpu.memory_space<vmem_shared>>
      %dma_wait3A_567 = arith.constant 0 : i32
      %dma_wait3A_568 = tpu.memref_slice %arg12[%add3A_21, %dma_wait3A_567] : memref<5632x128xf32, #tpu.memory_space<vmem_shared>> -> memref<32x128xf32, #tpu.memory_space<vmem_shared>>
      tpu.wait_dma2 semaphore(%run_scoped3A : memref<!tpu.dma_semaphore, #tpu.memory_space<semaphore_mem>>) src(%arg11 : memref<32x128xf32, #tpu.memory_space<vmem>>) dst(%dma_wait3A_568 : memref<32x128xf32, #tpu.memory_space<vmem_shared>>)
      tpu.yield
    }) : () -> ()
    %mul3A_22 = arith.constant 352 : i32
    %mul3A_23 = arith.muli %arg1, %mul3A_22 : i32
    %add3A_24 = arith.constant 128 : i32
    %add3A_25 = arith.addi %mul3A_23, %add3A_24 : i32
    "tpu.region"() ({
      %run_scoped3A = tpu.sem_alloc : memref<!tpu.dma_semaphore, #tpu.memory_space<semaphore_mem>>
      %dma_start3A_561 = arith.constant 0 : i32
      %dma_start3A_562 = tpu.memref_slice %arg12[%add3A_25, %dma_start3A_561] : memref<5632x128xf32, #tpu.memory_space<vmem_shared>> -> memref<32x128xf32, #tpu.memory_space<vmem_shared>>
      %dma_start3A_563 = arith.constant 0 : i32
      %dma_start3A_564 = tpu.memref_slice %arg12[%add3A_25, %dma_start3A_563] : memref<5632x128xf32, #tpu.memory_space<vmem_shared>> -> memref<32x128xf32, #tpu.memory_space<vmem_shared>>
      tpu.enqueue_dma source(%arg11 : memref<32x128xf32, #tpu.memory_space<vmem>>) target(%dma_start3A_564 : memref<32x128xf32, #tpu.memory_space<vmem_shared>>) target_semaphore(%run_scoped3A : memref<!tpu.dma_semaphore, #tpu.memory_space<semaphore_mem>>)
      %dma_wait3A_565 = arith.constant 0 : i32
      %dma_wait3A_566 = tpu.memref_slice %arg12[%add3A_25, %dma_wait3A_565] : memref<5632x128xf32, #tpu.memory_space<vmem_shared>> -> memref<32x128xf32, #tpu.memory_space<vmem_shared>>
      %dma_wait3A_567 = arith.constant 0 : i32
      %dma_wait3A_568 = tpu.memref_slice %arg12[%add3A_25, %dma_wait3A_567] : memref<5632x128xf32, #tpu.memory_space<vmem_shared>> -> memref<32x128xf32, #tpu.memory_space<vmem_shared>>
      tpu.wait_dma2 semaphore(%run_scoped3A : memref<!tpu.dma_semaphore, #tpu.memory_space<semaphore_mem>>) src(%arg11 : memref<32x128xf32, #tpu.memory_space<vmem>>) dst(%dma_wait3A_568 : memref<32x128xf32, #tpu.memory_space<vmem_shared>>)
      tpu.yield
    }) : () -> ()
    %mul3A_26 = arith.constant 352 : i32
    %mul3A_27 = arith.muli %arg1, %mul3A_26 : i32
    %add3A_28 = arith.constant 160 : i32
    %add3A_29 = arith.addi %mul3A_27, %add3A_28 : i32
    "tpu.region"() ({
      %run_scoped3A = tpu.sem_alloc : memref<!tpu.dma_semaphore, #tpu.memory_space<semaphore_mem>>
      %dma_start3A_561 = arith.constant 0 : i32
      %dma_start3A_562 = tpu.memref_slice %arg12[%add3A_29, %dma_start3A_561] : memref<5632x128xf32, #tpu.memory_space<vmem_shared>> -> memref<32x128xf32, #tpu.memory_space<vmem_shared>>
      %dma_start3A_563 = arith.constant 0 : i32
      %dma_start3A_564 = tpu.memref_slice %arg12[%add3A_29, %dma_start3A_563] : memref<5632x128xf32, #tpu.memory_space<vmem_shared>> -> memref<32x128xf32, #tpu.memory_space<vmem_shared>>
      tpu.enqueue_dma source(%arg11 : memref<32x128xf32, #tpu.memory_space<vmem>>) target(%dma_start3A_564 : memref<32x128xf32, #tpu.memory_space<vmem_shared>>) target_semaphore(%run_scoped3A : memref<!tpu.dma_semaphore, #tpu.memory_space<semaphore_mem>>)
      %dma_wait3A_565 = arith.constant 0 : i32
      %dma_wait3A_566 = tpu.memref_slice %arg12[%add3A_29, %dma_wait3A_565] : memref<5632x128xf32, #tpu.memory_space<vmem_shared>> -> memref<32x128xf32, #tpu.memory_space<vmem_shared>>
      %dma_wait3A_567 = arith.constant 0 : i32
      %dma_wait3A_568 = tpu.memref_slice %arg12[%add3A_29, %dma_wait3A_567] : memref<5632x128xf32, #tpu.memory_space<vmem_shared>> -> memref<32x128xf32, #tpu.memory_space<vmem_shared>>
      tpu.wait_dma2 semaphore(%run_scoped3A : memref<!tpu.dma_semaphore, #tpu.memory_space<semaphore_mem>>) src(%arg11 : memref<32x128xf32, #tpu.memory_space<vmem>>) dst(%dma_wait3A_568 : memref<32x128xf32, #tpu.memory_space<vmem_shared>>)
      tpu.yield
    }) : () -> ()
    %mul3A_30 = arith.constant 352 : i32
    %mul3A_31 = arith.muli %arg1, %mul3A_30 : i32
    %add3A_32 = arith.constant 192 : i32
    %add3A_33 = arith.addi %mul3A_31, %add3A_32 : i32
    "tpu.region"() ({
      %run_scoped3A = tpu.sem_alloc : memref<!tpu.dma_semaphore, #tpu.memory_space<semaphore_mem>>
      %dma_start3A_561 = arith.constant 0 : i32
      %dma_start3A_562 = tpu.memref_slice %arg12[%add3A_33, %dma_start3A_561] : memref<5632x128xf32, #tpu.memory_space<vmem_shared>> -> memref<32x128xf32, #tpu.memory_space<vmem_shared>>
      %dma_start3A_563 = arith.constant 0 : i32
      %dma_start3A_564 = tpu.memref_slice %arg12[%add3A_33, %dma_start3A_563] : memref<5632x128xf32, #tpu.memory_space<vmem_shared>> -> memref<32x128xf32, #tpu.memory_space<vmem_shared>>
      tpu.enqueue_dma source(%arg11 : memref<32x128xf32, #tpu.memory_space<vmem>>) target(%dma_start3A_564 : memref<32x128xf32, #tpu.memory_space<vmem_shared>>) target_semaphore(%run_scoped3A : memref<!tpu.dma_semaphore, #tpu.memory_space<semaphore_mem>>)
      %dma_wait3A_565 = arith.constant 0 : i32
      %dma_wait3A_566 = tpu.memref_slice %arg12[%add3A_33, %dma_wait3A_565] : memref<5632x128xf32, #tpu.memory_space<vmem_shared>> -> memref<32x128xf32, #tpu.memory_space<vmem_shared>>
      %dma_wait3A_567 = arith.constant 0 : i32
      %dma_wait3A_568 = tpu.memref_slice %arg12[%add3A_33, %dma_wait3A_567] : memref<5632x128xf32, #tpu.memory_space<vmem_shared>> -> memref<32x128xf32, #tpu.memory_space<vmem_shared>>
      tpu.wait_dma2 semaphore(%run_scoped3A : memref<!tpu.dma_semaphore, #tpu.memory_space<semaphore_mem>>) src(%arg11 : memref<32x128xf32, #tpu.memory_space<vmem>>) dst(%dma_wait3A_568 : memref<32x128xf32, #tpu.memory_space<vmem_shared>>)
      tpu.yield
    }) : () -> ()
    %mul3A_34 = arith.constant 352 : i32
    %mul3A_35 = arith.muli %arg1, %mul3A_34 : i32
    %add3A_36 = arith.constant 224 : i32
    %add3A_37 = arith.addi %mul3A_35, %add3A_36 : i32
    "tpu.region"() ({
      %run_scoped3A = tpu.sem_alloc : memref<!tpu.dma_semaphore, #tpu.memory_space<semaphore_mem>>
      %dma_start3A_561 = arith.constant 0 : i32
      %dma_start3A_562 = tpu.memref_slice %arg12[%add3A_37, %dma_start3A_561] : memref<5632x128xf32, #tpu.memory_space<vmem_shared>> -> memref<32x128xf32, #tpu.memory_space<vmem_shared>>
      %dma_start3A_563 = arith.constant 0 : i32
      %dma_start3A_564 = tpu.memref_slice %arg12[%add3A_37, %dma_start3A_563] : memref<5632x128xf32, #tpu.memory_space<vmem_shared>> -> memref<32x128xf32, #tpu.memory_space<vmem_shared>>
      tpu.enqueue_dma source(%arg11 : memref<32x128xf32, #tpu.memory_space<vmem>>) target(%dma_start3A_564 : memref<32x128xf32, #tpu.memory_space<vmem_shared>>) target_semaphore(%run_scoped3A : memref<!tpu.dma_semaphore, #tpu.memory_space<semaphore_mem>>)
      %dma_wait3A_565 = arith.constant 0 : i32
      %dma_wait3A_566 = tpu.memref_slice %arg12[%add3A_37, %dma_wait3A_565] : memref<5632x128xf32, #tpu.memory_space<vmem_shared>> -> memref<32x128xf32, #tpu.memory_space<vmem_shared>>
      %dma_wait3A_567 = arith.constant 0 : i32
      %dma_wait3A_568 = tpu.memref_slice %arg12[%add3A_37, %dma_wait3A_567] : memref<5632x128xf32, #tpu.memory_space<vmem_shared>> -> memref<32x128xf32, #tpu.memory_space<vmem_shared>>
      tpu.wait_dma2 semaphore(%run_scoped3A : memref<!tpu.dma_semaphore, #tpu.memory_space<semaphore_mem>>) src(%arg11 : memref<32x128xf32, #tpu.memory_space<vmem>>) dst(%dma_wait3A_568 : memref<32x128xf32, #tpu.memory_space<vmem_shared>>)
      tpu.yield
    }) : () -> ()
    %mul3A_38 = arith.constant 352 : i32
    %mul3A_39 = arith.muli %arg1, %mul3A_38 : i32
    %add3A_40 = arith.constant 256 : i32
    %add3A_41 = arith.addi %mul3A_39, %add3A_40 : i32
    "tpu.region"() ({
      %run_scoped3A = tpu.sem_alloc : memref<!tpu.dma_semaphore, #tpu.memory_space<semaphore_mem>>
      %dma_start3A_561 = arith.constant 0 : i32
      %dma_start3A_562 = tpu.memref_slice %arg12[%add3A_41, %dma_start3A_561] : memref<5632x128xf32, #tpu.memory_space<vmem_shared>> -> memref<32x128xf32, #tpu.memory_space<vmem_shared>>
      %dma_start3A_563 = arith.constant 0 : i32
      %dma_start3A_564 = tpu.memref_slice %arg12[%add3A_41, %dma_start3A_563] : memref<5632x128xf32, #tpu.memory_space<vmem_shared>> -> memref<32x128xf32, #tpu.memory_space<vmem_shared>>
      tpu.enqueue_dma source(%arg11 : memref<32x128xf32, #tpu.memory_space<vmem>>) target(%dma_start3A_564 : memref<32x128xf32, #tpu.memory_space<vmem_shared>>) target_semaphore(%run_scoped3A : memref<!tpu.dma_semaphore, #tpu.memory_space<semaphore_mem>>)
      %dma_wait3A_565 = arith.constant 0 : i32
      %dma_wait3A_566 = tpu.memref_slice %arg12[%add3A_41, %dma_wait3A_565] : memref<5632x128xf32, #tpu.memory_space<vmem_shared>> -> memref<32x128xf32, #tpu.memory_space<vmem_shared>>
      %dma_wait3A_567 = arith.constant 0 : i32
      %dma_wait3A_568 = tpu.memref_slice %arg12[%add3A_41, %dma_wait3A_567] : memref<5632x128xf32, #tpu.memory_space<vmem_shared>> -> memref<32x128xf32, #tpu.memory_space<vmem_shared>>
      tpu.wait_dma2 semaphore(%run_scoped3A : memref<!tpu.dma_semaphore, #tpu.memory_space<semaphore_mem>>) src(%arg11 : memref<32x128xf32, #tpu.memory_space<vmem>>) dst(%dma_wait3A_568 : memref<32x128xf32, #tpu.memory_space<vmem_shared>>)
      tpu.yield
    }) : () -> ()
    %mul3A_42 = arith.constant 352 : i32
    %mul3A_43 = arith.muli %arg1, %mul3A_42 : i32
    %add3A_44 = arith.constant 288 : i32
    %add3A_45 = arith.addi %mul3A_43, %add3A_44 : i32
    "tpu.region"() ({
      %run_scoped3A = tpu.sem_alloc : memref<!tpu.dma_semaphore, #tpu.memory_space<semaphore_mem>>
      %dma_start3A_561 = arith.constant 0 : i32
      %dma_start3A_562 = tpu.memref_slice %arg12[%add3A_45, %dma_start3A_561] : memref<5632x128xf32, #tpu.memory_space<vmem_shared>> -> memref<32x128xf32, #tpu.memory_space<vmem_shared>>
      %dma_start3A_563 = arith.constant 0 : i32
      %dma_start3A_564 = tpu.memref_slice %arg12[%add3A_45, %dma_start3A_563] : memref<5632x128xf32, #tpu.memory_space<vmem_shared>> -> memref<32x128xf32, #tpu.memory_space<vmem_shared>>
      tpu.enqueue_dma source(%arg11 : memref<32x128xf32, #tpu.memory_space<vmem>>) target(%dma_start3A_564 : memref<32x128xf32, #tpu.memory_space<vmem_shared>>) target_semaphore(%run_scoped3A : memref<!tpu.dma_semaphore, #tpu.memory_space<semaphore_mem>>)
      %dma_wait3A_565 = arith.constant 0 : i32
      %dma_wait3A_566 = tpu.memref_slice %arg12[%add3A_45, %dma_wait3A_565] : memref<5632x128xf32, #tpu.memory_space<vmem_shared>> -> memref<32x128xf32, #tpu.memory_space<vmem_shared>>
      %dma_wait3A_567 = arith.constant 0 : i32
      %dma_wait3A_568 = tpu.memref_slice %arg12[%add3A_45, %dma_wait3A_567] : memref<5632x128xf32, #tpu.memory_space<vmem_shared>> -> memref<32x128xf32, #tpu.memory_space<vmem_shared>>
      tpu.wait_dma2 semaphore(%run_scoped3A : memref<!tpu.dma_semaphore, #tpu.memory_space<semaphore_mem>>) src(%arg11 : memref<32x128xf32, #tpu.memory_space<vmem>>) dst(%dma_wait3A_568 : memref<32x128xf32, #tpu.memory_space<vmem_shared>>)
      tpu.yield
    }) : () -> ()
    %mul3A_46 = arith.constant 352 : i32
    %mul3A_47 = arith.muli %arg1, %mul3A_46 : i32
    %add3A_48 = arith.constant 320 : i32
    %add3A_49 = arith.addi %mul3A_47, %add3A_48 : i32
    "tpu.region"() ({
      %run_scoped3A = tpu.sem_alloc : memref<!tpu.dma_semaphore, #tpu.memory_space<semaphore_mem>>
      %dma_start3A_561 = arith.constant 0 : i32
      %dma_start3A_562 = tpu.memref_slice %arg12[%add3A_49, %dma_start3A_561] : memref<5632x128xf32, #tpu.memory_space<vmem_shared>> -> memref<32x128xf32, #tpu.memory_space<vmem_shared>>
      %dma_start3A_563 = arith.constant 0 : i32
      %dma_start3A_564 = tpu.memref_slice %arg12[%add3A_49, %dma_start3A_563] : memref<5632x128xf32, #tpu.memory_space<vmem_shared>> -> memref<32x128xf32, #tpu.memory_space<vmem_shared>>
      tpu.enqueue_dma source(%arg11 : memref<32x128xf32, #tpu.memory_space<vmem>>) target(%dma_start3A_564 : memref<32x128xf32, #tpu.memory_space<vmem_shared>>) target_semaphore(%run_scoped3A : memref<!tpu.dma_semaphore, #tpu.memory_space<semaphore_mem>>)
      %dma_wait3A_565 = arith.constant 0 : i32
      %dma_wait3A_566 = tpu.memref_slice %arg12[%add3A_49, %dma_wait3A_565] : memref<5632x128xf32, #tpu.memory_space<vmem_shared>> -> memref<32x128xf32, #tpu.memory_space<vmem_shared>>
      %dma_wait3A_567 = arith.constant 0 : i32
      %dma_wait3A_568 = tpu.memref_slice %arg12[%add3A_49, %dma_wait3A_567] : memref<5632x128xf32, #tpu.memory_space<vmem_shared>> -> memref<32x128xf32, #tpu.memory_space<vmem_shared>>
      tpu.wait_dma2 semaphore(%run_scoped3A : memref<!tpu.dma_semaphore, #tpu.memory_space<semaphore_mem>>) src(%arg11 : memref<32x128xf32, #tpu.memory_space<vmem>>) dst(%dma_wait3A_568 : memref<32x128xf32, #tpu.memory_space<vmem_shared>>)
      tpu.yield
    }) : () -> ()
    %broadcast_in_dim3A = arith.constant 1.000000e+00 : f32
    %broadcast_in_dim3A_50 = vector.broadcast %broadcast_in_dim3A : f32 to vector<16xf32>
    %swap3A = arith.constant 0 : index
    %swap3A_51 = tpu.vector_load %arg17[%swap3A] {strides = array<i32>} : memref<128xf32, #tpu.memory_space<vmem>>, vector<16xf32>,
    tpu.vector_store %arg17[%swap3A], %broadcast_in_dim3A_50 {strides = array<i32>} : memref<128xf32, #tpu.memory_space<vmem>>, vector<16xf32>,
    %broadcast_in_dim3A_52 = arith.constant 1.000000e+00 : f32
    %broadcast_in_dim3A_53 = vector.broadcast %broadcast_in_dim3A_52 : f32 to vector<16xf32>
    %swap3A_54 = arith.constant 16 : index
    %swap3A_55 = tpu.vector_load %arg17[%swap3A_54] {strides = array<i32>} : memref<128xf32, #tpu.memory_space<vmem>>, vector<16xf32>,
    tpu.vector_store %arg17[%swap3A_54], %broadcast_in_dim3A_53 {strides = array<i32>} : memref<128xf32, #tpu.memory_space<vmem>>, vector<16xf32>,
    %broadcast_in_dim3A_56 = arith.constant 1.000000e+00 : f32
    %broadcast_in_dim3A_57 = vector.broadcast %broadcast_in_dim3A_56 : f32 to vector<16xf32>
    %swap3A_58 = arith.constant 32 : index
    %swap3A_59 = tpu.vector_load %arg17[%swap3A_58] {strides = array<i32>} : memref<128xf32, #tpu.memory_space<vmem>>, vector<16xf32>,
    tpu.vector_store %arg17[%swap3A_58], %broadcast_in_dim3A_57 {strides = array<i32>} : memref<128xf32, #tpu.memory_space<vmem>>, vector<16xf32>,
    %broadcast_in_dim3A_60 = arith.constant 1.000000e+00 : f32
    %broadcast_in_dim3A_61 = vector.broadcast %broadcast_in_dim3A_60 : f32 to vector<16xf32>
    %swap3A_62 = arith.constant 48 : index
    %swap3A_63 = tpu.vector_load %arg17[%swap3A_62] {strides = array<i32>} : memref<128xf32, #tpu.memory_space<vmem>>, vector<16xf32>,
    tpu.vector_store %arg17[%swap3A_62], %broadcast_in_dim3A_61 {strides = array<i32>} : memref<128xf32, #tpu.memory_space<vmem>>, vector<16xf32>,
    %broadcast_in_dim3A_64 = arith.constant 1.000000e+00 : f32
    %broadcast_in_dim3A_65 = vector.broadcast %broadcast_in_dim3A_64 : f32 to vector<16xf32>
    %swap3A_66 = arith.constant 64 : index
    %swap3A_67 = tpu.vector_load %arg17[%swap3A_66] {strides = array<i32>} : memref<128xf32, #tpu.memory_space<vmem>>, vector<16xf32>,
    tpu.vector_store %arg17[%swap3A_66], %broadcast_in_dim3A_65 {strides = array<i32>} : memref<128xf32, #tpu.memory_space<vmem>>, vector<16xf32>,
    %broadcast_in_dim3A_68 = arith.constant 1.000000e+00 : f32
    %broadcast_in_dim3A_69 = vector.broadcast %broadcast_in_dim3A_68 : f32 to vector<16xf32>
    %swap3A_70 = arith.constant 80 : index
    %swap3A_71 = tpu.vector_load %arg17[%swap3A_70] {strides = array<i32>} : memref<128xf32, #tpu.memory_space<vmem>>, vector<16xf32>,
    tpu.vector_store %arg17[%swap3A_70], %broadcast_in_dim3A_69 {strides = array<i32>} : memref<128xf32, #tpu.memory_space<vmem>>, vector<16xf32>,
    %broadcast_in_dim3A_72 = arith.constant 1.000000e+00 : f32
    %broadcast_in_dim3A_73 = vector.broadcast %broadcast_in_dim3A_72 : f32 to vector<16xf32>
    %swap3A_74 = arith.constant 96 : index
    %swap3A_75 = tpu.vector_load %arg17[%swap3A_74] {strides = array<i32>} : memref<128xf32, #tpu.memory_space<vmem>>, vector<16xf32>,
    tpu.vector_store %arg17[%swap3A_74], %broadcast_in_dim3A_73 {strides = array<i32>} : memref<128xf32, #tpu.memory_space<vmem>>, vector<16xf32>,
    %broadcast_in_dim3A_76 = arith.constant 1.000000e+00 : f32
    %broadcast_in_dim3A_77 = vector.broadcast %broadcast_in_dim3A_76 : f32 to vector<16xf32>
    %swap3A_78 = arith.constant 112 : index
    %swap3A_79 = tpu.vector_load %arg17[%swap3A_78] {strides = array<i32>} : memref<128xf32, #tpu.memory_space<vmem>>, vector<16xf32>,
    tpu.vector_store %arg17[%swap3A_78], %broadcast_in_dim3A_77 {strides = array<i32>} : memref<128xf32, #tpu.memory_space<vmem>>, vector<16xf32>,
    %broadcast_in_dim3A_80 = arith.constant 0.000000e+00 : f32
    %broadcast_in_dim3A_81 = vector.broadcast %broadcast_in_dim3A_80 : f32 to vector<16xf32>
    %swap3A_82 = arith.constant 0 : index
    %swap3A_83 = tpu.vector_load %arg18[%swap3A_82] {strides = array<i32>} : memref<352xf32, #tpu.memory_space<vmem>>, vector<16xf32>,
    tpu.vector_store %arg18[%swap3A_82], %broadcast_in_dim3A_81 {strides = array<i32>} : memref<352xf32, #tpu.memory_space<vmem>>, vector<16xf32>,
    %broadcast_in_dim3A_84 = arith.constant 0.000000e+00 : f32
    %broadcast_in_dim3A_85 = vector.broadcast %broadcast_in_dim3A_84 : f32 to vector<16xf32>
    %swap3A_86 = arith.constant 16 : index
    %swap3A_87 = tpu.vector_load %arg18[%swap3A_86] {strides = array<i32>} : memref<352xf32, #tpu.memory_space<vmem>>, vector<16xf32>,
    tpu.vector_store %arg18[%swap3A_86], %broadcast_in_dim3A_85 {strides = array<i32>} : memref<352xf32, #tpu.memory_space<vmem>>, vector<16xf32>,
    %broadcast_in_dim3A_88 = arith.constant 0.000000e+00 : f32
    %broadcast_in_dim3A_89 = vector.broadcast %broadcast_in_dim3A_88 : f32 to vector<16xf32>
    %swap3A_90 = arith.constant 32 : index
    %swap3A_91 = tpu.vector_load %arg18[%swap3A_90] {strides = array<i32>} : memref<352xf32, #tpu.memory_space<vmem>>, vector<16xf32>,
    tpu.vector_store %arg18[%swap3A_90], %broadcast_in_dim3A_89 {strides = array<i32>} : memref<352xf32, #tpu.memory_space<vmem>>, vector<16xf32>,
    %broadcast_in_dim3A_92 = arith.constant 0.000000e+00 : f32
    %broadcast_in_dim3A_93 = vector.broadcast %broadcast_in_dim3A_92 : f32 to vector<16xf32>
    %swap3A_94 = arith.constant 48 : index
    %swap3A_95 = tpu.vector_load %arg18[%swap3A_94] {strides = array<i32>} : memref<352xf32, #tpu.memory_space<vmem>>, vector<16xf32>,
    tpu.vector_store %arg18[%swap3A_94], %broadcast_in_dim3A_93 {strides = array<i32>} : memref<352xf32, #tpu.memory_space<vmem>>, vector<16xf32>,
    %broadcast_in_dim3A_96 = arith.constant 0.000000e+00 : f32
    %broadcast_in_dim3A_97 = vector.broadcast %broadcast_in_dim3A_96 : f32 to vector<16xf32>
    %swap3A_98 = arith.constant 64 : index
    %swap3A_99 = tpu.vector_load %arg18[%swap3A_98] {strides = array<i32>} : memref<352xf32, #tpu.memory_space<vmem>>, vector<16xf32>,
    tpu.vector_store %arg18[%swap3A_98], %broadcast_in_dim3A_97 {strides = array<i32>} : memref<352xf32, #tpu.memory_space<vmem>>, vector<16xf32>,
    %broadcast_in_dim3A_100 = arith.constant 0.000000e+00 : f32
    %broadcast_in_dim3A_101 = vector.broadcast %broadcast_in_dim3A_100 : f32 to vector<16xf32>
    %swap3A_102 = arith.constant 80 : index
    %swap3A_103 = tpu.vector_load %arg18[%swap3A_102] {strides = array<i32>} : memref<352xf32, #tpu.memory_space<vmem>>, vector<16xf32>,
    tpu.vector_store %arg18[%swap3A_102], %broadcast_in_dim3A_101 {strides = array<i32>} : memref<352xf32, #tpu.memory_space<vmem>>, vector<16xf32>,
    %broadcast_in_dim3A_104 = arith.constant 0.000000e+00 : f32
    %broadcast_in_dim3A_105 = vector.broadcast %broadcast_in_dim3A_104 : f32 to vector<16xf32>
    %swap3A_106 = arith.constant 96 : index
    %swap3A_107 = tpu.vector_load %arg18[%swap3A_106] {strides = array<i32>} : memref<352xf32, #tpu.memory_space<vmem>>, vector<16xf32>,
    tpu.vector_store %arg18[%swap3A_106], %broadcast_in_dim3A_105 {strides = array<i32>} : memref<352xf32, #tpu.memory_space<vmem>>, vector<16xf32>,
    %broadcast_in_dim3A_108 = arith.constant 0.000000e+00 : f32
    %broadcast_in_dim3A_109 = vector.broadcast %broadcast_in_dim3A_108 : f32 to vector<16xf32>
    %swap3A_110 = arith.constant 112 : index
    %swap3A_111 = tpu.vector_load %arg18[%swap3A_110] {strides = array<i32>} : memref<352xf32, #tpu.memory_space<vmem>>, vector<16xf32>,
    tpu.vector_store %arg18[%swap3A_110], %broadcast_in_dim3A_109 {strides = array<i32>} : memref<352xf32, #tpu.memory_space<vmem>>, vector<16xf32>,
    %broadcast_in_dim3A_112 = arith.constant 0.000000e+00 : f32
    %broadcast_in_dim3A_113 = vector.broadcast %broadcast_in_dim3A_112 : f32 to vector<16xf32>
    %swap3A_114 = arith.constant 128 : index
    %swap3A_115 = tpu.vector_load %arg18[%swap3A_114] {strides = array<i32>} : memref<352xf32, #tpu.memory_space<vmem>>, vector<16xf32>,
    tpu.vector_store %arg18[%swap3A_114], %broadcast_in_dim3A_113 {strides = array<i32>} : memref<352xf32, #tpu.memory_space<vmem>>, vector<16xf32>,
    %broadcast_in_dim3A_116 = arith.constant 0.000000e+00 : f32
    %broadcast_in_dim3A_117 = vector.broadcast %broadcast_in_dim3A_116 : f32 to vector<16xf32>
    %swap3A_118 = arith.constant 144 : index
    %swap3A_119 = tpu.vector_load %arg18[%swap3A_118] {strides = array<i32>} : memref<352xf32, #tpu.memory_space<vmem>>, vector<16xf32>,
    tpu.vector_store %arg18[%swap3A_118], %broadcast_in_dim3A_117 {strides = array<i32>} : memref<352xf32, #tpu.memory_space<vmem>>, vector<16xf32>,
    %broadcast_in_dim3A_120 = arith.constant 0.000000e+00 : f32
    %broadcast_in_dim3A_121 = vector.broadcast %broadcast_in_dim3A_120 : f32 to vector<16xf32>
    %swap3A_122 = arith.constant 160 : index
    %swap3A_123 = tpu.vector_load %arg18[%swap3A_122] {strides = array<i32>} : memref<352xf32, #tpu.memory_space<vmem>>, vector<16xf32>,
    tpu.vector_store %arg18[%swap3A_122], %broadcast_in_dim3A_121 {strides = array<i32>} : memref<352xf32, #tpu.memory_space<vmem>>, vector<16xf32>,
    %broadcast_in_dim3A_124 = arith.constant 0.000000e+00 : f32
    %broadcast_in_dim3A_125 = vector.broadcast %broadcast_in_dim3A_124 : f32 to vector<16xf32>
    %swap3A_126 = arith.constant 176 : index
    %swap3A_127 = tpu.vector_load %arg18[%swap3A_126] {strides = array<i32>} : memref<352xf32, #tpu.memory_space<vmem>>, vector<16xf32>,
    tpu.vector_store %arg18[%swap3A_126], %broadcast_in_dim3A_125 {strides = array<i32>} : memref<352xf32, #tpu.memory_space<vmem>>, vector<16xf32>,
    %broadcast_in_dim3A_128 = arith.constant 0.000000e+00 : f32
    %broadcast_in_dim3A_129 = vector.broadcast %broadcast_in_dim3A_128 : f32 to vector<16xf32>
    %swap3A_130 = arith.constant 192 : index
    %swap3A_131 = tpu.vector_load %arg18[%swap3A_130] {strides = array<i32>} : memref<352xf32, #tpu.memory_space<vmem>>, vector<16xf32>,
    tpu.vector_store %arg18[%swap3A_130], %broadcast_in_dim3A_129 {strides = array<i32>} : memref<352xf32, #tpu.memory_space<vmem>>, vector<16xf32>,
    %broadcast_in_dim3A_132 = arith.constant 0.000000e+00 : f32
    %broadcast_in_dim3A_133 = vector.broadcast %broadcast_in_dim3A_132 : f32 to vector<16xf32>
    %swap3A_134 = arith.constant 208 : index
    %swap3A_135 = tpu.vector_load %arg18[%swap3A_134] {strides = array<i32>} : memref<352xf32, #tpu.memory_space<vmem>>, vector<16xf32>,
    tpu.vector_store %arg18[%swap3A_134], %broadcast_in_dim3A_133 {strides = array<i32>} : memref<352xf32, #tpu.memory_space<vmem>>, vector<16xf32>,
    %broadcast_in_dim3A_136 = arith.constant 0.000000e+00 : f32
    %broadcast_in_dim3A_137 = vector.broadcast %broadcast_in_dim3A_136 : f32 to vector<16xf32>
    %swap3A_138 = arith.constant 224 : index
    %swap3A_139 = tpu.vector_load %arg18[%swap3A_138] {strides = array<i32>} : memref<352xf32, #tpu.memory_space<vmem>>, vector<16xf32>,
    tpu.vector_store %arg18[%swap3A_138], %broadcast_in_dim3A_137 {strides = array<i32>} : memref<352xf32, #tpu.memory_space<vmem>>, vector<16xf32>,
    %broadcast_in_dim3A_140 = arith.constant 0.000000e+00 : f32
    %broadcast_in_dim3A_141 = vector.broadcast %broadcast_in_dim3A_140 : f32 to vector<16xf32>
    %swap3A_142 = arith.constant 240 : index
    %swap3A_143 = tpu.vector_load %arg18[%swap3A_142] {strides = array<i32>} : memref<352xf32, #tpu.memory_space<vmem>>, vector<16xf32>,
    tpu.vector_store %arg18[%swap3A_142], %broadcast_in_dim3A_141 {strides = array<i32>} : memref<352xf32, #tpu.memory_space<vmem>>, vector<16xf32>,
    %broadcast_in_dim3A_144 = arith.constant 0.000000e+00 : f32
    %broadcast_in_dim3A_145 = vector.broadcast %broadcast_in_dim3A_144 : f32 to vector<16xf32>
    %swap3A_146 = arith.constant 256 : index
    %swap3A_147 = tpu.vector_load %arg18[%swap3A_146] {strides = array<i32>} : memref<352xf32, #tpu.memory_space<vmem>>, vector<16xf32>,
    tpu.vector_store %arg18[%swap3A_146], %broadcast_in_dim3A_145 {strides = array<i32>} : memref<352xf32, #tpu.memory_space<vmem>>, vector<16xf32>,
    %broadcast_in_dim3A_148 = arith.constant 0.000000e+00 : f32
    %broadcast_in_dim3A_149 = vector.broadcast %broadcast_in_dim3A_148 : f32 to vector<16xf32>
    %swap3A_150 = arith.constant 272 : index
    %swap3A_151 = tpu.vector_load %arg18[%swap3A_150] {strides = array<i32>} : memref<352xf32, #tpu.memory_space<vmem>>, vector<16xf32>,
    tpu.vector_store %arg18[%swap3A_150], %broadcast_in_dim3A_149 {strides = array<i32>} : memref<352xf32, #tpu.memory_space<vmem>>, vector<16xf32>,
    %broadcast_in_dim3A_152 = arith.constant 0.000000e+00 : f32
    %broadcast_in_dim3A_153 = vector.broadcast %broadcast_in_dim3A_152 : f32 to vector<16xf32>
    %swap3A_154 = arith.constant 288 : index
    %swap3A_155 = tpu.vector_load %arg18[%swap3A_154] {strides = array<i32>} : memref<352xf32, #tpu.memory_space<vmem>>, vector<16xf32>,
    tpu.vector_store %arg18[%swap3A_154], %broadcast_in_dim3A_153 {strides = array<i32>} : memref<352xf32, #tpu.memory_space<vmem>>, vector<16xf32>,
    %broadcast_in_dim3A_156 = arith.constant 0.000000e+00 : f32
    %broadcast_in_dim3A_157 = vector.broadcast %broadcast_in_dim3A_156 : f32 to vector<16xf32>
    %swap3A_158 = arith.constant 304 : index
    %swap3A_159 = tpu.vector_load %arg18[%swap3A_158] {strides = array<i32>} : memref<352xf32, #tpu.memory_space<vmem>>, vector<16xf32>,
    tpu.vector_store %arg18[%swap3A_158], %broadcast_in_dim3A_157 {strides = array<i32>} : memref<352xf32, #tpu.memory_space<vmem>>, vector<16xf32>,
    %broadcast_in_dim3A_160 = arith.constant 0.000000e+00 : f32
    %broadcast_in_dim3A_161 = vector.broadcast %broadcast_in_dim3A_160 : f32 to vector<16xf32>
    %swap3A_162 = arith.constant 320 : index
    %swap3A_163 = tpu.vector_load %arg18[%swap3A_162] {strides = array<i32>} : memref<352xf32, #tpu.memory_space<vmem>>, vector<16xf32>,
    tpu.vector_store %arg18[%swap3A_162], %broadcast_in_dim3A_161 {strides = array<i32>} : memref<352xf32, #tpu.memory_space<vmem>>, vector<16xf32>,
    %broadcast_in_dim3A_164 = arith.constant 0.000000e+00 : f32
    %broadcast_in_dim3A_165 = vector.broadcast %broadcast_in_dim3A_164 : f32 to vector<16xf32>
    %swap3A_166 = arith.constant 336 : index
    %swap3A_167 = tpu.vector_load %arg18[%swap3A_166] {strides = array<i32>} : memref<352xf32, #tpu.memory_space<vmem>>, vector<16xf32>,
    tpu.vector_store %arg18[%swap3A_166], %broadcast_in_dim3A_165 {strides = array<i32>} : memref<352xf32, #tpu.memory_space<vmem>>, vector<16xf32>,
    %mul3A_168 = arith.constant 352 : i32
    %mul3A_169 = arith.muli %arg1, %mul3A_168 : i32
    "tpu.region"() ({
      %run_scoped3A = tpu.sem_alloc : memref<!tpu.dma_semaphore, #tpu.memory_space<semaphore_mem>>
      %dma_start3A_561 = tpu.memref_slice %arg19[%mul3A_169] : memref<5632xf32, #tpu.memory_space<vmem_shared>> -> memref<352xf32, #tpu.memory_space<vmem_shared>>
      %dma_start3A_562 = tpu.memref_slice %arg19[%mul3A_169] : memref<5632xf32, #tpu.memory_space<vmem_shared>> -> memref<352xf32, #tpu.memory_space<vmem_shared>>
      tpu.enqueue_dma source(%arg18 : memref<352xf32, #tpu.memory_space<vmem>>) target(%dma_start3A_562 : memref<352xf32, #tpu.memory_space<vmem_shared>>) target_semaphore(%run_scoped3A : memref<!tpu.dma_semaphore, #tpu.memory_space<semaphore_mem>>)
      %dma_wait3A_563 = tpu.memref_slice %arg19[%mul3A_169] : memref<5632xf32, #tpu.memory_space<vmem_shared>> -> memref<352xf32, #tpu.memory_space<vmem_shared>>
      %dma_wait3A_564 = tpu.memref_slice %arg19[%mul3A_169] : memref<5632xf32, #tpu.memory_space<vmem_shared>> -> memref<352xf32, #tpu.memory_space<vmem_shared>>
      tpu.wait_dma2 semaphore(%run_scoped3A : memref<!tpu.dma_semaphore, #tpu.memory_space<semaphore_mem>>) src(%arg18 : memref<352xf32, #tpu.memory_space<vmem>>) dst(%dma_wait3A_564 : memref<352xf32, #tpu.memory_space<vmem_shared>>)
      tpu.yield
    }) : () -> ()
    "tpu.region"() ({
      %run_scoped3A = tpu.sem_alloc : memref<!tpu.dma_semaphore, #tpu.memory_space<semaphore_mem>>
      %dma_start3A_561 = arith.constant 0 : i32
      %dma_start3A_562 = tpu.memref_slice %arg7[%dma_start3A_561] : memref<20752xi32, #tpu.memory_space<vmem>> -> memref<20480xi32, #tpu.memory_space<vmem>>
      %dma_start3A_563 = arith.constant 0 : i32
      %dma_start3A_564 = tpu.memref_slice %arg3[%arg1, %dma_start3A_563] : memref<16x20480xi32, #tpu.memory_space<hbm>> -> memref<1x20480xi32, #tpu.memory_space<hbm>>
      %dma_start3A_565 = tpu.memref_squeeze %dma_start3A_564 : memref<1x20480xi32, #tpu.memory_space<hbm>> -> memref<20480xi32, #tpu.memory_space<hbm>>
      %dma_start3A_566 = arith.constant 0 : i32
      %dma_start3A_567 = tpu.memref_slice %arg7[%dma_start3A_566] : memref<20752xi32, #tpu.memory_space<vmem>> -> memref<20480xi32, #tpu.memory_space<vmem>>
      %dma_start3A_568 = arith.constant 0 : i32
      %dma_start3A_569 = tpu.memref_slice %arg3[%arg1, %dma_start3A_568] : memref<16x20480xi32, #tpu.memory_space<hbm>> -> memref<1x20480xi32, #tpu.memory_space<hbm>>
      %dma_start3A_570 = tpu.memref_squeeze %dma_start3A_569 : memref<1x20480xi32, #tpu.memory_space<hbm>> -> memref<20480xi32, #tpu.memory_space<hbm>>
      tpu.enqueue_dma source(%dma_start3A_570 : memref<20480xi32, #tpu.memory_space<hbm>>) target(%dma_start3A_567 : memref<20480xi32, #tpu.memory_space<vmem>>) target_semaphore(%run_scoped3A : memref<!tpu.dma_semaphore, #tpu.memory_space<semaphore_mem>>)
      %dma_wait3A_571 = arith.constant 0 : i32
      %dma_wait3A_572 = tpu.memref_slice %arg7[%dma_wait3A_571] : memref<20752xi32, #tpu.memory_space<vmem>> -> memref<20480xi32, #tpu.memory_space<vmem>>
      %dma_wait3A_573 = arith.constant 0 : i32
      %dma_wait3A_574 = tpu.memref_slice %arg3[%arg1, %dma_wait3A_573] : memref<16x20480xi32, #tpu.memory_space<hbm>> -> memref<1x20480xi32, #tpu.memory_space<hbm>>
      %dma_wait3A_575 = tpu.memref_squeeze %dma_wait3A_574 : memref<1x20480xi32, #tpu.memory_space<hbm>> -> memref<20480xi32, #tpu.memory_space<hbm>>
      %dma_wait3A_576 = arith.constant 0 : i32
      %dma_wait3A_577 = tpu.memref_slice %arg7[%dma_wait3A_576] : memref<20752xi32, #tpu.memory_space<vmem>> -> memref<20480xi32, #tpu.memory_space<vmem>>
      %dma_wait3A_578 = arith.constant 0 : i32
      %dma_wait3A_579 = tpu.memref_slice %arg3[%arg1, %dma_wait3A_578] : memref<16x20480xi32, #tpu.memory_space<hbm>> -> memref<1x20480xi32, #tpu.memory_space<hbm>>
      %dma_wait3A_580 = tpu.memref_squeeze %dma_wait3A_579 : memref<1x20480xi32, #tpu.memory_space<hbm>> -> memref<20480xi32, #tpu.memory_space<hbm>>
      tpu.wait_dma2 semaphore(%run_scoped3A : memref<!tpu.dma_semaphore, #tpu.memory_space<semaphore_mem>>) src(%dma_wait3A_580 : memref<20480xi32, #tpu.memory_space<hbm>>) dst(%dma_wait3A_577 : memref<20480xi32, #tpu.memory_space<vmem>>)
      tpu.yield
    }) : () -> ()
    "tpu.region"() ({
      %run_scoped3A = tpu.sem_alloc : memref<!tpu.dma_semaphore, #tpu.memory_space<semaphore_mem>>
      %dma_start3A_561 = arith.constant 0 : i32
      %dma_start3A_562 = tpu.memref_slice %arg8[%dma_start3A_561] : memref<20752xi32, #tpu.memory_space<vmem>> -> memref<20480xi32, #tpu.memory_space<vmem>>
      %dma_start3A_563 = arith.constant 0 : i32
      %dma_start3A_564 = tpu.memref_slice %arg4[%arg1, %dma_start3A_563] : memref<16x20480xi32, #tpu.memory_space<hbm>> -> memref<1x20480xi32, #tpu.memory_space<hbm>>
      %dma_start3A_565 = tpu.memref_squeeze %dma_start3A_564 : memref<1x20480xi32, #tpu.memory_space<hbm>> -> memref<20480xi32, #tpu.memory_space<hbm>>
      %dma_start3A_566 = arith.constant 0 : i32
      %dma_start3A_567 = tpu.memref_slice %arg8[%dma_start3A_566] : memref<20752xi32, #tpu.memory_space<vmem>> -> memref<20480xi32, #tpu.memory_space<vmem>>
      %dma_start3A_568 = arith.constant 0 : i32
      %dma_start3A_569 = tpu.memref_slice %arg4[%arg1, %dma_start3A_568] : memref<16x20480xi32, #tpu.memory_space<hbm>> -> memref<1x20480xi32, #tpu.memory_space<hbm>>
      %dma_start3A_570 = tpu.memref_squeeze %dma_start3A_569 : memref<1x20480xi32, #tpu.memory_space<hbm>> -> memref<20480xi32, #tpu.memory_space<hbm>>
      tpu.enqueue_dma source(%dma_start3A_570 : memref<20480xi32, #tpu.memory_space<hbm>>) target(%dma_start3A_567 : memref<20480xi32, #tpu.memory_space<vmem>>) target_semaphore(%run_scoped3A : memref<!tpu.dma_semaphore, #tpu.memory_space<semaphore_mem>>)
      %dma_wait3A_571 = arith.constant 0 : i32
      %dma_wait3A_572 = tpu.memref_slice %arg8[%dma_wait3A_571] : memref<20752xi32, #tpu.memory_space<vmem>> -> memref<20480xi32, #tpu.memory_space<vmem>>
      %dma_wait3A_573 = arith.constant 0 : i32
      %dma_wait3A_574 = tpu.memref_slice %arg4[%arg1, %dma_wait3A_573] : memref<16x20480xi32, #tpu.memory_space<hbm>> -> memref<1x20480xi32, #tpu.memory_space<hbm>>
      %dma_wait3A_575 = tpu.memref_squeeze %dma_wait3A_574 : memref<1x20480xi32, #tpu.memory_space<hbm>> -> memref<20480xi32, #tpu.memory_space<hbm>>
      %dma_wait3A_576 = arith.constant 0 : i32
      %dma_wait3A_577 = tpu.memref_slice %arg8[%dma_wait3A_576] : memref<20752xi32, #tpu.memory_space<vmem>> -> memref<20480xi32, #tpu.memory_space<vmem>>
      %dma_wait3A_578 = arith.constant 0 : i32
      %dma_wait3A_579 = tpu.memref_slice %arg4[%arg1, %dma_wait3A_578] : memref<16x20480xi32, #tpu.memory_space<hbm>> -> memref<1x20480xi32, #tpu.memory_space<hbm>>
      %dma_wait3A_580 = tpu.memref_squeeze %dma_wait3A_579 : memref<1x20480xi32, #tpu.memory_space<hbm>> -> memref<20480xi32, #tpu.memory_space<hbm>>
      tpu.wait_dma2 semaphore(%run_scoped3A : memref<!tpu.dma_semaphore, #tpu.memory_space<semaphore_mem>>) src(%dma_wait3A_580 : memref<20480xi32, #tpu.memory_space<hbm>>) dst(%dma_wait3A_577 : memref<20480xi32, #tpu.memory_space<vmem>>)
      tpu.yield
    }) : () -> ()
    %iota3A = tpu.iota {dimensions = array<i32: 0>} : vector<16xi32>
    %scan3A_170 = arith.constant 0 : i32
    %scan3A_171 = arith.constant 0 : i32
    %scan3A_172 = arith.constant 1280 : i32
    %scan3A_173 = arith.addi %scan3A_171, %scan3A_172 : i32
    %scan3A_174 = arith.constant 1 : i32
    %scan3A_175 = scf.for %scan3A_561 = %scan3A_171 to %scan3A_173 step %scan3A_174 iter_args(%scan3A_562 = %scan3A_170) -> (i32)  : i32 {
      %mul3A_563 = arith.constant 16 : i32
      %mul3A_564 = arith.muli %scan3A_561, %mul3A_563 : i32
      %get3A = arith.index_cast %mul3A_564 : i32 to index
      %get3A_565 = tpu.vector_load %arg8[%get3A] {strides = array<i32>} : memref<20752xi32, #tpu.memory_space<vmem>>, vector<16xi32>,
      %mul3A_566 = arith.constant 16 : i32
      %mul3A_567 = arith.muli %scan3A_561, %mul3A_566 : i32
      %get3A_568 = arith.index_cast %mul3A_567 : i32 to index
      %get3A_569 = tpu.vector_load %arg7[%get3A_568] {strides = array<i32>} : memref<20752xi32, #tpu.memory_space<vmem>>, vector<16xi32>,
      %sub3A_570 = vector.broadcast %mul3A_0 : i32 to vector<16xi32>
      %sub3A_571 = arith.subi %get3A_565, %sub3A_570 : vector<16xi32>
      %ge3A = arith.constant 0 : i32
      %ge3A_572 = vector.broadcast %ge3A : i32 to vector<16xi32>
      %ge3A_573 = arith.cmpi sge, %sub3A_571, %ge3A_572 : vector<16xi32>
      %lt3A = arith.constant 5120 : i32
      %lt3A_574 = vector.broadcast %lt3A : i32 to vector<16xi32>
      %lt3A_575 = arith.cmpi slt, %sub3A_571, %lt3A_574 : vector<16xi32>
      %and3A_576 = arith.andi %ge3A_573, %lt3A_575 : vector<16xi1>
      %convert_element_type3A = arith.extui %and3A_576 : vector<16xi1> to vector<16xi32>
      %broadcast_in_dim3A_577 = arith.constant true
      %broadcast_in_dim3A_578 = vector.broadcast %broadcast_in_dim3A_577 : i1 to vector<16xi1>
      %masked_cumsum3A = tpu.scan <sum>, %convert_element_type3A masked %broadcast_in_dim3A_578 : vector<16xi32>, vector<16xi1> -> vector<16xi32>
      %add3A_579 = vector.broadcast %scan3A_562 : i32 to vector<16xi32>
      %add3A_580 = arith.addi %add3A_579, %masked_cumsum3A : vector<16xi32>
      %sub3A_581 = arith.constant 1 : i32
      %sub3A_582 = vector.broadcast %sub3A_581 : i32 to vector<16xi32>
      %sub3A_583 = arith.subi %add3A_580, %sub3A_582 : vector<16xi32>
      %add3A_584 = arith.constant 20736 : i32
      %add3A_585 = vector.broadcast %add3A_584 : i32 to vector<16xi32>
      %add3A_586 = arith.addi %add3A_585, %iota3A : vector<16xi32>
      %select_n3A_587 = arith.select %and3A_576, %sub3A_583, %add3A_586 : vector<16xi1>, vector<16xi32>
      tpu.vector_store_idx %arg8[%select_n3A_587], %sub3A_571 : memref<20752xi32, #tpu.memory_space<vmem>>[vector<16xi32>], vector<16xi32>,
      tpu.vector_store_idx %arg7[%select_n3A_587], %get3A_569 : memref<20752xi32, #tpu.memory_space<vmem>>[vector<16xi32>], vector<16xi32>,
      %reduce_max3A = arith.constant true
      %reduce_max3A_588 = vector.broadcast %reduce_max3A : i1 to vector<16xi1>
      %reduce_max3A_589 = arith.constant -2147483648 : i32
      %reduce_max3A_590 = vector.broadcast %reduce_max3A_589 : i32 to vector<16xi32>
      %reduce_max3A_591 = arith.xori %masked_cumsum3A, %reduce_max3A_590 : vector<16xi32>
      %reduce_max3A_592 = tpu.scan <max>, %reduce_max3A_591 masked %reduce_max3A_588 : vector<16xi32>, vector<16xi1> -> vector<16xi32>
      %reduce_max3A_593 = arith.xori %reduce_max3A_592, %reduce_max3A_590 : vector<16xi32>
      %reduce_max3A_594 = vector.extract %reduce_max3A_593[15] : i32 from vector<16xi32>
      %add3A_595 = arith.addi %scan3A_562, %reduce_max3A_594 : i32
      scf.yield %add3A_595 : i32
    }
    %scan3A_176 = arith.constant 1280 : i32
    %add3A_177 = arith.constant 0 : i32
    %add3A_178 = arith.addi %scan3A_175, %add3A_177 : i32
    %add3A_179 = vector.broadcast %add3A_178 : i32 to vector<16xi32>
    %add3A_180 = arith.addi %add3A_179, %iota3A : vector<16xi32>
    %add3A_181 = arith.constant 0 : i32
    %add3A_182 = vector.broadcast %add3A_181 : i32 to vector<16xi32>
    %add3A_183 = arith.addi %add3A_182, %iota3A : vector<16xi32>
    %and3A = arith.constant 511 : i32
    %and3A_184 = vector.broadcast %and3A : i32 to vector<16xi32>
    %and3A_185 = arith.andi %add3A_183, %and3A_184 : vector<16xi32>
    %add3A_186 = arith.constant 5120 : i32
    %add3A_187 = vector.broadcast %add3A_186 : i32 to vector<16xi32>
    %add3A_188 = arith.addi %add3A_187, %and3A_185 : vector<16xi32>
    tpu.vector_store_idx %arg8[%add3A_180], %add3A_188 : memref<20752xi32, #tpu.memory_space<vmem>>[vector<16xi32>], vector<16xi32>,
    %broadcast_in_dim3A_189 = arith.constant 0 : i32
    %broadcast_in_dim3A_190 = vector.broadcast %broadcast_in_dim3A_189 : i32 to vector<16xi32>
    tpu.vector_store_idx %arg7[%add3A_180], %broadcast_in_dim3A_190 : memref<20752xi32, #tpu.memory_space<vmem>>[vector<16xi32>], vector<16xi32>,
    %add3A_191 = arith.constant 16 : i32
    %add3A_192 = arith.addi %scan3A_175, %add3A_191 : i32
    %add3A_193 = vector.broadcast %add3A_192 : i32 to vector<16xi32>
    %add3A_194 = arith.addi %add3A_193, %iota3A : vector<16xi32>
    %add3A_195 = arith.constant 16 : i32
    %add3A_196 = vector.broadcast %add3A_195 : i32 to vector<16xi32>
    %add3A_197 = arith.addi %add3A_196, %iota3A : vector<16xi32>
    %and3A_198 = arith.constant 511 : i32
    %and3A_199 = vector.broadcast %and3A_198 : i32 to vector<16xi32>
    %and3A_200 = arith.andi %add3A_197, %and3A_199 : vector<16xi32>
    %add3A_201 = arith.constant 5120 : i32
    %add3A_202 = vector.broadcast %add3A_201 : i32 to vector<16xi32>
    %add3A_203 = arith.addi %add3A_202, %and3A_200 : vector<16xi32>
    tpu.vector_store_idx %arg8[%add3A_194], %add3A_203 : memref<20752xi32, #tpu.memory_space<vmem>>[vector<16xi32>], vector<16xi32>,
    %broadcast_in_dim3A_204 = arith.constant 0 : i32
    %broadcast_in_dim3A_205 = vector.broadcast %broadcast_in_dim3A_204 : i32 to vector<16xi32>
    tpu.vector_store_idx %arg7[%add3A_194], %broadcast_in_dim3A_205 : memref<20752xi32, #tpu.memory_space<vmem>>[vector<16xi32>], vector<16xi32>,
    %add3A_206 = arith.constant 32 : i32
    %add3A_207 = arith.addi %scan3A_175, %add3A_206 : i32
    %add3A_208 = vector.broadcast %add3A_207 : i32 to vector<16xi32>
    %add3A_209 = arith.addi %add3A_208, %iota3A : vector<16xi32>
    %add3A_210 = arith.constant 32 : i32
    %add3A_211 = vector.broadcast %add3A_210 : i32 to vector<16xi32>
    %add3A_212 = arith.addi %add3A_211, %iota3A : vector<16xi32>
    %and3A_213 = arith.constant 511 : i32
    %and3A_214 = vector.broadcast %and3A_213 : i32 to vector<16xi32>
    %and3A_215 = arith.andi %add3A_212, %and3A_214 : vector<16xi32>
    %add3A_216 = arith.constant 5120 : i32
    %add3A_217 = vector.broadcast %add3A_216 : i32 to vector<16xi32>
    %add3A_218 = arith.addi %add3A_217, %and3A_215 : vector<16xi32>
    tpu.vector_store_idx %arg8[%add3A_209], %add3A_218 : memref<20752xi32, #tpu.memory_space<vmem>>[vector<16xi32>], vector<16xi32>,
    %broadcast_in_dim3A_219 = arith.constant 0 : i32
    %broadcast_in_dim3A_220 = vector.broadcast %broadcast_in_dim3A_219 : i32 to vector<16xi32>
    tpu.vector_store_idx %arg7[%add3A_209], %broadcast_in_dim3A_220 : memref<20752xi32, #tpu.memory_space<vmem>>[vector<16xi32>], vector<16xi32>,
    %add3A_221 = arith.constant 48 : i32
    %add3A_222 = arith.addi %scan3A_175, %add3A_221 : i32
    %add3A_223 = vector.broadcast %add3A_222 : i32 to vector<16xi32>
    %add3A_224 = arith.addi %add3A_223, %iota3A : vector<16xi32>
    %add3A_225 = arith.constant 48 : i32
    %add3A_226 = vector.broadcast %add3A_225 : i32 to vector<16xi32>
    %add3A_227 = arith.addi %add3A_226, %iota3A : vector<16xi32>
    %and3A_228 = arith.constant 511 : i32
    %and3A_229 = vector.broadcast %and3A_228 : i32 to vector<16xi32>
    %and3A_230 = arith.andi %add3A_227, %and3A_229 : vector<16xi32>
    %add3A_231 = arith.constant 5120 : i32
    %add3A_232 = vector.broadcast %add3A_231 : i32 to vector<16xi32>
    %add3A_233 = arith.addi %add3A_232, %and3A_230 : vector<16xi32>
    tpu.vector_store_idx %arg8[%add3A_224], %add3A_233 : memref<20752xi32, #tpu.memory_space<vmem>>[vector<16xi32>], vector<16xi32>,
    %broadcast_in_dim3A_234 = arith.constant 0 : i32
    %broadcast_in_dim3A_235 = vector.broadcast %broadcast_in_dim3A_234 : i32 to vector<16xi32>
    tpu.vector_store_idx %arg7[%add3A_224], %broadcast_in_dim3A_235 : memref<20752xi32, #tpu.memory_space<vmem>>[vector<16xi32>], vector<16xi32>,
    %add3A_236 = arith.constant 64 : i32
    %add3A_237 = arith.addi %scan3A_175, %add3A_236 : i32
    %add3A_238 = vector.broadcast %add3A_237 : i32 to vector<16xi32>
    %add3A_239 = arith.addi %add3A_238, %iota3A : vector<16xi32>
    %add3A_240 = arith.constant 64 : i32
    %add3A_241 = vector.broadcast %add3A_240 : i32 to vector<16xi32>
    %add3A_242 = arith.addi %add3A_241, %iota3A : vector<16xi32>
    %and3A_243 = arith.constant 511 : i32
    %and3A_244 = vector.broadcast %and3A_243 : i32 to vector<16xi32>
    %and3A_245 = arith.andi %add3A_242, %and3A_244 : vector<16xi32>
    %add3A_246 = arith.constant 5120 : i32
    %add3A_247 = vector.broadcast %add3A_246 : i32 to vector<16xi32>
    %add3A_248 = arith.addi %add3A_247, %and3A_245 : vector<16xi32>
    tpu.vector_store_idx %arg8[%add3A_239], %add3A_248 : memref<20752xi32, #tpu.memory_space<vmem>>[vector<16xi32>], vector<16xi32>,
    %broadcast_in_dim3A_249 = arith.constant 0 : i32
    %broadcast_in_dim3A_250 = vector.broadcast %broadcast_in_dim3A_249 : i32 to vector<16xi32>
    tpu.vector_store_idx %arg7[%add3A_239], %broadcast_in_dim3A_250 : memref<20752xi32, #tpu.memory_space<vmem>>[vector<16xi32>], vector<16xi32>,
    %add3A_251 = arith.constant 80 : i32
    %add3A_252 = arith.addi %scan3A_175, %add3A_251 : i32
    %add3A_253 = vector.broadcast %add3A_252 : i32 to vector<16xi32>
    %add3A_254 = arith.addi %add3A_253, %iota3A : vector<16xi32>
    %add3A_255 = arith.constant 80 : i32
    %add3A_256 = vector.broadcast %add3A_255 : i32 to vector<16xi32>
    %add3A_257 = arith.addi %add3A_256, %iota3A : vector<16xi32>
    %and3A_258 = arith.constant 511 : i32
    %and3A_259 = vector.broadcast %and3A_258 : i32 to vector<16xi32>
    %and3A_260 = arith.andi %add3A_257, %and3A_259 : vector<16xi32>
    %add3A_261 = arith.constant 5120 : i32
    %add3A_262 = vector.broadcast %add3A_261 : i32 to vector<16xi32>
    %add3A_263 = arith.addi %add3A_262, %and3A_260 : vector<16xi32>
    tpu.vector_store_idx %arg8[%add3A_254], %add3A_263 : memref<20752xi32, #tpu.memory_space<vmem>>[vector<16xi32>], vector<16xi32>,
    %broadcast_in_dim3A_264 = arith.constant 0 : i32
    %broadcast_in_dim3A_265 = vector.broadcast %broadcast_in_dim3A_264 : i32 to vector<16xi32>
    tpu.vector_store_idx %arg7[%add3A_254], %broadcast_in_dim3A_265 : memref<20752xi32, #tpu.memory_space<vmem>>[vector<16xi32>], vector<16xi32>,
    %add3A_266 = arith.constant 96 : i32
    %add3A_267 = arith.addi %scan3A_175, %add3A_266 : i32
    %add3A_268 = vector.broadcast %add3A_267 : i32 to vector<16xi32>
    %add3A_269 = arith.addi %add3A_268, %iota3A : vector<16xi32>
    %add3A_270 = arith.constant 96 : i32
    %add3A_271 = vector.broadcast %add3A_270 : i32 to vector<16xi32>
    %add3A_272 = arith.addi %add3A_271, %iota3A : vector<16xi32>
    %and3A_273 = arith.constant 511 : i32
    %and3A_274 = vector.broadcast %and3A_273 : i32 to vector<16xi32>
    %and3A_275 = arith.andi %add3A_272, %and3A_274 : vector<16xi32>
    %add3A_276 = arith.constant 5120 : i32
    %add3A_277 = vector.broadcast %add3A_276 : i32 to vector<16xi32>
    %add3A_278 = arith.addi %add3A_277, %and3A_275 : vector<16xi32>
    tpu.vector_store_idx %arg8[%add3A_269], %add3A_278 : memref<20752xi32, #tpu.memory_space<vmem>>[vector<16xi32>], vector<16xi32>,
    %broadcast_in_dim3A_279 = arith.constant 0 : i32
    %broadcast_in_dim3A_280 = vector.broadcast %broadcast_in_dim3A_279 : i32 to vector<16xi32>
    tpu.vector_store_idx %arg7[%add3A_269], %broadcast_in_dim3A_280 : memref<20752xi32, #tpu.memory_space<vmem>>[vector<16xi32>], vector<16xi32>,
    %add3A_281 = arith.constant 112 : i32
    %add3A_282 = arith.addi %scan3A_175, %add3A_281 : i32
    %add3A_283 = vector.broadcast %add3A_282 : i32 to vector<16xi32>
    %add3A_284 = arith.addi %add3A_283, %iota3A : vector<16xi32>
    %add3A_285 = arith.constant 112 : i32
    %add3A_286 = vector.broadcast %add3A_285 : i32 to vector<16xi32>
    %add3A_287 = arith.addi %add3A_286, %iota3A : vector<16xi32>
    %and3A_288 = arith.constant 511 : i32
    %and3A_289 = vector.broadcast %and3A_288 : i32 to vector<16xi32>
    %and3A_290 = arith.andi %add3A_287, %and3A_289 : vector<16xi32>
    %add3A_291 = arith.constant 5120 : i32
    %add3A_292 = vector.broadcast %add3A_291 : i32 to vector<16xi32>
    %add3A_293 = arith.addi %add3A_292, %and3A_290 : vector<16xi32>
    tpu.vector_store_idx %arg8[%add3A_284], %add3A_293 : memref<20752xi32, #tpu.memory_space<vmem>>[vector<16xi32>], vector<16xi32>,
    %broadcast_in_dim3A_294 = arith.constant 0 : i32
    %broadcast_in_dim3A_295 = vector.broadcast %broadcast_in_dim3A_294 : i32 to vector<16xi32>
    tpu.vector_store_idx %arg7[%add3A_284], %broadcast_in_dim3A_295 : memref<20752xi32, #tpu.memory_space<vmem>>[vector<16xi32>], vector<16xi32>,
    %add3A_296 = arith.constant 128 : i32
    %add3A_297 = arith.addi %scan3A_175, %add3A_296 : i32
    %add3A_298 = vector.broadcast %add3A_297 : i32 to vector<16xi32>
    %add3A_299 = arith.addi %add3A_298, %iota3A : vector<16xi32>
    %add3A_300 = arith.constant 128 : i32
    %add3A_301 = vector.broadcast %add3A_300 : i32 to vector<16xi32>
    %add3A_302 = arith.addi %add3A_301, %iota3A : vector<16xi32>
    %and3A_303 = arith.constant 511 : i32
    %and3A_304 = vector.broadcast %and3A_303 : i32 to vector<16xi32>
    %and3A_305 = arith.andi %add3A_302, %and3A_304 : vector<16xi32>
    %add3A_306 = arith.constant 5120 : i32
    %add3A_307 = vector.broadcast %add3A_306 : i32 to vector<16xi32>
    %add3A_308 = arith.addi %add3A_307, %and3A_305 : vector<16xi32>
    tpu.vector_store_idx %arg8[%add3A_299], %add3A_308 : memref<20752xi32, #tpu.memory_space<vmem>>[vector<16xi32>], vector<16xi32>,
    %broadcast_in_dim3A_309 = arith.constant 0 : i32
    %broadcast_in_dim3A_310 = vector.broadcast %broadcast_in_dim3A_309 : i32 to vector<16xi32>
    tpu.vector_store_idx %arg7[%add3A_299], %broadcast_in_dim3A_310 : memref<20752xi32, #tpu.memory_space<vmem>>[vector<16xi32>], vector<16xi32>,
    %add3A_311 = arith.constant 144 : i32
    %add3A_312 = arith.addi %scan3A_175, %add3A_311 : i32
    %add3A_313 = vector.broadcast %add3A_312 : i32 to vector<16xi32>
    %add3A_314 = arith.addi %add3A_313, %iota3A : vector<16xi32>
    %add3A_315 = arith.constant 144 : i32
    %add3A_316 = vector.broadcast %add3A_315 : i32 to vector<16xi32>
    %add3A_317 = arith.addi %add3A_316, %iota3A : vector<16xi32>
    %and3A_318 = arith.constant 511 : i32
    %and3A_319 = vector.broadcast %and3A_318 : i32 to vector<16xi32>
    %and3A_320 = arith.andi %add3A_317, %and3A_319 : vector<16xi32>
    %add3A_321 = arith.constant 5120 : i32
    %add3A_322 = vector.broadcast %add3A_321 : i32 to vector<16xi32>
    %add3A_323 = arith.addi %add3A_322, %and3A_320 : vector<16xi32>
    tpu.vector_store_idx %arg8[%add3A_314], %add3A_323 : memref<20752xi32, #tpu.memory_space<vmem>>[vector<16xi32>], vector<16xi32>,
    %broadcast_in_dim3A_324 = arith.constant 0 : i32
    %broadcast_in_dim3A_325 = vector.broadcast %broadcast_in_dim3A_324 : i32 to vector<16xi32>
    tpu.vector_store_idx %arg7[%add3A_314], %broadcast_in_dim3A_325 : memref<20752xi32, #tpu.memory_space<vmem>>[vector<16xi32>], vector<16xi32>,
    %add3A_326 = arith.constant 160 : i32
    %add3A_327 = arith.addi %scan3A_175, %add3A_326 : i32
    %add3A_328 = vector.broadcast %add3A_327 : i32 to vector<16xi32>
    %add3A_329 = arith.addi %add3A_328, %iota3A : vector<16xi32>
    %add3A_330 = arith.constant 160 : i32
    %add3A_331 = vector.broadcast %add3A_330 : i32 to vector<16xi32>
    %add3A_332 = arith.addi %add3A_331, %iota3A : vector<16xi32>
    %and3A_333 = arith.constant 511 : i32
    %and3A_334 = vector.broadcast %and3A_333 : i32 to vector<16xi32>
    %and3A_335 = arith.andi %add3A_332, %and3A_334 : vector<16xi32>
    %add3A_336 = arith.constant 5120 : i32
    %add3A_337 = vector.broadcast %add3A_336 : i32 to vector<16xi32>
    %add3A_338 = arith.addi %add3A_337, %and3A_335 : vector<16xi32>
    tpu.vector_store_idx %arg8[%add3A_329], %add3A_338 : memref<20752xi32, #tpu.memory_space<vmem>>[vector<16xi32>], vector<16xi32>,
    %broadcast_in_dim3A_339 = arith.constant 0 : i32
    %broadcast_in_dim3A_340 = vector.broadcast %broadcast_in_dim3A_339 : i32 to vector<16xi32>
    tpu.vector_store_idx %arg7[%add3A_329], %broadcast_in_dim3A_340 : memref<20752xi32, #tpu.memory_space<vmem>>[vector<16xi32>], vector<16xi32>,
    %add3A_341 = arith.constant 176 : i32
    %add3A_342 = arith.addi %scan3A_175, %add3A_341 : i32
    %add3A_343 = vector.broadcast %add3A_342 : i32 to vector<16xi32>
    %add3A_344 = arith.addi %add3A_343, %iota3A : vector<16xi32>
    %add3A_345 = arith.constant 176 : i32
    %add3A_346 = vector.broadcast %add3A_345 : i32 to vector<16xi32>
    %add3A_347 = arith.addi %add3A_346, %iota3A : vector<16xi32>
    %and3A_348 = arith.constant 511 : i32
    %and3A_349 = vector.broadcast %and3A_348 : i32 to vector<16xi32>
    %and3A_350 = arith.andi %add3A_347, %and3A_349 : vector<16xi32>
    %add3A_351 = arith.constant 5120 : i32
    %add3A_352 = vector.broadcast %add3A_351 : i32 to vector<16xi32>
    %add3A_353 = arith.addi %add3A_352, %and3A_350 : vector<16xi32>
    tpu.vector_store_idx %arg8[%add3A_344], %add3A_353 : memref<20752xi32, #tpu.memory_space<vmem>>[vector<16xi32>], vector<16xi32>,
    %broadcast_in_dim3A_354 = arith.constant 0 : i32
    %broadcast_in_dim3A_355 = vector.broadcast %broadcast_in_dim3A_354 : i32 to vector<16xi32>
    tpu.vector_store_idx %arg7[%add3A_344], %broadcast_in_dim3A_355 : memref<20752xi32, #tpu.memory_space<vmem>>[vector<16xi32>], vector<16xi32>,
    %add3A_356 = arith.constant 192 : i32
    %add3A_357 = arith.addi %scan3A_175, %add3A_356 : i32
    %add3A_358 = vector.broadcast %add3A_357 : i32 to vector<16xi32>
    %add3A_359 = arith.addi %add3A_358, %iota3A : vector<16xi32>
    %add3A_360 = arith.constant 192 : i32
    %add3A_361 = vector.broadcast %add3A_360 : i32 to vector<16xi32>
    %add3A_362 = arith.addi %add3A_361, %iota3A : vector<16xi32>
    %and3A_363 = arith.constant 511 : i32
    %and3A_364 = vector.broadcast %and3A_363 : i32 to vector<16xi32>
    %and3A_365 = arith.andi %add3A_362, %and3A_364 : vector<16xi32>
    %add3A_366 = arith.constant 5120 : i32
    %add3A_367 = vector.broadcast %add3A_366 : i32 to vector<16xi32>
    %add3A_368 = arith.addi %add3A_367, %and3A_365 : vector<16xi32>
    tpu.vector_store_idx %arg8[%add3A_359], %add3A_368 : memref<20752xi32, #tpu.memory_space<vmem>>[vector<16xi32>], vector<16xi32>,
    %broadcast_in_dim3A_369 = arith.constant 0 : i32
    %broadcast_in_dim3A_370 = vector.broadcast %broadcast_in_dim3A_369 : i32 to vector<16xi32>
    tpu.vector_store_idx %arg7[%add3A_359], %broadcast_in_dim3A_370 : memref<20752xi32, #tpu.memory_space<vmem>>[vector<16xi32>], vector<16xi32>,
    %add3A_371 = arith.constant 208 : i32
    %add3A_372 = arith.addi %scan3A_175, %add3A_371 : i32
    %add3A_373 = vector.broadcast %add3A_372 : i32 to vector<16xi32>
    %add3A_374 = arith.addi %add3A_373, %iota3A : vector<16xi32>
    %add3A_375 = arith.constant 208 : i32
    %add3A_376 = vector.broadcast %add3A_375 : i32 to vector<16xi32>
    %add3A_377 = arith.addi %add3A_376, %iota3A : vector<16xi32>
    %and3A_378 = arith.constant 511 : i32
    %and3A_379 = vector.broadcast %and3A_378 : i32 to vector<16xi32>
    %and3A_380 = arith.andi %add3A_377, %and3A_379 : vector<16xi32>
    %add3A_381 = arith.constant 5120 : i32
    %add3A_382 = vector.broadcast %add3A_381 : i32 to vector<16xi32>
    %add3A_383 = arith.addi %add3A_382, %and3A_380 : vector<16xi32>
    tpu.vector_store_idx %arg8[%add3A_374], %add3A_383 : memref<20752xi32, #tpu.memory_space<vmem>>[vector<16xi32>], vector<16xi32>,
    %broadcast_in_dim3A_384 = arith.constant 0 : i32
    %broadcast_in_dim3A_385 = vector.broadcast %broadcast_in_dim3A_384 : i32 to vector<16xi32>
    tpu.vector_store_idx %arg7[%add3A_374], %broadcast_in_dim3A_385 : memref<20752xi32, #tpu.memory_space<vmem>>[vector<16xi32>], vector<16xi32>,
    %add3A_386 = arith.constant 224 : i32
    %add3A_387 = arith.addi %scan3A_175, %add3A_386 : i32
    %add3A_388 = vector.broadcast %add3A_387 : i32 to vector<16xi32>
    %add3A_389 = arith.addi %add3A_388, %iota3A : vector<16xi32>
    %add3A_390 = arith.constant 224 : i32
    %add3A_391 = vector.broadcast %add3A_390 : i32 to vector<16xi32>
    %add3A_392 = arith.addi %add3A_391, %iota3A : vector<16xi32>
    %and3A_393 = arith.constant 511 : i32
    %and3A_394 = vector.broadcast %and3A_393 : i32 to vector<16xi32>
    %and3A_395 = arith.andi %add3A_392, %and3A_394 : vector<16xi32>
    %add3A_396 = arith.constant 5120 : i32
    %add3A_397 = vector.broadcast %add3A_396 : i32 to vector<16xi32>
    %add3A_398 = arith.addi %add3A_397, %and3A_395 : vector<16xi32>
    tpu.vector_store_idx %arg8[%add3A_389], %add3A_398 : memref<20752xi32, #tpu.memory_space<vmem>>[vector<16xi32>], vector<16xi32>,
    %broadcast_in_dim3A_399 = arith.constant 0 : i32
    %broadcast_in_dim3A_400 = vector.broadcast %broadcast_in_dim3A_399 : i32 to vector<16xi32>
    tpu.vector_store_idx %arg7[%add3A_389], %broadcast_in_dim3A_400 : memref<20752xi32, #tpu.memory_space<vmem>>[vector<16xi32>], vector<16xi32>,
    %add3A_401 = arith.constant 240 : i32
    %add3A_402 = arith.addi %scan3A_175, %add3A_401 : i32
    %add3A_403 = vector.broadcast %add3A_402 : i32 to vector<16xi32>
    %add3A_404 = arith.addi %add3A_403, %iota3A : vector<16xi32>
    %add3A_405 = arith.constant 240 : i32
    %add3A_406 = vector.broadcast %add3A_405 : i32 to vector<16xi32>
    %add3A_407 = arith.addi %add3A_406, %iota3A : vector<16xi32>
    %and3A_408 = arith.constant 511 : i32
    %and3A_409 = vector.broadcast %and3A_408 : i32 to vector<16xi32>
    %and3A_410 = arith.andi %add3A_407, %and3A_409 : vector<16xi32>
    %add3A_411 = arith.constant 5120 : i32
    %add3A_412 = vector.broadcast %add3A_411 : i32 to vector<16xi32>
    %add3A_413 = arith.addi %add3A_412, %and3A_410 : vector<16xi32>
    tpu.vector_store_idx %arg8[%add3A_404], %add3A_413 : memref<20752xi32, #tpu.memory_space<vmem>>[vector<16xi32>], vector<16xi32>,
    %broadcast_in_dim3A_414 = arith.constant 0 : i32
    %broadcast_in_dim3A_415 = vector.broadcast %broadcast_in_dim3A_414 : i32 to vector<16xi32>
    tpu.vector_store_idx %arg7[%add3A_404], %broadcast_in_dim3A_415 : memref<20752xi32, #tpu.memory_space<vmem>>[vector<16xi32>], vector<16xi32>,
    %jit3A = arith.constant 128 : i32
    %div3A = arith.divsi %scan3A_175, %jit3A : i32
    %sign3A = arith.constant 0 : i32
    %sign3A_416 = arith.cmpi sgt, %scan3A_175, %sign3A : i32
    %sign3A_417 = arith.extui %sign3A_416 : i1 to i32
    %sign3A_418 = arith.constant 0 : i32
    %sign3A_419 = arith.cmpi slt, %scan3A_175, %sign3A_418 : i32
    %sign3A_420 = arith.extui %sign3A_419 : i1 to i32
    %sign3A_421 = arith.subi %sign3A_417, %sign3A_420 : i32
    %sign3A_422 = arith.constant 0 : i32
    %sign3A_423 = arith.cmpi sgt, %jit3A, %sign3A_422 : i32
    %sign3A_424 = arith.extui %sign3A_423 : i1 to i32
    %sign3A_425 = arith.constant 0 : i32
    %sign3A_426 = arith.cmpi slt, %jit3A, %sign3A_425 : i32
    %sign3A_427 = arith.extui %sign3A_426 : i1 to i32
    %sign3A_428 = arith.subi %sign3A_424, %sign3A_427 : i32
    %ne3A = arith.cmpi ne, %sign3A_421, %sign3A_428 : i32
    %rem3A = arith.remsi %scan3A_175, %jit3A : i32
    %ne3A_429 = arith.constant 0 : i32
    %ne3A_430 = arith.cmpi ne, %rem3A, %ne3A_429 : i32
    %and3A_431 = arith.andi %ne3A, %ne3A_430 : i1
    %sub3A = arith.constant 1 : i32
    %sub3A_432 = arith.subi %div3A, %sub3A : i32
    %select_n3A = arith.select %and3A_431, %sub3A_432, %div3A : i32
    %add3A_433 = arith.constant 2 : i32
    %add3A_434 = arith.addi %select_n3A, %add3A_433 : i32
    %barrier3A = arith.constant 0 : index
    tpu.barrier barrier_id(%barrier3A)
    %dma_start3A = arith.constant 0 : i32
    %dma_start3A_435 = tpu.memref_slice %arg7[%dma_start3A] : memref<20752xi32, #tpu.memory_space<vmem>> -> memref<128xi32, #tpu.memory_space<vmem>>
    %dma_start3A_436 = arith.constant 0 : i32
    %dma_start3A_437 = arith.constant 0 : i32
    %dma_start3A_438 = tpu.memref_slice %arg2[%dma_start3A_436, %dma_start3A_437] : memref<10240x128xf32, #tpu.memory_space<hbm>> -> memref<10240x128xf32, #tpu.memory_space<hbm>>
    tpu.enqueue_indirect_dma source(%dma_start3A_438 : memref<10240x128xf32, #tpu.memory_space<hbm>>) target(%arg9 : memref<128x128xf32, #tpu.memory_space<vmem>>) offsets(%dma_start3A_435 : memref<128xi32, #tpu.memory_space<vmem>>) semaphore(%arg13 : memref<!tpu.dma_semaphore, #tpu.memory_space<semaphore_mem>>)
    %scan3A_439 = arith.constant 0 : i32
    %scan3A_440 = arith.constant 0 : i32
    %scan3A_441 = arith.constant 162 : i32
    %scan3A_442 = arith.addi %scan3A_440, %scan3A_441 : i32
    %scan3A_443 = arith.constant 1 : i32
    %scan3A_444 = scf.for %scan3A_561 = %scan3A_440 to %scan3A_442 step %scan3A_443 iter_args(%scan3A_562 = %scan3A_439) -> (i32)  : i32 {
      %lt3A = arith.cmpi slt, %scan3A_561, %add3A_434 : i32
      %convert_element_type3A = arith.extui %lt3A : i1 to i32
      %cond3A = arith.constant 0 : i32
      %cond3A_563 = arith.cmpi ne, %convert_element_type3A, %cond3A : i32
      scf.if %cond3A_563 {
        %jit3A_565 = arith.constant 2 : i32
        %eq3A = arith.constant 0 : i32
        %eq3A_566 = arith.cmpi eq, %jit3A_565, %eq3A : i32
        %jit3A_567 = arith.constant 1 : i32
        %select_n3A_568 = arith.select %eq3A_566, %jit3A_567, %jit3A_565 : i32
        %rem3A_569 = arith.remsi %scan3A_561, %select_n3A_568 : i32
        %ne3A_570 = arith.constant 0 : i32
        %ne3A_571 = arith.cmpi ne, %rem3A_569, %ne3A_570 : i32
        %lt3A_572 = arith.constant 0 : i32
        %lt3A_573 = arith.cmpi slt, %rem3A_569, %lt3A_572 : i32
        %lt3A_574 = arith.constant 0 : i32
        %lt3A_575 = arith.cmpi slt, %select_n3A_568, %lt3A_574 : i32
        %ne3A_576 = arith.xori %lt3A_573, %lt3A_575 : i1
        %and3A_577 = arith.andi %ne3A_576, %ne3A_571 : i1
        %add3A_578 = arith.addi %rem3A_569, %select_n3A_568 : i32
        %select_n3A_579 = arith.select %and3A_577, %add3A_578, %rem3A_569 : i32
        %eq3A_580 = arith.constant 0 : i32
        %eq3A_581 = arith.cmpi eq, %select_n3A_579, %eq3A_580 : i32
        %convert_element_type3A_582 = arith.extui %eq3A_581 : i1 to i32
        %cond3A_583 = arith.constant 0 : i32
        %cond3A_584 = arith.cmpi ne, %convert_element_type3A_582, %cond3A_583 : i32
        scf.if %cond3A_584 {
          %add3A_606 = arith.constant 1 : i32
          %add3A_607 = arith.addi %scan3A_561, %add3A_606 : i32
          %lt3A_608 = arith.cmpi slt, %add3A_607, %add3A_434 : i32
          %convert_element_type3A_609 = arith.extui %lt3A_608 : i1 to i32
          %cond3A_610 = arith.constant 0 : i32
          %cond3A_611 = arith.cmpi ne, %convert_element_type3A_609, %cond3A_610 : i32
          scf.if %cond3A_611 {
            %ge3A_633 = arith.constant 1 : i32
            %ge3A_634 = arith.cmpi sge, %scan3A_561, %ge3A_633 : i32
            %convert_element_type3A_635 = arith.extui %ge3A_634 : i1 to i32
            %cond3A_636 = arith.constant 0 : i32
            %cond3A_637 = arith.cmpi ne, %convert_element_type3A_635, %cond3A_636 : i32
            scf.if %cond3A_637 {
              %dma_wait3A_646 = arith.constant 0 : i32
              %dma_wait3A_647 = arith.constant 0 : i32
              %dma_wait3A_648 = tpu.memref_slice %arg2[%dma_wait3A_646, %dma_wait3A_647] : memref<10240x128xf32, #tpu.memory_space<hbm>> -> memref<128x128xf32, #tpu.memory_space<hbm>>
              %dma_wait3A_649 = arith.constant 0 : i32
              %dma_wait3A_650 = arith.constant 0 : i32
              %dma_wait3A_651 = tpu.memref_slice %arg2[%dma_wait3A_649, %dma_wait3A_650] : memref<10240x128xf32, #tpu.memory_space<hbm>> -> memref<128x128xf32, #tpu.memory_space<hbm>>
              tpu.wait_dma2 semaphore(%arg16 : memref<!tpu.dma_semaphore, #tpu.memory_space<semaphore_mem>>) src(%dma_wait3A_651 : memref<128x128xf32, #tpu.memory_space<hbm>>) dst(%arg10 : memref<128x128xf32, #tpu.memory_space<vmem>>)
            } else {
            }
            %add3A_638 = arith.constant 1 : i32
            %add3A_639 = arith.addi %scan3A_561, %add3A_638 : i32
            %mul3A_640 = arith.constant 128 : i32
            %mul3A_641 = arith.muli %add3A_639, %mul3A_640 : i32
            %dma_start3A_642 = tpu.memref_slice %arg7[%mul3A_641] : memref<20752xi32, #tpu.memory_space<vmem>> -> memref<128xi32, #tpu.memory_space<vmem>>
            %dma_start3A_643 = arith.constant 0 : i32
            %dma_start3A_644 = arith.constant 0 : i32
            %dma_start3A_645 = tpu.memref_slice %arg2[%dma_start3A_643, %dma_start3A_644] : memref<10240x128xf32, #tpu.memory_space<hbm>> -> memref<10240x128xf32, #tpu.memory_space<hbm>>
            tpu.enqueue_indirect_dma source(%dma_start3A_645 : memref<10240x128xf32, #tpu.memory_space<hbm>>) target(%arg10 : memref<128x128xf32, #tpu.memory_space<vmem>>) offsets(%dma_start3A_642 : memref<128xi32, #tpu.memory_space<vmem>>) semaphore(%arg14 : memref<!tpu.dma_semaphore, #tpu.memory_space<semaphore_mem>>)
          } else {
          }
          %dma_wait3A_612 = arith.constant 0 : i32
          %dma_wait3A_613 = arith.constant 0 : i32
          %dma_wait3A_614 = tpu.memref_slice %arg2[%dma_wait3A_612, %dma_wait3A_613] : memref<10240x128xf32, #tpu.memory_space<hbm>> -> memref<128x128xf32, #tpu.memory_space<hbm>>
          %dma_wait3A_615 = arith.constant 0 : i32
          %dma_wait3A_616 = arith.constant 0 : i32
          %dma_wait3A_617 = tpu.memref_slice %arg2[%dma_wait3A_615, %dma_wait3A_616] : memref<10240x128xf32, #tpu.memory_space<hbm>> -> memref<128x128xf32, #tpu.memory_space<hbm>>
          tpu.wait_dma2 semaphore(%arg13 : memref<!tpu.dma_semaphore, #tpu.memory_space<semaphore_mem>>) src(%dma_wait3A_617 : memref<128x128xf32, #tpu.memory_space<hbm>>) dst(%arg9 : memref<128x128xf32, #tpu.memory_space<vmem>>)
          %mul3A_618 = arith.constant 128 : i32
          %mul3A_619 = arith.muli %scan3A_561, %mul3A_618 : i32
          %dma_start3A_620 = tpu.memref_slice %arg8[%mul3A_619] : memref<20752xi32, #tpu.memory_space<vmem>> -> memref<128xi32, #tpu.memory_space<vmem>>
          %dma_start3A_621 = arith.constant 0 : i32
          %dma_start3A_622 = arith.constant 0 : i32
          %dma_start3A_623 = tpu.memref_slice %arg12[%dma_start3A_621, %dma_start3A_622] : memref<5632x128xf32, #tpu.memory_space<vmem_shared>> -> memref<5632x128xf32, #tpu.memory_space<vmem_shared>>
          tpu.enqueue_indirect_dma source(%arg9 : memref<128x128xf32, #tpu.memory_space<vmem>>) target(%dma_start3A_623 : memref<5632x128xf32, #tpu.memory_space<vmem_shared>>) offsets(%dma_start3A_620 : memref<128xi32, #tpu.memory_space<vmem>>) semaphore(%arg15 : memref<!tpu.dma_semaphore, #tpu.memory_space<semaphore_mem>>) {add = true}
          %ge3A = arith.constant 2 : i32
          %ge3A_624 = arith.cmpi sge, %scan3A_561, %ge3A : i32
          %convert_element_type3A_625 = arith.extui %ge3A_624 : i1 to i32
          %cond3A_626 = arith.constant 0 : i32
          %cond3A_627 = arith.cmpi ne, %convert_element_type3A_625, %cond3A_626 : i32
          scf.if %cond3A_627 {
            %dma_wait3A_633 = arith.constant 0 : i32
            %dma_wait3A_634 = tpu.memref_slice %arg6[%dma_wait3A_633] : memref<10240xf32, #tpu.memory_space<hbm>> -> memref<128xf32, #tpu.memory_space<hbm>>
            %dma_wait3A_635 = arith.constant 0 : i32
            %dma_wait3A_636 = tpu.memref_slice %arg6[%dma_wait3A_635] : memref<10240xf32, #tpu.memory_space<hbm>> -> memref<128xf32, #tpu.memory_space<hbm>>
            tpu.wait_dma2 semaphore(%arg20 : memref<!tpu.dma_semaphore, #tpu.memory_space<semaphore_mem>>) src(%dma_wait3A_636 : memref<128xf32, #tpu.memory_space<hbm>>) dst(%arg17 : memref<128xf32, #tpu.memory_space<vmem>>)
          } else {
          }
          %mul3A_628 = arith.constant 128 : i32
          %mul3A_629 = arith.muli %scan3A_561, %mul3A_628 : i32
          %dma_start3A_630 = tpu.memref_slice %arg8[%mul3A_629] : memref<20752xi32, #tpu.memory_space<vmem>> -> memref<128xi32, #tpu.memory_space<vmem>>
          %dma_start3A_631 = arith.constant 0 : i32
          %dma_start3A_632 = tpu.memref_slice %arg19[%dma_start3A_631] : memref<5632xf32, #tpu.memory_space<vmem_shared>> -> memref<5632xf32, #tpu.memory_space<vmem_shared>>
          tpu.enqueue_indirect_dma source(%arg17 : memref<128xf32, #tpu.memory_space<vmem>>) target(%dma_start3A_632 : memref<5632xf32, #tpu.memory_space<vmem_shared>>) offsets(%dma_start3A_630 : memref<128xi32, #tpu.memory_space<vmem>>) semaphore(%arg20 : memref<!tpu.dma_semaphore, #tpu.memory_space<semaphore_mem>>) {add = true}
        } else {
        }
        %jit3A_585 = arith.constant 2 : i32
        %eq3A_586 = arith.constant 0 : i32
        %eq3A_587 = arith.cmpi eq, %jit3A_585, %eq3A_586 : i32
        %jit3A_588 = arith.constant 1 : i32
        %select_n3A_589 = arith.select %eq3A_587, %jit3A_588, %jit3A_585 : i32
        %rem3A_590 = arith.remsi %scan3A_561, %select_n3A_589 : i32
        %ne3A_591 = arith.constant 0 : i32
        %ne3A_592 = arith.cmpi ne, %rem3A_590, %ne3A_591 : i32
        %lt3A_593 = arith.constant 0 : i32
        %lt3A_594 = arith.cmpi slt, %rem3A_590, %lt3A_593 : i32
        %lt3A_595 = arith.constant 0 : i32
        %lt3A_596 = arith.cmpi slt, %select_n3A_589, %lt3A_595 : i32
        %ne3A_597 = arith.xori %lt3A_594, %lt3A_596 : i1
        %and3A_598 = arith.andi %ne3A_597, %ne3A_592 : i1
        %add3A_599 = arith.addi %rem3A_590, %select_n3A_589 : i32
        %select_n3A_600 = arith.select %and3A_598, %add3A_599, %rem3A_590 : i32
        %eq3A_601 = arith.constant 1 : i32
        %eq3A_602 = arith.cmpi eq, %select_n3A_600, %eq3A_601 : i32
        %convert_element_type3A_603 = arith.extui %eq3A_602 : i1 to i32
        %cond3A_604 = arith.constant 0 : i32
        %cond3A_605 = arith.cmpi ne, %convert_element_type3A_603, %cond3A_604 : i32
        scf.if %cond3A_605 {
          %add3A_606 = arith.constant 1 : i32
          %add3A_607 = arith.addi %scan3A_561, %add3A_606 : i32
          %lt3A_608 = arith.cmpi slt, %add3A_607, %add3A_434 : i32
          %convert_element_type3A_609 = arith.extui %lt3A_608 : i1 to i32
          %cond3A_610 = arith.constant 0 : i32
          %cond3A_611 = arith.cmpi ne, %convert_element_type3A_609, %cond3A_610 : i32
          scf.if %cond3A_611 {
            %ge3A_633 = arith.constant 1 : i32
            %ge3A_634 = arith.cmpi sge, %scan3A_561, %ge3A_633 : i32
            %convert_element_type3A_635 = arith.extui %ge3A_634 : i1 to i32
            %cond3A_636 = arith.constant 0 : i32
            %cond3A_637 = arith.cmpi ne, %convert_element_type3A_635, %cond3A_636 : i32
            scf.if %cond3A_637 {
              %dma_wait3A_646 = arith.constant 0 : i32
              %dma_wait3A_647 = arith.constant 0 : i32
              %dma_wait3A_648 = tpu.memref_slice %arg2[%dma_wait3A_646, %dma_wait3A_647] : memref<10240x128xf32, #tpu.memory_space<hbm>> -> memref<128x128xf32, #tpu.memory_space<hbm>>
              %dma_wait3A_649 = arith.constant 0 : i32
              %dma_wait3A_650 = arith.constant 0 : i32
              %dma_wait3A_651 = tpu.memref_slice %arg2[%dma_wait3A_649, %dma_wait3A_650] : memref<10240x128xf32, #tpu.memory_space<hbm>> -> memref<128x128xf32, #tpu.memory_space<hbm>>
              tpu.wait_dma2 semaphore(%arg15 : memref<!tpu.dma_semaphore, #tpu.memory_space<semaphore_mem>>) src(%dma_wait3A_651 : memref<128x128xf32, #tpu.memory_space<hbm>>) dst(%arg9 : memref<128x128xf32, #tpu.memory_space<vmem>>)
            } else {
            }
            %add3A_638 = arith.constant 1 : i32
            %add3A_639 = arith.addi %scan3A_561, %add3A_638 : i32
            %mul3A_640 = arith.constant 128 : i32
            %mul3A_641 = arith.muli %add3A_639, %mul3A_640 : i32
            %dma_start3A_642 = tpu.memref_slice %arg7[%mul3A_641] : memref<20752xi32, #tpu.memory_space<vmem>> -> memref<128xi32, #tpu.memory_space<vmem>>
            %dma_start3A_643 = arith.constant 0 : i32
            %dma_start3A_644 = arith.constant 0 : i32
            %dma_start3A_645 = tpu.memref_slice %arg2[%dma_start3A_643, %dma_start3A_644] : memref<10240x128xf32, #tpu.memory_space<hbm>> -> memref<10240x128xf32, #tpu.memory_space<hbm>>
            tpu.enqueue_indirect_dma source(%dma_start3A_645 : memref<10240x128xf32, #tpu.memory_space<hbm>>) target(%arg9 : memref<128x128xf32, #tpu.memory_space<vmem>>) offsets(%dma_start3A_642 : memref<128xi32, #tpu.memory_space<vmem>>) semaphore(%arg13 : memref<!tpu.dma_semaphore, #tpu.memory_space<semaphore_mem>>)
          } else {
          }
          %dma_wait3A_612 = arith.constant 0 : i32
          %dma_wait3A_613 = arith.constant 0 : i32
          %dma_wait3A_614 = tpu.memref_slice %arg2[%dma_wait3A_612, %dma_wait3A_613] : memref<10240x128xf32, #tpu.memory_space<hbm>> -> memref<128x128xf32, #tpu.memory_space<hbm>>
          %dma_wait3A_615 = arith.constant 0 : i32
          %dma_wait3A_616 = arith.constant 0 : i32
          %dma_wait3A_617 = tpu.memref_slice %arg2[%dma_wait3A_615, %dma_wait3A_616] : memref<10240x128xf32, #tpu.memory_space<hbm>> -> memref<128x128xf32, #tpu.memory_space<hbm>>
          tpu.wait_dma2 semaphore(%arg14 : memref<!tpu.dma_semaphore, #tpu.memory_space<semaphore_mem>>) src(%dma_wait3A_617 : memref<128x128xf32, #tpu.memory_space<hbm>>) dst(%arg10 : memref<128x128xf32, #tpu.memory_space<vmem>>)
          %mul3A_618 = arith.constant 128 : i32
          %mul3A_619 = arith.muli %scan3A_561, %mul3A_618 : i32
          %dma_start3A_620 = tpu.memref_slice %arg8[%mul3A_619] : memref<20752xi32, #tpu.memory_space<vmem>> -> memref<128xi32, #tpu.memory_space<vmem>>
          %dma_start3A_621 = arith.constant 0 : i32
          %dma_start3A_622 = arith.constant 0 : i32
          %dma_start3A_623 = tpu.memref_slice %arg12[%dma_start3A_621, %dma_start3A_622] : memref<5632x128xf32, #tpu.memory_space<vmem_shared>> -> memref<5632x128xf32, #tpu.memory_space<vmem_shared>>
          tpu.enqueue_indirect_dma source(%arg10 : memref<128x128xf32, #tpu.memory_space<vmem>>) target(%dma_start3A_623 : memref<5632x128xf32, #tpu.memory_space<vmem_shared>>) offsets(%dma_start3A_620 : memref<128xi32, #tpu.memory_space<vmem>>) semaphore(%arg16 : memref<!tpu.dma_semaphore, #tpu.memory_space<semaphore_mem>>) {add = true}
          %ge3A = arith.constant 2 : i32
          %ge3A_624 = arith.cmpi sge, %scan3A_561, %ge3A : i32
          %convert_element_type3A_625 = arith.extui %ge3A_624 : i1 to i32
          %cond3A_626 = arith.constant 0 : i32
          %cond3A_627 = arith.cmpi ne, %convert_element_type3A_625, %cond3A_626 : i32
          scf.if %cond3A_627 {
            %dma_wait3A_633 = arith.constant 0 : i32
            %dma_wait3A_634 = tpu.memref_slice %arg6[%dma_wait3A_633] : memref<10240xf32, #tpu.memory_space<hbm>> -> memref<128xf32, #tpu.memory_space<hbm>>
            %dma_wait3A_635 = arith.constant 0 : i32
            %dma_wait3A_636 = tpu.memref_slice %arg6[%dma_wait3A_635] : memref<10240xf32, #tpu.memory_space<hbm>> -> memref<128xf32, #tpu.memory_space<hbm>>
            tpu.wait_dma2 semaphore(%arg21 : memref<!tpu.dma_semaphore, #tpu.memory_space<semaphore_mem>>) src(%dma_wait3A_636 : memref<128xf32, #tpu.memory_space<hbm>>) dst(%arg17 : memref<128xf32, #tpu.memory_space<vmem>>)
          } else {
          }
          %mul3A_628 = arith.constant 128 : i32
          %mul3A_629 = arith.muli %scan3A_561, %mul3A_628 : i32
          %dma_start3A_630 = tpu.memref_slice %arg8[%mul3A_629] : memref<20752xi32, #tpu.memory_space<vmem>> -> memref<128xi32, #tpu.memory_space<vmem>>
          %dma_start3A_631 = arith.constant 0 : i32
          %dma_start3A_632 = tpu.memref_slice %arg19[%dma_start3A_631] : memref<5632xf32, #tpu.memory_space<vmem_shared>> -> memref<5632xf32, #tpu.memory_space<vmem_shared>>
          tpu.enqueue_indirect_dma source(%arg17 : memref<128xf32, #tpu.memory_space<vmem>>) target(%dma_start3A_632 : memref<5632xf32, #tpu.memory_space<vmem_shared>>) offsets(%dma_start3A_630 : memref<128xi32, #tpu.memory_space<vmem>>) semaphore(%arg21 : memref<!tpu.dma_semaphore, #tpu.memory_space<semaphore_mem>>) {add = true}
        } else {
        }
      } else {
      }
      %scan3A_564 = arith.constant 0 : i32
      scf.yield %scan3A_564 : i32
    }
    %scan3A_445 = arith.constant 162 : i32
    %dma_wait3A = arith.constant 0 : i32
    %dma_wait3A_446 = arith.constant 0 : i32
    %dma_wait3A_447 = tpu.memref_slice %arg2[%dma_wait3A, %dma_wait3A_446] : memref<10240x128xf32, #tpu.memory_space<hbm>> -> memref<128x128xf32, #tpu.memory_space<hbm>>
    %dma_wait3A_448 = arith.constant 0 : i32
    %dma_wait3A_449 = arith.constant 0 : i32
    %dma_wait3A_450 = tpu.memref_slice %arg2[%dma_wait3A_448, %dma_wait3A_449] : memref<10240x128xf32, #tpu.memory_space<hbm>> -> memref<128x128xf32, #tpu.memory_space<hbm>>
    tpu.wait_dma2 semaphore(%arg15 : memref<!tpu.dma_semaphore, #tpu.memory_space<semaphore_mem>>) src(%dma_wait3A_450 : memref<128x128xf32, #tpu.memory_space<hbm>>) dst(%arg9 : memref<128x128xf32, #tpu.memory_space<vmem>>)
    %dma_wait3A_451 = arith.constant 0 : i32
    %dma_wait3A_452 = tpu.memref_slice %arg6[%dma_wait3A_451] : memref<10240xf32, #tpu.memory_space<hbm>> -> memref<128xf32, #tpu.memory_space<hbm>>
    %dma_wait3A_453 = arith.constant 0 : i32
    %dma_wait3A_454 = tpu.memref_slice %arg6[%dma_wait3A_453] : memref<10240xf32, #tpu.memory_space<hbm>> -> memref<128xf32, #tpu.memory_space<hbm>>
    tpu.wait_dma2 semaphore(%arg20 : memref<!tpu.dma_semaphore, #tpu.memory_space<semaphore_mem>>) src(%dma_wait3A_454 : memref<128xf32, #tpu.memory_space<hbm>>) dst(%arg17 : memref<128xf32, #tpu.memory_space<vmem>>)
    %dma_wait3A_455 = arith.constant 0 : i32
    %dma_wait3A_456 = arith.constant 0 : i32
    %dma_wait3A_457 = tpu.memref_slice %arg2[%dma_wait3A_455, %dma_wait3A_456] : memref<10240x128xf32, #tpu.memory_space<hbm>> -> memref<128x128xf32, #tpu.memory_space<hbm>>
    %dma_wait3A_458 = arith.constant 0 : i32
    %dma_wait3A_459 = arith.constant 0 : i32
    %dma_wait3A_460 = tpu.memref_slice %arg2[%dma_wait3A_458, %dma_wait3A_459] : memref<10240x128xf32, #tpu.memory_space<hbm>> -> memref<128x128xf32, #tpu.memory_space<hbm>>
    tpu.wait_dma2 semaphore(%arg16 : memref<!tpu.dma_semaphore, #tpu.memory_space<semaphore_mem>>) src(%dma_wait3A_460 : memref<128x128xf32, #tpu.memory_space<hbm>>) dst(%arg10 : memref<128x128xf32, #tpu.memory_space<vmem>>)
    %dma_wait3A_461 = arith.constant 0 : i32
    %dma_wait3A_462 = tpu.memref_slice %arg6[%dma_wait3A_461] : memref<10240xf32, #tpu.memory_space<hbm>> -> memref<128xf32, #tpu.memory_space<hbm>>
    %dma_wait3A_463 = arith.constant 0 : i32
    %dma_wait3A_464 = tpu.memref_slice %arg6[%dma_wait3A_463] : memref<10240xf32, #tpu.memory_space<hbm>> -> memref<128xf32, #tpu.memory_space<hbm>>
    tpu.wait_dma2 semaphore(%arg21 : memref<!tpu.dma_semaphore, #tpu.memory_space<semaphore_mem>>) src(%dma_wait3A_464 : memref<128xf32, #tpu.memory_space<hbm>>) dst(%arg17 : memref<128xf32, #tpu.memory_space<vmem>>)
    %barrier3A_465 = arith.constant 0 : index
    tpu.barrier barrier_id(%barrier3A_465)
    %mul3A_466 = arith.constant 320 : i32
    %mul3A_467 = arith.muli %arg1, %mul3A_466 : i32
    %add3A_468 = arith.constant 0 : i32
    %add3A_469 = arith.addi %mul3A_467, %add3A_468 : i32
    "tpu.region"() ({
      %run_scoped3A = tpu.sem_alloc : memref<!tpu.dma_semaphore, #tpu.memory_space<semaphore_mem>>
      %dma_start3A_561 = arith.constant 0 : i32
      %dma_start3A_562 = tpu.memref_slice %arg12[%add3A_469, %dma_start3A_561] : memref<5632x128xf32, #tpu.memory_space<vmem_shared>> -> memref<32x128xf32, #tpu.memory_space<vmem_shared>>
      %dma_start3A_563 = arith.constant 0 : i32
      %dma_start3A_564 = tpu.memref_slice %arg12[%add3A_469, %dma_start3A_563] : memref<5632x128xf32, #tpu.memory_space<vmem_shared>> -> memref<32x128xf32, #tpu.memory_space<vmem_shared>>
      tpu.enqueue_dma source(%dma_start3A_564 : memref<32x128xf32, #tpu.memory_space<vmem_shared>>) target(%arg11 : memref<32x128xf32, #tpu.memory_space<vmem>>) target_semaphore(%run_scoped3A : memref<!tpu.dma_semaphore, #tpu.memory_space<semaphore_mem>>)
      %dma_wait3A_565 = arith.constant 0 : i32
      %dma_wait3A_566 = tpu.memref_slice %arg12[%add3A_469, %dma_wait3A_565] : memref<5632x128xf32, #tpu.memory_space<vmem_shared>> -> memref<32x128xf32, #tpu.memory_space<vmem_shared>>
      %dma_wait3A_567 = arith.constant 0 : i32
      %dma_wait3A_568 = tpu.memref_slice %arg12[%add3A_469, %dma_wait3A_567] : memref<5632x128xf32, #tpu.memory_space<vmem_shared>> -> memref<32x128xf32, #tpu.memory_space<vmem_shared>>
      tpu.wait_dma2 semaphore(%run_scoped3A : memref<!tpu.dma_semaphore, #tpu.memory_space<semaphore_mem>>) src(%dma_wait3A_568 : memref<32x128xf32, #tpu.memory_space<vmem_shared>>) dst(%arg11 : memref<32x128xf32, #tpu.memory_space<vmem>>)
      tpu.yield
    }) : () -> ()
    %mul3A_470 = arith.constant 320 : i32
    %mul3A_471 = arith.muli %arg1, %mul3A_470 : i32
    %add3A_472 = arith.addi %mul3A_0, %mul3A_471 : i32
    %add3A_473 = arith.constant 0 : i32
    %add3A_474 = arith.addi %add3A_472, %add3A_473 : i32
    "tpu.region"() ({
      %run_scoped3A = tpu.sem_alloc : memref<!tpu.dma_semaphore, #tpu.memory_space<semaphore_mem>>
      %dma_start3A_561 = arith.constant 0 : i32
      %dma_start3A_562 = tpu.memref_slice %arg5[%add3A_474, %dma_start3A_561] : memref<10240x128xf32, #tpu.memory_space<hbm>> -> memref<32x128xf32, #tpu.memory_space<hbm>>
      %dma_start3A_563 = arith.constant 0 : i32
      %dma_start3A_564 = tpu.memref_slice %arg5[%add3A_474, %dma_start3A_563] : memref<10240x128xf32, #tpu.memory_space<hbm>> -> memref<32x128xf32, #tpu.memory_space<hbm>>
      tpu.enqueue_dma source(%arg11 : memref<32x128xf32, #tpu.memory_space<vmem>>) target(%dma_start3A_564 : memref<32x128xf32, #tpu.memory_space<hbm>>) target_semaphore(%run_scoped3A : memref<!tpu.dma_semaphore, #tpu.memory_space<semaphore_mem>>)
      %dma_wait3A_565 = arith.constant 0 : i32
      %dma_wait3A_566 = tpu.memref_slice %arg5[%add3A_474, %dma_wait3A_565] : memref<10240x128xf32, #tpu.memory_space<hbm>> -> memref<32x128xf32, #tpu.memory_space<hbm>>
      %dma_wait3A_567 = arith.constant 0 : i32
      %dma_wait3A_568 = tpu.memref_slice %arg5[%add3A_474, %dma_wait3A_567] : memref<10240x128xf32, #tpu.memory_space<hbm>> -> memref<32x128xf32, #tpu.memory_space<hbm>>
      tpu.wait_dma2 semaphore(%run_scoped3A : memref<!tpu.dma_semaphore, #tpu.memory_space<semaphore_mem>>) src(%arg11 : memref<32x128xf32, #tpu.memory_space<vmem>>) dst(%dma_wait3A_568 : memref<32x128xf32, #tpu.memory_space<hbm>>)
      tpu.yield
    }) : () -> ()
    %mul3A_475 = arith.constant 320 : i32
    %mul3A_476 = arith.muli %arg1, %mul3A_475 : i32
    %add3A_477 = arith.constant 32 : i32
    %add3A_478 = arith.addi %mul3A_476, %add3A_477 : i32
    "tpu.region"() ({
      %run_scoped3A = tpu.sem_alloc : memref<!tpu.dma_semaphore, #tpu.memory_space<semaphore_mem>>
      %dma_start3A_561 = arith.constant 0 : i32
      %dma_start3A_562 = tpu.memref_slice %arg12[%add3A_478, %dma_start3A_561] : memref<5632x128xf32, #tpu.memory_space<vmem_shared>> -> memref<32x128xf32, #tpu.memory_space<vmem_shared>>
      %dma_start3A_563 = arith.constant 0 : i32
      %dma_start3A_564 = tpu.memref_slice %arg12[%add3A_478, %dma_start3A_563] : memref<5632x128xf32, #tpu.memory_space<vmem_shared>> -> memref<32x128xf32, #tpu.memory_space<vmem_shared>>
      tpu.enqueue_dma source(%dma_start3A_564 : memref<32x128xf32, #tpu.memory_space<vmem_shared>>) target(%arg11 : memref<32x128xf32, #tpu.memory_space<vmem>>) target_semaphore(%run_scoped3A : memref<!tpu.dma_semaphore, #tpu.memory_space<semaphore_mem>>)
      %dma_wait3A_565 = arith.constant 0 : i32
      %dma_wait3A_566 = tpu.memref_slice %arg12[%add3A_478, %dma_wait3A_565] : memref<5632x128xf32, #tpu.memory_space<vmem_shared>> -> memref<32x128xf32, #tpu.memory_space<vmem_shared>>
      %dma_wait3A_567 = arith.constant 0 : i32
      %dma_wait3A_568 = tpu.memref_slice %arg12[%add3A_478, %dma_wait3A_567] : memref<5632x128xf32, #tpu.memory_space<vmem_shared>> -> memref<32x128xf32, #tpu.memory_space<vmem_shared>>
      tpu.wait_dma2 semaphore(%run_scoped3A : memref<!tpu.dma_semaphore, #tpu.memory_space<semaphore_mem>>) src(%dma_wait3A_568 : memref<32x128xf32, #tpu.memory_space<vmem_shared>>) dst(%arg11 : memref<32x128xf32, #tpu.memory_space<vmem>>)
      tpu.yield
    }) : () -> ()
    %mul3A_479 = arith.constant 320 : i32
    %mul3A_480 = arith.muli %arg1, %mul3A_479 : i32
    %add3A_481 = arith.addi %mul3A_0, %mul3A_480 : i32
    %add3A_482 = arith.constant 32 : i32
    %add3A_483 = arith.addi %add3A_481, %add3A_482 : i32
    "tpu.region"() ({
      %run_scoped3A = tpu.sem_alloc : memref<!tpu.dma_semaphore, #tpu.memory_space<semaphore_mem>>
      %dma_start3A_561 = arith.constant 0 : i32
      %dma_start3A_562 = tpu.memref_slice %arg5[%add3A_483, %dma_start3A_561] : memref<10240x128xf32, #tpu.memory_space<hbm>> -> memref<32x128xf32, #tpu.memory_space<hbm>>
      %dma_start3A_563 = arith.constant 0 : i32
      %dma_start3A_564 = tpu.memref_slice %arg5[%add3A_483, %dma_start3A_563] : memref<10240x128xf32, #tpu.memory_space<hbm>> -> memref<32x128xf32, #tpu.memory_space<hbm>>
      tpu.enqueue_dma source(%arg11 : memref<32x128xf32, #tpu.memory_space<vmem>>) target(%dma_start3A_564 : memref<32x128xf32, #tpu.memory_space<hbm>>) target_semaphore(%run_scoped3A : memref<!tpu.dma_semaphore, #tpu.memory_space<semaphore_mem>>)
      %dma_wait3A_565 = arith.constant 0 : i32
      %dma_wait3A_566 = tpu.memref_slice %arg5[%add3A_483, %dma_wait3A_565] : memref<10240x128xf32, #tpu.memory_space<hbm>> -> memref<32x128xf32, #tpu.memory_space<hbm>>
      %dma_wait3A_567 = arith.constant 0 : i32
      %dma_wait3A_568 = tpu.memref_slice %arg5[%add3A_483, %dma_wait3A_567] : memref<10240x128xf32, #tpu.memory_space<hbm>> -> memref<32x128xf32, #tpu.memory_space<hbm>>
      tpu.wait_dma2 semaphore(%run_scoped3A : memref<!tpu.dma_semaphore, #tpu.memory_space<semaphore_mem>>) src(%arg11 : memref<32x128xf32, #tpu.memory_space<vmem>>) dst(%dma_wait3A_568 : memref<32x128xf32, #tpu.memory_space<hbm>>)
      tpu.yield
    }) : () -> ()
    %mul3A_484 = arith.constant 320 : i32
    %mul3A_485 = arith.muli %arg1, %mul3A_484 : i32
    %add3A_486 = arith.constant 64 : i32
    %add3A_487 = arith.addi %mul3A_485, %add3A_486 : i32
    "tpu.region"() ({
      %run_scoped3A = tpu.sem_alloc : memref<!tpu.dma_semaphore, #tpu.memory_space<semaphore_mem>>
      %dma_start3A_561 = arith.constant 0 : i32
      %dma_start3A_562 = tpu.memref_slice %arg12[%add3A_487, %dma_start3A_561] : memref<5632x128xf32, #tpu.memory_space<vmem_shared>> -> memref<32x128xf32, #tpu.memory_space<vmem_shared>>
      %dma_start3A_563 = arith.constant 0 : i32
      %dma_start3A_564 = tpu.memref_slice %arg12[%add3A_487, %dma_start3A_563] : memref<5632x128xf32, #tpu.memory_space<vmem_shared>> -> memref<32x128xf32, #tpu.memory_space<vmem_shared>>
      tpu.enqueue_dma source(%dma_start3A_564 : memref<32x128xf32, #tpu.memory_space<vmem_shared>>) target(%arg11 : memref<32x128xf32, #tpu.memory_space<vmem>>) target_semaphore(%run_scoped3A : memref<!tpu.dma_semaphore, #tpu.memory_space<semaphore_mem>>)
      %dma_wait3A_565 = arith.constant 0 : i32
      %dma_wait3A_566 = tpu.memref_slice %arg12[%add3A_487, %dma_wait3A_565] : memref<5632x128xf32, #tpu.memory_space<vmem_shared>> -> memref<32x128xf32, #tpu.memory_space<vmem_shared>>
      %dma_wait3A_567 = arith.constant 0 : i32
      %dma_wait3A_568 = tpu.memref_slice %arg12[%add3A_487, %dma_wait3A_567] : memref<5632x128xf32, #tpu.memory_space<vmem_shared>> -> memref<32x128xf32, #tpu.memory_space<vmem_shared>>
      tpu.wait_dma2 semaphore(%run_scoped3A : memref<!tpu.dma_semaphore, #tpu.memory_space<semaphore_mem>>) src(%dma_wait3A_568 : memref<32x128xf32, #tpu.memory_space<vmem_shared>>) dst(%arg11 : memref<32x128xf32, #tpu.memory_space<vmem>>)
      tpu.yield
    }) : () -> ()
    %mul3A_488 = arith.constant 320 : i32
    %mul3A_489 = arith.muli %arg1, %mul3A_488 : i32
    %add3A_490 = arith.addi %mul3A_0, %mul3A_489 : i32
    %add3A_491 = arith.constant 64 : i32
    %add3A_492 = arith.addi %add3A_490, %add3A_491 : i32
    "tpu.region"() ({
      %run_scoped3A = tpu.sem_alloc : memref<!tpu.dma_semaphore, #tpu.memory_space<semaphore_mem>>
      %dma_start3A_561 = arith.constant 0 : i32
      %dma_start3A_562 = tpu.memref_slice %arg5[%add3A_492, %dma_start3A_561] : memref<10240x128xf32, #tpu.memory_space<hbm>> -> memref<32x128xf32, #tpu.memory_space<hbm>>
      %dma_start3A_563 = arith.constant 0 : i32
      %dma_start3A_564 = tpu.memref_slice %arg5[%add3A_492, %dma_start3A_563] : memref<10240x128xf32, #tpu.memory_space<hbm>> -> memref<32x128xf32, #tpu.memory_space<hbm>>
      tpu.enqueue_dma source(%arg11 : memref<32x128xf32, #tpu.memory_space<vmem>>) target(%dma_start3A_564 : memref<32x128xf32, #tpu.memory_space<hbm>>) target_semaphore(%run_scoped3A : memref<!tpu.dma_semaphore, #tpu.memory_space<semaphore_mem>>)
      %dma_wait3A_565 = arith.constant 0 : i32
      %dma_wait3A_566 = tpu.memref_slice %arg5[%add3A_492, %dma_wait3A_565] : memref<10240x128xf32, #tpu.memory_space<hbm>> -> memref<32x128xf32, #tpu.memory_space<hbm>>
      %dma_wait3A_567 = arith.constant 0 : i32
      %dma_wait3A_568 = tpu.memref_slice %arg5[%add3A_492, %dma_wait3A_567] : memref<10240x128xf32, #tpu.memory_space<hbm>> -> memref<32x128xf32, #tpu.memory_space<hbm>>
      tpu.wait_dma2 semaphore(%run_scoped3A : memref<!tpu.dma_semaphore, #tpu.memory_space<semaphore_mem>>) src(%arg11 : memref<32x128xf32, #tpu.memory_space<vmem>>) dst(%dma_wait3A_568 : memref<32x128xf32, #tpu.memory_space<hbm>>)
      tpu.yield
    }) : () -> ()
    %mul3A_493 = arith.constant 320 : i32
    %mul3A_494 = arith.muli %arg1, %mul3A_493 : i32
    %add3A_495 = arith.constant 96 : i32
    %add3A_496 = arith.addi %mul3A_494, %add3A_495 : i32
    "tpu.region"() ({
      %run_scoped3A = tpu.sem_alloc : memref<!tpu.dma_semaphore, #tpu.memory_space<semaphore_mem>>
      %dma_start3A_561 = arith.constant 0 : i32
      %dma_start3A_562 = tpu.memref_slice %arg12[%add3A_496, %dma_start3A_561] : memref<5632x128xf32, #tpu.memory_space<vmem_shared>> -> memref<32x128xf32, #tpu.memory_space<vmem_shared>>
      %dma_start3A_563 = arith.constant 0 : i32
      %dma_start3A_564 = tpu.memref_slice %arg12[%add3A_496, %dma_start3A_563] : memref<5632x128xf32, #tpu.memory_space<vmem_shared>> -> memref<32x128xf32, #tpu.memory_space<vmem_shared>>
      tpu.enqueue_dma source(%dma_start3A_564 : memref<32x128xf32, #tpu.memory_space<vmem_shared>>) target(%arg11 : memref<32x128xf32, #tpu.memory_space<vmem>>) target_semaphore(%run_scoped3A : memref<!tpu.dma_semaphore, #tpu.memory_space<semaphore_mem>>)
      %dma_wait3A_565 = arith.constant 0 : i32
      %dma_wait3A_566 = tpu.memref_slice %arg12[%add3A_496, %dma_wait3A_565] : memref<5632x128xf32, #tpu.memory_space<vmem_shared>> -> memref<32x128xf32, #tpu.memory_space<vmem_shared>>
      %dma_wait3A_567 = arith.constant 0 : i32
      %dma_wait3A_568 = tpu.memref_slice %arg12[%add3A_496, %dma_wait3A_567] : memref<5632x128xf32, #tpu.memory_space<vmem_shared>> -> memref<32x128xf32, #tpu.memory_space<vmem_shared>>
      tpu.wait_dma2 semaphore(%run_scoped3A : memref<!tpu.dma_semaphore, #tpu.memory_space<semaphore_mem>>) src(%dma_wait3A_568 : memref<32x128xf32, #tpu.memory_space<vmem_shared>>) dst(%arg11 : memref<32x128xf32, #tpu.memory_space<vmem>>)
      tpu.yield
    }) : () -> ()
    %mul3A_497 = arith.constant 320 : i32
    %mul3A_498 = arith.muli %arg1, %mul3A_497 : i32
    %add3A_499 = arith.addi %mul3A_0, %mul3A_498 : i32
    %add3A_500 = arith.constant 96 : i32
    %add3A_501 = arith.addi %add3A_499, %add3A_500 : i32
    "tpu.region"() ({
      %run_scoped3A = tpu.sem_alloc : memref<!tpu.dma_semaphore, #tpu.memory_space<semaphore_mem>>
      %dma_start3A_561 = arith.constant 0 : i32
      %dma_start3A_562 = tpu.memref_slice %arg5[%add3A_501, %dma_start3A_561] : memref<10240x128xf32, #tpu.memory_space<hbm>> -> memref<32x128xf32, #tpu.memory_space<hbm>>
      %dma_start3A_563 = arith.constant 0 : i32
      %dma_start3A_564 = tpu.memref_slice %arg5[%add3A_501, %dma_start3A_563] : memref<10240x128xf32, #tpu.memory_space<hbm>> -> memref<32x128xf32, #tpu.memory_space<hbm>>
      tpu.enqueue_dma source(%arg11 : memref<32x128xf32, #tpu.memory_space<vmem>>) target(%dma_start3A_564 : memref<32x128xf32, #tpu.memory_space<hbm>>) target_semaphore(%run_scoped3A : memref<!tpu.dma_semaphore, #tpu.memory_space<semaphore_mem>>)
      %dma_wait3A_565 = arith.constant 0 : i32
      %dma_wait3A_566 = tpu.memref_slice %arg5[%add3A_501, %dma_wait3A_565] : memref<10240x128xf32, #tpu.memory_space<hbm>> -> memref<32x128xf32, #tpu.memory_space<hbm>>
      %dma_wait3A_567 = arith.constant 0 : i32
      %dma_wait3A_568 = tpu.memref_slice %arg5[%add3A_501, %dma_wait3A_567] : memref<10240x128xf32, #tpu.memory_space<hbm>> -> memref<32x128xf32, #tpu.memory_space<hbm>>
      tpu.wait_dma2 semaphore(%run_scoped3A : memref<!tpu.dma_semaphore, #tpu.memory_space<semaphore_mem>>) src(%arg11 : memref<32x128xf32, #tpu.memory_space<vmem>>) dst(%dma_wait3A_568 : memref<32x128xf32, #tpu.memory_space<hbm>>)
      tpu.yield
    }) : () -> ()
    %mul3A_502 = arith.constant 320 : i32
    %mul3A_503 = arith.muli %arg1, %mul3A_502 : i32
    %add3A_504 = arith.constant 128 : i32
    %add3A_505 = arith.addi %mul3A_503, %add3A_504 : i32
    "tpu.region"() ({
      %run_scoped3A = tpu.sem_alloc : memref<!tpu.dma_semaphore, #tpu.memory_space<semaphore_mem>>
      %dma_start3A_561 = arith.constant 0 : i32
      %dma_start3A_562 = tpu.memref_slice %arg12[%add3A_505, %dma_start3A_561] : memref<5632x128xf32, #tpu.memory_space<vmem_shared>> -> memref<32x128xf32, #tpu.memory_space<vmem_shared>>
      %dma_start3A_563 = arith.constant 0 : i32
      %dma_start3A_564 = tpu.memref_slice %arg12[%add3A_505, %dma_start3A_563] : memref<5632x128xf32, #tpu.memory_space<vmem_shared>> -> memref<32x128xf32, #tpu.memory_space<vmem_shared>>
      tpu.enqueue_dma source(%dma_start3A_564 : memref<32x128xf32, #tpu.memory_space<vmem_shared>>) target(%arg11 : memref<32x128xf32, #tpu.memory_space<vmem>>) target_semaphore(%run_scoped3A : memref<!tpu.dma_semaphore, #tpu.memory_space<semaphore_mem>>)
      %dma_wait3A_565 = arith.constant 0 : i32
      %dma_wait3A_566 = tpu.memref_slice %arg12[%add3A_505, %dma_wait3A_565] : memref<5632x128xf32, #tpu.memory_space<vmem_shared>> -> memref<32x128xf32, #tpu.memory_space<vmem_shared>>
      %dma_wait3A_567 = arith.constant 0 : i32
      %dma_wait3A_568 = tpu.memref_slice %arg12[%add3A_505, %dma_wait3A_567] : memref<5632x128xf32, #tpu.memory_space<vmem_shared>> -> memref<32x128xf32, #tpu.memory_space<vmem_shared>>
      tpu.wait_dma2 semaphore(%run_scoped3A : memref<!tpu.dma_semaphore, #tpu.memory_space<semaphore_mem>>) src(%dma_wait3A_568 : memref<32x128xf32, #tpu.memory_space<vmem_shared>>) dst(%arg11 : memref<32x128xf32, #tpu.memory_space<vmem>>)
      tpu.yield
    }) : () -> ()
    %mul3A_506 = arith.constant 320 : i32
    %mul3A_507 = arith.muli %arg1, %mul3A_506 : i32
    %add3A_508 = arith.addi %mul3A_0, %mul3A_507 : i32
    %add3A_509 = arith.constant 128 : i32
    %add3A_510 = arith.addi %add3A_508, %add3A_509 : i32
    "tpu.region"() ({
      %run_scoped3A = tpu.sem_alloc : memref<!tpu.dma_semaphore, #tpu.memory_space<semaphore_mem>>
      %dma_start3A_561 = arith.constant 0 : i32
      %dma_start3A_562 = tpu.memref_slice %arg5[%add3A_510, %dma_start3A_561] : memref<10240x128xf32, #tpu.memory_space<hbm>> -> memref<32x128xf32, #tpu.memory_space<hbm>>
      %dma_start3A_563 = arith.constant 0 : i32
      %dma_start3A_564 = tpu.memref_slice %arg5[%add3A_510, %dma_start3A_563] : memref<10240x128xf32, #tpu.memory_space<hbm>> -> memref<32x128xf32, #tpu.memory_space<hbm>>
      tpu.enqueue_dma source(%arg11 : memref<32x128xf32, #tpu.memory_space<vmem>>) target(%dma_start3A_564 : memref<32x128xf32, #tpu.memory_space<hbm>>) target_semaphore(%run_scoped3A : memref<!tpu.dma_semaphore, #tpu.memory_space<semaphore_mem>>)
      %dma_wait3A_565 = arith.constant 0 : i32
      %dma_wait3A_566 = tpu.memref_slice %arg5[%add3A_510, %dma_wait3A_565] : memref<10240x128xf32, #tpu.memory_space<hbm>> -> memref<32x128xf32, #tpu.memory_space<hbm>>
      %dma_wait3A_567 = arith.constant 0 : i32
      %dma_wait3A_568 = tpu.memref_slice %arg5[%add3A_510, %dma_wait3A_567] : memref<10240x128xf32, #tpu.memory_space<hbm>> -> memref<32x128xf32, #tpu.memory_space<hbm>>
      tpu.wait_dma2 semaphore(%run_scoped3A : memref<!tpu.dma_semaphore, #tpu.memory_space<semaphore_mem>>) src(%arg11 : memref<32x128xf32, #tpu.memory_space<vmem>>) dst(%dma_wait3A_568 : memref<32x128xf32, #tpu.memory_space<hbm>>)
      tpu.yield
    }) : () -> ()
    %mul3A_511 = arith.constant 320 : i32
    %mul3A_512 = arith.muli %arg1, %mul3A_511 : i32
    %add3A_513 = arith.constant 160 : i32
    %add3A_514 = arith.addi %mul3A_512, %add3A_513 : i32
    "tpu.region"() ({
      %run_scoped3A = tpu.sem_alloc : memref<!tpu.dma_semaphore, #tpu.memory_space<semaphore_mem>>
      %dma_start3A_561 = arith.constant 0 : i32
      %dma_start3A_562 = tpu.memref_slice %arg12[%add3A_514, %dma_start3A_561] : memref<5632x128xf32, #tpu.memory_space<vmem_shared>> -> memref<32x128xf32, #tpu.memory_space<vmem_shared>>
      %dma_start3A_563 = arith.constant 0 : i32
      %dma_start3A_564 = tpu.memref_slice %arg12[%add3A_514, %dma_start3A_563] : memref<5632x128xf32, #tpu.memory_space<vmem_shared>> -> memref<32x128xf32, #tpu.memory_space<vmem_shared>>
      tpu.enqueue_dma source(%dma_start3A_564 : memref<32x128xf32, #tpu.memory_space<vmem_shared>>) target(%arg11 : memref<32x128xf32, #tpu.memory_space<vmem>>) target_semaphore(%run_scoped3A : memref<!tpu.dma_semaphore, #tpu.memory_space<semaphore_mem>>)
      %dma_wait3A_565 = arith.constant 0 : i32
      %dma_wait3A_566 = tpu.memref_slice %arg12[%add3A_514, %dma_wait3A_565] : memref<5632x128xf32, #tpu.memory_space<vmem_shared>> -> memref<32x128xf32, #tpu.memory_space<vmem_shared>>
      %dma_wait3A_567 = arith.constant 0 : i32
      %dma_wait3A_568 = tpu.memref_slice %arg12[%add3A_514, %dma_wait3A_567] : memref<5632x128xf32, #tpu.memory_space<vmem_shared>> -> memref<32x128xf32, #tpu.memory_space<vmem_shared>>
      tpu.wait_dma2 semaphore(%run_scoped3A : memref<!tpu.dma_semaphore, #tpu.memory_space<semaphore_mem>>) src(%dma_wait3A_568 : memref<32x128xf32, #tpu.memory_space<vmem_shared>>) dst(%arg11 : memref<32x128xf32, #tpu.memory_space<vmem>>)
      tpu.yield
    }) : () -> ()
    %mul3A_515 = arith.constant 320 : i32
    %mul3A_516 = arith.muli %arg1, %mul3A_515 : i32
    %add3A_517 = arith.addi %mul3A_0, %mul3A_516 : i32
    %add3A_518 = arith.constant 160 : i32
    %add3A_519 = arith.addi %add3A_517, %add3A_518 : i32
    "tpu.region"() ({
      %run_scoped3A = tpu.sem_alloc : memref<!tpu.dma_semaphore, #tpu.memory_space<semaphore_mem>>
      %dma_start3A_561 = arith.constant 0 : i32
      %dma_start3A_562 = tpu.memref_slice %arg5[%add3A_519, %dma_start3A_561] : memref<10240x128xf32, #tpu.memory_space<hbm>> -> memref<32x128xf32, #tpu.memory_space<hbm>>
      %dma_start3A_563 = arith.constant 0 : i32
      %dma_start3A_564 = tpu.memref_slice %arg5[%add3A_519, %dma_start3A_563] : memref<10240x128xf32, #tpu.memory_space<hbm>> -> memref<32x128xf32, #tpu.memory_space<hbm>>
      tpu.enqueue_dma source(%arg11 : memref<32x128xf32, #tpu.memory_space<vmem>>) target(%dma_start3A_564 : memref<32x128xf32, #tpu.memory_space<hbm>>) target_semaphore(%run_scoped3A : memref<!tpu.dma_semaphore, #tpu.memory_space<semaphore_mem>>)
      %dma_wait3A_565 = arith.constant 0 : i32
      %dma_wait3A_566 = tpu.memref_slice %arg5[%add3A_519, %dma_wait3A_565] : memref<10240x128xf32, #tpu.memory_space<hbm>> -> memref<32x128xf32, #tpu.memory_space<hbm>>
      %dma_wait3A_567 = arith.constant 0 : i32
      %dma_wait3A_568 = tpu.memref_slice %arg5[%add3A_519, %dma_wait3A_567] : memref<10240x128xf32, #tpu.memory_space<hbm>> -> memref<32x128xf32, #tpu.memory_space<hbm>>
      tpu.wait_dma2 semaphore(%run_scoped3A : memref<!tpu.dma_semaphore, #tpu.memory_space<semaphore_mem>>) src(%arg11 : memref<32x128xf32, #tpu.memory_space<vmem>>) dst(%dma_wait3A_568 : memref<32x128xf32, #tpu.memory_space<hbm>>)
      tpu.yield
    }) : () -> ()
    %mul3A_520 = arith.constant 320 : i32
    %mul3A_521 = arith.muli %arg1, %mul3A_520 : i32
    %add3A_522 = arith.constant 192 : i32
    %add3A_523 = arith.addi %mul3A_521, %add3A_522 : i32
    "tpu.region"() ({
      %run_scoped3A = tpu.sem_alloc : memref<!tpu.dma_semaphore, #tpu.memory_space<semaphore_mem>>
      %dma_start3A_561 = arith.constant 0 : i32
      %dma_start3A_562 = tpu.memref_slice %arg12[%add3A_523, %dma_start3A_561] : memref<5632x128xf32, #tpu.memory_space<vmem_shared>> -> memref<32x128xf32, #tpu.memory_space<vmem_shared>>
      %dma_start3A_563 = arith.constant 0 : i32
      %dma_start3A_564 = tpu.memref_slice %arg12[%add3A_523, %dma_start3A_563] : memref<5632x128xf32, #tpu.memory_space<vmem_shared>> -> memref<32x128xf32, #tpu.memory_space<vmem_shared>>
      tpu.enqueue_dma source(%dma_start3A_564 : memref<32x128xf32, #tpu.memory_space<vmem_shared>>) target(%arg11 : memref<32x128xf32, #tpu.memory_space<vmem>>) target_semaphore(%run_scoped3A : memref<!tpu.dma_semaphore, #tpu.memory_space<semaphore_mem>>)
      %dma_wait3A_565 = arith.constant 0 : i32
      %dma_wait3A_566 = tpu.memref_slice %arg12[%add3A_523, %dma_wait3A_565] : memref<5632x128xf32, #tpu.memory_space<vmem_shared>> -> memref<32x128xf32, #tpu.memory_space<vmem_shared>>
      %dma_wait3A_567 = arith.constant 0 : i32
      %dma_wait3A_568 = tpu.memref_slice %arg12[%add3A_523, %dma_wait3A_567] : memref<5632x128xf32, #tpu.memory_space<vmem_shared>> -> memref<32x128xf32, #tpu.memory_space<vmem_shared>>
      tpu.wait_dma2 semaphore(%run_scoped3A : memref<!tpu.dma_semaphore, #tpu.memory_space<semaphore_mem>>) src(%dma_wait3A_568 : memref<32x128xf32, #tpu.memory_space<vmem_shared>>) dst(%arg11 : memref<32x128xf32, #tpu.memory_space<vmem>>)
      tpu.yield
    }) : () -> ()
    %mul3A_524 = arith.constant 320 : i32
    %mul3A_525 = arith.muli %arg1, %mul3A_524 : i32
    %add3A_526 = arith.addi %mul3A_0, %mul3A_525 : i32
    %add3A_527 = arith.constant 192 : i32
    %add3A_528 = arith.addi %add3A_526, %add3A_527 : i32
    "tpu.region"() ({
      %run_scoped3A = tpu.sem_alloc : memref<!tpu.dma_semaphore, #tpu.memory_space<semaphore_mem>>
      %dma_start3A_561 = arith.constant 0 : i32
      %dma_start3A_562 = tpu.memref_slice %arg5[%add3A_528, %dma_start3A_561] : memref<10240x128xf32, #tpu.memory_space<hbm>> -> memref<32x128xf32, #tpu.memory_space<hbm>>
      %dma_start3A_563 = arith.constant 0 : i32
      %dma_start3A_564 = tpu.memref_slice %arg5[%add3A_528, %dma_start3A_563] : memref<10240x128xf32, #tpu.memory_space<hbm>> -> memref<32x128xf32, #tpu.memory_space<hbm>>
      tpu.enqueue_dma source(%arg11 : memref<32x128xf32, #tpu.memory_space<vmem>>) target(%dma_start3A_564 : memref<32x128xf32, #tpu.memory_space<hbm>>) target_semaphore(%run_scoped3A : memref<!tpu.dma_semaphore, #tpu.memory_space<semaphore_mem>>)
      %dma_wait3A_565 = arith.constant 0 : i32
      %dma_wait3A_566 = tpu.memref_slice %arg5[%add3A_528, %dma_wait3A_565] : memref<10240x128xf32, #tpu.memory_space<hbm>> -> memref<32x128xf32, #tpu.memory_space<hbm>>
      %dma_wait3A_567 = arith.constant 0 : i32
      %dma_wait3A_568 = tpu.memref_slice %arg5[%add3A_528, %dma_wait3A_567] : memref<10240x128xf32, #tpu.memory_space<hbm>> -> memref<32x128xf32, #tpu.memory_space<hbm>>
      tpu.wait_dma2 semaphore(%run_scoped3A : memref<!tpu.dma_semaphore, #tpu.memory_space<semaphore_mem>>) src(%arg11 : memref<32x128xf32, #tpu.memory_space<vmem>>) dst(%dma_wait3A_568 : memref<32x128xf32, #tpu.memory_space<hbm>>)
      tpu.yield
    }) : () -> ()
    %mul3A_529 = arith.constant 320 : i32
    %mul3A_530 = arith.muli %arg1, %mul3A_529 : i32
    %add3A_531 = arith.constant 224 : i32
    %add3A_532 = arith.addi %mul3A_530, %add3A_531 : i32
    "tpu.region"() ({
      %run_scoped3A = tpu.sem_alloc : memref<!tpu.dma_semaphore, #tpu.memory_space<semaphore_mem>>
      %dma_start3A_561 = arith.constant 0 : i32
      %dma_start3A_562 = tpu.memref_slice %arg12[%add3A_532, %dma_start3A_561] : memref<5632x128xf32, #tpu.memory_space<vmem_shared>> -> memref<32x128xf32, #tpu.memory_space<vmem_shared>>
      %dma_start3A_563 = arith.constant 0 : i32
      %dma_start3A_564 = tpu.memref_slice %arg12[%add3A_532, %dma_start3A_563] : memref<5632x128xf32, #tpu.memory_space<vmem_shared>> -> memref<32x128xf32, #tpu.memory_space<vmem_shared>>
      tpu.enqueue_dma source(%dma_start3A_564 : memref<32x128xf32, #tpu.memory_space<vmem_shared>>) target(%arg11 : memref<32x128xf32, #tpu.memory_space<vmem>>) target_semaphore(%run_scoped3A : memref<!tpu.dma_semaphore, #tpu.memory_space<semaphore_mem>>)
      %dma_wait3A_565 = arith.constant 0 : i32
      %dma_wait3A_566 = tpu.memref_slice %arg12[%add3A_532, %dma_wait3A_565] : memref<5632x128xf32, #tpu.memory_space<vmem_shared>> -> memref<32x128xf32, #tpu.memory_space<vmem_shared>>
      %dma_wait3A_567 = arith.constant 0 : i32
      %dma_wait3A_568 = tpu.memref_slice %arg12[%add3A_532, %dma_wait3A_567] : memref<5632x128xf32, #tpu.memory_space<vmem_shared>> -> memref<32x128xf32, #tpu.memory_space<vmem_shared>>
      tpu.wait_dma2 semaphore(%run_scoped3A : memref<!tpu.dma_semaphore, #tpu.memory_space<semaphore_mem>>) src(%dma_wait3A_568 : memref<32x128xf32, #tpu.memory_space<vmem_shared>>) dst(%arg11 : memref<32x128xf32, #tpu.memory_space<vmem>>)
      tpu.yield
    }) : () -> ()
    %mul3A_533 = arith.constant 320 : i32
    %mul3A_534 = arith.muli %arg1, %mul3A_533 : i32
    %add3A_535 = arith.addi %mul3A_0, %mul3A_534 : i32
    %add3A_536 = arith.constant 224 : i32
    %add3A_537 = arith.addi %add3A_535, %add3A_536 : i32
    "tpu.region"() ({
      %run_scoped3A = tpu.sem_alloc : memref<!tpu.dma_semaphore, #tpu.memory_space<semaphore_mem>>
      %dma_start3A_561 = arith.constant 0 : i32
      %dma_start3A_562 = tpu.memref_slice %arg5[%add3A_537, %dma_start3A_561] : memref<10240x128xf32, #tpu.memory_space<hbm>> -> memref<32x128xf32, #tpu.memory_space<hbm>>
      %dma_start3A_563 = arith.constant 0 : i32
      %dma_start3A_564 = tpu.memref_slice %arg5[%add3A_537, %dma_start3A_563] : memref<10240x128xf32, #tpu.memory_space<hbm>> -> memref<32x128xf32, #tpu.memory_space<hbm>>
      tpu.enqueue_dma source(%arg11 : memref<32x128xf32, #tpu.memory_space<vmem>>) target(%dma_start3A_564 : memref<32x128xf32, #tpu.memory_space<hbm>>) target_semaphore(%run_scoped3A : memref<!tpu.dma_semaphore, #tpu.memory_space<semaphore_mem>>)
      %dma_wait3A_565 = arith.constant 0 : i32
      %dma_wait3A_566 = tpu.memref_slice %arg5[%add3A_537, %dma_wait3A_565] : memref<10240x128xf32, #tpu.memory_space<hbm>> -> memref<32x128xf32, #tpu.memory_space<hbm>>
      %dma_wait3A_567 = arith.constant 0 : i32
      %dma_wait3A_568 = tpu.memref_slice %arg5[%add3A_537, %dma_wait3A_567] : memref<10240x128xf32, #tpu.memory_space<hbm>> -> memref<32x128xf32, #tpu.memory_space<hbm>>
      tpu.wait_dma2 semaphore(%run_scoped3A : memref<!tpu.dma_semaphore, #tpu.memory_space<semaphore_mem>>) src(%arg11 : memref<32x128xf32, #tpu.memory_space<vmem>>) dst(%dma_wait3A_568 : memref<32x128xf32, #tpu.memory_space<hbm>>)
      tpu.yield
    }) : () -> ()
    %mul3A_538 = arith.constant 320 : i32
    %mul3A_539 = arith.muli %arg1, %mul3A_538 : i32
    %add3A_540 = arith.constant 256 : i32
    %add3A_541 = arith.addi %mul3A_539, %add3A_540 : i32
    "tpu.region"() ({
      %run_scoped3A = tpu.sem_alloc : memref<!tpu.dma_semaphore, #tpu.memory_space<semaphore_mem>>
      %dma_start3A_561 = arith.constant 0 : i32
      %dma_start3A_562 = tpu.memref_slice %arg12[%add3A_541, %dma_start3A_561] : memref<5632x128xf32, #tpu.memory_space<vmem_shared>> -> memref<32x128xf32, #tpu.memory_space<vmem_shared>>
      %dma_start3A_563 = arith.constant 0 : i32
      %dma_start3A_564 = tpu.memref_slice %arg12[%add3A_541, %dma_start3A_563] : memref<5632x128xf32, #tpu.memory_space<vmem_shared>> -> memref<32x128xf32, #tpu.memory_space<vmem_shared>>
      tpu.enqueue_dma source(%dma_start3A_564 : memref<32x128xf32, #tpu.memory_space<vmem_shared>>) target(%arg11 : memref<32x128xf32, #tpu.memory_space<vmem>>) target_semaphore(%run_scoped3A : memref<!tpu.dma_semaphore, #tpu.memory_space<semaphore_mem>>)
      %dma_wait3A_565 = arith.constant 0 : i32
      %dma_wait3A_566 = tpu.memref_slice %arg12[%add3A_541, %dma_wait3A_565] : memref<5632x128xf32, #tpu.memory_space<vmem_shared>> -> memref<32x128xf32, #tpu.memory_space<vmem_shared>>
      %dma_wait3A_567 = arith.constant 0 : i32
      %dma_wait3A_568 = tpu.memref_slice %arg12[%add3A_541, %dma_wait3A_567] : memref<5632x128xf32, #tpu.memory_space<vmem_shared>> -> memref<32x128xf32, #tpu.memory_space<vmem_shared>>
      tpu.wait_dma2 semaphore(%run_scoped3A : memref<!tpu.dma_semaphore, #tpu.memory_space<semaphore_mem>>) src(%dma_wait3A_568 : memref<32x128xf32, #tpu.memory_space<vmem_shared>>) dst(%arg11 : memref<32x128xf32, #tpu.memory_space<vmem>>)
      tpu.yield
    }) : () -> ()
    %mul3A_542 = arith.constant 320 : i32
    %mul3A_543 = arith.muli %arg1, %mul3A_542 : i32
    %add3A_544 = arith.addi %mul3A_0, %mul3A_543 : i32
    %add3A_545 = arith.constant 256 : i32
    %add3A_546 = arith.addi %add3A_544, %add3A_545 : i32
    "tpu.region"() ({
      %run_scoped3A = tpu.sem_alloc : memref<!tpu.dma_semaphore, #tpu.memory_space<semaphore_mem>>
      %dma_start3A_561 = arith.constant 0 : i32
      %dma_start3A_562 = tpu.memref_slice %arg5[%add3A_546, %dma_start3A_561] : memref<10240x128xf32, #tpu.memory_space<hbm>> -> memref<32x128xf32, #tpu.memory_space<hbm>>
      %dma_start3A_563 = arith.constant 0 : i32
      %dma_start3A_564 = tpu.memref_slice %arg5[%add3A_546, %dma_start3A_563] : memref<10240x128xf32, #tpu.memory_space<hbm>> -> memref<32x128xf32, #tpu.memory_space<hbm>>
      tpu.enqueue_dma source(%arg11 : memref<32x128xf32, #tpu.memory_space<vmem>>) target(%dma_start3A_564 : memref<32x128xf32, #tpu.memory_space<hbm>>) target_semaphore(%run_scoped3A : memref<!tpu.dma_semaphore, #tpu.memory_space<semaphore_mem>>)
      %dma_wait3A_565 = arith.constant 0 : i32
      %dma_wait3A_566 = tpu.memref_slice %arg5[%add3A_546, %dma_wait3A_565] : memref<10240x128xf32, #tpu.memory_space<hbm>> -> memref<32x128xf32, #tpu.memory_space<hbm>>
      %dma_wait3A_567 = arith.constant 0 : i32
      %dma_wait3A_568 = tpu.memref_slice %arg5[%add3A_546, %dma_wait3A_567] : memref<10240x128xf32, #tpu.memory_space<hbm>> -> memref<32x128xf32, #tpu.memory_space<hbm>>
      tpu.wait_dma2 semaphore(%run_scoped3A : memref<!tpu.dma_semaphore, #tpu.memory_space<semaphore_mem>>) src(%arg11 : memref<32x128xf32, #tpu.memory_space<vmem>>) dst(%dma_wait3A_568 : memref<32x128xf32, #tpu.memory_space<hbm>>)
      tpu.yield
    }) : () -> ()
    %mul3A_547 = arith.constant 320 : i32
    %mul3A_548 = arith.muli %arg1, %mul3A_547 : i32
    %add3A_549 = arith.constant 288 : i32
    %add3A_550 = arith.addi %mul3A_548, %add3A_549 : i32
    "tpu.region"() ({
      %run_scoped3A = tpu.sem_alloc : memref<!tpu.dma_semaphore, #tpu.memory_space<semaphore_mem>>
      %dma_start3A_561 = arith.constant 0 : i32
      %dma_start3A_562 = tpu.memref_slice %arg12[%add3A_550, %dma_start3A_561] : memref<5632x128xf32, #tpu.memory_space<vmem_shared>> -> memref<32x128xf32, #tpu.memory_space<vmem_shared>>
      %dma_start3A_563 = arith.constant 0 : i32
      %dma_start3A_564 = tpu.memref_slice %arg12[%add3A_550, %dma_start3A_563] : memref<5632x128xf32, #tpu.memory_space<vmem_shared>> -> memref<32x128xf32, #tpu.memory_space<vmem_shared>>
      tpu.enqueue_dma source(%dma_start3A_564 : memref<32x128xf32, #tpu.memory_space<vmem_shared>>) target(%arg11 : memref<32x128xf32, #tpu.memory_space<vmem>>) target_semaphore(%run_scoped3A : memref<!tpu.dma_semaphore, #tpu.memory_space<semaphore_mem>>)
      %dma_wait3A_565 = arith.constant 0 : i32
      %dma_wait3A_566 = tpu.memref_slice %arg12[%add3A_550, %dma_wait3A_565] : memref<5632x128xf32, #tpu.memory_space<vmem_shared>> -> memref<32x128xf32, #tpu.memory_space<vmem_shared>>
      %dma_wait3A_567 = arith.constant 0 : i32
      %dma_wait3A_568 = tpu.memref_slice %arg12[%add3A_550, %dma_wait3A_567] : memref<5632x128xf32, #tpu.memory_space<vmem_shared>> -> memref<32x128xf32, #tpu.memory_space<vmem_shared>>
      tpu.wait_dma2 semaphore(%run_scoped3A : memref<!tpu.dma_semaphore, #tpu.memory_space<semaphore_mem>>) src(%dma_wait3A_568 : memref<32x128xf32, #tpu.memory_space<vmem_shared>>) dst(%arg11 : memref<32x128xf32, #tpu.memory_space<vmem>>)
      tpu.yield
    }) : () -> ()
    %mul3A_551 = arith.constant 320 : i32
    %mul3A_552 = arith.muli %arg1, %mul3A_551 : i32
    %add3A_553 = arith.addi %mul3A_0, %mul3A_552 : i32
    %add3A_554 = arith.constant 288 : i32
    %add3A_555 = arith.addi %add3A_553, %add3A_554 : i32
    "tpu.region"() ({
      %run_scoped3A = tpu.sem_alloc : memref<!tpu.dma_semaphore, #tpu.memory_space<semaphore_mem>>
      %dma_start3A_561 = arith.constant 0 : i32
      %dma_start3A_562 = tpu.memref_slice %arg5[%add3A_555, %dma_start3A_561] : memref<10240x128xf32, #tpu.memory_space<hbm>> -> memref<32x128xf32, #tpu.memory_space<hbm>>
      %dma_start3A_563 = arith.constant 0 : i32
      %dma_start3A_564 = tpu.memref_slice %arg5[%add3A_555, %dma_start3A_563] : memref<10240x128xf32, #tpu.memory_space<hbm>> -> memref<32x128xf32, #tpu.memory_space<hbm>>
      tpu.enqueue_dma source(%arg11 : memref<32x128xf32, #tpu.memory_space<vmem>>) target(%dma_start3A_564 : memref<32x128xf32, #tpu.memory_space<hbm>>) target_semaphore(%run_scoped3A : memref<!tpu.dma_semaphore, #tpu.memory_space<semaphore_mem>>)
      %dma_wait3A_565 = arith.constant 0 : i32
      %dma_wait3A_566 = tpu.memref_slice %arg5[%add3A_555, %dma_wait3A_565] : memref<10240x128xf32, #tpu.memory_space<hbm>> -> memref<32x128xf32, #tpu.memory_space<hbm>>
      %dma_wait3A_567 = arith.constant 0 : i32
      %dma_wait3A_568 = tpu.memref_slice %arg5[%add3A_555, %dma_wait3A_567] : memref<10240x128xf32, #tpu.memory_space<hbm>> -> memref<32x128xf32, #tpu.memory_space<hbm>>
      tpu.wait_dma2 semaphore(%run_scoped3A : memref<!tpu.dma_semaphore, #tpu.memory_space<semaphore_mem>>) src(%arg11 : memref<32x128xf32, #tpu.memory_space<vmem>>) dst(%dma_wait3A_568 : memref<32x128xf32, #tpu.memory_space<hbm>>)
      tpu.yield
    }) : () -> ()
    %mul3A_556 = arith.constant 320 : i32
    %mul3A_557 = arith.muli %arg1, %mul3A_556 : i32
    "tpu.region"() ({
      %run_scoped3A = tpu.sem_alloc : memref<!tpu.dma_semaphore, #tpu.memory_space<semaphore_mem>>
      %dma_start3A_561 = arith.constant 0 : i32
      %dma_start3A_562 = tpu.memref_slice %arg18[%dma_start3A_561] : memref<352xf32, #tpu.memory_space<vmem>> -> memref<320xf32, #tpu.memory_space<vmem>>
      %dma_start3A_563 = tpu.memref_slice %arg19[%mul3A_557] : memref<5632xf32, #tpu.memory_space<vmem_shared>> -> memref<320xf32, #tpu.memory_space<vmem_shared>>
      %dma_start3A_564 = arith.constant 0 : i32
      %dma_start3A_565 = tpu.memref_slice %arg18[%dma_start3A_564] : memref<352xf32, #tpu.memory_space<vmem>> -> memref<320xf32, #tpu.memory_space<vmem>>
      %dma_start3A_566 = tpu.memref_slice %arg19[%mul3A_557] : memref<5632xf32, #tpu.memory_space<vmem_shared>> -> memref<320xf32, #tpu.memory_space<vmem_shared>>
      tpu.enqueue_dma source(%dma_start3A_566 : memref<320xf32, #tpu.memory_space<vmem_shared>>) target(%dma_start3A_565 : memref<320xf32, #tpu.memory_space<vmem>>) target_semaphore(%run_scoped3A : memref<!tpu.dma_semaphore, #tpu.memory_space<semaphore_mem>>)
      %dma_wait3A_567 = arith.constant 0 : i32
      %dma_wait3A_568 = tpu.memref_slice %arg18[%dma_wait3A_567] : memref<352xf32, #tpu.memory_space<vmem>> -> memref<320xf32, #tpu.memory_space<vmem>>
      %dma_wait3A_569 = tpu.memref_slice %arg19[%mul3A_557] : memref<5632xf32, #tpu.memory_space<vmem_shared>> -> memref<320xf32, #tpu.memory_space<vmem_shared>>
      %dma_wait3A_570 = arith.constant 0 : i32
      %dma_wait3A_571 = tpu.memref_slice %arg18[%dma_wait3A_570] : memref<352xf32, #tpu.memory_space<vmem>> -> memref<320xf32, #tpu.memory_space<vmem>>
      %dma_wait3A_572 = tpu.memref_slice %arg19[%mul3A_557] : memref<5632xf32, #tpu.memory_space<vmem_shared>> -> memref<320xf32, #tpu.memory_space<vmem_shared>>
      tpu.wait_dma2 semaphore(%run_scoped3A : memref<!tpu.dma_semaphore, #tpu.memory_space<semaphore_mem>>) src(%dma_wait3A_572 : memref<320xf32, #tpu.memory_space<vmem_shared>>) dst(%dma_wait3A_571 : memref<320xf32, #tpu.memory_space<vmem>>)
      tpu.yield
    }) : () -> ()
    %mul3A_558 = arith.constant 320 : i32
    %mul3A_559 = arith.muli %arg1, %mul3A_558 : i32
    %add3A_560 = arith.addi %mul3A_0, %mul3A_559 : i32
    "tpu.region"() ({
      %run_scoped3A = tpu.sem_alloc : memref<!tpu.dma_semaphore, #tpu.memory_space<semaphore_mem>>
      %dma_start3A_561 = arith.constant 0 : i32
      %dma_start3A_562 = tpu.memref_slice %arg18[%dma_start3A_561] : memref<352xf32, #tpu.memory_space<vmem>> -> memref<320xf32, #tpu.memory_space<vmem>>
      %dma_start3A_563 = tpu.memref_slice %arg6[%add3A_560] : memref<10240xf32, #tpu.memory_space<hbm>> -> memref<320xf32, #tpu.memory_space<hbm>>
      %dma_start3A_564 = tpu.memref_slice %arg6[%add3A_560] : memref<10240xf32, #tpu.memory_space<hbm>> -> memref<320xf32, #tpu.memory_space<hbm>>
      %dma_start3A_565 = arith.constant 0 : i32
      %dma_start3A_566 = tpu.memref_slice %arg18[%dma_start3A_565] : memref<352xf32, #tpu.memory_space<vmem>> -> memref<320xf32, #tpu.memory_space<vmem>>
      tpu.enqueue_dma source(%dma_start3A_566 : memref<320xf32, #tpu.memory_space<vmem>>) target(%dma_start3A_564 : memref<320xf32, #tpu.memory_space<hbm>>) target_semaphore(%run_scoped3A : memref<!tpu.dma_semaphore, #tpu.memory_space<semaphore_mem>>)
      %dma_wait3A_567 = arith.constant 0 : i32
      %dma_wait3A_568 = tpu.memref_slice %arg18[%dma_wait3A_567] : memref<352xf32, #tpu.memory_space<vmem>> -> memref<320xf32, #tpu.memory_space<vmem>>
      %dma_wait3A_569 = tpu.memref_slice %arg6[%add3A_560] : memref<10240xf32, #tpu.memory_space<hbm>> -> memref<320xf32, #tpu.memory_space<hbm>>
      %dma_wait3A_570 = tpu.memref_slice %arg6[%add3A_560] : memref<10240xf32, #tpu.memory_space<hbm>> -> memref<320xf32, #tpu.memory_space<hbm>>
      %dma_wait3A_571 = arith.constant 0 : i32
      %dma_wait3A_572 = tpu.memref_slice %arg18[%dma_wait3A_571] : memref<352xf32, #tpu.memory_space<vmem>> -> memref<320xf32, #tpu.memory_space<vmem>>
      tpu.wait_dma2 semaphore(%run_scoped3A : memref<!tpu.dma_semaphore, #tpu.memory_space<semaphore_mem>>) src(%dma_wait3A_572 : memref<320xf32, #tpu.memory_space<vmem>>) dst(%dma_wait3A_570 : memref<320xf32, #tpu.memory_space<hbm>>)
      tpu.yield
    }) : () -> ()
    return
  }
}

#map = affine_map<(d0, d1) -> (0, 0)>
module attributes {stable_mosaic.version = 14 : i64} {
  func.func @body(%arg0: i32, %arg1: i32, %arg2: memref<10240x128xf32, #tpu.memory_space<hbm>>, %arg3: memref<16x20480xi32, #tpu.memory_space<hbm>>, %arg4: memref<16x20480xi32, #tpu.memory_space<hbm>>, %arg5: memref<10240x128xf32, #tpu.memory_space<hbm>>, %arg6: memref<20752xi32, #tpu.memory_space<vmem>>, %arg7: memref<20752xi32, #tpu.memory_space<vmem>>, %arg8: memref<128x128xf32, #tpu.memory_space<vmem>>, %arg9: memref<128x128xf32, #tpu.memory_space<vmem>>, %arg10: memref<32x128xf32, #tpu.memory_space<vmem>>, %arg11: memref<5632x128xf32, #tpu.memory_space<vmem_shared>>, %arg12: memref<!tpu.dma_semaphore, #tpu.memory_space<semaphore_mem>>, %arg13: memref<!tpu.dma_semaphore, #tpu.memory_space<semaphore_mem>>, %arg14: memref<!tpu.dma_semaphore, #tpu.memory_space<semaphore_mem>>, %arg15: memref<!tpu.dma_semaphore, #tpu.memory_space<semaphore_mem>>) attributes {dimension_semantics = [#tpu.dimension_semantics<core_parallel>, #tpu.dimension_semantics<subcore_parallel>], iteration_bounds = array<i64: 2, 16>, scalar_prefetch = 0 : i64, scratch_operands = 10 : i64, tpu.core_type = #tpu.core_type<sc_vector_subcore>, window_params = [{transform_indices = #map}, {transform_indices = #map}, {transform_indices = #map}, {transform_indices = #map}]} {
    %mul3A = arith.constant 5120 : i32
    %mul3A_0 = arith.muli %arg0, %mul3A : i32
    %scan3A = arith.constant 0 : i32
    %scan3A_1 = arith.constant 0 : i32
    %scan3A_2 = arith.constant 32 : i32
    %scan3A_3 = arith.addi %scan3A_1, %scan3A_2 : i32
    %scan3A_4 = arith.constant 1 : i32
    %scan3A_5 = scf.for %scan3A_427 = %scan3A_1 to %scan3A_3 step %scan3A_4 iter_args(%scan3A_428 = %scan3A) -> (i32)  : i32 {
      %scan3A_429 = arith.constant 0 : i32
      %scan3A_430 = arith.constant 0 : i32
      %scan3A_431 = arith.constant 8 : i32
      %scan3A_432 = arith.addi %scan3A_430, %scan3A_431 : i32
      %scan3A_433 = arith.constant 1 : i32
      %scan3A_434 = scf.for %scan3A_436 = %scan3A_430 to %scan3A_432 step %scan3A_433 iter_args(%scan3A_437 = %scan3A_429) -> (i32)  : i32 {
        %broadcast_in_dim3A_438 = arith.constant 0.000000e+00 : f32
        %broadcast_in_dim3A_439 = vector.broadcast %broadcast_in_dim3A_438 : f32 to vector<16xf32>
        %mul3A_440 = arith.constant 16 : i32
        %mul3A_441 = arith.muli %scan3A_436, %mul3A_440 : i32
        %swap3A = arith.index_cast %scan3A_427 : i32 to index
        %swap3A_442 = arith.index_cast %mul3A_441 : i32 to index
        %swap3A_443 = tpu.vector_load %arg10[%swap3A, %swap3A_442] {strides = array<i32>} : memref<32x128xf32, #tpu.memory_space<vmem>>, vector<16xf32>,
        tpu.vector_store %arg10[%swap3A, %swap3A_442], %broadcast_in_dim3A_439 {strides = array<i32>} : memref<32x128xf32, #tpu.memory_space<vmem>>, vector<16xf32>,
        %scan3A_444 = arith.constant 0 : i32
        scf.yield %scan3A_444 : i32
      }
      %scan3A_435 = arith.constant 8 : i32
      scf.yield %scan3A_434 : i32
    }
    %scan3A_6 = arith.constant 32 : i32
    %mul3A_7 = arith.constant 352 : i32
    %mul3A_8 = arith.muli %arg1, %mul3A_7 : i32
    %add3A = arith.constant 0 : i32
    %add3A_9 = arith.addi %mul3A_8, %add3A : i32
    "tpu.region"() ({
      %run_scoped3A = tpu.sem_alloc : memref<!tpu.dma_semaphore, #tpu.memory_space<semaphore_mem>>
      %dma_start3A_427 = arith.constant 0 : i32
      %dma_start3A_428 = tpu.memref_slice %arg11[%add3A_9, %dma_start3A_427] : memref<5632x128xf32, #tpu.memory_space<vmem_shared>> -> memref<32x128xf32, #tpu.memory_space<vmem_shared>>
      %dma_start3A_429 = arith.constant 0 : i32
      %dma_start3A_430 = tpu.memref_slice %arg11[%add3A_9, %dma_start3A_429] : memref<5632x128xf32, #tpu.memory_space<vmem_shared>> -> memref<32x128xf32, #tpu.memory_space<vmem_shared>>
      tpu.enqueue_dma source(%arg10 : memref<32x128xf32, #tpu.memory_space<vmem>>) target(%dma_start3A_430 : memref<32x128xf32, #tpu.memory_space<vmem_shared>>) target_semaphore(%run_scoped3A : memref<!tpu.dma_semaphore, #tpu.memory_space<semaphore_mem>>)
      %dma_wait3A_431 = arith.constant 0 : i32
      %dma_wait3A_432 = tpu.memref_slice %arg11[%add3A_9, %dma_wait3A_431] : memref<5632x128xf32, #tpu.memory_space<vmem_shared>> -> memref<32x128xf32, #tpu.memory_space<vmem_shared>>
      %dma_wait3A_433 = arith.constant 0 : i32
      %dma_wait3A_434 = tpu.memref_slice %arg11[%add3A_9, %dma_wait3A_433] : memref<5632x128xf32, #tpu.memory_space<vmem_shared>> -> memref<32x128xf32, #tpu.memory_space<vmem_shared>>
      tpu.wait_dma2 semaphore(%run_scoped3A : memref<!tpu.dma_semaphore, #tpu.memory_space<semaphore_mem>>) src(%arg10 : memref<32x128xf32, #tpu.memory_space<vmem>>) dst(%dma_wait3A_434 : memref<32x128xf32, #tpu.memory_space<vmem_shared>>)
      tpu.yield
    }) : () -> ()
    %mul3A_10 = arith.constant 352 : i32
    %mul3A_11 = arith.muli %arg1, %mul3A_10 : i32
    %add3A_12 = arith.constant 32 : i32
    %add3A_13 = arith.addi %mul3A_11, %add3A_12 : i32
    "tpu.region"() ({
      %run_scoped3A = tpu.sem_alloc : memref<!tpu.dma_semaphore, #tpu.memory_space<semaphore_mem>>
      %dma_start3A_427 = arith.constant 0 : i32
      %dma_start3A_428 = tpu.memref_slice %arg11[%add3A_13, %dma_start3A_427] : memref<5632x128xf32, #tpu.memory_space<vmem_shared>> -> memref<32x128xf32, #tpu.memory_space<vmem_shared>>
      %dma_start3A_429 = arith.constant 0 : i32
      %dma_start3A_430 = tpu.memref_slice %arg11[%add3A_13, %dma_start3A_429] : memref<5632x128xf32, #tpu.memory_space<vmem_shared>> -> memref<32x128xf32, #tpu.memory_space<vmem_shared>>
      tpu.enqueue_dma source(%arg10 : memref<32x128xf32, #tpu.memory_space<vmem>>) target(%dma_start3A_430 : memref<32x128xf32, #tpu.memory_space<vmem_shared>>) target_semaphore(%run_scoped3A : memref<!tpu.dma_semaphore, #tpu.memory_space<semaphore_mem>>)
      %dma_wait3A_431 = arith.constant 0 : i32
      %dma_wait3A_432 = tpu.memref_slice %arg11[%add3A_13, %dma_wait3A_431] : memref<5632x128xf32, #tpu.memory_space<vmem_shared>> -> memref<32x128xf32, #tpu.memory_space<vmem_shared>>
      %dma_wait3A_433 = arith.constant 0 : i32
      %dma_wait3A_434 = tpu.memref_slice %arg11[%add3A_13, %dma_wait3A_433] : memref<5632x128xf32, #tpu.memory_space<vmem_shared>> -> memref<32x128xf32, #tpu.memory_space<vmem_shared>>
      tpu.wait_dma2 semaphore(%run_scoped3A : memref<!tpu.dma_semaphore, #tpu.memory_space<semaphore_mem>>) src(%arg10 : memref<32x128xf32, #tpu.memory_space<vmem>>) dst(%dma_wait3A_434 : memref<32x128xf32, #tpu.memory_space<vmem_shared>>)
      tpu.yield
    }) : () -> ()
    %mul3A_14 = arith.constant 352 : i32
    %mul3A_15 = arith.muli %arg1, %mul3A_14 : i32
    %add3A_16 = arith.constant 64 : i32
    %add3A_17 = arith.addi %mul3A_15, %add3A_16 : i32
    "tpu.region"() ({
      %run_scoped3A = tpu.sem_alloc : memref<!tpu.dma_semaphore, #tpu.memory_space<semaphore_mem>>
      %dma_start3A_427 = arith.constant 0 : i32
      %dma_start3A_428 = tpu.memref_slice %arg11[%add3A_17, %dma_start3A_427] : memref<5632x128xf32, #tpu.memory_space<vmem_shared>> -> memref<32x128xf32, #tpu.memory_space<vmem_shared>>
      %dma_start3A_429 = arith.constant 0 : i32
      %dma_start3A_430 = tpu.memref_slice %arg11[%add3A_17, %dma_start3A_429] : memref<5632x128xf32, #tpu.memory_space<vmem_shared>> -> memref<32x128xf32, #tpu.memory_space<vmem_shared>>
      tpu.enqueue_dma source(%arg10 : memref<32x128xf32, #tpu.memory_space<vmem>>) target(%dma_start3A_430 : memref<32x128xf32, #tpu.memory_space<vmem_shared>>) target_semaphore(%run_scoped3A : memref<!tpu.dma_semaphore, #tpu.memory_space<semaphore_mem>>)
      %dma_wait3A_431 = arith.constant 0 : i32
      %dma_wait3A_432 = tpu.memref_slice %arg11[%add3A_17, %dma_wait3A_431] : memref<5632x128xf32, #tpu.memory_space<vmem_shared>> -> memref<32x128xf32, #tpu.memory_space<vmem_shared>>
      %dma_wait3A_433 = arith.constant 0 : i32
      %dma_wait3A_434 = tpu.memref_slice %arg11[%add3A_17, %dma_wait3A_433] : memref<5632x128xf32, #tpu.memory_space<vmem_shared>> -> memref<32x128xf32, #tpu.memory_space<vmem_shared>>
      tpu.wait_dma2 semaphore(%run_scoped3A : memref<!tpu.dma_semaphore, #tpu.memory_space<semaphore_mem>>) src(%arg10 : memref<32x128xf32, #tpu.memory_space<vmem>>) dst(%dma_wait3A_434 : memref<32x128xf32, #tpu.memory_space<vmem_shared>>)
      tpu.yield
    }) : () -> ()
    %mul3A_18 = arith.constant 352 : i32
    %mul3A_19 = arith.muli %arg1, %mul3A_18 : i32
    %add3A_20 = arith.constant 96 : i32
    %add3A_21 = arith.addi %mul3A_19, %add3A_20 : i32
    "tpu.region"() ({
      %run_scoped3A = tpu.sem_alloc : memref<!tpu.dma_semaphore, #tpu.memory_space<semaphore_mem>>
      %dma_start3A_427 = arith.constant 0 : i32
      %dma_start3A_428 = tpu.memref_slice %arg11[%add3A_21, %dma_start3A_427] : memref<5632x128xf32, #tpu.memory_space<vmem_shared>> -> memref<32x128xf32, #tpu.memory_space<vmem_shared>>
      %dma_start3A_429 = arith.constant 0 : i32
      %dma_start3A_430 = tpu.memref_slice %arg11[%add3A_21, %dma_start3A_429] : memref<5632x128xf32, #tpu.memory_space<vmem_shared>> -> memref<32x128xf32, #tpu.memory_space<vmem_shared>>
      tpu.enqueue_dma source(%arg10 : memref<32x128xf32, #tpu.memory_space<vmem>>) target(%dma_start3A_430 : memref<32x128xf32, #tpu.memory_space<vmem_shared>>) target_semaphore(%run_scoped3A : memref<!tpu.dma_semaphore, #tpu.memory_space<semaphore_mem>>)
      %dma_wait3A_431 = arith.constant 0 : i32
      %dma_wait3A_432 = tpu.memref_slice %arg11[%add3A_21, %dma_wait3A_431] : memref<5632x128xf32, #tpu.memory_space<vmem_shared>> -> memref<32x128xf32, #tpu.memory_space<vmem_shared>>
      %dma_wait3A_433 = arith.constant 0 : i32
      %dma_wait3A_434 = tpu.memref_slice %arg11[%add3A_21, %dma_wait3A_433] : memref<5632x128xf32, #tpu.memory_space<vmem_shared>> -> memref<32x128xf32, #tpu.memory_space<vmem_shared>>
      tpu.wait_dma2 semaphore(%run_scoped3A : memref<!tpu.dma_semaphore, #tpu.memory_space<semaphore_mem>>) src(%arg10 : memref<32x128xf32, #tpu.memory_space<vmem>>) dst(%dma_wait3A_434 : memref<32x128xf32, #tpu.memory_space<vmem_shared>>)
      tpu.yield
    }) : () -> ()
    %mul3A_22 = arith.constant 352 : i32
    %mul3A_23 = arith.muli %arg1, %mul3A_22 : i32
    %add3A_24 = arith.constant 128 : i32
    %add3A_25 = arith.addi %mul3A_23, %add3A_24 : i32
    "tpu.region"() ({
      %run_scoped3A = tpu.sem_alloc : memref<!tpu.dma_semaphore, #tpu.memory_space<semaphore_mem>>
      %dma_start3A_427 = arith.constant 0 : i32
      %dma_start3A_428 = tpu.memref_slice %arg11[%add3A_25, %dma_start3A_427] : memref<5632x128xf32, #tpu.memory_space<vmem_shared>> -> memref<32x128xf32, #tpu.memory_space<vmem_shared>>
      %dma_start3A_429 = arith.constant 0 : i32
      %dma_start3A_430 = tpu.memref_slice %arg11[%add3A_25, %dma_start3A_429] : memref<5632x128xf32, #tpu.memory_space<vmem_shared>> -> memref<32x128xf32, #tpu.memory_space<vmem_shared>>
      tpu.enqueue_dma source(%arg10 : memref<32x128xf32, #tpu.memory_space<vmem>>) target(%dma_start3A_430 : memref<32x128xf32, #tpu.memory_space<vmem_shared>>) target_semaphore(%run_scoped3A : memref<!tpu.dma_semaphore, #tpu.memory_space<semaphore_mem>>)
      %dma_wait3A_431 = arith.constant 0 : i32
      %dma_wait3A_432 = tpu.memref_slice %arg11[%add3A_25, %dma_wait3A_431] : memref<5632x128xf32, #tpu.memory_space<vmem_shared>> -> memref<32x128xf32, #tpu.memory_space<vmem_shared>>
      %dma_wait3A_433 = arith.constant 0 : i32
      %dma_wait3A_434 = tpu.memref_slice %arg11[%add3A_25, %dma_wait3A_433] : memref<5632x128xf32, #tpu.memory_space<vmem_shared>> -> memref<32x128xf32, #tpu.memory_space<vmem_shared>>
      tpu.wait_dma2 semaphore(%run_scoped3A : memref<!tpu.dma_semaphore, #tpu.memory_space<semaphore_mem>>) src(%arg10 : memref<32x128xf32, #tpu.memory_space<vmem>>) dst(%dma_wait3A_434 : memref<32x128xf32, #tpu.memory_space<vmem_shared>>)
      tpu.yield
    }) : () -> ()
    %mul3A_26 = arith.constant 352 : i32
    %mul3A_27 = arith.muli %arg1, %mul3A_26 : i32
    %add3A_28 = arith.constant 160 : i32
    %add3A_29 = arith.addi %mul3A_27, %add3A_28 : i32
    "tpu.region"() ({
      %run_scoped3A = tpu.sem_alloc : memref<!tpu.dma_semaphore, #tpu.memory_space<semaphore_mem>>
      %dma_start3A_427 = arith.constant 0 : i32
      %dma_start3A_428 = tpu.memref_slice %arg11[%add3A_29, %dma_start3A_427] : memref<5632x128xf32, #tpu.memory_space<vmem_shared>> -> memref<32x128xf32, #tpu.memory_space<vmem_shared>>
      %dma_start3A_429 = arith.constant 0 : i32
      %dma_start3A_430 = tpu.memref_slice %arg11[%add3A_29, %dma_start3A_429] : memref<5632x128xf32, #tpu.memory_space<vmem_shared>> -> memref<32x128xf32, #tpu.memory_space<vmem_shared>>
      tpu.enqueue_dma source(%arg10 : memref<32x128xf32, #tpu.memory_space<vmem>>) target(%dma_start3A_430 : memref<32x128xf32, #tpu.memory_space<vmem_shared>>) target_semaphore(%run_scoped3A : memref<!tpu.dma_semaphore, #tpu.memory_space<semaphore_mem>>)
      %dma_wait3A_431 = arith.constant 0 : i32
      %dma_wait3A_432 = tpu.memref_slice %arg11[%add3A_29, %dma_wait3A_431] : memref<5632x128xf32, #tpu.memory_space<vmem_shared>> -> memref<32x128xf32, #tpu.memory_space<vmem_shared>>
      %dma_wait3A_433 = arith.constant 0 : i32
      %dma_wait3A_434 = tpu.memref_slice %arg11[%add3A_29, %dma_wait3A_433] : memref<5632x128xf32, #tpu.memory_space<vmem_shared>> -> memref<32x128xf32, #tpu.memory_space<vmem_shared>>
      tpu.wait_dma2 semaphore(%run_scoped3A : memref<!tpu.dma_semaphore, #tpu.memory_space<semaphore_mem>>) src(%arg10 : memref<32x128xf32, #tpu.memory_space<vmem>>) dst(%dma_wait3A_434 : memref<32x128xf32, #tpu.memory_space<vmem_shared>>)
      tpu.yield
    }) : () -> ()
    %mul3A_30 = arith.constant 352 : i32
    %mul3A_31 = arith.muli %arg1, %mul3A_30 : i32
    %add3A_32 = arith.constant 192 : i32
    %add3A_33 = arith.addi %mul3A_31, %add3A_32 : i32
    "tpu.region"() ({
      %run_scoped3A = tpu.sem_alloc : memref<!tpu.dma_semaphore, #tpu.memory_space<semaphore_mem>>
      %dma_start3A_427 = arith.constant 0 : i32
      %dma_start3A_428 = tpu.memref_slice %arg11[%add3A_33, %dma_start3A_427] : memref<5632x128xf32, #tpu.memory_space<vmem_shared>> -> memref<32x128xf32, #tpu.memory_space<vmem_shared>>
      %dma_start3A_429 = arith.constant 0 : i32
      %dma_start3A_430 = tpu.memref_slice %arg11[%add3A_33, %dma_start3A_429] : memref<5632x128xf32, #tpu.memory_space<vmem_shared>> -> memref<32x128xf32, #tpu.memory_space<vmem_shared>>
      tpu.enqueue_dma source(%arg10 : memref<32x128xf32, #tpu.memory_space<vmem>>) target(%dma_start3A_430 : memref<32x128xf32, #tpu.memory_space<vmem_shared>>) target_semaphore(%run_scoped3A : memref<!tpu.dma_semaphore, #tpu.memory_space<semaphore_mem>>)
      %dma_wait3A_431 = arith.constant 0 : i32
      %dma_wait3A_432 = tpu.memref_slice %arg11[%add3A_33, %dma_wait3A_431] : memref<5632x128xf32, #tpu.memory_space<vmem_shared>> -> memref<32x128xf32, #tpu.memory_space<vmem_shared>>
      %dma_wait3A_433 = arith.constant 0 : i32
      %dma_wait3A_434 = tpu.memref_slice %arg11[%add3A_33, %dma_wait3A_433] : memref<5632x128xf32, #tpu.memory_space<vmem_shared>> -> memref<32x128xf32, #tpu.memory_space<vmem_shared>>
      tpu.wait_dma2 semaphore(%run_scoped3A : memref<!tpu.dma_semaphore, #tpu.memory_space<semaphore_mem>>) src(%arg10 : memref<32x128xf32, #tpu.memory_space<vmem>>) dst(%dma_wait3A_434 : memref<32x128xf32, #tpu.memory_space<vmem_shared>>)
      tpu.yield
    }) : () -> ()
    %mul3A_34 = arith.constant 352 : i32
    %mul3A_35 = arith.muli %arg1, %mul3A_34 : i32
    %add3A_36 = arith.constant 224 : i32
    %add3A_37 = arith.addi %mul3A_35, %add3A_36 : i32
    "tpu.region"() ({
      %run_scoped3A = tpu.sem_alloc : memref<!tpu.dma_semaphore, #tpu.memory_space<semaphore_mem>>
      %dma_start3A_427 = arith.constant 0 : i32
      %dma_start3A_428 = tpu.memref_slice %arg11[%add3A_37, %dma_start3A_427] : memref<5632x128xf32, #tpu.memory_space<vmem_shared>> -> memref<32x128xf32, #tpu.memory_space<vmem_shared>>
      %dma_start3A_429 = arith.constant 0 : i32
      %dma_start3A_430 = tpu.memref_slice %arg11[%add3A_37, %dma_start3A_429] : memref<5632x128xf32, #tpu.memory_space<vmem_shared>> -> memref<32x128xf32, #tpu.memory_space<vmem_shared>>
      tpu.enqueue_dma source(%arg10 : memref<32x128xf32, #tpu.memory_space<vmem>>) target(%dma_start3A_430 : memref<32x128xf32, #tpu.memory_space<vmem_shared>>) target_semaphore(%run_scoped3A : memref<!tpu.dma_semaphore, #tpu.memory_space<semaphore_mem>>)
      %dma_wait3A_431 = arith.constant 0 : i32
      %dma_wait3A_432 = tpu.memref_slice %arg11[%add3A_37, %dma_wait3A_431] : memref<5632x128xf32, #tpu.memory_space<vmem_shared>> -> memref<32x128xf32, #tpu.memory_space<vmem_shared>>
      %dma_wait3A_433 = arith.constant 0 : i32
      %dma_wait3A_434 = tpu.memref_slice %arg11[%add3A_37, %dma_wait3A_433] : memref<5632x128xf32, #tpu.memory_space<vmem_shared>> -> memref<32x128xf32, #tpu.memory_space<vmem_shared>>
      tpu.wait_dma2 semaphore(%run_scoped3A : memref<!tpu.dma_semaphore, #tpu.memory_space<semaphore_mem>>) src(%arg10 : memref<32x128xf32, #tpu.memory_space<vmem>>) dst(%dma_wait3A_434 : memref<32x128xf32, #tpu.memory_space<vmem_shared>>)
      tpu.yield
    }) : () -> ()
    %mul3A_38 = arith.constant 352 : i32
    %mul3A_39 = arith.muli %arg1, %mul3A_38 : i32
    %add3A_40 = arith.constant 256 : i32
    %add3A_41 = arith.addi %mul3A_39, %add3A_40 : i32
    "tpu.region"() ({
      %run_scoped3A = tpu.sem_alloc : memref<!tpu.dma_semaphore, #tpu.memory_space<semaphore_mem>>
      %dma_start3A_427 = arith.constant 0 : i32
      %dma_start3A_428 = tpu.memref_slice %arg11[%add3A_41, %dma_start3A_427] : memref<5632x128xf32, #tpu.memory_space<vmem_shared>> -> memref<32x128xf32, #tpu.memory_space<vmem_shared>>
      %dma_start3A_429 = arith.constant 0 : i32
      %dma_start3A_430 = tpu.memref_slice %arg11[%add3A_41, %dma_start3A_429] : memref<5632x128xf32, #tpu.memory_space<vmem_shared>> -> memref<32x128xf32, #tpu.memory_space<vmem_shared>>
      tpu.enqueue_dma source(%arg10 : memref<32x128xf32, #tpu.memory_space<vmem>>) target(%dma_start3A_430 : memref<32x128xf32, #tpu.memory_space<vmem_shared>>) target_semaphore(%run_scoped3A : memref<!tpu.dma_semaphore, #tpu.memory_space<semaphore_mem>>)
      %dma_wait3A_431 = arith.constant 0 : i32
      %dma_wait3A_432 = tpu.memref_slice %arg11[%add3A_41, %dma_wait3A_431] : memref<5632x128xf32, #tpu.memory_space<vmem_shared>> -> memref<32x128xf32, #tpu.memory_space<vmem_shared>>
      %dma_wait3A_433 = arith.constant 0 : i32
      %dma_wait3A_434 = tpu.memref_slice %arg11[%add3A_41, %dma_wait3A_433] : memref<5632x128xf32, #tpu.memory_space<vmem_shared>> -> memref<32x128xf32, #tpu.memory_space<vmem_shared>>
      tpu.wait_dma2 semaphore(%run_scoped3A : memref<!tpu.dma_semaphore, #tpu.memory_space<semaphore_mem>>) src(%arg10 : memref<32x128xf32, #tpu.memory_space<vmem>>) dst(%dma_wait3A_434 : memref<32x128xf32, #tpu.memory_space<vmem_shared>>)
      tpu.yield
    }) : () -> ()
    %mul3A_42 = arith.constant 352 : i32
    %mul3A_43 = arith.muli %arg1, %mul3A_42 : i32
    %add3A_44 = arith.constant 288 : i32
    %add3A_45 = arith.addi %mul3A_43, %add3A_44 : i32
    "tpu.region"() ({
      %run_scoped3A = tpu.sem_alloc : memref<!tpu.dma_semaphore, #tpu.memory_space<semaphore_mem>>
      %dma_start3A_427 = arith.constant 0 : i32
      %dma_start3A_428 = tpu.memref_slice %arg11[%add3A_45, %dma_start3A_427] : memref<5632x128xf32, #tpu.memory_space<vmem_shared>> -> memref<32x128xf32, #tpu.memory_space<vmem_shared>>
      %dma_start3A_429 = arith.constant 0 : i32
      %dma_start3A_430 = tpu.memref_slice %arg11[%add3A_45, %dma_start3A_429] : memref<5632x128xf32, #tpu.memory_space<vmem_shared>> -> memref<32x128xf32, #tpu.memory_space<vmem_shared>>
      tpu.enqueue_dma source(%arg10 : memref<32x128xf32, #tpu.memory_space<vmem>>) target(%dma_start3A_430 : memref<32x128xf32, #tpu.memory_space<vmem_shared>>) target_semaphore(%run_scoped3A : memref<!tpu.dma_semaphore, #tpu.memory_space<semaphore_mem>>)
      %dma_wait3A_431 = arith.constant 0 : i32
      %dma_wait3A_432 = tpu.memref_slice %arg11[%add3A_45, %dma_wait3A_431] : memref<5632x128xf32, #tpu.memory_space<vmem_shared>> -> memref<32x128xf32, #tpu.memory_space<vmem_shared>>
      %dma_wait3A_433 = arith.constant 0 : i32
      %dma_wait3A_434 = tpu.memref_slice %arg11[%add3A_45, %dma_wait3A_433] : memref<5632x128xf32, #tpu.memory_space<vmem_shared>> -> memref<32x128xf32, #tpu.memory_space<vmem_shared>>
      tpu.wait_dma2 semaphore(%run_scoped3A : memref<!tpu.dma_semaphore, #tpu.memory_space<semaphore_mem>>) src(%arg10 : memref<32x128xf32, #tpu.memory_space<vmem>>) dst(%dma_wait3A_434 : memref<32x128xf32, #tpu.memory_space<vmem_shared>>)
      tpu.yield
    }) : () -> ()
    %mul3A_46 = arith.constant 352 : i32
    %mul3A_47 = arith.muli %arg1, %mul3A_46 : i32
    %add3A_48 = arith.constant 320 : i32
    %add3A_49 = arith.addi %mul3A_47, %add3A_48 : i32
    "tpu.region"() ({
      %run_scoped3A = tpu.sem_alloc : memref<!tpu.dma_semaphore, #tpu.memory_space<semaphore_mem>>
      %dma_start3A_427 = arith.constant 0 : i32
      %dma_start3A_428 = tpu.memref_slice %arg11[%add3A_49, %dma_start3A_427] : memref<5632x128xf32, #tpu.memory_space<vmem_shared>> -> memref<32x128xf32, #tpu.memory_space<vmem_shared>>
      %dma_start3A_429 = arith.constant 0 : i32
      %dma_start3A_430 = tpu.memref_slice %arg11[%add3A_49, %dma_start3A_429] : memref<5632x128xf32, #tpu.memory_space<vmem_shared>> -> memref<32x128xf32, #tpu.memory_space<vmem_shared>>
      tpu.enqueue_dma source(%arg10 : memref<32x128xf32, #tpu.memory_space<vmem>>) target(%dma_start3A_430 : memref<32x128xf32, #tpu.memory_space<vmem_shared>>) target_semaphore(%run_scoped3A : memref<!tpu.dma_semaphore, #tpu.memory_space<semaphore_mem>>)
      %dma_wait3A_431 = arith.constant 0 : i32
      %dma_wait3A_432 = tpu.memref_slice %arg11[%add3A_49, %dma_wait3A_431] : memref<5632x128xf32, #tpu.memory_space<vmem_shared>> -> memref<32x128xf32, #tpu.memory_space<vmem_shared>>
      %dma_wait3A_433 = arith.constant 0 : i32
      %dma_wait3A_434 = tpu.memref_slice %arg11[%add3A_49, %dma_wait3A_433] : memref<5632x128xf32, #tpu.memory_space<vmem_shared>> -> memref<32x128xf32, #tpu.memory_space<vmem_shared>>
      tpu.wait_dma2 semaphore(%run_scoped3A : memref<!tpu.dma_semaphore, #tpu.memory_space<semaphore_mem>>) src(%arg10 : memref<32x128xf32, #tpu.memory_space<vmem>>) dst(%dma_wait3A_434 : memref<32x128xf32, #tpu.memory_space<vmem_shared>>)
      tpu.yield
    }) : () -> ()
    "tpu.region"() ({
      %run_scoped3A = tpu.sem_alloc : memref<!tpu.dma_semaphore, #tpu.memory_space<semaphore_mem>>
      %dma_start3A_427 = arith.constant 0 : i32
      %dma_start3A_428 = tpu.memref_slice %arg6[%dma_start3A_427] : memref<20752xi32, #tpu.memory_space<vmem>> -> memref<20480xi32, #tpu.memory_space<vmem>>
      %dma_start3A_429 = arith.constant 0 : i32
      %dma_start3A_430 = tpu.memref_slice %arg3[%arg1, %dma_start3A_429] : memref<16x20480xi32, #tpu.memory_space<hbm>> -> memref<1x20480xi32, #tpu.memory_space<hbm>>
      %dma_start3A_431 = tpu.memref_squeeze %dma_start3A_430 : memref<1x20480xi32, #tpu.memory_space<hbm>> -> memref<20480xi32, #tpu.memory_space<hbm>>
      %dma_start3A_432 = arith.constant 0 : i32
      %dma_start3A_433 = tpu.memref_slice %arg6[%dma_start3A_432] : memref<20752xi32, #tpu.memory_space<vmem>> -> memref<20480xi32, #tpu.memory_space<vmem>>
      %dma_start3A_434 = arith.constant 0 : i32
      %dma_start3A_435 = tpu.memref_slice %arg3[%arg1, %dma_start3A_434] : memref<16x20480xi32, #tpu.memory_space<hbm>> -> memref<1x20480xi32, #tpu.memory_space<hbm>>
      %dma_start3A_436 = tpu.memref_squeeze %dma_start3A_435 : memref<1x20480xi32, #tpu.memory_space<hbm>> -> memref<20480xi32, #tpu.memory_space<hbm>>
      tpu.enqueue_dma source(%dma_start3A_436 : memref<20480xi32, #tpu.memory_space<hbm>>) target(%dma_start3A_433 : memref<20480xi32, #tpu.memory_space<vmem>>) target_semaphore(%run_scoped3A : memref<!tpu.dma_semaphore, #tpu.memory_space<semaphore_mem>>)
      %dma_wait3A_437 = arith.constant 0 : i32
      %dma_wait3A_438 = tpu.memref_slice %arg6[%dma_wait3A_437] : memref<20752xi32, #tpu.memory_space<vmem>> -> memref<20480xi32, #tpu.memory_space<vmem>>
      %dma_wait3A_439 = arith.constant 0 : i32
      %dma_wait3A_440 = tpu.memref_slice %arg3[%arg1, %dma_wait3A_439] : memref<16x20480xi32, #tpu.memory_space<hbm>> -> memref<1x20480xi32, #tpu.memory_space<hbm>>
      %dma_wait3A_441 = tpu.memref_squeeze %dma_wait3A_440 : memref<1x20480xi32, #tpu.memory_space<hbm>> -> memref<20480xi32, #tpu.memory_space<hbm>>
      %dma_wait3A_442 = arith.constant 0 : i32
      %dma_wait3A_443 = tpu.memref_slice %arg6[%dma_wait3A_442] : memref<20752xi32, #tpu.memory_space<vmem>> -> memref<20480xi32, #tpu.memory_space<vmem>>
      %dma_wait3A_444 = arith.constant 0 : i32
      %dma_wait3A_445 = tpu.memref_slice %arg3[%arg1, %dma_wait3A_444] : memref<16x20480xi32, #tpu.memory_space<hbm>> -> memref<1x20480xi32, #tpu.memory_space<hbm>>
      %dma_wait3A_446 = tpu.memref_squeeze %dma_wait3A_445 : memref<1x20480xi32, #tpu.memory_space<hbm>> -> memref<20480xi32, #tpu.memory_space<hbm>>
      tpu.wait_dma2 semaphore(%run_scoped3A : memref<!tpu.dma_semaphore, #tpu.memory_space<semaphore_mem>>) src(%dma_wait3A_446 : memref<20480xi32, #tpu.memory_space<hbm>>) dst(%dma_wait3A_443 : memref<20480xi32, #tpu.memory_space<vmem>>)
      tpu.yield
    }) : () -> ()
    "tpu.region"() ({
      %run_scoped3A = tpu.sem_alloc : memref<!tpu.dma_semaphore, #tpu.memory_space<semaphore_mem>>
      %dma_start3A_427 = arith.constant 0 : i32
      %dma_start3A_428 = tpu.memref_slice %arg7[%dma_start3A_427] : memref<20752xi32, #tpu.memory_space<vmem>> -> memref<20480xi32, #tpu.memory_space<vmem>>
      %dma_start3A_429 = arith.constant 0 : i32
      %dma_start3A_430 = tpu.memref_slice %arg4[%arg1, %dma_start3A_429] : memref<16x20480xi32, #tpu.memory_space<hbm>> -> memref<1x20480xi32, #tpu.memory_space<hbm>>
      %dma_start3A_431 = tpu.memref_squeeze %dma_start3A_430 : memref<1x20480xi32, #tpu.memory_space<hbm>> -> memref<20480xi32, #tpu.memory_space<hbm>>
      %dma_start3A_432 = arith.constant 0 : i32
      %dma_start3A_433 = tpu.memref_slice %arg7[%dma_start3A_432] : memref<20752xi32, #tpu.memory_space<vmem>> -> memref<20480xi32, #tpu.memory_space<vmem>>
      %dma_start3A_434 = arith.constant 0 : i32
      %dma_start3A_435 = tpu.memref_slice %arg4[%arg1, %dma_start3A_434] : memref<16x20480xi32, #tpu.memory_space<hbm>> -> memref<1x20480xi32, #tpu.memory_space<hbm>>
      %dma_start3A_436 = tpu.memref_squeeze %dma_start3A_435 : memref<1x20480xi32, #tpu.memory_space<hbm>> -> memref<20480xi32, #tpu.memory_space<hbm>>
      tpu.enqueue_dma source(%dma_start3A_436 : memref<20480xi32, #tpu.memory_space<hbm>>) target(%dma_start3A_433 : memref<20480xi32, #tpu.memory_space<vmem>>) target_semaphore(%run_scoped3A : memref<!tpu.dma_semaphore, #tpu.memory_space<semaphore_mem>>)
      %dma_wait3A_437 = arith.constant 0 : i32
      %dma_wait3A_438 = tpu.memref_slice %arg7[%dma_wait3A_437] : memref<20752xi32, #tpu.memory_space<vmem>> -> memref<20480xi32, #tpu.memory_space<vmem>>
      %dma_wait3A_439 = arith.constant 0 : i32
      %dma_wait3A_440 = tpu.memref_slice %arg4[%arg1, %dma_wait3A_439] : memref<16x20480xi32, #tpu.memory_space<hbm>> -> memref<1x20480xi32, #tpu.memory_space<hbm>>
      %dma_wait3A_441 = tpu.memref_squeeze %dma_wait3A_440 : memref<1x20480xi32, #tpu.memory_space<hbm>> -> memref<20480xi32, #tpu.memory_space<hbm>>
      %dma_wait3A_442 = arith.constant 0 : i32
      %dma_wait3A_443 = tpu.memref_slice %arg7[%dma_wait3A_442] : memref<20752xi32, #tpu.memory_space<vmem>> -> memref<20480xi32, #tpu.memory_space<vmem>>
      %dma_wait3A_444 = arith.constant 0 : i32
      %dma_wait3A_445 = tpu.memref_slice %arg4[%arg1, %dma_wait3A_444] : memref<16x20480xi32, #tpu.memory_space<hbm>> -> memref<1x20480xi32, #tpu.memory_space<hbm>>
      %dma_wait3A_446 = tpu.memref_squeeze %dma_wait3A_445 : memref<1x20480xi32, #tpu.memory_space<hbm>> -> memref<20480xi32, #tpu.memory_space<hbm>>
      tpu.wait_dma2 semaphore(%run_scoped3A : memref<!tpu.dma_semaphore, #tpu.memory_space<semaphore_mem>>) src(%dma_wait3A_446 : memref<20480xi32, #tpu.memory_space<hbm>>) dst(%dma_wait3A_443 : memref<20480xi32, #tpu.memory_space<vmem>>)
      tpu.yield
    }) : () -> ()
    %iota3A = tpu.iota {dimensions = array<i32: 0>} : vector<16xi32>
    %scan3A_50 = arith.constant 0 : i32
    %scan3A_51 = arith.constant 0 : i32
    %scan3A_52 = arith.constant 1280 : i32
    %scan3A_53 = arith.addi %scan3A_51, %scan3A_52 : i32
    %scan3A_54 = arith.constant 1 : i32
    %scan3A_55 = scf.for %scan3A_427 = %scan3A_51 to %scan3A_53 step %scan3A_54 iter_args(%scan3A_428 = %scan3A_50) -> (i32)  : i32 {
      %mul3A_429 = arith.constant 16 : i32
      %mul3A_430 = arith.muli %scan3A_427, %mul3A_429 : i32
      %get3A = arith.index_cast %mul3A_430 : i32 to index
      %get3A_431 = tpu.vector_load %arg7[%get3A] {strides = array<i32>} : memref<20752xi32, #tpu.memory_space<vmem>>, vector<16xi32>,
      %mul3A_432 = arith.constant 16 : i32
      %mul3A_433 = arith.muli %scan3A_427, %mul3A_432 : i32
      %get3A_434 = arith.index_cast %mul3A_433 : i32 to index
      %get3A_435 = tpu.vector_load %arg6[%get3A_434] {strides = array<i32>} : memref<20752xi32, #tpu.memory_space<vmem>>, vector<16xi32>,
      %sub3A_436 = vector.broadcast %mul3A_0 : i32 to vector<16xi32>
      %sub3A_437 = arith.subi %get3A_431, %sub3A_436 : vector<16xi32>
      %ge3A = arith.constant 0 : i32
      %ge3A_438 = vector.broadcast %ge3A : i32 to vector<16xi32>
      %ge3A_439 = arith.cmpi sge, %sub3A_437, %ge3A_438 : vector<16xi32>
      %lt3A = arith.constant 5120 : i32
      %lt3A_440 = vector.broadcast %lt3A : i32 to vector<16xi32>
      %lt3A_441 = arith.cmpi slt, %sub3A_437, %lt3A_440 : vector<16xi32>
      %and3A_442 = arith.andi %ge3A_439, %lt3A_441 : vector<16xi1>
      %convert_element_type3A = arith.extui %and3A_442 : vector<16xi1> to vector<16xi32>
      %broadcast_in_dim3A_443 = arith.constant true
      %broadcast_in_dim3A_444 = vector.broadcast %broadcast_in_dim3A_443 : i1 to vector<16xi1>
      %masked_cumsum3A = tpu.scan <sum>, %convert_element_type3A masked %broadcast_in_dim3A_444 : vector<16xi32>, vector<16xi1> -> vector<16xi32>
      %add3A_445 = vector.broadcast %scan3A_428 : i32 to vector<16xi32>
      %add3A_446 = arith.addi %add3A_445, %masked_cumsum3A : vector<16xi32>
      %sub3A_447 = arith.constant 1 : i32
      %sub3A_448 = vector.broadcast %sub3A_447 : i32 to vector<16xi32>
      %sub3A_449 = arith.subi %add3A_446, %sub3A_448 : vector<16xi32>
      %add3A_450 = arith.constant 20736 : i32
      %add3A_451 = vector.broadcast %add3A_450 : i32 to vector<16xi32>
      %add3A_452 = arith.addi %add3A_451, %iota3A : vector<16xi32>
      %select_n3A_453 = arith.select %and3A_442, %sub3A_449, %add3A_452 : vector<16xi1>, vector<16xi32>
      tpu.vector_store_idx %arg7[%select_n3A_453], %sub3A_437 : memref<20752xi32, #tpu.memory_space<vmem>>[vector<16xi32>], vector<16xi32>,
      tpu.vector_store_idx %arg6[%select_n3A_453], %get3A_435 : memref<20752xi32, #tpu.memory_space<vmem>>[vector<16xi32>], vector<16xi32>,
      %reduce_max3A = arith.constant true
      %reduce_max3A_454 = vector.broadcast %reduce_max3A : i1 to vector<16xi1>
      %reduce_max3A_455 = arith.constant -2147483648 : i32
      %reduce_max3A_456 = vector.broadcast %reduce_max3A_455 : i32 to vector<16xi32>
      %reduce_max3A_457 = arith.xori %masked_cumsum3A, %reduce_max3A_456 : vector<16xi32>
      %reduce_max3A_458 = tpu.scan <max>, %reduce_max3A_457 masked %reduce_max3A_454 : vector<16xi32>, vector<16xi1> -> vector<16xi32>
      %reduce_max3A_459 = arith.xori %reduce_max3A_458, %reduce_max3A_456 : vector<16xi32>
      %reduce_max3A_460 = vector.extract %reduce_max3A_459[15] : i32 from vector<16xi32>
      %add3A_461 = arith.addi %scan3A_428, %reduce_max3A_460 : i32
      scf.yield %add3A_461 : i32
    }
    %scan3A_56 = arith.constant 1280 : i32
    %add3A_57 = arith.constant 0 : i32
    %add3A_58 = arith.addi %scan3A_55, %add3A_57 : i32
    %add3A_59 = vector.broadcast %add3A_58 : i32 to vector<16xi32>
    %add3A_60 = arith.addi %add3A_59, %iota3A : vector<16xi32>
    %add3A_61 = arith.constant 0 : i32
    %add3A_62 = vector.broadcast %add3A_61 : i32 to vector<16xi32>
    %add3A_63 = arith.addi %add3A_62, %iota3A : vector<16xi32>
    %and3A = arith.constant 511 : i32
    %and3A_64 = vector.broadcast %and3A : i32 to vector<16xi32>
    %and3A_65 = arith.andi %add3A_63, %and3A_64 : vector<16xi32>
    %add3A_66 = arith.constant 5120 : i32
    %add3A_67 = vector.broadcast %add3A_66 : i32 to vector<16xi32>
    %add3A_68 = arith.addi %add3A_67, %and3A_65 : vector<16xi32>
    tpu.vector_store_idx %arg7[%add3A_60], %add3A_68 : memref<20752xi32, #tpu.memory_space<vmem>>[vector<16xi32>], vector<16xi32>,
    %broadcast_in_dim3A = arith.constant 0 : i32
    %broadcast_in_dim3A_69 = vector.broadcast %broadcast_in_dim3A : i32 to vector<16xi32>
    tpu.vector_store_idx %arg6[%add3A_60], %broadcast_in_dim3A_69 : memref<20752xi32, #tpu.memory_space<vmem>>[vector<16xi32>], vector<16xi32>,
    %add3A_70 = arith.constant 16 : i32
    %add3A_71 = arith.addi %scan3A_55, %add3A_70 : i32
    %add3A_72 = vector.broadcast %add3A_71 : i32 to vector<16xi32>
    %add3A_73 = arith.addi %add3A_72, %iota3A : vector<16xi32>
    %add3A_74 = arith.constant 16 : i32
    %add3A_75 = vector.broadcast %add3A_74 : i32 to vector<16xi32>
    %add3A_76 = arith.addi %add3A_75, %iota3A : vector<16xi32>
    %and3A_77 = arith.constant 511 : i32
    %and3A_78 = vector.broadcast %and3A_77 : i32 to vector<16xi32>
    %and3A_79 = arith.andi %add3A_76, %and3A_78 : vector<16xi32>
    %add3A_80 = arith.constant 5120 : i32
    %add3A_81 = vector.broadcast %add3A_80 : i32 to vector<16xi32>
    %add3A_82 = arith.addi %add3A_81, %and3A_79 : vector<16xi32>
    tpu.vector_store_idx %arg7[%add3A_73], %add3A_82 : memref<20752xi32, #tpu.memory_space<vmem>>[vector<16xi32>], vector<16xi32>,
    %broadcast_in_dim3A_83 = arith.constant 0 : i32
    %broadcast_in_dim3A_84 = vector.broadcast %broadcast_in_dim3A_83 : i32 to vector<16xi32>
    tpu.vector_store_idx %arg6[%add3A_73], %broadcast_in_dim3A_84 : memref<20752xi32, #tpu.memory_space<vmem>>[vector<16xi32>], vector<16xi32>,
    %add3A_85 = arith.constant 32 : i32
    %add3A_86 = arith.addi %scan3A_55, %add3A_85 : i32
    %add3A_87 = vector.broadcast %add3A_86 : i32 to vector<16xi32>
    %add3A_88 = arith.addi %add3A_87, %iota3A : vector<16xi32>
    %add3A_89 = arith.constant 32 : i32
    %add3A_90 = vector.broadcast %add3A_89 : i32 to vector<16xi32>
    %add3A_91 = arith.addi %add3A_90, %iota3A : vector<16xi32>
    %and3A_92 = arith.constant 511 : i32
    %and3A_93 = vector.broadcast %and3A_92 : i32 to vector<16xi32>
    %and3A_94 = arith.andi %add3A_91, %and3A_93 : vector<16xi32>
    %add3A_95 = arith.constant 5120 : i32
    %add3A_96 = vector.broadcast %add3A_95 : i32 to vector<16xi32>
    %add3A_97 = arith.addi %add3A_96, %and3A_94 : vector<16xi32>
    tpu.vector_store_idx %arg7[%add3A_88], %add3A_97 : memref<20752xi32, #tpu.memory_space<vmem>>[vector<16xi32>], vector<16xi32>,
    %broadcast_in_dim3A_98 = arith.constant 0 : i32
    %broadcast_in_dim3A_99 = vector.broadcast %broadcast_in_dim3A_98 : i32 to vector<16xi32>
    tpu.vector_store_idx %arg6[%add3A_88], %broadcast_in_dim3A_99 : memref<20752xi32, #tpu.memory_space<vmem>>[vector<16xi32>], vector<16xi32>,
    %add3A_100 = arith.constant 48 : i32
    %add3A_101 = arith.addi %scan3A_55, %add3A_100 : i32
    %add3A_102 = vector.broadcast %add3A_101 : i32 to vector<16xi32>
    %add3A_103 = arith.addi %add3A_102, %iota3A : vector<16xi32>
    %add3A_104 = arith.constant 48 : i32
    %add3A_105 = vector.broadcast %add3A_104 : i32 to vector<16xi32>
    %add3A_106 = arith.addi %add3A_105, %iota3A : vector<16xi32>
    %and3A_107 = arith.constant 511 : i32
    %and3A_108 = vector.broadcast %and3A_107 : i32 to vector<16xi32>
    %and3A_109 = arith.andi %add3A_106, %and3A_108 : vector<16xi32>
    %add3A_110 = arith.constant 5120 : i32
    %add3A_111 = vector.broadcast %add3A_110 : i32 to vector<16xi32>
    %add3A_112 = arith.addi %add3A_111, %and3A_109 : vector<16xi32>
    tpu.vector_store_idx %arg7[%add3A_103], %add3A_112 : memref<20752xi32, #tpu.memory_space<vmem>>[vector<16xi32>], vector<16xi32>,
    %broadcast_in_dim3A_113 = arith.constant 0 : i32
    %broadcast_in_dim3A_114 = vector.broadcast %broadcast_in_dim3A_113 : i32 to vector<16xi32>
    tpu.vector_store_idx %arg6[%add3A_103], %broadcast_in_dim3A_114 : memref<20752xi32, #tpu.memory_space<vmem>>[vector<16xi32>], vector<16xi32>,
    %add3A_115 = arith.constant 64 : i32
    %add3A_116 = arith.addi %scan3A_55, %add3A_115 : i32
    %add3A_117 = vector.broadcast %add3A_116 : i32 to vector<16xi32>
    %add3A_118 = arith.addi %add3A_117, %iota3A : vector<16xi32>
    %add3A_119 = arith.constant 64 : i32
    %add3A_120 = vector.broadcast %add3A_119 : i32 to vector<16xi32>
    %add3A_121 = arith.addi %add3A_120, %iota3A : vector<16xi32>
    %and3A_122 = arith.constant 511 : i32
    %and3A_123 = vector.broadcast %and3A_122 : i32 to vector<16xi32>
    %and3A_124 = arith.andi %add3A_121, %and3A_123 : vector<16xi32>
    %add3A_125 = arith.constant 5120 : i32
    %add3A_126 = vector.broadcast %add3A_125 : i32 to vector<16xi32>
    %add3A_127 = arith.addi %add3A_126, %and3A_124 : vector<16xi32>
    tpu.vector_store_idx %arg7[%add3A_118], %add3A_127 : memref<20752xi32, #tpu.memory_space<vmem>>[vector<16xi32>], vector<16xi32>,
    %broadcast_in_dim3A_128 = arith.constant 0 : i32
    %broadcast_in_dim3A_129 = vector.broadcast %broadcast_in_dim3A_128 : i32 to vector<16xi32>
    tpu.vector_store_idx %arg6[%add3A_118], %broadcast_in_dim3A_129 : memref<20752xi32, #tpu.memory_space<vmem>>[vector<16xi32>], vector<16xi32>,
    %add3A_130 = arith.constant 80 : i32
    %add3A_131 = arith.addi %scan3A_55, %add3A_130 : i32
    %add3A_132 = vector.broadcast %add3A_131 : i32 to vector<16xi32>
    %add3A_133 = arith.addi %add3A_132, %iota3A : vector<16xi32>
    %add3A_134 = arith.constant 80 : i32
    %add3A_135 = vector.broadcast %add3A_134 : i32 to vector<16xi32>
    %add3A_136 = arith.addi %add3A_135, %iota3A : vector<16xi32>
    %and3A_137 = arith.constant 511 : i32
    %and3A_138 = vector.broadcast %and3A_137 : i32 to vector<16xi32>
    %and3A_139 = arith.andi %add3A_136, %and3A_138 : vector<16xi32>
    %add3A_140 = arith.constant 5120 : i32
    %add3A_141 = vector.broadcast %add3A_140 : i32 to vector<16xi32>
    %add3A_142 = arith.addi %add3A_141, %and3A_139 : vector<16xi32>
    tpu.vector_store_idx %arg7[%add3A_133], %add3A_142 : memref<20752xi32, #tpu.memory_space<vmem>>[vector<16xi32>], vector<16xi32>,
    %broadcast_in_dim3A_143 = arith.constant 0 : i32
    %broadcast_in_dim3A_144 = vector.broadcast %broadcast_in_dim3A_143 : i32 to vector<16xi32>
    tpu.vector_store_idx %arg6[%add3A_133], %broadcast_in_dim3A_144 : memref<20752xi32, #tpu.memory_space<vmem>>[vector<16xi32>], vector<16xi32>,
    %add3A_145 = arith.constant 96 : i32
    %add3A_146 = arith.addi %scan3A_55, %add3A_145 : i32
    %add3A_147 = vector.broadcast %add3A_146 : i32 to vector<16xi32>
    %add3A_148 = arith.addi %add3A_147, %iota3A : vector<16xi32>
    %add3A_149 = arith.constant 96 : i32
    %add3A_150 = vector.broadcast %add3A_149 : i32 to vector<16xi32>
    %add3A_151 = arith.addi %add3A_150, %iota3A : vector<16xi32>
    %and3A_152 = arith.constant 511 : i32
    %and3A_153 = vector.broadcast %and3A_152 : i32 to vector<16xi32>
    %and3A_154 = arith.andi %add3A_151, %and3A_153 : vector<16xi32>
    %add3A_155 = arith.constant 5120 : i32
    %add3A_156 = vector.broadcast %add3A_155 : i32 to vector<16xi32>
    %add3A_157 = arith.addi %add3A_156, %and3A_154 : vector<16xi32>
    tpu.vector_store_idx %arg7[%add3A_148], %add3A_157 : memref<20752xi32, #tpu.memory_space<vmem>>[vector<16xi32>], vector<16xi32>,
    %broadcast_in_dim3A_158 = arith.constant 0 : i32
    %broadcast_in_dim3A_159 = vector.broadcast %broadcast_in_dim3A_158 : i32 to vector<16xi32>
    tpu.vector_store_idx %arg6[%add3A_148], %broadcast_in_dim3A_159 : memref<20752xi32, #tpu.memory_space<vmem>>[vector<16xi32>], vector<16xi32>,
    %add3A_160 = arith.constant 112 : i32
    %add3A_161 = arith.addi %scan3A_55, %add3A_160 : i32
    %add3A_162 = vector.broadcast %add3A_161 : i32 to vector<16xi32>
    %add3A_163 = arith.addi %add3A_162, %iota3A : vector<16xi32>
    %add3A_164 = arith.constant 112 : i32
    %add3A_165 = vector.broadcast %add3A_164 : i32 to vector<16xi32>
    %add3A_166 = arith.addi %add3A_165, %iota3A : vector<16xi32>
    %and3A_167 = arith.constant 511 : i32
    %and3A_168 = vector.broadcast %and3A_167 : i32 to vector<16xi32>
    %and3A_169 = arith.andi %add3A_166, %and3A_168 : vector<16xi32>
    %add3A_170 = arith.constant 5120 : i32
    %add3A_171 = vector.broadcast %add3A_170 : i32 to vector<16xi32>
    %add3A_172 = arith.addi %add3A_171, %and3A_169 : vector<16xi32>
    tpu.vector_store_idx %arg7[%add3A_163], %add3A_172 : memref<20752xi32, #tpu.memory_space<vmem>>[vector<16xi32>], vector<16xi32>,
    %broadcast_in_dim3A_173 = arith.constant 0 : i32
    %broadcast_in_dim3A_174 = vector.broadcast %broadcast_in_dim3A_173 : i32 to vector<16xi32>
    tpu.vector_store_idx %arg6[%add3A_163], %broadcast_in_dim3A_174 : memref<20752xi32, #tpu.memory_space<vmem>>[vector<16xi32>], vector<16xi32>,
    %add3A_175 = arith.constant 128 : i32
    %add3A_176 = arith.addi %scan3A_55, %add3A_175 : i32
    %add3A_177 = vector.broadcast %add3A_176 : i32 to vector<16xi32>
    %add3A_178 = arith.addi %add3A_177, %iota3A : vector<16xi32>
    %add3A_179 = arith.constant 128 : i32
    %add3A_180 = vector.broadcast %add3A_179 : i32 to vector<16xi32>
    %add3A_181 = arith.addi %add3A_180, %iota3A : vector<16xi32>
    %and3A_182 = arith.constant 511 : i32
    %and3A_183 = vector.broadcast %and3A_182 : i32 to vector<16xi32>
    %and3A_184 = arith.andi %add3A_181, %and3A_183 : vector<16xi32>
    %add3A_185 = arith.constant 5120 : i32
    %add3A_186 = vector.broadcast %add3A_185 : i32 to vector<16xi32>
    %add3A_187 = arith.addi %add3A_186, %and3A_184 : vector<16xi32>
    tpu.vector_store_idx %arg7[%add3A_178], %add3A_187 : memref<20752xi32, #tpu.memory_space<vmem>>[vector<16xi32>], vector<16xi32>,
    %broadcast_in_dim3A_188 = arith.constant 0 : i32
    %broadcast_in_dim3A_189 = vector.broadcast %broadcast_in_dim3A_188 : i32 to vector<16xi32>
    tpu.vector_store_idx %arg6[%add3A_178], %broadcast_in_dim3A_189 : memref<20752xi32, #tpu.memory_space<vmem>>[vector<16xi32>], vector<16xi32>,
    %add3A_190 = arith.constant 144 : i32
    %add3A_191 = arith.addi %scan3A_55, %add3A_190 : i32
    %add3A_192 = vector.broadcast %add3A_191 : i32 to vector<16xi32>
    %add3A_193 = arith.addi %add3A_192, %iota3A : vector<16xi32>
    %add3A_194 = arith.constant 144 : i32
    %add3A_195 = vector.broadcast %add3A_194 : i32 to vector<16xi32>
    %add3A_196 = arith.addi %add3A_195, %iota3A : vector<16xi32>
    %and3A_197 = arith.constant 511 : i32
    %and3A_198 = vector.broadcast %and3A_197 : i32 to vector<16xi32>
    %and3A_199 = arith.andi %add3A_196, %and3A_198 : vector<16xi32>
    %add3A_200 = arith.constant 5120 : i32
    %add3A_201 = vector.broadcast %add3A_200 : i32 to vector<16xi32>
    %add3A_202 = arith.addi %add3A_201, %and3A_199 : vector<16xi32>
    tpu.vector_store_idx %arg7[%add3A_193], %add3A_202 : memref<20752xi32, #tpu.memory_space<vmem>>[vector<16xi32>], vector<16xi32>,
    %broadcast_in_dim3A_203 = arith.constant 0 : i32
    %broadcast_in_dim3A_204 = vector.broadcast %broadcast_in_dim3A_203 : i32 to vector<16xi32>
    tpu.vector_store_idx %arg6[%add3A_193], %broadcast_in_dim3A_204 : memref<20752xi32, #tpu.memory_space<vmem>>[vector<16xi32>], vector<16xi32>,
    %add3A_205 = arith.constant 160 : i32
    %add3A_206 = arith.addi %scan3A_55, %add3A_205 : i32
    %add3A_207 = vector.broadcast %add3A_206 : i32 to vector<16xi32>
    %add3A_208 = arith.addi %add3A_207, %iota3A : vector<16xi32>
    %add3A_209 = arith.constant 160 : i32
    %add3A_210 = vector.broadcast %add3A_209 : i32 to vector<16xi32>
    %add3A_211 = arith.addi %add3A_210, %iota3A : vector<16xi32>
    %and3A_212 = arith.constant 511 : i32
    %and3A_213 = vector.broadcast %and3A_212 : i32 to vector<16xi32>
    %and3A_214 = arith.andi %add3A_211, %and3A_213 : vector<16xi32>
    %add3A_215 = arith.constant 5120 : i32
    %add3A_216 = vector.broadcast %add3A_215 : i32 to vector<16xi32>
    %add3A_217 = arith.addi %add3A_216, %and3A_214 : vector<16xi32>
    tpu.vector_store_idx %arg7[%add3A_208], %add3A_217 : memref<20752xi32, #tpu.memory_space<vmem>>[vector<16xi32>], vector<16xi32>,
    %broadcast_in_dim3A_218 = arith.constant 0 : i32
    %broadcast_in_dim3A_219 = vector.broadcast %broadcast_in_dim3A_218 : i32 to vector<16xi32>
    tpu.vector_store_idx %arg6[%add3A_208], %broadcast_in_dim3A_219 : memref<20752xi32, #tpu.memory_space<vmem>>[vector<16xi32>], vector<16xi32>,
    %add3A_220 = arith.constant 176 : i32
    %add3A_221 = arith.addi %scan3A_55, %add3A_220 : i32
    %add3A_222 = vector.broadcast %add3A_221 : i32 to vector<16xi32>
    %add3A_223 = arith.addi %add3A_222, %iota3A : vector<16xi32>
    %add3A_224 = arith.constant 176 : i32
    %add3A_225 = vector.broadcast %add3A_224 : i32 to vector<16xi32>
    %add3A_226 = arith.addi %add3A_225, %iota3A : vector<16xi32>
    %and3A_227 = arith.constant 511 : i32
    %and3A_228 = vector.broadcast %and3A_227 : i32 to vector<16xi32>
    %and3A_229 = arith.andi %add3A_226, %and3A_228 : vector<16xi32>
    %add3A_230 = arith.constant 5120 : i32
    %add3A_231 = vector.broadcast %add3A_230 : i32 to vector<16xi32>
    %add3A_232 = arith.addi %add3A_231, %and3A_229 : vector<16xi32>
    tpu.vector_store_idx %arg7[%add3A_223], %add3A_232 : memref<20752xi32, #tpu.memory_space<vmem>>[vector<16xi32>], vector<16xi32>,
    %broadcast_in_dim3A_233 = arith.constant 0 : i32
    %broadcast_in_dim3A_234 = vector.broadcast %broadcast_in_dim3A_233 : i32 to vector<16xi32>
    tpu.vector_store_idx %arg6[%add3A_223], %broadcast_in_dim3A_234 : memref<20752xi32, #tpu.memory_space<vmem>>[vector<16xi32>], vector<16xi32>,
    %add3A_235 = arith.constant 192 : i32
    %add3A_236 = arith.addi %scan3A_55, %add3A_235 : i32
    %add3A_237 = vector.broadcast %add3A_236 : i32 to vector<16xi32>
    %add3A_238 = arith.addi %add3A_237, %iota3A : vector<16xi32>
    %add3A_239 = arith.constant 192 : i32
    %add3A_240 = vector.broadcast %add3A_239 : i32 to vector<16xi32>
    %add3A_241 = arith.addi %add3A_240, %iota3A : vector<16xi32>
    %and3A_242 = arith.constant 511 : i32
    %and3A_243 = vector.broadcast %and3A_242 : i32 to vector<16xi32>
    %and3A_244 = arith.andi %add3A_241, %and3A_243 : vector<16xi32>
    %add3A_245 = arith.constant 5120 : i32
    %add3A_246 = vector.broadcast %add3A_245 : i32 to vector<16xi32>
    %add3A_247 = arith.addi %add3A_246, %and3A_244 : vector<16xi32>
    tpu.vector_store_idx %arg7[%add3A_238], %add3A_247 : memref<20752xi32, #tpu.memory_space<vmem>>[vector<16xi32>], vector<16xi32>,
    %broadcast_in_dim3A_248 = arith.constant 0 : i32
    %broadcast_in_dim3A_249 = vector.broadcast %broadcast_in_dim3A_248 : i32 to vector<16xi32>
    tpu.vector_store_idx %arg6[%add3A_238], %broadcast_in_dim3A_249 : memref<20752xi32, #tpu.memory_space<vmem>>[vector<16xi32>], vector<16xi32>,
    %add3A_250 = arith.constant 208 : i32
    %add3A_251 = arith.addi %scan3A_55, %add3A_250 : i32
    %add3A_252 = vector.broadcast %add3A_251 : i32 to vector<16xi32>
    %add3A_253 = arith.addi %add3A_252, %iota3A : vector<16xi32>
    %add3A_254 = arith.constant 208 : i32
    %add3A_255 = vector.broadcast %add3A_254 : i32 to vector<16xi32>
    %add3A_256 = arith.addi %add3A_255, %iota3A : vector<16xi32>
    %and3A_257 = arith.constant 511 : i32
    %and3A_258 = vector.broadcast %and3A_257 : i32 to vector<16xi32>
    %and3A_259 = arith.andi %add3A_256, %and3A_258 : vector<16xi32>
    %add3A_260 = arith.constant 5120 : i32
    %add3A_261 = vector.broadcast %add3A_260 : i32 to vector<16xi32>
    %add3A_262 = arith.addi %add3A_261, %and3A_259 : vector<16xi32>
    tpu.vector_store_idx %arg7[%add3A_253], %add3A_262 : memref<20752xi32, #tpu.memory_space<vmem>>[vector<16xi32>], vector<16xi32>,
    %broadcast_in_dim3A_263 = arith.constant 0 : i32
    %broadcast_in_dim3A_264 = vector.broadcast %broadcast_in_dim3A_263 : i32 to vector<16xi32>
    tpu.vector_store_idx %arg6[%add3A_253], %broadcast_in_dim3A_264 : memref<20752xi32, #tpu.memory_space<vmem>>[vector<16xi32>], vector<16xi32>,
    %add3A_265 = arith.constant 224 : i32
    %add3A_266 = arith.addi %scan3A_55, %add3A_265 : i32
    %add3A_267 = vector.broadcast %add3A_266 : i32 to vector<16xi32>
    %add3A_268 = arith.addi %add3A_267, %iota3A : vector<16xi32>
    %add3A_269 = arith.constant 224 : i32
    %add3A_270 = vector.broadcast %add3A_269 : i32 to vector<16xi32>
    %add3A_271 = arith.addi %add3A_270, %iota3A : vector<16xi32>
    %and3A_272 = arith.constant 511 : i32
    %and3A_273 = vector.broadcast %and3A_272 : i32 to vector<16xi32>
    %and3A_274 = arith.andi %add3A_271, %and3A_273 : vector<16xi32>
    %add3A_275 = arith.constant 5120 : i32
    %add3A_276 = vector.broadcast %add3A_275 : i32 to vector<16xi32>
    %add3A_277 = arith.addi %add3A_276, %and3A_274 : vector<16xi32>
    tpu.vector_store_idx %arg7[%add3A_268], %add3A_277 : memref<20752xi32, #tpu.memory_space<vmem>>[vector<16xi32>], vector<16xi32>,
    %broadcast_in_dim3A_278 = arith.constant 0 : i32
    %broadcast_in_dim3A_279 = vector.broadcast %broadcast_in_dim3A_278 : i32 to vector<16xi32>
    tpu.vector_store_idx %arg6[%add3A_268], %broadcast_in_dim3A_279 : memref<20752xi32, #tpu.memory_space<vmem>>[vector<16xi32>], vector<16xi32>,
    %add3A_280 = arith.constant 240 : i32
    %add3A_281 = arith.addi %scan3A_55, %add3A_280 : i32
    %add3A_282 = vector.broadcast %add3A_281 : i32 to vector<16xi32>
    %add3A_283 = arith.addi %add3A_282, %iota3A : vector<16xi32>
    %add3A_284 = arith.constant 240 : i32
    %add3A_285 = vector.broadcast %add3A_284 : i32 to vector<16xi32>
    %add3A_286 = arith.addi %add3A_285, %iota3A : vector<16xi32>
    %and3A_287 = arith.constant 511 : i32
    %and3A_288 = vector.broadcast %and3A_287 : i32 to vector<16xi32>
    %and3A_289 = arith.andi %add3A_286, %and3A_288 : vector<16xi32>
    %add3A_290 = arith.constant 5120 : i32
    %add3A_291 = vector.broadcast %add3A_290 : i32 to vector<16xi32>
    %add3A_292 = arith.addi %add3A_291, %and3A_289 : vector<16xi32>
    tpu.vector_store_idx %arg7[%add3A_283], %add3A_292 : memref<20752xi32, #tpu.memory_space<vmem>>[vector<16xi32>], vector<16xi32>,
    %broadcast_in_dim3A_293 = arith.constant 0 : i32
    %broadcast_in_dim3A_294 = vector.broadcast %broadcast_in_dim3A_293 : i32 to vector<16xi32>
    tpu.vector_store_idx %arg6[%add3A_283], %broadcast_in_dim3A_294 : memref<20752xi32, #tpu.memory_space<vmem>>[vector<16xi32>], vector<16xi32>,
    %jit3A = arith.constant 128 : i32
    %div3A = arith.divsi %scan3A_55, %jit3A : i32
    %sign3A = arith.constant 0 : i32
    %sign3A_295 = arith.cmpi sgt, %scan3A_55, %sign3A : i32
    %sign3A_296 = arith.extui %sign3A_295 : i1 to i32
    %sign3A_297 = arith.constant 0 : i32
    %sign3A_298 = arith.cmpi slt, %scan3A_55, %sign3A_297 : i32
    %sign3A_299 = arith.extui %sign3A_298 : i1 to i32
    %sign3A_300 = arith.subi %sign3A_296, %sign3A_299 : i32
    %sign3A_301 = arith.constant 0 : i32
    %sign3A_302 = arith.cmpi sgt, %jit3A, %sign3A_301 : i32
    %sign3A_303 = arith.extui %sign3A_302 : i1 to i32
    %sign3A_304 = arith.constant 0 : i32
    %sign3A_305 = arith.cmpi slt, %jit3A, %sign3A_304 : i32
    %sign3A_306 = arith.extui %sign3A_305 : i1 to i32
    %sign3A_307 = arith.subi %sign3A_303, %sign3A_306 : i32
    %ne3A = arith.cmpi ne, %sign3A_300, %sign3A_307 : i32
    %rem3A = arith.remsi %scan3A_55, %jit3A : i32
    %ne3A_308 = arith.constant 0 : i32
    %ne3A_309 = arith.cmpi ne, %rem3A, %ne3A_308 : i32
    %and3A_310 = arith.andi %ne3A, %ne3A_309 : i1
    %sub3A = arith.constant 1 : i32
    %sub3A_311 = arith.subi %div3A, %sub3A : i32
    %select_n3A = arith.select %and3A_310, %sub3A_311, %div3A : i32
    %add3A_312 = arith.constant 2 : i32
    %add3A_313 = arith.addi %select_n3A, %add3A_312 : i32
    %barrier3A = arith.constant 0 : index
    tpu.barrier barrier_id(%barrier3A)
    %dma_start3A = arith.constant 0 : i32
    %dma_start3A_314 = tpu.memref_slice %arg6[%dma_start3A] : memref<20752xi32, #tpu.memory_space<vmem>> -> memref<128xi32, #tpu.memory_space<vmem>>
    %dma_start3A_315 = arith.constant 0 : i32
    %dma_start3A_316 = arith.constant 0 : i32
    %dma_start3A_317 = tpu.memref_slice %arg2[%dma_start3A_315, %dma_start3A_316] : memref<10240x128xf32, #tpu.memory_space<hbm>> -> memref<10240x128xf32, #tpu.memory_space<hbm>>
    tpu.enqueue_indirect_dma source(%dma_start3A_317 : memref<10240x128xf32, #tpu.memory_space<hbm>>) target(%arg8 : memref<128x128xf32, #tpu.memory_space<vmem>>) offsets(%dma_start3A_314 : memref<128xi32, #tpu.memory_space<vmem>>) semaphore(%arg12 : memref<!tpu.dma_semaphore, #tpu.memory_space<semaphore_mem>>)
    %scan3A_318 = arith.constant 0 : i32
    %scan3A_319 = arith.constant 0 : i32
    %scan3A_320 = arith.constant 162 : i32
    %scan3A_321 = arith.addi %scan3A_319, %scan3A_320 : i32
    %scan3A_322 = arith.constant 1 : i32
    %scan3A_323 = scf.for %scan3A_427 = %scan3A_319 to %scan3A_321 step %scan3A_322 iter_args(%scan3A_428 = %scan3A_318) -> (i32)  : i32 {
      %lt3A = arith.cmpi slt, %scan3A_427, %add3A_313 : i32
      %convert_element_type3A = arith.extui %lt3A : i1 to i32
      %cond3A = arith.constant 0 : i32
      %cond3A_429 = arith.cmpi ne, %convert_element_type3A, %cond3A : i32
      scf.if %cond3A_429 {
        %jit3A_431 = arith.constant 2 : i32
        %eq3A = arith.constant 0 : i32
        %eq3A_432 = arith.cmpi eq, %jit3A_431, %eq3A : i32
        %jit3A_433 = arith.constant 1 : i32
        %select_n3A_434 = arith.select %eq3A_432, %jit3A_433, %jit3A_431 : i32
        %rem3A_435 = arith.remsi %scan3A_427, %select_n3A_434 : i32
        %ne3A_436 = arith.constant 0 : i32
        %ne3A_437 = arith.cmpi ne, %rem3A_435, %ne3A_436 : i32
        %lt3A_438 = arith.constant 0 : i32
        %lt3A_439 = arith.cmpi slt, %rem3A_435, %lt3A_438 : i32
        %lt3A_440 = arith.constant 0 : i32
        %lt3A_441 = arith.cmpi slt, %select_n3A_434, %lt3A_440 : i32
        %ne3A_442 = arith.xori %lt3A_439, %lt3A_441 : i1
        %and3A_443 = arith.andi %ne3A_442, %ne3A_437 : i1
        %add3A_444 = arith.addi %rem3A_435, %select_n3A_434 : i32
        %select_n3A_445 = arith.select %and3A_443, %add3A_444, %rem3A_435 : i32
        %eq3A_446 = arith.constant 0 : i32
        %eq3A_447 = arith.cmpi eq, %select_n3A_445, %eq3A_446 : i32
        %convert_element_type3A_448 = arith.extui %eq3A_447 : i1 to i32
        %cond3A_449 = arith.constant 0 : i32
        %cond3A_450 = arith.cmpi ne, %convert_element_type3A_448, %cond3A_449 : i32
        scf.if %cond3A_450 {
          %add3A_472 = arith.constant 1 : i32
          %add3A_473 = arith.addi %scan3A_427, %add3A_472 : i32
          %lt3A_474 = arith.cmpi slt, %add3A_473, %add3A_313 : i32
          %convert_element_type3A_475 = arith.extui %lt3A_474 : i1 to i32
          %cond3A_476 = arith.constant 0 : i32
          %cond3A_477 = arith.cmpi ne, %convert_element_type3A_475, %cond3A_476 : i32
          scf.if %cond3A_477 {
            %ge3A = arith.constant 1 : i32
            %ge3A_490 = arith.cmpi sge, %scan3A_427, %ge3A : i32
            %convert_element_type3A_491 = arith.extui %ge3A_490 : i1 to i32
            %cond3A_492 = arith.constant 0 : i32
            %cond3A_493 = arith.cmpi ne, %convert_element_type3A_491, %cond3A_492 : i32
            scf.if %cond3A_493 {
              %dma_wait3A_502 = arith.constant 0 : i32
              %dma_wait3A_503 = arith.constant 0 : i32
              %dma_wait3A_504 = tpu.memref_slice %arg2[%dma_wait3A_502, %dma_wait3A_503] : memref<10240x128xf32, #tpu.memory_space<hbm>> -> memref<128x128xf32, #tpu.memory_space<hbm>>
              %dma_wait3A_505 = arith.constant 0 : i32
              %dma_wait3A_506 = arith.constant 0 : i32
              %dma_wait3A_507 = tpu.memref_slice %arg2[%dma_wait3A_505, %dma_wait3A_506] : memref<10240x128xf32, #tpu.memory_space<hbm>> -> memref<128x128xf32, #tpu.memory_space<hbm>>
              tpu.wait_dma2 semaphore(%arg15 : memref<!tpu.dma_semaphore, #tpu.memory_space<semaphore_mem>>) src(%dma_wait3A_507 : memref<128x128xf32, #tpu.memory_space<hbm>>) dst(%arg9 : memref<128x128xf32, #tpu.memory_space<vmem>>)
            } else {
            }
            %add3A_494 = arith.constant 1 : i32
            %add3A_495 = arith.addi %scan3A_427, %add3A_494 : i32
            %mul3A_496 = arith.constant 128 : i32
            %mul3A_497 = arith.muli %add3A_495, %mul3A_496 : i32
            %dma_start3A_498 = tpu.memref_slice %arg6[%mul3A_497] : memref<20752xi32, #tpu.memory_space<vmem>> -> memref<128xi32, #tpu.memory_space<vmem>>
            %dma_start3A_499 = arith.constant 0 : i32
            %dma_start3A_500 = arith.constant 0 : i32
            %dma_start3A_501 = tpu.memref_slice %arg2[%dma_start3A_499, %dma_start3A_500] : memref<10240x128xf32, #tpu.memory_space<hbm>> -> memref<10240x128xf32, #tpu.memory_space<hbm>>
            tpu.enqueue_indirect_dma source(%dma_start3A_501 : memref<10240x128xf32, #tpu.memory_space<hbm>>) target(%arg9 : memref<128x128xf32, #tpu.memory_space<vmem>>) offsets(%dma_start3A_498 : memref<128xi32, #tpu.memory_space<vmem>>) semaphore(%arg13 : memref<!tpu.dma_semaphore, #tpu.memory_space<semaphore_mem>>)
          } else {
          }
          %dma_wait3A_478 = arith.constant 0 : i32
          %dma_wait3A_479 = arith.constant 0 : i32
          %dma_wait3A_480 = tpu.memref_slice %arg2[%dma_wait3A_478, %dma_wait3A_479] : memref<10240x128xf32, #tpu.memory_space<hbm>> -> memref<128x128xf32, #tpu.memory_space<hbm>>
          %dma_wait3A_481 = arith.constant 0 : i32
          %dma_wait3A_482 = arith.constant 0 : i32
          %dma_wait3A_483 = tpu.memref_slice %arg2[%dma_wait3A_481, %dma_wait3A_482] : memref<10240x128xf32, #tpu.memory_space<hbm>> -> memref<128x128xf32, #tpu.memory_space<hbm>>
          tpu.wait_dma2 semaphore(%arg12 : memref<!tpu.dma_semaphore, #tpu.memory_space<semaphore_mem>>) src(%dma_wait3A_483 : memref<128x128xf32, #tpu.memory_space<hbm>>) dst(%arg8 : memref<128x128xf32, #tpu.memory_space<vmem>>)
          %mul3A_484 = arith.constant 128 : i32
          %mul3A_485 = arith.muli %scan3A_427, %mul3A_484 : i32
          %dma_start3A_486 = tpu.memref_slice %arg7[%mul3A_485] : memref<20752xi32, #tpu.memory_space<vmem>> -> memref<128xi32, #tpu.memory_space<vmem>>
          %dma_start3A_487 = arith.constant 0 : i32
          %dma_start3A_488 = arith.constant 0 : i32
          %dma_start3A_489 = tpu.memref_slice %arg11[%dma_start3A_487, %dma_start3A_488] : memref<5632x128xf32, #tpu.memory_space<vmem_shared>> -> memref<5632x128xf32, #tpu.memory_space<vmem_shared>>
          tpu.enqueue_indirect_dma source(%arg8 : memref<128x128xf32, #tpu.memory_space<vmem>>) target(%dma_start3A_489 : memref<5632x128xf32, #tpu.memory_space<vmem_shared>>) offsets(%dma_start3A_486 : memref<128xi32, #tpu.memory_space<vmem>>) semaphore(%arg14 : memref<!tpu.dma_semaphore, #tpu.memory_space<semaphore_mem>>) {add = true}
        } else {
        }
        %jit3A_451 = arith.constant 2 : i32
        %eq3A_452 = arith.constant 0 : i32
        %eq3A_453 = arith.cmpi eq, %jit3A_451, %eq3A_452 : i32
        %jit3A_454 = arith.constant 1 : i32
        %select_n3A_455 = arith.select %eq3A_453, %jit3A_454, %jit3A_451 : i32
        %rem3A_456 = arith.remsi %scan3A_427, %select_n3A_455 : i32
        %ne3A_457 = arith.constant 0 : i32
        %ne3A_458 = arith.cmpi ne, %rem3A_456, %ne3A_457 : i32
        %lt3A_459 = arith.constant 0 : i32
        %lt3A_460 = arith.cmpi slt, %rem3A_456, %lt3A_459 : i32
        %lt3A_461 = arith.constant 0 : i32
        %lt3A_462 = arith.cmpi slt, %select_n3A_455, %lt3A_461 : i32
        %ne3A_463 = arith.xori %lt3A_460, %lt3A_462 : i1
        %and3A_464 = arith.andi %ne3A_463, %ne3A_458 : i1
        %add3A_465 = arith.addi %rem3A_456, %select_n3A_455 : i32
        %select_n3A_466 = arith.select %and3A_464, %add3A_465, %rem3A_456 : i32
        %eq3A_467 = arith.constant 1 : i32
        %eq3A_468 = arith.cmpi eq, %select_n3A_466, %eq3A_467 : i32
        %convert_element_type3A_469 = arith.extui %eq3A_468 : i1 to i32
        %cond3A_470 = arith.constant 0 : i32
        %cond3A_471 = arith.cmpi ne, %convert_element_type3A_469, %cond3A_470 : i32
        scf.if %cond3A_471 {
          %add3A_472 = arith.constant 1 : i32
          %add3A_473 = arith.addi %scan3A_427, %add3A_472 : i32
          %lt3A_474 = arith.cmpi slt, %add3A_473, %add3A_313 : i32
          %convert_element_type3A_475 = arith.extui %lt3A_474 : i1 to i32
          %cond3A_476 = arith.constant 0 : i32
          %cond3A_477 = arith.cmpi ne, %convert_element_type3A_475, %cond3A_476 : i32
          scf.if %cond3A_477 {
            %ge3A = arith.constant 1 : i32
            %ge3A_490 = arith.cmpi sge, %scan3A_427, %ge3A : i32
            %convert_element_type3A_491 = arith.extui %ge3A_490 : i1 to i32
            %cond3A_492 = arith.constant 0 : i32
            %cond3A_493 = arith.cmpi ne, %convert_element_type3A_491, %cond3A_492 : i32
            scf.if %cond3A_493 {
              %dma_wait3A_502 = arith.constant 0 : i32
              %dma_wait3A_503 = arith.constant 0 : i32
              %dma_wait3A_504 = tpu.memref_slice %arg2[%dma_wait3A_502, %dma_wait3A_503] : memref<10240x128xf32, #tpu.memory_space<hbm>> -> memref<128x128xf32, #tpu.memory_space<hbm>>
              %dma_wait3A_505 = arith.constant 0 : i32
              %dma_wait3A_506 = arith.constant 0 : i32
              %dma_wait3A_507 = tpu.memref_slice %arg2[%dma_wait3A_505, %dma_wait3A_506] : memref<10240x128xf32, #tpu.memory_space<hbm>> -> memref<128x128xf32, #tpu.memory_space<hbm>>
              tpu.wait_dma2 semaphore(%arg14 : memref<!tpu.dma_semaphore, #tpu.memory_space<semaphore_mem>>) src(%dma_wait3A_507 : memref<128x128xf32, #tpu.memory_space<hbm>>) dst(%arg8 : memref<128x128xf32, #tpu.memory_space<vmem>>)
            } else {
            }
            %add3A_494 = arith.constant 1 : i32
            %add3A_495 = arith.addi %scan3A_427, %add3A_494 : i32
            %mul3A_496 = arith.constant 128 : i32
            %mul3A_497 = arith.muli %add3A_495, %mul3A_496 : i32
            %dma_start3A_498 = tpu.memref_slice %arg6[%mul3A_497] : memref<20752xi32, #tpu.memory_space<vmem>> -> memref<128xi32, #tpu.memory_space<vmem>>
            %dma_start3A_499 = arith.constant 0 : i32
            %dma_start3A_500 = arith.constant 0 : i32
            %dma_start3A_501 = tpu.memref_slice %arg2[%dma_start3A_499, %dma_start3A_500] : memref<10240x128xf32, #tpu.memory_space<hbm>> -> memref<10240x128xf32, #tpu.memory_space<hbm>>
            tpu.enqueue_indirect_dma source(%dma_start3A_501 : memref<10240x128xf32, #tpu.memory_space<hbm>>) target(%arg8 : memref<128x128xf32, #tpu.memory_space<vmem>>) offsets(%dma_start3A_498 : memref<128xi32, #tpu.memory_space<vmem>>) semaphore(%arg12 : memref<!tpu.dma_semaphore, #tpu.memory_space<semaphore_mem>>)
          } else {
          }
          %dma_wait3A_478 = arith.constant 0 : i32
          %dma_wait3A_479 = arith.constant 0 : i32
          %dma_wait3A_480 = tpu.memref_slice %arg2[%dma_wait3A_478, %dma_wait3A_479] : memref<10240x128xf32, #tpu.memory_space<hbm>> -> memref<128x128xf32, #tpu.memory_space<hbm>>
          %dma_wait3A_481 = arith.constant 0 : i32
          %dma_wait3A_482 = arith.constant 0 : i32
          %dma_wait3A_483 = tpu.memref_slice %arg2[%dma_wait3A_481, %dma_wait3A_482] : memref<10240x128xf32, #tpu.memory_space<hbm>> -> memref<128x128xf32, #tpu.memory_space<hbm>>
          tpu.wait_dma2 semaphore(%arg13 : memref<!tpu.dma_semaphore, #tpu.memory_space<semaphore_mem>>) src(%dma_wait3A_483 : memref<128x128xf32, #tpu.memory_space<hbm>>) dst(%arg9 : memref<128x128xf32, #tpu.memory_space<vmem>>)
          %mul3A_484 = arith.constant 128 : i32
          %mul3A_485 = arith.muli %scan3A_427, %mul3A_484 : i32
          %dma_start3A_486 = tpu.memref_slice %arg7[%mul3A_485] : memref<20752xi32, #tpu.memory_space<vmem>> -> memref<128xi32, #tpu.memory_space<vmem>>
          %dma_start3A_487 = arith.constant 0 : i32
          %dma_start3A_488 = arith.constant 0 : i32
          %dma_start3A_489 = tpu.memref_slice %arg11[%dma_start3A_487, %dma_start3A_488] : memref<5632x128xf32, #tpu.memory_space<vmem_shared>> -> memref<5632x128xf32, #tpu.memory_space<vmem_shared>>
          tpu.enqueue_indirect_dma source(%arg9 : memref<128x128xf32, #tpu.memory_space<vmem>>) target(%dma_start3A_489 : memref<5632x128xf32, #tpu.memory_space<vmem_shared>>) offsets(%dma_start3A_486 : memref<128xi32, #tpu.memory_space<vmem>>) semaphore(%arg15 : memref<!tpu.dma_semaphore, #tpu.memory_space<semaphore_mem>>) {add = true}
        } else {
        }
      } else {
      }
      %scan3A_430 = arith.constant 0 : i32
      scf.yield %scan3A_430 : i32
    }
    %scan3A_324 = arith.constant 162 : i32
    %dma_wait3A = arith.constant 0 : i32
    %dma_wait3A_325 = arith.constant 0 : i32
    %dma_wait3A_326 = tpu.memref_slice %arg2[%dma_wait3A, %dma_wait3A_325] : memref<10240x128xf32, #tpu.memory_space<hbm>> -> memref<128x128xf32, #tpu.memory_space<hbm>>
    %dma_wait3A_327 = arith.constant 0 : i32
    %dma_wait3A_328 = arith.constant 0 : i32
    %dma_wait3A_329 = tpu.memref_slice %arg2[%dma_wait3A_327, %dma_wait3A_328] : memref<10240x128xf32, #tpu.memory_space<hbm>> -> memref<128x128xf32, #tpu.memory_space<hbm>>
    tpu.wait_dma2 semaphore(%arg14 : memref<!tpu.dma_semaphore, #tpu.memory_space<semaphore_mem>>) src(%dma_wait3A_329 : memref<128x128xf32, #tpu.memory_space<hbm>>) dst(%arg8 : memref<128x128xf32, #tpu.memory_space<vmem>>)
    %dma_wait3A_330 = arith.constant 0 : i32
    %dma_wait3A_331 = arith.constant 0 : i32
    %dma_wait3A_332 = tpu.memref_slice %arg2[%dma_wait3A_330, %dma_wait3A_331] : memref<10240x128xf32, #tpu.memory_space<hbm>> -> memref<128x128xf32, #tpu.memory_space<hbm>>
    %dma_wait3A_333 = arith.constant 0 : i32
    %dma_wait3A_334 = arith.constant 0 : i32
    %dma_wait3A_335 = tpu.memref_slice %arg2[%dma_wait3A_333, %dma_wait3A_334] : memref<10240x128xf32, #tpu.memory_space<hbm>> -> memref<128x128xf32, #tpu.memory_space<hbm>>
    tpu.wait_dma2 semaphore(%arg15 : memref<!tpu.dma_semaphore, #tpu.memory_space<semaphore_mem>>) src(%dma_wait3A_335 : memref<128x128xf32, #tpu.memory_space<hbm>>) dst(%arg9 : memref<128x128xf32, #tpu.memory_space<vmem>>)
    %barrier3A_336 = arith.constant 0 : index
    tpu.barrier barrier_id(%barrier3A_336)
    %mul3A_337 = arith.constant 320 : i32
    %mul3A_338 = arith.muli %arg1, %mul3A_337 : i32
    %add3A_339 = arith.constant 0 : i32
    %add3A_340 = arith.addi %mul3A_338, %add3A_339 : i32
    "tpu.region"() ({
      %run_scoped3A = tpu.sem_alloc : memref<!tpu.dma_semaphore, #tpu.memory_space<semaphore_mem>>
      %dma_start3A_427 = arith.constant 0 : i32
      %dma_start3A_428 = tpu.memref_slice %arg11[%add3A_340, %dma_start3A_427] : memref<5632x128xf32, #tpu.memory_space<vmem_shared>> -> memref<32x128xf32, #tpu.memory_space<vmem_shared>>
      %dma_start3A_429 = arith.constant 0 : i32
      %dma_start3A_430 = tpu.memref_slice %arg11[%add3A_340, %dma_start3A_429] : memref<5632x128xf32, #tpu.memory_space<vmem_shared>> -> memref<32x128xf32, #tpu.memory_space<vmem_shared>>
      tpu.enqueue_dma source(%dma_start3A_430 : memref<32x128xf32, #tpu.memory_space<vmem_shared>>) target(%arg10 : memref<32x128xf32, #tpu.memory_space<vmem>>) target_semaphore(%run_scoped3A : memref<!tpu.dma_semaphore, #tpu.memory_space<semaphore_mem>>)
      %dma_wait3A_431 = arith.constant 0 : i32
      %dma_wait3A_432 = tpu.memref_slice %arg11[%add3A_340, %dma_wait3A_431] : memref<5632x128xf32, #tpu.memory_space<vmem_shared>> -> memref<32x128xf32, #tpu.memory_space<vmem_shared>>
      %dma_wait3A_433 = arith.constant 0 : i32
      %dma_wait3A_434 = tpu.memref_slice %arg11[%add3A_340, %dma_wait3A_433] : memref<5632x128xf32, #tpu.memory_space<vmem_shared>> -> memref<32x128xf32, #tpu.memory_space<vmem_shared>>
      tpu.wait_dma2 semaphore(%run_scoped3A : memref<!tpu.dma_semaphore, #tpu.memory_space<semaphore_mem>>) src(%dma_wait3A_434 : memref<32x128xf32, #tpu.memory_space<vmem_shared>>) dst(%arg10 : memref<32x128xf32, #tpu.memory_space<vmem>>)
      tpu.yield
    }) : () -> ()
    %mul3A_341 = arith.constant 320 : i32
    %mul3A_342 = arith.muli %arg1, %mul3A_341 : i32
    %add3A_343 = arith.addi %mul3A_0, %mul3A_342 : i32
    %add3A_344 = arith.constant 0 : i32
    %add3A_345 = arith.addi %add3A_343, %add3A_344 : i32
    "tpu.region"() ({
      %run_scoped3A = tpu.sem_alloc : memref<!tpu.dma_semaphore, #tpu.memory_space<semaphore_mem>>
      %dma_start3A_427 = arith.constant 0 : i32
      %dma_start3A_428 = tpu.memref_slice %arg5[%add3A_345, %dma_start3A_427] : memref<10240x128xf32, #tpu.memory_space<hbm>> -> memref<32x128xf32, #tpu.memory_space<hbm>>
      %dma_start3A_429 = arith.constant 0 : i32
      %dma_start3A_430 = tpu.memref_slice %arg5[%add3A_345, %dma_start3A_429] : memref<10240x128xf32, #tpu.memory_space<hbm>> -> memref<32x128xf32, #tpu.memory_space<hbm>>
      tpu.enqueue_dma source(%arg10 : memref<32x128xf32, #tpu.memory_space<vmem>>) target(%dma_start3A_430 : memref<32x128xf32, #tpu.memory_space<hbm>>) target_semaphore(%run_scoped3A : memref<!tpu.dma_semaphore, #tpu.memory_space<semaphore_mem>>)
      %dma_wait3A_431 = arith.constant 0 : i32
      %dma_wait3A_432 = tpu.memref_slice %arg5[%add3A_345, %dma_wait3A_431] : memref<10240x128xf32, #tpu.memory_space<hbm>> -> memref<32x128xf32, #tpu.memory_space<hbm>>
      %dma_wait3A_433 = arith.constant 0 : i32
      %dma_wait3A_434 = tpu.memref_slice %arg5[%add3A_345, %dma_wait3A_433] : memref<10240x128xf32, #tpu.memory_space<hbm>> -> memref<32x128xf32, #tpu.memory_space<hbm>>
      tpu.wait_dma2 semaphore(%run_scoped3A : memref<!tpu.dma_semaphore, #tpu.memory_space<semaphore_mem>>) src(%arg10 : memref<32x128xf32, #tpu.memory_space<vmem>>) dst(%dma_wait3A_434 : memref<32x128xf32, #tpu.memory_space<hbm>>)
      tpu.yield
    }) : () -> ()
    %mul3A_346 = arith.constant 320 : i32
    %mul3A_347 = arith.muli %arg1, %mul3A_346 : i32
    %add3A_348 = arith.constant 32 : i32
    %add3A_349 = arith.addi %mul3A_347, %add3A_348 : i32
    "tpu.region"() ({
      %run_scoped3A = tpu.sem_alloc : memref<!tpu.dma_semaphore, #tpu.memory_space<semaphore_mem>>
      %dma_start3A_427 = arith.constant 0 : i32
      %dma_start3A_428 = tpu.memref_slice %arg11[%add3A_349, %dma_start3A_427] : memref<5632x128xf32, #tpu.memory_space<vmem_shared>> -> memref<32x128xf32, #tpu.memory_space<vmem_shared>>
      %dma_start3A_429 = arith.constant 0 : i32
      %dma_start3A_430 = tpu.memref_slice %arg11[%add3A_349, %dma_start3A_429] : memref<5632x128xf32, #tpu.memory_space<vmem_shared>> -> memref<32x128xf32, #tpu.memory_space<vmem_shared>>
      tpu.enqueue_dma source(%dma_start3A_430 : memref<32x128xf32, #tpu.memory_space<vmem_shared>>) target(%arg10 : memref<32x128xf32, #tpu.memory_space<vmem>>) target_semaphore(%run_scoped3A : memref<!tpu.dma_semaphore, #tpu.memory_space<semaphore_mem>>)
      %dma_wait3A_431 = arith.constant 0 : i32
      %dma_wait3A_432 = tpu.memref_slice %arg11[%add3A_349, %dma_wait3A_431] : memref<5632x128xf32, #tpu.memory_space<vmem_shared>> -> memref<32x128xf32, #tpu.memory_space<vmem_shared>>
      %dma_wait3A_433 = arith.constant 0 : i32
      %dma_wait3A_434 = tpu.memref_slice %arg11[%add3A_349, %dma_wait3A_433] : memref<5632x128xf32, #tpu.memory_space<vmem_shared>> -> memref<32x128xf32, #tpu.memory_space<vmem_shared>>
      tpu.wait_dma2 semaphore(%run_scoped3A : memref<!tpu.dma_semaphore, #tpu.memory_space<semaphore_mem>>) src(%dma_wait3A_434 : memref<32x128xf32, #tpu.memory_space<vmem_shared>>) dst(%arg10 : memref<32x128xf32, #tpu.memory_space<vmem>>)
      tpu.yield
    }) : () -> ()
    %mul3A_350 = arith.constant 320 : i32
    %mul3A_351 = arith.muli %arg1, %mul3A_350 : i32
    %add3A_352 = arith.addi %mul3A_0, %mul3A_351 : i32
    %add3A_353 = arith.constant 32 : i32
    %add3A_354 = arith.addi %add3A_352, %add3A_353 : i32
    "tpu.region"() ({
      %run_scoped3A = tpu.sem_alloc : memref<!tpu.dma_semaphore, #tpu.memory_space<semaphore_mem>>
      %dma_start3A_427 = arith.constant 0 : i32
      %dma_start3A_428 = tpu.memref_slice %arg5[%add3A_354, %dma_start3A_427] : memref<10240x128xf32, #tpu.memory_space<hbm>> -> memref<32x128xf32, #tpu.memory_space<hbm>>
      %dma_start3A_429 = arith.constant 0 : i32
      %dma_start3A_430 = tpu.memref_slice %arg5[%add3A_354, %dma_start3A_429] : memref<10240x128xf32, #tpu.memory_space<hbm>> -> memref<32x128xf32, #tpu.memory_space<hbm>>
      tpu.enqueue_dma source(%arg10 : memref<32x128xf32, #tpu.memory_space<vmem>>) target(%dma_start3A_430 : memref<32x128xf32, #tpu.memory_space<hbm>>) target_semaphore(%run_scoped3A : memref<!tpu.dma_semaphore, #tpu.memory_space<semaphore_mem>>)
      %dma_wait3A_431 = arith.constant 0 : i32
      %dma_wait3A_432 = tpu.memref_slice %arg5[%add3A_354, %dma_wait3A_431] : memref<10240x128xf32, #tpu.memory_space<hbm>> -> memref<32x128xf32, #tpu.memory_space<hbm>>
      %dma_wait3A_433 = arith.constant 0 : i32
      %dma_wait3A_434 = tpu.memref_slice %arg5[%add3A_354, %dma_wait3A_433] : memref<10240x128xf32, #tpu.memory_space<hbm>> -> memref<32x128xf32, #tpu.memory_space<hbm>>
      tpu.wait_dma2 semaphore(%run_scoped3A : memref<!tpu.dma_semaphore, #tpu.memory_space<semaphore_mem>>) src(%arg10 : memref<32x128xf32, #tpu.memory_space<vmem>>) dst(%dma_wait3A_434 : memref<32x128xf32, #tpu.memory_space<hbm>>)
      tpu.yield
    }) : () -> ()
    %mul3A_355 = arith.constant 320 : i32
    %mul3A_356 = arith.muli %arg1, %mul3A_355 : i32
    %add3A_357 = arith.constant 64 : i32
    %add3A_358 = arith.addi %mul3A_356, %add3A_357 : i32
    "tpu.region"() ({
      %run_scoped3A = tpu.sem_alloc : memref<!tpu.dma_semaphore, #tpu.memory_space<semaphore_mem>>
      %dma_start3A_427 = arith.constant 0 : i32
      %dma_start3A_428 = tpu.memref_slice %arg11[%add3A_358, %dma_start3A_427] : memref<5632x128xf32, #tpu.memory_space<vmem_shared>> -> memref<32x128xf32, #tpu.memory_space<vmem_shared>>
      %dma_start3A_429 = arith.constant 0 : i32
      %dma_start3A_430 = tpu.memref_slice %arg11[%add3A_358, %dma_start3A_429] : memref<5632x128xf32, #tpu.memory_space<vmem_shared>> -> memref<32x128xf32, #tpu.memory_space<vmem_shared>>
      tpu.enqueue_dma source(%dma_start3A_430 : memref<32x128xf32, #tpu.memory_space<vmem_shared>>) target(%arg10 : memref<32x128xf32, #tpu.memory_space<vmem>>) target_semaphore(%run_scoped3A : memref<!tpu.dma_semaphore, #tpu.memory_space<semaphore_mem>>)
      %dma_wait3A_431 = arith.constant 0 : i32
      %dma_wait3A_432 = tpu.memref_slice %arg11[%add3A_358, %dma_wait3A_431] : memref<5632x128xf32, #tpu.memory_space<vmem_shared>> -> memref<32x128xf32, #tpu.memory_space<vmem_shared>>
      %dma_wait3A_433 = arith.constant 0 : i32
      %dma_wait3A_434 = tpu.memref_slice %arg11[%add3A_358, %dma_wait3A_433] : memref<5632x128xf32, #tpu.memory_space<vmem_shared>> -> memref<32x128xf32, #tpu.memory_space<vmem_shared>>
      tpu.wait_dma2 semaphore(%run_scoped3A : memref<!tpu.dma_semaphore, #tpu.memory_space<semaphore_mem>>) src(%dma_wait3A_434 : memref<32x128xf32, #tpu.memory_space<vmem_shared>>) dst(%arg10 : memref<32x128xf32, #tpu.memory_space<vmem>>)
      tpu.yield
    }) : () -> ()
    %mul3A_359 = arith.constant 320 : i32
    %mul3A_360 = arith.muli %arg1, %mul3A_359 : i32
    %add3A_361 = arith.addi %mul3A_0, %mul3A_360 : i32
    %add3A_362 = arith.constant 64 : i32
    %add3A_363 = arith.addi %add3A_361, %add3A_362 : i32
    "tpu.region"() ({
      %run_scoped3A = tpu.sem_alloc : memref<!tpu.dma_semaphore, #tpu.memory_space<semaphore_mem>>
      %dma_start3A_427 = arith.constant 0 : i32
      %dma_start3A_428 = tpu.memref_slice %arg5[%add3A_363, %dma_start3A_427] : memref<10240x128xf32, #tpu.memory_space<hbm>> -> memref<32x128xf32, #tpu.memory_space<hbm>>
      %dma_start3A_429 = arith.constant 0 : i32
      %dma_start3A_430 = tpu.memref_slice %arg5[%add3A_363, %dma_start3A_429] : memref<10240x128xf32, #tpu.memory_space<hbm>> -> memref<32x128xf32, #tpu.memory_space<hbm>>
      tpu.enqueue_dma source(%arg10 : memref<32x128xf32, #tpu.memory_space<vmem>>) target(%dma_start3A_430 : memref<32x128xf32, #tpu.memory_space<hbm>>) target_semaphore(%run_scoped3A : memref<!tpu.dma_semaphore, #tpu.memory_space<semaphore_mem>>)
      %dma_wait3A_431 = arith.constant 0 : i32
      %dma_wait3A_432 = tpu.memref_slice %arg5[%add3A_363, %dma_wait3A_431] : memref<10240x128xf32, #tpu.memory_space<hbm>> -> memref<32x128xf32, #tpu.memory_space<hbm>>
      %dma_wait3A_433 = arith.constant 0 : i32
      %dma_wait3A_434 = tpu.memref_slice %arg5[%add3A_363, %dma_wait3A_433] : memref<10240x128xf32, #tpu.memory_space<hbm>> -> memref<32x128xf32, #tpu.memory_space<hbm>>
      tpu.wait_dma2 semaphore(%run_scoped3A : memref<!tpu.dma_semaphore, #tpu.memory_space<semaphore_mem>>) src(%arg10 : memref<32x128xf32, #tpu.memory_space<vmem>>) dst(%dma_wait3A_434 : memref<32x128xf32, #tpu.memory_space<hbm>>)
      tpu.yield
    }) : () -> ()
    %mul3A_364 = arith.constant 320 : i32
    %mul3A_365 = arith.muli %arg1, %mul3A_364 : i32
    %add3A_366 = arith.constant 96 : i32
    %add3A_367 = arith.addi %mul3A_365, %add3A_366 : i32
    "tpu.region"() ({
      %run_scoped3A = tpu.sem_alloc : memref<!tpu.dma_semaphore, #tpu.memory_space<semaphore_mem>>
      %dma_start3A_427 = arith.constant 0 : i32
      %dma_start3A_428 = tpu.memref_slice %arg11[%add3A_367, %dma_start3A_427] : memref<5632x128xf32, #tpu.memory_space<vmem_shared>> -> memref<32x128xf32, #tpu.memory_space<vmem_shared>>
      %dma_start3A_429 = arith.constant 0 : i32
      %dma_start3A_430 = tpu.memref_slice %arg11[%add3A_367, %dma_start3A_429] : memref<5632x128xf32, #tpu.memory_space<vmem_shared>> -> memref<32x128xf32, #tpu.memory_space<vmem_shared>>
      tpu.enqueue_dma source(%dma_start3A_430 : memref<32x128xf32, #tpu.memory_space<vmem_shared>>) target(%arg10 : memref<32x128xf32, #tpu.memory_space<vmem>>) target_semaphore(%run_scoped3A : memref<!tpu.dma_semaphore, #tpu.memory_space<semaphore_mem>>)
      %dma_wait3A_431 = arith.constant 0 : i32
      %dma_wait3A_432 = tpu.memref_slice %arg11[%add3A_367, %dma_wait3A_431] : memref<5632x128xf32, #tpu.memory_space<vmem_shared>> -> memref<32x128xf32, #tpu.memory_space<vmem_shared>>
      %dma_wait3A_433 = arith.constant 0 : i32
      %dma_wait3A_434 = tpu.memref_slice %arg11[%add3A_367, %dma_wait3A_433] : memref<5632x128xf32, #tpu.memory_space<vmem_shared>> -> memref<32x128xf32, #tpu.memory_space<vmem_shared>>
      tpu.wait_dma2 semaphore(%run_scoped3A : memref<!tpu.dma_semaphore, #tpu.memory_space<semaphore_mem>>) src(%dma_wait3A_434 : memref<32x128xf32, #tpu.memory_space<vmem_shared>>) dst(%arg10 : memref<32x128xf32, #tpu.memory_space<vmem>>)
      tpu.yield
    }) : () -> ()
    %mul3A_368 = arith.constant 320 : i32
    %mul3A_369 = arith.muli %arg1, %mul3A_368 : i32
    %add3A_370 = arith.addi %mul3A_0, %mul3A_369 : i32
    %add3A_371 = arith.constant 96 : i32
    %add3A_372 = arith.addi %add3A_370, %add3A_371 : i32
    "tpu.region"() ({
      %run_scoped3A = tpu.sem_alloc : memref<!tpu.dma_semaphore, #tpu.memory_space<semaphore_mem>>
      %dma_start3A_427 = arith.constant 0 : i32
      %dma_start3A_428 = tpu.memref_slice %arg5[%add3A_372, %dma_start3A_427] : memref<10240x128xf32, #tpu.memory_space<hbm>> -> memref<32x128xf32, #tpu.memory_space<hbm>>
      %dma_start3A_429 = arith.constant 0 : i32
      %dma_start3A_430 = tpu.memref_slice %arg5[%add3A_372, %dma_start3A_429] : memref<10240x128xf32, #tpu.memory_space<hbm>> -> memref<32x128xf32, #tpu.memory_space<hbm>>
      tpu.enqueue_dma source(%arg10 : memref<32x128xf32, #tpu.memory_space<vmem>>) target(%dma_start3A_430 : memref<32x128xf32, #tpu.memory_space<hbm>>) target_semaphore(%run_scoped3A : memref<!tpu.dma_semaphore, #tpu.memory_space<semaphore_mem>>)
      %dma_wait3A_431 = arith.constant 0 : i32
      %dma_wait3A_432 = tpu.memref_slice %arg5[%add3A_372, %dma_wait3A_431] : memref<10240x128xf32, #tpu.memory_space<hbm>> -> memref<32x128xf32, #tpu.memory_space<hbm>>
      %dma_wait3A_433 = arith.constant 0 : i32
      %dma_wait3A_434 = tpu.memref_slice %arg5[%add3A_372, %dma_wait3A_433] : memref<10240x128xf32, #tpu.memory_space<hbm>> -> memref<32x128xf32, #tpu.memory_space<hbm>>
      tpu.wait_dma2 semaphore(%run_scoped3A : memref<!tpu.dma_semaphore, #tpu.memory_space<semaphore_mem>>) src(%arg10 : memref<32x128xf32, #tpu.memory_space<vmem>>) dst(%dma_wait3A_434 : memref<32x128xf32, #tpu.memory_space<hbm>>)
      tpu.yield
    }) : () -> ()
    %mul3A_373 = arith.constant 320 : i32
    %mul3A_374 = arith.muli %arg1, %mul3A_373 : i32
    %add3A_375 = arith.constant 128 : i32
    %add3A_376 = arith.addi %mul3A_374, %add3A_375 : i32
    "tpu.region"() ({
      %run_scoped3A = tpu.sem_alloc : memref<!tpu.dma_semaphore, #tpu.memory_space<semaphore_mem>>
      %dma_start3A_427 = arith.constant 0 : i32
      %dma_start3A_428 = tpu.memref_slice %arg11[%add3A_376, %dma_start3A_427] : memref<5632x128xf32, #tpu.memory_space<vmem_shared>> -> memref<32x128xf32, #tpu.memory_space<vmem_shared>>
      %dma_start3A_429 = arith.constant 0 : i32
      %dma_start3A_430 = tpu.memref_slice %arg11[%add3A_376, %dma_start3A_429] : memref<5632x128xf32, #tpu.memory_space<vmem_shared>> -> memref<32x128xf32, #tpu.memory_space<vmem_shared>>
      tpu.enqueue_dma source(%dma_start3A_430 : memref<32x128xf32, #tpu.memory_space<vmem_shared>>) target(%arg10 : memref<32x128xf32, #tpu.memory_space<vmem>>) target_semaphore(%run_scoped3A : memref<!tpu.dma_semaphore, #tpu.memory_space<semaphore_mem>>)
      %dma_wait3A_431 = arith.constant 0 : i32
      %dma_wait3A_432 = tpu.memref_slice %arg11[%add3A_376, %dma_wait3A_431] : memref<5632x128xf32, #tpu.memory_space<vmem_shared>> -> memref<32x128xf32, #tpu.memory_space<vmem_shared>>
      %dma_wait3A_433 = arith.constant 0 : i32
      %dma_wait3A_434 = tpu.memref_slice %arg11[%add3A_376, %dma_wait3A_433] : memref<5632x128xf32, #tpu.memory_space<vmem_shared>> -> memref<32x128xf32, #tpu.memory_space<vmem_shared>>
      tpu.wait_dma2 semaphore(%run_scoped3A : memref<!tpu.dma_semaphore, #tpu.memory_space<semaphore_mem>>) src(%dma_wait3A_434 : memref<32x128xf32, #tpu.memory_space<vmem_shared>>) dst(%arg10 : memref<32x128xf32, #tpu.memory_space<vmem>>)
      tpu.yield
    }) : () -> ()
    %mul3A_377 = arith.constant 320 : i32
    %mul3A_378 = arith.muli %arg1, %mul3A_377 : i32
    %add3A_379 = arith.addi %mul3A_0, %mul3A_378 : i32
    %add3A_380 = arith.constant 128 : i32
    %add3A_381 = arith.addi %add3A_379, %add3A_380 : i32
    "tpu.region"() ({
      %run_scoped3A = tpu.sem_alloc : memref<!tpu.dma_semaphore, #tpu.memory_space<semaphore_mem>>
      %dma_start3A_427 = arith.constant 0 : i32
      %dma_start3A_428 = tpu.memref_slice %arg5[%add3A_381, %dma_start3A_427] : memref<10240x128xf32, #tpu.memory_space<hbm>> -> memref<32x128xf32, #tpu.memory_space<hbm>>
      %dma_start3A_429 = arith.constant 0 : i32
      %dma_start3A_430 = tpu.memref_slice %arg5[%add3A_381, %dma_start3A_429] : memref<10240x128xf32, #tpu.memory_space<hbm>> -> memref<32x128xf32, #tpu.memory_space<hbm>>
      tpu.enqueue_dma source(%arg10 : memref<32x128xf32, #tpu.memory_space<vmem>>) target(%dma_start3A_430 : memref<32x128xf32, #tpu.memory_space<hbm>>) target_semaphore(%run_scoped3A : memref<!tpu.dma_semaphore, #tpu.memory_space<semaphore_mem>>)
      %dma_wait3A_431 = arith.constant 0 : i32
      %dma_wait3A_432 = tpu.memref_slice %arg5[%add3A_381, %dma_wait3A_431] : memref<10240x128xf32, #tpu.memory_space<hbm>> -> memref<32x128xf32, #tpu.memory_space<hbm>>
      %dma_wait3A_433 = arith.constant 0 : i32
      %dma_wait3A_434 = tpu.memref_slice %arg5[%add3A_381, %dma_wait3A_433] : memref<10240x128xf32, #tpu.memory_space<hbm>> -> memref<32x128xf32, #tpu.memory_space<hbm>>
      tpu.wait_dma2 semaphore(%run_scoped3A : memref<!tpu.dma_semaphore, #tpu.memory_space<semaphore_mem>>) src(%arg10 : memref<32x128xf32, #tpu.memory_space<vmem>>) dst(%dma_wait3A_434 : memref<32x128xf32, #tpu.memory_space<hbm>>)
      tpu.yield
    }) : () -> ()
    %mul3A_382 = arith.constant 320 : i32
    %mul3A_383 = arith.muli %arg1, %mul3A_382 : i32
    %add3A_384 = arith.constant 160 : i32
    %add3A_385 = arith.addi %mul3A_383, %add3A_384 : i32
    "tpu.region"() ({
      %run_scoped3A = tpu.sem_alloc : memref<!tpu.dma_semaphore, #tpu.memory_space<semaphore_mem>>
      %dma_start3A_427 = arith.constant 0 : i32
      %dma_start3A_428 = tpu.memref_slice %arg11[%add3A_385, %dma_start3A_427] : memref<5632x128xf32, #tpu.memory_space<vmem_shared>> -> memref<32x128xf32, #tpu.memory_space<vmem_shared>>
      %dma_start3A_429 = arith.constant 0 : i32
      %dma_start3A_430 = tpu.memref_slice %arg11[%add3A_385, %dma_start3A_429] : memref<5632x128xf32, #tpu.memory_space<vmem_shared>> -> memref<32x128xf32, #tpu.memory_space<vmem_shared>>
      tpu.enqueue_dma source(%dma_start3A_430 : memref<32x128xf32, #tpu.memory_space<vmem_shared>>) target(%arg10 : memref<32x128xf32, #tpu.memory_space<vmem>>) target_semaphore(%run_scoped3A : memref<!tpu.dma_semaphore, #tpu.memory_space<semaphore_mem>>)
      %dma_wait3A_431 = arith.constant 0 : i32
      %dma_wait3A_432 = tpu.memref_slice %arg11[%add3A_385, %dma_wait3A_431] : memref<5632x128xf32, #tpu.memory_space<vmem_shared>> -> memref<32x128xf32, #tpu.memory_space<vmem_shared>>
      %dma_wait3A_433 = arith.constant 0 : i32
      %dma_wait3A_434 = tpu.memref_slice %arg11[%add3A_385, %dma_wait3A_433] : memref<5632x128xf32, #tpu.memory_space<vmem_shared>> -> memref<32x128xf32, #tpu.memory_space<vmem_shared>>
      tpu.wait_dma2 semaphore(%run_scoped3A : memref<!tpu.dma_semaphore, #tpu.memory_space<semaphore_mem>>) src(%dma_wait3A_434 : memref<32x128xf32, #tpu.memory_space<vmem_shared>>) dst(%arg10 : memref<32x128xf32, #tpu.memory_space<vmem>>)
      tpu.yield
    }) : () -> ()
    %mul3A_386 = arith.constant 320 : i32
    %mul3A_387 = arith.muli %arg1, %mul3A_386 : i32
    %add3A_388 = arith.addi %mul3A_0, %mul3A_387 : i32
    %add3A_389 = arith.constant 160 : i32
    %add3A_390 = arith.addi %add3A_388, %add3A_389 : i32
    "tpu.region"() ({
      %run_scoped3A = tpu.sem_alloc : memref<!tpu.dma_semaphore, #tpu.memory_space<semaphore_mem>>
      %dma_start3A_427 = arith.constant 0 : i32
      %dma_start3A_428 = tpu.memref_slice %arg5[%add3A_390, %dma_start3A_427] : memref<10240x128xf32, #tpu.memory_space<hbm>> -> memref<32x128xf32, #tpu.memory_space<hbm>>
      %dma_start3A_429 = arith.constant 0 : i32
      %dma_start3A_430 = tpu.memref_slice %arg5[%add3A_390, %dma_start3A_429] : memref<10240x128xf32, #tpu.memory_space<hbm>> -> memref<32x128xf32, #tpu.memory_space<hbm>>
      tpu.enqueue_dma source(%arg10 : memref<32x128xf32, #tpu.memory_space<vmem>>) target(%dma_start3A_430 : memref<32x128xf32, #tpu.memory_space<hbm>>) target_semaphore(%run_scoped3A : memref<!tpu.dma_semaphore, #tpu.memory_space<semaphore_mem>>)
      %dma_wait3A_431 = arith.constant 0 : i32
      %dma_wait3A_432 = tpu.memref_slice %arg5[%add3A_390, %dma_wait3A_431] : memref<10240x128xf32, #tpu.memory_space<hbm>> -> memref<32x128xf32, #tpu.memory_space<hbm>>
      %dma_wait3A_433 = arith.constant 0 : i32
      %dma_wait3A_434 = tpu.memref_slice %arg5[%add3A_390, %dma_wait3A_433] : memref<10240x128xf32, #tpu.memory_space<hbm>> -> memref<32x128xf32, #tpu.memory_space<hbm>>
      tpu.wait_dma2 semaphore(%run_scoped3A : memref<!tpu.dma_semaphore, #tpu.memory_space<semaphore_mem>>) src(%arg10 : memref<32x128xf32, #tpu.memory_space<vmem>>) dst(%dma_wait3A_434 : memref<32x128xf32, #tpu.memory_space<hbm>>)
      tpu.yield
    }) : () -> ()
    %mul3A_391 = arith.constant 320 : i32
    %mul3A_392 = arith.muli %arg1, %mul3A_391 : i32
    %add3A_393 = arith.constant 192 : i32
    %add3A_394 = arith.addi %mul3A_392, %add3A_393 : i32
    "tpu.region"() ({
      %run_scoped3A = tpu.sem_alloc : memref<!tpu.dma_semaphore, #tpu.memory_space<semaphore_mem>>
      %dma_start3A_427 = arith.constant 0 : i32
      %dma_start3A_428 = tpu.memref_slice %arg11[%add3A_394, %dma_start3A_427] : memref<5632x128xf32, #tpu.memory_space<vmem_shared>> -> memref<32x128xf32, #tpu.memory_space<vmem_shared>>
      %dma_start3A_429 = arith.constant 0 : i32
      %dma_start3A_430 = tpu.memref_slice %arg11[%add3A_394, %dma_start3A_429] : memref<5632x128xf32, #tpu.memory_space<vmem_shared>> -> memref<32x128xf32, #tpu.memory_space<vmem_shared>>
      tpu.enqueue_dma source(%dma_start3A_430 : memref<32x128xf32, #tpu.memory_space<vmem_shared>>) target(%arg10 : memref<32x128xf32, #tpu.memory_space<vmem>>) target_semaphore(%run_scoped3A : memref<!tpu.dma_semaphore, #tpu.memory_space<semaphore_mem>>)
      %dma_wait3A_431 = arith.constant 0 : i32
      %dma_wait3A_432 = tpu.memref_slice %arg11[%add3A_394, %dma_wait3A_431] : memref<5632x128xf32, #tpu.memory_space<vmem_shared>> -> memref<32x128xf32, #tpu.memory_space<vmem_shared>>
      %dma_wait3A_433 = arith.constant 0 : i32
      %dma_wait3A_434 = tpu.memref_slice %arg11[%add3A_394, %dma_wait3A_433] : memref<5632x128xf32, #tpu.memory_space<vmem_shared>> -> memref<32x128xf32, #tpu.memory_space<vmem_shared>>
      tpu.wait_dma2 semaphore(%run_scoped3A : memref<!tpu.dma_semaphore, #tpu.memory_space<semaphore_mem>>) src(%dma_wait3A_434 : memref<32x128xf32, #tpu.memory_space<vmem_shared>>) dst(%arg10 : memref<32x128xf32, #tpu.memory_space<vmem>>)
      tpu.yield
    }) : () -> ()
    %mul3A_395 = arith.constant 320 : i32
    %mul3A_396 = arith.muli %arg1, %mul3A_395 : i32
    %add3A_397 = arith.addi %mul3A_0, %mul3A_396 : i32
    %add3A_398 = arith.constant 192 : i32
    %add3A_399 = arith.addi %add3A_397, %add3A_398 : i32
    "tpu.region"() ({
      %run_scoped3A = tpu.sem_alloc : memref<!tpu.dma_semaphore, #tpu.memory_space<semaphore_mem>>
      %dma_start3A_427 = arith.constant 0 : i32
      %dma_start3A_428 = tpu.memref_slice %arg5[%add3A_399, %dma_start3A_427] : memref<10240x128xf32, #tpu.memory_space<hbm>> -> memref<32x128xf32, #tpu.memory_space<hbm>>
      %dma_start3A_429 = arith.constant 0 : i32
      %dma_start3A_430 = tpu.memref_slice %arg5[%add3A_399, %dma_start3A_429] : memref<10240x128xf32, #tpu.memory_space<hbm>> -> memref<32x128xf32, #tpu.memory_space<hbm>>
      tpu.enqueue_dma source(%arg10 : memref<32x128xf32, #tpu.memory_space<vmem>>) target(%dma_start3A_430 : memref<32x128xf32, #tpu.memory_space<hbm>>) target_semaphore(%run_scoped3A : memref<!tpu.dma_semaphore, #tpu.memory_space<semaphore_mem>>)
      %dma_wait3A_431 = arith.constant 0 : i32
      %dma_wait3A_432 = tpu.memref_slice %arg5[%add3A_399, %dma_wait3A_431] : memref<10240x128xf32, #tpu.memory_space<hbm>> -> memref<32x128xf32, #tpu.memory_space<hbm>>
      %dma_wait3A_433 = arith.constant 0 : i32
      %dma_wait3A_434 = tpu.memref_slice %arg5[%add3A_399, %dma_wait3A_433] : memref<10240x128xf32, #tpu.memory_space<hbm>> -> memref<32x128xf32, #tpu.memory_space<hbm>>
      tpu.wait_dma2 semaphore(%run_scoped3A : memref<!tpu.dma_semaphore, #tpu.memory_space<semaphore_mem>>) src(%arg10 : memref<32x128xf32, #tpu.memory_space<vmem>>) dst(%dma_wait3A_434 : memref<32x128xf32, #tpu.memory_space<hbm>>)
      tpu.yield
    }) : () -> ()
    %mul3A_400 = arith.constant 320 : i32
    %mul3A_401 = arith.muli %arg1, %mul3A_400 : i32
    %add3A_402 = arith.constant 224 : i32
    %add3A_403 = arith.addi %mul3A_401, %add3A_402 : i32
    "tpu.region"() ({
      %run_scoped3A = tpu.sem_alloc : memref<!tpu.dma_semaphore, #tpu.memory_space<semaphore_mem>>
      %dma_start3A_427 = arith.constant 0 : i32
      %dma_start3A_428 = tpu.memref_slice %arg11[%add3A_403, %dma_start3A_427] : memref<5632x128xf32, #tpu.memory_space<vmem_shared>> -> memref<32x128xf32, #tpu.memory_space<vmem_shared>>
      %dma_start3A_429 = arith.constant 0 : i32
      %dma_start3A_430 = tpu.memref_slice %arg11[%add3A_403, %dma_start3A_429] : memref<5632x128xf32, #tpu.memory_space<vmem_shared>> -> memref<32x128xf32, #tpu.memory_space<vmem_shared>>
      tpu.enqueue_dma source(%dma_start3A_430 : memref<32x128xf32, #tpu.memory_space<vmem_shared>>) target(%arg10 : memref<32x128xf32, #tpu.memory_space<vmem>>) target_semaphore(%run_scoped3A : memref<!tpu.dma_semaphore, #tpu.memory_space<semaphore_mem>>)
      %dma_wait3A_431 = arith.constant 0 : i32
      %dma_wait3A_432 = tpu.memref_slice %arg11[%add3A_403, %dma_wait3A_431] : memref<5632x128xf32, #tpu.memory_space<vmem_shared>> -> memref<32x128xf32, #tpu.memory_space<vmem_shared>>
      %dma_wait3A_433 = arith.constant 0 : i32
      %dma_wait3A_434 = tpu.memref_slice %arg11[%add3A_403, %dma_wait3A_433] : memref<5632x128xf32, #tpu.memory_space<vmem_shared>> -> memref<32x128xf32, #tpu.memory_space<vmem_shared>>
      tpu.wait_dma2 semaphore(%run_scoped3A : memref<!tpu.dma_semaphore, #tpu.memory_space<semaphore_mem>>) src(%dma_wait3A_434 : memref<32x128xf32, #tpu.memory_space<vmem_shared>>) dst(%arg10 : memref<32x128xf32, #tpu.memory_space<vmem>>)
      tpu.yield
    }) : () -> ()
    %mul3A_404 = arith.constant 320 : i32
    %mul3A_405 = arith.muli %arg1, %mul3A_404 : i32
    %add3A_406 = arith.addi %mul3A_0, %mul3A_405 : i32
    %add3A_407 = arith.constant 224 : i32
    %add3A_408 = arith.addi %add3A_406, %add3A_407 : i32
    "tpu.region"() ({
      %run_scoped3A = tpu.sem_alloc : memref<!tpu.dma_semaphore, #tpu.memory_space<semaphore_mem>>
      %dma_start3A_427 = arith.constant 0 : i32
      %dma_start3A_428 = tpu.memref_slice %arg5[%add3A_408, %dma_start3A_427] : memref<10240x128xf32, #tpu.memory_space<hbm>> -> memref<32x128xf32, #tpu.memory_space<hbm>>
      %dma_start3A_429 = arith.constant 0 : i32
      %dma_start3A_430 = tpu.memref_slice %arg5[%add3A_408, %dma_start3A_429] : memref<10240x128xf32, #tpu.memory_space<hbm>> -> memref<32x128xf32, #tpu.memory_space<hbm>>
      tpu.enqueue_dma source(%arg10 : memref<32x128xf32, #tpu.memory_space<vmem>>) target(%dma_start3A_430 : memref<32x128xf32, #tpu.memory_space<hbm>>) target_semaphore(%run_scoped3A : memref<!tpu.dma_semaphore, #tpu.memory_space<semaphore_mem>>)
      %dma_wait3A_431 = arith.constant 0 : i32
      %dma_wait3A_432 = tpu.memref_slice %arg5[%add3A_408, %dma_wait3A_431] : memref<10240x128xf32, #tpu.memory_space<hbm>> -> memref<32x128xf32, #tpu.memory_space<hbm>>
      %dma_wait3A_433 = arith.constant 0 : i32
      %dma_wait3A_434 = tpu.memref_slice %arg5[%add3A_408, %dma_wait3A_433] : memref<10240x128xf32, #tpu.memory_space<hbm>> -> memref<32x128xf32, #tpu.memory_space<hbm>>
      tpu.wait_dma2 semaphore(%run_scoped3A : memref<!tpu.dma_semaphore, #tpu.memory_space<semaphore_mem>>) src(%arg10 : memref<32x128xf32, #tpu.memory_space<vmem>>) dst(%dma_wait3A_434 : memref<32x128xf32, #tpu.memory_space<hbm>>)
      tpu.yield
    }) : () -> ()
    %mul3A_409 = arith.constant 320 : i32
    %mul3A_410 = arith.muli %arg1, %mul3A_409 : i32
    %add3A_411 = arith.constant 256 : i32
    %add3A_412 = arith.addi %mul3A_410, %add3A_411 : i32
    "tpu.region"() ({
      %run_scoped3A = tpu.sem_alloc : memref<!tpu.dma_semaphore, #tpu.memory_space<semaphore_mem>>
      %dma_start3A_427 = arith.constant 0 : i32
      %dma_start3A_428 = tpu.memref_slice %arg11[%add3A_412, %dma_start3A_427] : memref<5632x128xf32, #tpu.memory_space<vmem_shared>> -> memref<32x128xf32, #tpu.memory_space<vmem_shared>>
      %dma_start3A_429 = arith.constant 0 : i32
      %dma_start3A_430 = tpu.memref_slice %arg11[%add3A_412, %dma_start3A_429] : memref<5632x128xf32, #tpu.memory_space<vmem_shared>> -> memref<32x128xf32, #tpu.memory_space<vmem_shared>>
      tpu.enqueue_dma source(%dma_start3A_430 : memref<32x128xf32, #tpu.memory_space<vmem_shared>>) target(%arg10 : memref<32x128xf32, #tpu.memory_space<vmem>>) target_semaphore(%run_scoped3A : memref<!tpu.dma_semaphore, #tpu.memory_space<semaphore_mem>>)
      %dma_wait3A_431 = arith.constant 0 : i32
      %dma_wait3A_432 = tpu.memref_slice %arg11[%add3A_412, %dma_wait3A_431] : memref<5632x128xf32, #tpu.memory_space<vmem_shared>> -> memref<32x128xf32, #tpu.memory_space<vmem_shared>>
      %dma_wait3A_433 = arith.constant 0 : i32
      %dma_wait3A_434 = tpu.memref_slice %arg11[%add3A_412, %dma_wait3A_433] : memref<5632x128xf32, #tpu.memory_space<vmem_shared>> -> memref<32x128xf32, #tpu.memory_space<vmem_shared>>
      tpu.wait_dma2 semaphore(%run_scoped3A : memref<!tpu.dma_semaphore, #tpu.memory_space<semaphore_mem>>) src(%dma_wait3A_434 : memref<32x128xf32, #tpu.memory_space<vmem_shared>>) dst(%arg10 : memref<32x128xf32, #tpu.memory_space<vmem>>)
      tpu.yield
    }) : () -> ()
    %mul3A_413 = arith.constant 320 : i32
    %mul3A_414 = arith.muli %arg1, %mul3A_413 : i32
    %add3A_415 = arith.addi %mul3A_0, %mul3A_414 : i32
    %add3A_416 = arith.constant 256 : i32
    %add3A_417 = arith.addi %add3A_415, %add3A_416 : i32
    "tpu.region"() ({
      %run_scoped3A = tpu.sem_alloc : memref<!tpu.dma_semaphore, #tpu.memory_space<semaphore_mem>>
      %dma_start3A_427 = arith.constant 0 : i32
      %dma_start3A_428 = tpu.memref_slice %arg5[%add3A_417, %dma_start3A_427] : memref<10240x128xf32, #tpu.memory_space<hbm>> -> memref<32x128xf32, #tpu.memory_space<hbm>>
      %dma_start3A_429 = arith.constant 0 : i32
      %dma_start3A_430 = tpu.memref_slice %arg5[%add3A_417, %dma_start3A_429] : memref<10240x128xf32, #tpu.memory_space<hbm>> -> memref<32x128xf32, #tpu.memory_space<hbm>>
      tpu.enqueue_dma source(%arg10 : memref<32x128xf32, #tpu.memory_space<vmem>>) target(%dma_start3A_430 : memref<32x128xf32, #tpu.memory_space<hbm>>) target_semaphore(%run_scoped3A : memref<!tpu.dma_semaphore, #tpu.memory_space<semaphore_mem>>)
      %dma_wait3A_431 = arith.constant 0 : i32
      %dma_wait3A_432 = tpu.memref_slice %arg5[%add3A_417, %dma_wait3A_431] : memref<10240x128xf32, #tpu.memory_space<hbm>> -> memref<32x128xf32, #tpu.memory_space<hbm>>
      %dma_wait3A_433 = arith.constant 0 : i32
      %dma_wait3A_434 = tpu.memref_slice %arg5[%add3A_417, %dma_wait3A_433] : memref<10240x128xf32, #tpu.memory_space<hbm>> -> memref<32x128xf32, #tpu.memory_space<hbm>>
      tpu.wait_dma2 semaphore(%run_scoped3A : memref<!tpu.dma_semaphore, #tpu.memory_space<semaphore_mem>>) src(%arg10 : memref<32x128xf32, #tpu.memory_space<vmem>>) dst(%dma_wait3A_434 : memref<32x128xf32, #tpu.memory_space<hbm>>)
      tpu.yield
    }) : () -> ()
    %mul3A_418 = arith.constant 320 : i32
    %mul3A_419 = arith.muli %arg1, %mul3A_418 : i32
    %add3A_420 = arith.constant 288 : i32
    %add3A_421 = arith.addi %mul3A_419, %add3A_420 : i32
    "tpu.region"() ({
      %run_scoped3A = tpu.sem_alloc : memref<!tpu.dma_semaphore, #tpu.memory_space<semaphore_mem>>
      %dma_start3A_427 = arith.constant 0 : i32
      %dma_start3A_428 = tpu.memref_slice %arg11[%add3A_421, %dma_start3A_427] : memref<5632x128xf32, #tpu.memory_space<vmem_shared>> -> memref<32x128xf32, #tpu.memory_space<vmem_shared>>
      %dma_start3A_429 = arith.constant 0 : i32
      %dma_start3A_430 = tpu.memref_slice %arg11[%add3A_421, %dma_start3A_429] : memref<5632x128xf32, #tpu.memory_space<vmem_shared>> -> memref<32x128xf32, #tpu.memory_space<vmem_shared>>
      tpu.enqueue_dma source(%dma_start3A_430 : memref<32x128xf32, #tpu.memory_space<vmem_shared>>) target(%arg10 : memref<32x128xf32, #tpu.memory_space<vmem>>) target_semaphore(%run_scoped3A : memref<!tpu.dma_semaphore, #tpu.memory_space<semaphore_mem>>)
      %dma_wait3A_431 = arith.constant 0 : i32
      %dma_wait3A_432 = tpu.memref_slice %arg11[%add3A_421, %dma_wait3A_431] : memref<5632x128xf32, #tpu.memory_space<vmem_shared>> -> memref<32x128xf32, #tpu.memory_space<vmem_shared>>
      %dma_wait3A_433 = arith.constant 0 : i32
      %dma_wait3A_434 = tpu.memref_slice %arg11[%add3A_421, %dma_wait3A_433] : memref<5632x128xf32, #tpu.memory_space<vmem_shared>> -> memref<32x128xf32, #tpu.memory_space<vmem_shared>>
      tpu.wait_dma2 semaphore(%run_scoped3A : memref<!tpu.dma_semaphore, #tpu.memory_space<semaphore_mem>>) src(%dma_wait3A_434 : memref<32x128xf32, #tpu.memory_space<vmem_shared>>) dst(%arg10 : memref<32x128xf32, #tpu.memory_space<vmem>>)
      tpu.yield
    }) : () -> ()
    %mul3A_422 = arith.constant 320 : i32
    %mul3A_423 = arith.muli %arg1, %mul3A_422 : i32
    %add3A_424 = arith.addi %mul3A_0, %mul3A_423 : i32
    %add3A_425 = arith.constant 288 : i32
    %add3A_426 = arith.addi %add3A_424, %add3A_425 : i32
    "tpu.region"() ({
      %run_scoped3A = tpu.sem_alloc : memref<!tpu.dma_semaphore, #tpu.memory_space<semaphore_mem>>
      %dma_start3A_427 = arith.constant 0 : i32
      %dma_start3A_428 = tpu.memref_slice %arg5[%add3A_426, %dma_start3A_427] : memref<10240x128xf32, #tpu.memory_space<hbm>> -> memref<32x128xf32, #tpu.memory_space<hbm>>
      %dma_start3A_429 = arith.constant 0 : i32
      %dma_start3A_430 = tpu.memref_slice %arg5[%add3A_426, %dma_start3A_429] : memref<10240x128xf32, #tpu.memory_space<hbm>> -> memref<32x128xf32, #tpu.memory_space<hbm>>
      tpu.enqueue_dma source(%arg10 : memref<32x128xf32, #tpu.memory_space<vmem>>) target(%dma_start3A_430 : memref<32x128xf32, #tpu.memory_space<hbm>>) target_semaphore(%run_scoped3A : memref<!tpu.dma_semaphore, #tpu.memory_space<semaphore_mem>>)
      %dma_wait3A_431 = arith.constant 0 : i32
      %dma_wait3A_432 = tpu.memref_slice %arg5[%add3A_426, %dma_wait3A_431] : memref<10240x128xf32, #tpu.memory_space<hbm>> -> memref<32x128xf32, #tpu.memory_space<hbm>>
      %dma_wait3A_433 = arith.constant 0 : i32
      %dma_wait3A_434 = tpu.memref_slice %arg5[%add3A_426, %dma_wait3A_433] : memref<10240x128xf32, #tpu.memory_space<hbm>> -> memref<32x128xf32, #tpu.memory_space<hbm>>
      tpu.wait_dma2 semaphore(%run_scoped3A : memref<!tpu.dma_semaphore, #tpu.memory_space<semaphore_mem>>) src(%arg10 : memref<32x128xf32, #tpu.memory_space<vmem>>) dst(%dma_wait3A_434 : memref<32x128xf32, #tpu.memory_space<hbm>>)
      tpu.yield
    }) : () -> ()
    return
  }
}

module attributes {stable_mosaic.version = 14 : i64} {
  func.func @_tc_layer1(%arg0: i32, %arg1: memref<1024x128xf32, #tpu.memory_space<vmem>>, %arg2: memref<1024x128xf32, #tpu.memory_space<vmem>>, %arg3: memref<1024x1xf32, #tpu.memory_space<vmem>>, %arg4: memref<128x128xf32, #tpu.memory_space<vmem>>, %arg5: memref<128x128xf32, #tpu.memory_space<vmem>>, %arg6: memref<1x128xf32, #tpu.memory_space<vmem>>, %arg7: memref<1024x128xf32, #tpu.memory_space<vmem>>) attributes {dimension_semantics = [#tpu.dimension_semantics<arbitrary>], iteration_bounds = array<i64: 10>, scalar_prefetch = 0 : i64, scratch_operands = 0 : i64, tpu.core_type = #tpu.core_type<tc>, window_params = [{transform_indices = @transform_0, window_bounds = array<i64: 1024, 128>}, {transform_indices = @transform_1, window_bounds = array<i64: 1024, 128>}, {transform_indices = @transform_2, window_bounds = array<i64: 1024, 1>}, {pipeline_mode = #tpu.pipeline_mode<synchronous>, transform_indices = @transform_3, window_bounds = array<i64: 128, 128>}, {pipeline_mode = #tpu.pipeline_mode<synchronous>, transform_indices = @transform_4, window_bounds = array<i64: 128, 128>}, {pipeline_mode = #tpu.pipeline_mode<synchronous>, transform_indices = @transform_5, window_bounds = array<i64: 1, 128>}, {transform_indices = @transform_6, window_bounds = array<i64: 1024, 128>}]} {
    %get3A = arith.constant 0 : index
    %get3A_0 = arith.constant 0 : index
    %get3A_1 = vector.load %arg3[%get3A, %get3A_0] : memref<1024x1xf32, #tpu.memory_space<vmem>>, vector<1024x1xf32>
    %max3A = arith.constant 1.000000e+00 : f32
    %max3A_2 = vector.broadcast %max3A : f32 to vector<1024x1xf32>
    %max3A_3 = arith.maximumf %get3A_1, %max3A_2 : vector<1024x1xf32>
    %div3A = arith.constant 1.000000e+00 : f32
    %div3A_4 = vector.broadcast %div3A : f32 to vector<1024x1xf32>
    %div3A_5 = arith.divf %div3A_4, %max3A_3 : vector<1024x1xf32>
    %get3A_6 = arith.constant 0 : index
    %get3A_7 = arith.constant 0 : index
    %get3A_8 = vector.load %arg1[%get3A_6, %get3A_7] : memref<1024x128xf32, #tpu.memory_space<vmem>>, vector<1024x128xf32>
    %get3A_9 = arith.constant 0 : index
    %get3A_10 = arith.constant 0 : index
    %get3A_11 = vector.load %arg4[%get3A_9, %get3A_10] : memref<128x128xf32, #tpu.memory_space<vmem>>, vector<128x128xf32>
    %dot_general3A = arith.constant dense<0.000000e+00> : vector<1024x128xf32>
    %dot_general3A_12 = tpu.matmul %get3A_8, %get3A_11, %dot_general3A {dimension_numbers = #tpu.dot_dimension_numbers<[1], [0], [0], [1], [0, 0, 1, 1], [], []>, transpose_lhs_hint = false} : vector<1024x128xf32>, vector<128x128xf32>, vector<1024x128xf32> -> vector<1024x128xf32>
    %get3A_13 = arith.constant 0 : index
    %get3A_14 = arith.constant 0 : index
    %get3A_15 = vector.load %arg2[%get3A_13, %get3A_14] : memref<1024x128xf32, #tpu.memory_space<vmem>>, vector<1024x128xf32>
    %mul3A = vector.broadcast %div3A_5 : vector<1024x1xf32> to vector<1024x128xf32>
    %mul3A_16 = arith.mulf %get3A_15, %mul3A : vector<1024x128xf32>
    %get3A_17 = arith.constant 0 : index
    %get3A_18 = arith.constant 0 : index
    %get3A_19 = vector.load %arg5[%get3A_17, %get3A_18] : memref<128x128xf32, #tpu.memory_space<vmem>>, vector<128x128xf32>
    %dot_general3A_20 = arith.constant dense<0.000000e+00> : vector<1024x128xf32>
    %dot_general3A_21 = tpu.matmul %mul3A_16, %get3A_19, %dot_general3A_20 {dimension_numbers = #tpu.dot_dimension_numbers<[1], [0], [0], [1], [0, 0, 1, 1], [], []>, transpose_lhs_hint = false} : vector<1024x128xf32>, vector<128x128xf32>, vector<1024x128xf32> -> vector<1024x128xf32>
    %add3A = arith.addf %dot_general3A_12, %dot_general3A_21 : vector<1024x128xf32>
    %get3A_22 = arith.constant 0 : index
    %get3A_23 = arith.constant 0 : index
    %get3A_24 = vector.load %arg6[%get3A_22, %get3A_23] : memref<1x128xf32, #tpu.memory_space<vmem>>, vector<1x128xf32>
    %add3A_25 = vector.broadcast %get3A_24 : vector<1x128xf32> to vector<1024x128xf32>
    %add3A_26 = arith.addf %add3A, %add3A_25 : vector<1024x128xf32>
    %max3A_27 = arith.constant 0.000000e+00 : f32
    %max3A_28 = vector.broadcast %max3A_27 : f32 to vector<1024x128xf32>
    %max3A_29 = arith.maximumf %add3A_26, %max3A_28 : vector<1024x128xf32>
    %swap3A = arith.constant 0 : index
    %swap3A_30 = arith.constant 0 : index
    %swap3A_31 = vector.load %arg7[%swap3A, %swap3A_30] : memref<1024x128xf32, #tpu.memory_space<vmem>>, vector<1024x128xf32>
    tpu.vector_store %arg7[%swap3A, %swap3A_30], %max3A_29 {strides = array<i32>} : memref<1024x128xf32, #tpu.memory_space<vmem>>, vector<1024x128xf32>,
    return
  }
  func.func @transform_0(%arg0: i32) -> (i32, i32) {
    %c0_i32 = arith.constant 0 : i32
    %c0_i32_0 = arith.constant 0 : i32
    return %arg0, %c0_i32 : i32, i32
  }
  func.func @transform_1(%arg0: i32) -> (i32, i32) {
    %c0_i32 = arith.constant 0 : i32
    %c0_i32_0 = arith.constant 0 : i32
    return %arg0, %c0_i32 : i32, i32
  }
  func.func @transform_2(%arg0: i32) -> (i32, i32) {
    %c0_i32 = arith.constant 0 : i32
    %c0_i32_0 = arith.constant 0 : i32
    return %arg0, %c0_i32 : i32, i32
  }
  func.func @transform_3(%arg0: i32) -> (i32, i32) {
    %c0_i32 = arith.constant 0 : i32
    %c0_i32_0 = arith.constant 0 : i32
    %c0_i32_1 = arith.constant 0 : i32
    return %c0_i32, %c0_i32_0 : i32, i32
  }
  func.func @transform_4(%arg0: i32) -> (i32, i32) {
    %c0_i32 = arith.constant 0 : i32
    %c0_i32_0 = arith.constant 0 : i32
    %c0_i32_1 = arith.constant 0 : i32
    return %c0_i32, %c0_i32_0 : i32, i32
  }
  func.func @transform_5(%arg0: i32) -> (i32, i32) {
    %c0_i32 = arith.constant 0 : i32
    %c0_i32_0 = arith.constant 0 : i32
    %c0_i32_1 = arith.constant 0 : i32
    return %c0_i32, %c0_i32_0 : i32, i32
  }
  func.func @transform_6(%arg0: i32) -> (i32, i32) {
    %c0_i32 = arith.constant 0 : i32
    %c0_i32_0 = arith.constant 0 : i32
    return %arg0, %c0_i32 : i32, i32
  }
}

module attributes {stable_mosaic.version = 14 : i64} {
  func.func @_tc_layer2(%arg0: i32, %arg1: memref<1024x128xf32, #tpu.memory_space<vmem>>, %arg2: memref<1024x128xf32, #tpu.memory_space<vmem>>, %arg3: memref<1024x1xf32, #tpu.memory_space<vmem>>, %arg4: memref<128x128xf32, #tpu.memory_space<vmem>>, %arg5: memref<128x128xf32, #tpu.memory_space<vmem>>, %arg6: memref<1x128xf32, #tpu.memory_space<vmem>>, %arg7: memref<128x64xf32, #tpu.memory_space<vmem>>, %arg8: memref<1x64xf32, #tpu.memory_space<vmem>>, %arg9: memref<64x2xf32, #tpu.memory_space<vmem>>, %arg10: memref<1x2xf32, #tpu.memory_space<vmem>>, %arg11: memref<1024x2xf32, #tpu.memory_space<vmem>>) attributes {dimension_semantics = [#tpu.dimension_semantics<arbitrary>], iteration_bounds = array<i64: 10>, scalar_prefetch = 0 : i64, scratch_operands = 0 : i64, tpu.core_type = #tpu.core_type<tc>, window_params = [{transform_indices = @transform_0, window_bounds = array<i64: 1024, 128>}, {transform_indices = @transform_1, window_bounds = array<i64: 1024, 128>}, {transform_indices = @transform_2, window_bounds = array<i64: 1024, 1>}, {pipeline_mode = #tpu.pipeline_mode<synchronous>, transform_indices = @transform_3, window_bounds = array<i64: 128, 128>}, {pipeline_mode = #tpu.pipeline_mode<synchronous>, transform_indices = @transform_4, window_bounds = array<i64: 128, 128>}, {pipeline_mode = #tpu.pipeline_mode<synchronous>, transform_indices = @transform_5, window_bounds = array<i64: 1, 128>}, {pipeline_mode = #tpu.pipeline_mode<synchronous>, transform_indices = @transform_6, window_bounds = array<i64: 128, 64>}, {pipeline_mode = #tpu.pipeline_mode<synchronous>, transform_indices = @transform_7, window_bounds = array<i64: 1, 64>}, {pipeline_mode = #tpu.pipeline_mode<synchronous>, transform_indices = @transform_8, window_bounds = array<i64: 64, 2>}, {pipeline_mode = #tpu.pipeline_mode<synchronous>, transform_indices = @transform_9, window_bounds = array<i64: 1, 2>}, {transform_indices = @transform_10, window_bounds = array<i64: 1024, 2>}]} {
    %get3A = arith.constant 0 : index
    %get3A_0 = arith.constant 0 : index
    %get3A_1 = vector.load %arg3[%get3A, %get3A_0] : memref<1024x1xf32, #tpu.memory_space<vmem>>, vector<1024x1xf32>
    %max3A = arith.constant 1.000000e+00 : f32
    %max3A_2 = vector.broadcast %max3A : f32 to vector<1024x1xf32>
    %max3A_3 = arith.maximumf %get3A_1, %max3A_2 : vector<1024x1xf32>
    %div3A = arith.constant 1.000000e+00 : f32
    %div3A_4 = vector.broadcast %div3A : f32 to vector<1024x1xf32>
    %div3A_5 = arith.divf %div3A_4, %max3A_3 : vector<1024x1xf32>
    %get3A_6 = arith.constant 0 : index
    %get3A_7 = arith.constant 0 : index
    %get3A_8 = vector.load %arg1[%get3A_6, %get3A_7] : memref<1024x128xf32, #tpu.memory_space<vmem>>, vector<1024x128xf32>
    %get3A_9 = arith.constant 0 : index
    %get3A_10 = arith.constant 0 : index
    %get3A_11 = vector.load %arg4[%get3A_9, %get3A_10] : memref<128x128xf32, #tpu.memory_space<vmem>>, vector<128x128xf32>
    %dot_general3A = arith.constant dense<0.000000e+00> : vector<1024x128xf32>
    %dot_general3A_12 = tpu.matmul %get3A_8, %get3A_11, %dot_general3A {dimension_numbers = #tpu.dot_dimension_numbers<[1], [0], [0], [1], [0, 0, 1, 1], [], []>, transpose_lhs_hint = false} : vector<1024x128xf32>, vector<128x128xf32>, vector<1024x128xf32> -> vector<1024x128xf32>
    %get3A_13 = arith.constant 0 : index
    %get3A_14 = arith.constant 0 : index
    %get3A_15 = vector.load %arg2[%get3A_13, %get3A_14] : memref<1024x128xf32, #tpu.memory_space<vmem>>, vector<1024x128xf32>
    %mul3A = vector.broadcast %div3A_5 : vector<1024x1xf32> to vector<1024x128xf32>
    %mul3A_16 = arith.mulf %get3A_15, %mul3A : vector<1024x128xf32>
    %get3A_17 = arith.constant 0 : index
    %get3A_18 = arith.constant 0 : index
    %get3A_19 = vector.load %arg5[%get3A_17, %get3A_18] : memref<128x128xf32, #tpu.memory_space<vmem>>, vector<128x128xf32>
    %dot_general3A_20 = arith.constant dense<0.000000e+00> : vector<1024x128xf32>
    %dot_general3A_21 = tpu.matmul %mul3A_16, %get3A_19, %dot_general3A_20 {dimension_numbers = #tpu.dot_dimension_numbers<[1], [0], [0], [1], [0, 0, 1, 1], [], []>, transpose_lhs_hint = false} : vector<1024x128xf32>, vector<128x128xf32>, vector<1024x128xf32> -> vector<1024x128xf32>
    %add3A = arith.addf %dot_general3A_12, %dot_general3A_21 : vector<1024x128xf32>
    %get3A_22 = arith.constant 0 : index
    %get3A_23 = arith.constant 0 : index
    %get3A_24 = vector.load %arg6[%get3A_22, %get3A_23] : memref<1x128xf32, #tpu.memory_space<vmem>>, vector<1x128xf32>
    %add3A_25 = vector.broadcast %get3A_24 : vector<1x128xf32> to vector<1024x128xf32>
    %add3A_26 = arith.addf %add3A, %add3A_25 : vector<1024x128xf32>
    %max3A_27 = arith.constant 0.000000e+00 : f32
    %max3A_28 = vector.broadcast %max3A_27 : f32 to vector<1024x128xf32>
    %max3A_29 = arith.maximumf %add3A_26, %max3A_28 : vector<1024x128xf32>
    %get3A_30 = arith.constant 0 : index
    %get3A_31 = arith.constant 0 : index
    %get3A_32 = vector.load %arg7[%get3A_30, %get3A_31] : memref<128x64xf32, #tpu.memory_space<vmem>>, vector<128x64xf32>
    %dot_general3A_33 = arith.constant dense<0.000000e+00> : vector<1024x64xf32>
    %dot_general3A_34 = tpu.matmul %max3A_29, %get3A_32, %dot_general3A_33 {dimension_numbers = #tpu.dot_dimension_numbers<[1], [0], [0], [1], [0, 0, 1, 1], [], []>, transpose_lhs_hint = false} : vector<1024x128xf32>, vector<128x64xf32>, vector<1024x64xf32> -> vector<1024x64xf32>
    %get3A_35 = arith.constant 0 : index
    %get3A_36 = arith.constant 0 : index
    %get3A_37 = vector.load %arg8[%get3A_35, %get3A_36] : memref<1x64xf32, #tpu.memory_space<vmem>>, vector<1x64xf32>
    %add3A_38 = vector.broadcast %get3A_37 : vector<1x64xf32> to vector<1024x64xf32>
    %add3A_39 = arith.addf %dot_general3A_34, %add3A_38 : vector<1024x64xf32>
    %max3A_40 = arith.constant 0.000000e+00 : f32
    %max3A_41 = vector.broadcast %max3A_40 : f32 to vector<1024x64xf32>
    %max3A_42 = arith.maximumf %add3A_39, %max3A_41 : vector<1024x64xf32>
    %get3A_43 = arith.constant 0 : index
    %get3A_44 = arith.constant 0 : index
    %get3A_45 = vector.load %arg9[%get3A_43, %get3A_44] : memref<64x2xf32, #tpu.memory_space<vmem>>, vector<64x2xf32>
    %dot_general3A_46 = arith.constant dense<0.000000e+00> : vector<1024x2xf32>
    %dot_general3A_47 = tpu.matmul %max3A_42, %get3A_45, %dot_general3A_46 {dimension_numbers = #tpu.dot_dimension_numbers<[1], [0], [0], [1], [0, 0, 1, 1], [], []>, transpose_lhs_hint = false} : vector<1024x64xf32>, vector<64x2xf32>, vector<1024x2xf32> -> vector<1024x2xf32>
    %get3A_48 = arith.constant 0 : index
    %get3A_49 = arith.constant 0 : index
    %get3A_50 = vector.load %arg10[%get3A_48, %get3A_49] : memref<1x2xf32, #tpu.memory_space<vmem>>, vector<1x2xf32>
    %add3A_51 = vector.broadcast %get3A_50 : vector<1x2xf32> to vector<1024x2xf32>
    %add3A_52 = arith.addf %dot_general3A_47, %add3A_51 : vector<1024x2xf32>
    %swap3A = arith.constant 0 : index
    %swap3A_53 = arith.constant 0 : index
    %swap3A_54 = vector.load %arg11[%swap3A, %swap3A_53] : memref<1024x2xf32, #tpu.memory_space<vmem>>, vector<1024x2xf32>
    tpu.vector_store %arg11[%swap3A, %swap3A_53], %add3A_52 {strides = array<i32>} : memref<1024x2xf32, #tpu.memory_space<vmem>>, vector<1024x2xf32>,
    return
  }
  func.func @transform_0(%arg0: i32) -> (i32, i32) {
    %c0_i32 = arith.constant 0 : i32
    %c0_i32_0 = arith.constant 0 : i32
    return %arg0, %c0_i32 : i32, i32
  }
  func.func @transform_1(%arg0: i32) -> (i32, i32) {
    %c0_i32 = arith.constant 0 : i32
    %c0_i32_0 = arith.constant 0 : i32
    return %arg0, %c0_i32 : i32, i32
  }
  func.func @transform_2(%arg0: i32) -> (i32, i32) {
    %c0_i32 = arith.constant 0 : i32
    %c0_i32_0 = arith.constant 0 : i32
    return %arg0, %c0_i32 : i32, i32
  }
  func.func @transform_3(%arg0: i32) -> (i32, i32) {
    %c0_i32 = arith.constant 0 : i32
    %c0_i32_0 = arith.constant 0 : i32
    %c0_i32_1 = arith.constant 0 : i32
    return %c0_i32, %c0_i32_0 : i32, i32
  }
  func.func @transform_4(%arg0: i32) -> (i32, i32) {
    %c0_i32 = arith.constant 0 : i32
    %c0_i32_0 = arith.constant 0 : i32
    %c0_i32_1 = arith.constant 0 : i32
    return %c0_i32, %c0_i32_0 : i32, i32
  }
  func.func @transform_5(%arg0: i32) -> (i32, i32) {
    %c0_i32 = arith.constant 0 : i32
    %c0_i32_0 = arith.constant 0 : i32
    %c0_i32_1 = arith.constant 0 : i32
    return %c0_i32, %c0_i32_0 : i32, i32
  }
  func.func @transform_6(%arg0: i32) -> (i32, i32) {
    %c0_i32 = arith.constant 0 : i32
    %c0_i32_0 = arith.constant 0 : i32
    %c0_i32_1 = arith.constant 0 : i32
    return %c0_i32, %c0_i32_0 : i32, i32
  }
  func.func @transform_7(%arg0: i32) -> (i32, i32) {
    %c0_i32 = arith.constant 0 : i32
    %c0_i32_0 = arith.constant 0 : i32
    %c0_i32_1 = arith.constant 0 : i32
    return %c0_i32, %c0_i32_0 : i32, i32
  }
  func.func @transform_8(%arg0: i32) -> (i32, i32) {
    %c0_i32 = arith.constant 0 : i32
    %c0_i32_0 = arith.constant 0 : i32
    %c0_i32_1 = arith.constant 0 : i32
    return %c0_i32, %c0_i32_0 : i32, i32
  }
  func.func @transform_9(%arg0: i32) -> (i32, i32) {
    %c0_i32 = arith.constant 0 : i32
    %c0_i32_0 = arith.constant 0 : i32
    %c0_i32_1 = arith.constant 0 : i32
    return %c0_i32, %c0_i32_0 : i32, i32
  }
  func.func @transform_10(%arg0: i32) -> (i32, i32) {
    %c0_i32 = arith.constant 0 : i32
    %c0_i32_0 = arith.constant 0 : i32
    return %arg0, %c0_i32 : i32, i32
  }
}

</mosaic_0001>

<sc_bundles>
// kernel: kernel.6.cloned.1.call-start
scs
__scs_entry_jumppad:
0x0: {  	(pc) =	sbr.rel $0x88, $3  }
0x1: {  	(tag) =	ssettag $0x0;
	lr =	simm.s32 $0x1  }
0x2: {  	[smem:$0x3F97] =	sst lr;
	_ =	strace $0xD0000000  }
0x3: {  	_ = 	snop  }
0x4: {  	_ = 	snop  }
0x5: {  	_ = 	snop  }
0x6: {  	_ = 	snop  }
0x7: {  	_ = 	snop  }
__scs_overlays_trampoline_lowered:
0x8: {  	[smem:$0x3FA6] =	sst s0  }
0x9: {  	[smem:$0x3FA7] =	sst s1  }
0xa: {  	[smem:$0x3FA8] =	sst s2  }
0xb: {  	[smem:$0x3FA9] =	sst s3  }
0xc: {  	[smem:$0x3FAA] =	sst s4  }
0xd: {  	[smem:$0x3FAB] =	sst s5  }
0xe: {  	[smem:$0x3FAC] =	sst s6  }
0xf: {  	[smem:$0x3FAD] =	sst s7  }
0x10: {  	[smem:$0x3FAE] =	sst s8  }
0x11: {  	[smem:$0x3FAF] =	sst s9;
	s0 =	simm.s32 @!p0 $0x0  }
0x12: {  	s1 =	sld [smem:$0x3F95];
	s0 =	simm.s32 @p0 $0x1  }
0x13: {  	[smem:$0x3FB0] =	sst s0;
	s0 =	simm.s32 @!p1 $0x0  }
0x14: {  	s2 =	sld [smem:$0x3F94];
	s0 =	simm.s32 @p1 $0x1  }
0x15: {  	[smem:$0x3FB1] =	sst s0;
	s0 =	simm.s32 @!p2 $0x0  }
0x16: {  	s3 =	sld [smem:$0x3FDB];
	s0 =	simm.s32 @p2 $0x1  }
0x17: {  	s4 =	simm.s32 $0x1BF5;
	[smem:$0x3FB3] =	sst s0  }
0x18: {  	s0 =	sld [smem:$0x3F96];
	_ =	swait.ge [sflag:s4], $0x0  }
0x19: {  	s7 =	sld [smem:$0x3F97]  }
0x1a: {  	s8 =	sadd.s32 $0xFFFFE003, lr  }
0x1b: {  	s9 =	sadd.s32 $0xFFFFFEF7, lr;
	s5 =	simm.s32 $0xFFFFFFFF;
	p2 =	slt.u32 s8, $0xFFFFF086  }
0x1c: {  	p1 =	slt.u32 s9, $0xF7A;
	s5 =	simm.s32 @!p2 $0x0  }
0x1d: {  	s5 =	simm.s32 @p1 $0x1;
	p0 =	seq.s32 s7, s2  }
0x1e: {  	s7 =	smul.u32 @!p0 $0xF7A, s2;
	p2 =	seq.s32 @!p0 s5, $0x0  }
0x1f: {  	s9 =	smul.u32 $0xF7A, s1;
	s8 =	simm.s32 @!p0 $0x1BF5;
	p2 =	por !p2, p0  }
0x20: {  	[sflag:s8] =	ssyncset.s32 @!p0 $0xFFFFF086;
	s6 =	sadd.s32 @!p0 s3, s7;
	s7 =	simm.s32 @!p0 $0x108  }
0x21: {  	s3 =	sadd.s32 s3, s9;
	s6 =	sadd.s32 @!p0 $0x88, s6;
	s7 =	simm.s32 @p2 $0x1082  }
0x22: {  	[simem:s7], [sflag:s8] =	dma.local @!p0 [hbm:s6], $0xF7A  }
0x23: {  	s9 =	sor.u32 $0xD0000000, s2;
	s6 =	simm.s32 $0x108;
	_ =	swait.ge @!p0 [sflag:s8], $0x0  }
0x24: {  	s3 =	sadd.s32 $0x88, s3;
	s6 =	simm.s32 @!p1 $0x1082;
	[sflag:s4] =	ssyncset.s32 $0xFFFFF086  }
0x25: {  	[simem:s6], [sflag:s4] =	dma.local [hbm:s3], $0xF7A  }
0x26: {  	[smem:$0x3F97] =	sst s1;
	(tag) =	ssettag s2;
	_ =	strace s9  }
0x27: {  	s1 =	sld [smem:$0x3FA7]  }
0x28: {  	s2 =	sld [smem:$0x3FA8]  }
0x29: {  	s4 =	sld [smem:$0x3FAA]  }
0x2a: {  	p0 =	seq.s32 s5, $0x0;
	s5 =	sld [smem:$0x3FAB]  }
0x2b: {  	s6 =	sld [smem:$0x3FAC]  }
0x2c: {  	s7 =	sld [smem:$0x3FAD]  }
0x2d: {  	s3 =	simm.s32 $0x108;
	s8 =	sld [smem:$0x3FAE]  }
0x2e: {  	s3 =	simm.s32 @!p0 $0x1082;
	s9 =	sld [smem:$0x3FAF]  }
0x2f: {  	lr =	sadd.s32 s0, s3;
	s0 =	sld [smem:$0x3FA6]  }
0x30: {  	s3 =	sld [smem:$0x3FA9]  }
0x31: {  	[smem:$0x3FB2] =	sst s10  }
0x32: {  	s10 =	sld [smem:$0x3FB0];
	_ =	sdelay $0x3  }
0x33: {  	p0 =	seq.s32 s10, $0x1;
	s10 =	sld [smem:$0x3FB2];
	_ =	sdelay $0x3  }
0x34: {  	[smem:$0x3FB2] =	sst s10  }
0x35: {  	s10 =	sld [smem:$0x3FB1];
	_ =	sdelay $0x3  }
0x36: {  	p1 =	seq.s32 s10, $0x1;
	s10 =	sld [smem:$0x3FB2];
	_ =	sdelay $0x3  }
0x37: {  	[smem:$0x3FB2] =	sst s10  }
0x38: {  	s10 =	sld [smem:$0x3FB3]  }
0x39: {  	_ = 	snop;
	(pc) =	sbr.ind lr, $3  }
0x3a: {  	_ = 	snop  }
0x3b: {  	_ = 	snop  }
0x3c: {  	p2 =	seq.s32 s10, $0x1;
	s10 =	sld [smem:$0x3FB2]  }
0x3d: {  	_ =	shalt  }
0x3e: {  	_ =	shalt  }
0x3f: {  	_ =	shalt  }
0x40: {  	_ =	shalt  }
0x41: {  	_ =	shalt  }
0x42: {  	_ =	shalt  }
0x43: {  	_ =	shalt  }
0x44: {  	_ =	shalt  }
0x45: {  	_ =	shalt  }
0x46: {  	_ =	shalt  }
0x47: {  	_ =	shalt  }
0x48: {  	_ =	shalt  }
0x49: {  	_ =	shalt  }
0x4a: {  	_ =	shalt  }
0x4b: {  	_ =	shalt  }
0x4c: {  	_ =	shalt  }
0x4d: {  	_ =	shalt  }
0x4e: {  	_ =	shalt  }
0x4f: {  	_ =	shalt  }
0x50: {  	_ =	shalt  }
0x51: {  	_ =	shalt  }
0x52: {  	_ =	shalt  }
0x53: {  	_ =	shalt  }
0x54: {  	_ =	shalt  }
0x55: {  	_ =	shalt  }
0x56: {  	_ =	shalt  }
0x57: {  	_ =	shalt  }
0x58: {  	_ =	shalt  }
0x59: {  	_ =	shalt  }
0x5a: {  	_ =	shalt  }
0x5b: {  	_ =	shalt  }
0x5c: {  	_ =	shalt  }
0x5d: {  	_ =	shalt  }
0x5e: {  	_ =	shalt  }
0x5f: {  	_ =	shalt  }
0x60: {  	_ =	shalt  }
0x61: {  	_ =	shalt  }
0x62: {  	_ =	shalt  }
0x63: {  	_ =	shalt  }
0x64: {  	_ =	shalt  }
0x65: {  	_ =	shalt  }
0x66: {  	_ =	shalt  }
0x67: {  	_ =	shalt  }
0x68: {  	_ =	shalt  }
0x69: {  	_ =	shalt  }
0x6a: {  	_ =	shalt  }
0x6b: {  	_ =	shalt  }
0x6c: {  	_ =	shalt  }
0x6d: {  	_ =	shalt  }
0x6e: {  	_ =	shalt  }
0x6f: {  	_ =	shalt  }
0x70: {  	_ =	shalt  }
0x71: {  	_ =	shalt  }
0x72: {  	_ =	shalt  }
0x73: {  	_ =	shalt  }
0x74: {  	_ =	shalt  }
0x75: {  	_ =	shalt  }
0x76: {  	_ =	shalt  }
0x77: {  	_ =	shalt  }
0x78: {  	_ =	shalt  }
0x79: {  	_ =	shalt  }
0x7a: {  	_ =	shalt  }
0x7b: {  	_ =	shalt  }
0x7c: {  	_ =	shalt  }
0x7d: {  	_ =	shalt  }
0x7e: {  	_ =	shalt  }
0x7f: {  	_ =	shalt  }
0x80: {  	_ =	shalt  }
0x81: {  	_ =	shalt  }
0x82: {  	_ =	shalt  }
0x83: {  	_ =	shalt  }
0x84: {  	_ =	shalt  }
0x85: {  	_ =	shalt  }
0x86: {  	_ =	shalt  }
0x87: {  	_ =	shalt  }
.Lfunc_end0:
.L_simem_size_0:
called_computation_lowered:
.L_overlay_start_0:
0x88: {  	s2 =	sld [smem:$0x3FD9]  }
0x89: {  	s3 =	sld [smem:$0x3FFE];
	_ =	sdelay $0x1  }
0x8a: {  	s1 =	srdreg.scid  }
0x8b: {  	s0 =	sand.u32 $0x1, s1  }
0x8c: {  	s17 =	sshll.u32 s0, $0xA;
	s2 =	sadd.s32 s3, s2  }
0x8d: {  	s2 =	sadd.s32 s2, s17  }
0x8e: {  	[smem:$0x3FBE] =	sst s2  }
0x8f: {  	_ = 	snop  }
0x90: {  	s2 =	sld [smem:$0x3FD0];
	(tm) =	ssettm $0x1  }
0x91: {  	s18 =	sld [smem:$0x3FFB];
	_ =	sdelay $0x3  }
0x92: {  	_ =	strace s18  }
0x93: {  	s3 =	sld [smem:$0x3FFC];
	_ =	sdelay $0x3  }
0x94: {  	_ =	strace s3  }
0x95: {  	s3 =	sld [smem:$0x3FFD];
	_ =	sdelay $0x3  }
0x96: {  	_ =	strace s3  }
0x97: {  	_ =	strace $0x8FFFFFFF  }
0x98: {  	s19 =	sld [smem:$0x3FDB];
	_ =	sdelay $0x1  }
0x99: {  	s4 =	simm.s32 $_scs_section_size  }
0x9a: {  	s5 =	simm.s32 $_size__tile_overlayer_lowered;
	s6 =	simm.s32 $_tile_overlayer_lowered  }
0x9b: {  	s22 =	simm.s32 $0x1BFF;
	s21 =	sshll.u32 s6, $0x1;
	s3 =	sadd.s32 s4, s19  }
0x9c: {  	s7 =	simm.s32 $0x0;
	s20 =	sshll.u32 s5, $0x1;
	s5 =	sadd.s32 s21, s3  }
0x9d: {  	[timem:s7], [sflag:s22] =	dma.local [hbm:s5], s20  }
0x9e: {  	_ =	swait.ge [sflag:s22], s20  }
0x9f: {  	s4 =	ssub.s32 $0x0, s20;
	[sflag:s22] =	ssyncset.done $0x0  }
0xa0: {  	[sflag:s22] =	ssyncadd.s32 s4;
	_ =	sdelay $0x1  }
0xa1: {  	s23 =	simm.s32 $0x1B8B  }
0xa2: {  	_ =	swait.ge [sflag:s23], $0x1  }
0xa3: {  	[sflag:s23] =	ssyncset.done $0x0  }
0xa4: {  	s25 =	simm.s32 $0x1B8E;
	s24 =	sld [smem:$0x3FFE];
	[sflag:s23] =	ssyncadd.s32 $0xFFFFFFFF  }
0xa5: {  	s26 =	simm.s32 $execute0_lowered;
	[smem:$0x3FD2] =	sst s25  }
0xa6: {  	s5 =	sshll.u32 s26, $0x1;
	_ =	strace $0x80000046;
	[dreg:$0x1] =	wrdreg $0xFFFFFFFF  }
0xa7: {  	s28 =	simm.s32 $_size_execute0_lowered;
	s3 =	sadd.s32 s3, s5;
	[dreg:$0x0] =	wrdreg $0x0  }
0xa8: {  	s5 =	sshll.u32 s28, $0x1;
	[dreg:$0x2] =	wrdreg s3  }
0xa9: {  	[dreg:$0x3] =	wrdreg s5  }
0xaa: {  	[dreg:$0x4] =	wrdreg $0xC0  }
0xab: {  	_ =	task [dreg:s7], $0x5FFFF  }
0xac: {  	[dreg:$0x1] =	wrdreg $0xFFFFFFFF  }
0xad: {  	[dreg:$0x0] =	wrdreg $0x60  }
0xae: {  	[dreg:$0x2] =	wrdreg s24  }
0xaf: {  	[dreg:$0x3] =	wrdreg s2  }
0xb0: {  	[dreg:$0x4] =	wrdreg $0x133000  }
0xb1: {  	[dreg:$0x5] =	wrdreg $0x1E5000  }
0xb2: {  	[dreg:$0x6] =	wrdreg $0x9  }
0xb3: {  	_ =	task.clear_ibuf [dreg:s7], $0x7FFFF;
	_ =	strace $0x90000046  }
0xb4: {  	s29 =	simm.s32 $0x9;
	_ =	strace $0x80000048  }
0xb5: {  	_ =	swait.ge [sflag:s29], $0x1  }
0xb6: {  	[sflag:s29] =	ssyncadd.s32 $0xFFFFFFFF  }
0xb7: {  	_ =	strace $0x90000048  }
0xb8: {  	_ =	sfence  }
0xb9: {  	s30 =	sld [smem:$0x0];
	_ =	sdelay $0x2  }
0xba: {  	s31 =	sshll.u32 s1, $0xD;
	s1 =	sshrl.u32 s1, $0x2  }
0xbb: {  	s3 =	sand.u32 $0x4000, s31;
	s1 =	sadd.s32 s1, s30  }
0xbc: {  	s0 =	sor.u32 s3, s0;
	s1 =	sshll.u32 s1, $0x11  }
0xbd: {  	s0 =	sor.u32 s1, s0  }
0xbe: {  	s0 =	sadd.s32 $0x8F2B, s0  }
0xbf: {  	[sflag:s0] =	ssyncadd.remote.s32 $0x1  }
0xc0: {  	_ =	sfence.sel $0xFFFF  }
0xc1: {  	[dreg:$0x0] =	wrdreg $0xFFFFFFFF;
	(pc) =	sbr.abs _section_cstart, $3  }
0xc2: {  	[dreg:$0x1] =	wrdreg $0xFFFFFFFF  }
0xc3: {  	_ =	task.clear_ibuf [dreg:s7], $0x2FFFF;
	_ =	strace $0x9FFFFFFF  }
0xc4: {  	(tm) =	ssettm $0x7FFFFFFF  }
0xc5: {  	_ =	shalt  }
tec
execute0_lowered:
.L_overlay_start_1:
0x0: {  	(tag) =	ssettag $0x1  }
0x1: {  	s0 =	rddreg [dreg:$0x0]  }
0x2: {  	s1 =	rddreg [dreg:$0x1]  }
0x3: {  	s2 =	rddreg [dreg:$0x2];
	s14 =	stileid.u32  }
0x4: {  	s3 =	rddreg [dreg:$0x3];
	s9 =	smul.u32 $0x140, s14  }
0x5: {  	s5 =	srdreg.scid;
	s24 =	smul.u32 $0x2C000, s14  }
0x6: {  	s4 =	sshrl.u32 s14, $0x3;
	s7 =	sshll.u32 s14, $0x7;
	s13 =	smul.u32 $0x580, s14  }
0x7: {  	s8 =	sand.u32 $0x1, s5;
	s6 =	smul.u32 $0x28000, s4;
	s4 =	simm.s32 $0x0  }
0x8: {  	s23 =	sand.u32 $0x380, s7;
	s7 =	smul.u32 $0x1400, s8;
	s8 =	ssub.s32 $0x2, s8  }
0x9: {  	[smem:$0x7FF] =	sst s4;
	s25 =	sshrl.u32 s8, $0x1;
	s13 =	sshrl.u32 s13, $0x2  }
0xa: {  	s6 =	sor.u32 s23, s6;
	_ =	strace $0x80000047;
	s12 =	sadd.s32 s9, s7  }
0xb: {  	s8 =	ssub.s32 s8, s25;
	s13 =	sadd.s32 s13, s3;
	s6 =	sshrl.u32 s6, $0x3  }
0xc: {  	s11 =	sshll.u32 s12, $0x4;
	[dreg:$0x6] =	wrdreg s13;
	s10 =	sadd.s32 s6, s0  }
0xd: {  	s6 =	sshrl.u32 s24, $0x2;
	s24 =	sshrl.u32 s12, $0x3;
	s12 =	smax.u32 s8, $0x1  }
0xe: {  	s5 =	sadd.s32 $0x16A00, s0;
	s15 =	sadd.s32 $0xCA00, s10;
	[dreg:$0x15] =	wrdreg s12  }
0xf: {  	s0 =	sadd.s32 s11, s0;
	s10 =	sadd.s32 $0x2A00, s10;
	[dreg:$0x7] =	wrdreg s15  }
0x10: {  	s17 =	sadd.s32 $0x3EA00, s0;
	[dreg:$0x8] =	wrdreg s10  }
0x11: {  	s18 =	sadd.s32 $0x3EC00, s0;
	[dreg:$0x9] =	wrdreg s17  }
0x12: {  	s19 =	sadd.s32 $0x3EE00, s0;
	[dreg:$0xa] =	wrdreg s18  }
0x13: {  	s20 =	sadd.s32 $0x3F000, s0;
	[dreg:$0xb] =	wrdreg s19  }
0x14: {  	s21 =	sadd.s32 $0x3F200, s0;
	[dreg:$0xc] =	wrdreg s20  }
0x15: {  	s14 =	smul.u32 $0x28000, s14;
	s22 =	sadd.s32 $0x3F400, s0;
	[dreg:$0xd] =	wrdreg s21  }
0x16: {  	s23 =	sadd.s32 $0x3F600, s0;
	[dreg:$0xe] =	wrdreg s22  }
0x17: {  	s16 =	sshrl.u32 s14, $0x2;
	s25 =	sadd.s32 $0x3F800, s0;
	[dreg:$0xf] =	wrdreg s23  }
0x18: {  	s11 =	sadd.s32 s16, s2;
	s1 =	sadd.s32 s1, s24;
	[dreg:$0x10] =	wrdreg s25  }
0x19: {  	s6 =	sadd.s32 s6, s2;
	s24 =	sadd.s32 $0x3000, s11;
	[dreg:$0x11] =	wrdreg s1  }
0x1a: {  	s26 =	sadd.s32 $0x1000, s6;
	[smem:$0x7FB] =	sst s24  }
0x1b: {  	s10 =	sadd.s32 s9, s3;
	[dreg:$0x5] =	wrdreg s26  }
0x1c: {  	s13 =	sadd.s32 $0x2000, s6;
	[dreg:$0x14] =	wrdreg s10  }
0x1d: {  	s14 =	sadd.s32 $0x3000, s6;
	[dreg:$0x16] =	wrdreg s13  }
0x1e: {  	s15 =	sadd.s32 $0x4000, s6;
	[dreg:$0x17] =	wrdreg s14  }
0x1f: {  	s16 =	sadd.s32 $0x5000, s6;
	[dreg:$0x18] =	wrdreg s15  }
0x20: {  	s17 =	sadd.s32 $0x6000, s6;
	[dreg:$0x19] =	wrdreg s16  }
0x21: {  	s18 =	sadd.s32 $0x7000, s6;
	[dreg:$0x1a] =	wrdreg s17  }
0x22: {  	s19 =	sadd.s32 $0x8000, s6;
	[dreg:$0x1b] =	wrdreg s18  }
0x23: {  	s28 =	simm.s32 $0x6;
	s20 =	sadd.s32 $0x9000, s6;
	[dreg:$0x1c] =	wrdreg s19  }
0x24: {  	s29 =	simm.s32 $0x2;
	s21 =	sadd.s32 $0xA000, s6;
	[dreg:$0x1d] =	wrdreg s20  }
0x25: {  	s30 =	simm.s32 $0xE300;
	s22 =	sadd.s32 $0x1000, s11;
	[dreg:$0x1e] =	wrdreg s21  }
0x26: {  	s31 =	simm.s32 $0x1E300;
	s23 =	sadd.s32 $0x2000, s11;
	[dreg:$0x1f] =	wrdreg s22  }
0x27: {  	v1 =	vimm.f32 $0.0e+00;
	s25 =	sadd.s32 $0x4000, s11;
	s24 =	simm.s32 $0x3;
	[smem:$0x7FA] =	sst s23  }
0x28: {  	v2 =	vimm.f32 $1.000000000e+00;
	v3 =	vlaneseq.u32;
	v4 =	vimm.s32 $0x0;
	s26 =	sadd.s32 $0x3FA00, s0;
	s0 =	sadd.s32 $0x3FC00, s0;
	[smem:$0x7FC] =	sst s25  }
0x29: {  	v5 =	vor.u32 $0x5100, v3;
	v6 =	vor.u32 $0x1400, v3;
	v7 =	vor.u32 $0x1410, v3;
	s14 =	sadd.s32 $0x6000, s11;
	s15 =	sadd.s32 $0x7000, s11;
	s16 =	sadd.s32 $0x8000, s11  }
.Ltmp0:
0x2a: {  	v8 =	vor.u32 $0x1420, v3;
	v9 =	vor.u32 $0x1430, v3;
	v10 =	vor.u32 $0x1440, v3;
	s17 =	sadd.s32 $0x9000, s11;
	s18 =	simm.s32 $0x12300;
	(pc) =	sbr.rel .LBB2_1-.Ltmp0, $4  }
0x2b: {  	v11 =	vor.u32 $0x1450, v3;
	v12 =	vor.u32 $0x1460, v3;
	v13 =	vor.u32 $0x1470, v3;
	s19 =	simm.s32 $0x7;
	s20 =	simm.s32 $0x1E380;
	s21 =	simm.s32 $0x80  }
0x2c: {  	v14 =	vor.u32 $0x1480, v3;
	v15 =	vor.u32 $0x1490, v3;
	v16 =	vor.u32 $0x14A0, v3;
	s22 =	simm.s32 $0x400;
	s23 =	simm.s32 $0x5180;
	[dreg:$0x12] =	wrdreg s26  }
0x2d: {  	v17 =	vor.u32 $0x14B0, v3;
	v18 =	vor.u32 $0x14C0, v3;
	v19 =	vor.u32 $0x14D0, v3;
	s25 =	simm.s32 $0x5;
	[dreg:$0x13] =	wrdreg s0;
	s26 =	sadd.s32 $0x5000, s11  }
0x2e: {  	v20 =	vor.u32 $0x14E0, v3;
	v21 =	vor.u32 $0x14F0, v3;
	v0 =	vmov s7;
	s0 =	simm.s32 $0x0;
	[smem:$0x7FD] =	sst s26;
	s26 =	simm.s32 $0x4  }
.LBB2_9:
0x2f: {  	_ =	swait.ge [sflag:s24], $0x4000  }
0x30: {  	[sflag:s24] =	ssyncset.done $0x0  }
0x31: {  	[sflag:s24] =	ssyncadd.s32 $0xFFFFC000  }
0x32: {  	_ =	swait.ge [sflag:s25], $0x80  }
0x33: {  	[sflag:s25] =	ssyncset.done $0x0  }
0x34: {  	[sflag:s25] =	ssyncadd.s32 $0xFFFFFF80  }
0x35: {  	_ =	swait.ge [sflag:s26], $0x4000  }
0x36: {  	[sflag:s26] =	ssyncset.done $0x0  }
0x37: {  	[sflag:s26] =	ssyncadd.s32 $0xFFFFC000  }
0x38: {  	_ =	swait.ge [sflag:s28], $0x80  }
0x39: {  	[sflag:s28] =	ssyncset.done $0x0  }
0x3a: {  	[sflag:s28] =	ssyncadd.s32 $0xFFFFFF80  }
0x3b: {  	[bflag:$0x0] =	sbarrier.arrive $0xFFFF  }
0x3c: {  	[tilespmem:s18], [sflag:$0x7] =	stream.linear.gather [spmem:s11], $0x1000, $0x38;
	[tilespmem:$0x1E660] =	vst v63  }
0x3d: {  	_ =	swait.ge [sflag:s19], $0x1000  }
0x3e: {  	[sflag:s19] =	ssyncset.done $0x0  }
0x3f: {  	s1 =	rddreg [dreg:$0x9];
	[sflag:s19] =	ssyncadd.s32 $0xFFFFF000  }
0x40: {  	[hbm4b:s1+s4] =	stream.linear.scatter [tilespmem:s18], [sflag:$0x7], $0x1000, $0x38;
	[tilespmem:$0x1E660] =	vst v63  }
0x41: {  	_ =	swait.ge [sflag:s19], $0x1000  }
0x42: {  	[sflag:s19] =	ssyncset.done $0x0  }
0x43: {  	s8 =	rddreg [dreg:$0x1f];
	[sflag:s19] =	ssyncadd.s32 $0xFFFFF000  }
0x44: {  	[tilespmem:s18], [sflag:$0x7] =	stream.linear.gather [spmem:s8], $0x1000, $0x38;
	[tilespmem:$0x1E660] =	vst v63  }
0x45: {  	_ =	swait.ge [sflag:s19], $0x1000  }
0x46: {  	[sflag:s19] =	ssyncset.done $0x0  }
0x47: {  	s9 =	rddreg [dreg:$0xa];
	[sflag:s19] =	ssyncadd.s32 $0xFFFFF000  }
0x48: {  	[hbm4b:s9+s4] =	stream.linear.scatter [tilespmem:s18], [sflag:$0x7], $0x1000, $0x38;
	[tilespmem:$0x1E660] =	vst v63  }
0x49: {  	_ =	swait.ge [sflag:s19], $0x1000  }
0x4a: {  	s10 =	sld [smem:$0x7FA]  }
0x4b: {  	[sflag:s19] =	ssyncset.done $0x0  }
0x4c: {  	[sflag:s19] =	ssyncadd.s32 $0xFFFFF000  }
0x4d: {  	[tilespmem:s18], [sflag:$0x7] =	stream.linear.gather [spmem:s10], $0x1000, $0x38;
	[tilespmem:$0x1E660] =	vst v63  }
0x4e: {  	_ =	swait.ge [sflag:s19], $0x1000  }
0x4f: {  	[sflag:s19] =	ssyncset.done $0x0  }
0x50: {  	s12 =	rddreg [dreg:$0xb];
	[sflag:s19] =	ssyncadd.s32 $0xFFFFF000  }
0x51: {  	[hbm4b:s12+s4] =	stream.linear.scatter [tilespmem:s18], [sflag:$0x7], $0x1000, $0x38;
	[tilespmem:$0x1E660] =	vst v63  }
0x52: {  	_ =	swait.ge [sflag:s19], $0x1000  }
0x53: {  	s13 =	sld [smem:$0x7FB]  }
0x54: {  	[sflag:s19] =	ssyncset.done $0x0  }
0x55: {  	[sflag:s19] =	ssyncadd.s32 $0xFFFFF000  }
0x56: {  	[tilespmem:s18], [sflag:$0x7] =	stream.linear.gather [spmem:s13], $0x1000, $0x38;
	[tilespmem:$0x1E660] =	vst v63  }
0x57: {  	_ =	swait.ge [sflag:s19], $0x1000  }
0x58: {  	[sflag:s19] =	ssyncset.done $0x0  }
0x59: {  	s7 =	rddreg [dreg:$0xc];
	[sflag:s19] =	ssyncadd.s32 $0xFFFFF000  }
0x5a: {  	[hbm4b:s7+s4] =	stream.linear.scatter [tilespmem:s18], [sflag:$0x7], $0x1000, $0x38;
	[tilespmem:$0x1E660] =	vst v63  }
0x5b: {  	_ =	swait.ge [sflag:s19], $0x1000  }
0x5c: {  	s8 =	sld [smem:$0x7FC]  }
0x5d: {  	[sflag:s19] =	ssyncset.done $0x0  }
0x5e: {  	[sflag:s19] =	ssyncadd.s32 $0xFFFFF000  }
0x5f: {  	[tilespmem:s18], [sflag:$0x7] =	stream.linear.gather [spmem:s8], $0x1000, $0x38;
	[tilespmem:$0x1E660] =	vst v63  }
0x60: {  	_ =	swait.ge [sflag:s19], $0x1000  }
0x61: {  	[sflag:s19] =	ssyncset.done $0x0  }
0x62: {  	s9 =	rddreg [dreg:$0xd];
	[sflag:s19] =	ssyncadd.s32 $0xFFFFF000  }
0x63: {  	[hbm4b:s9+s4] =	stream.linear.scatter [tilespmem:s18], [sflag:$0x7], $0x1000, $0x38;
	[tilespmem:$0x1E660] =	vst v63  }
0x64: {  	_ =	swait.ge [sflag:s19], $0x1000  }
0x65: {  	s10 =	sld [smem:$0x7FD]  }
0x66: {  	[sflag:s19] =	ssyncset.done $0x0  }
0x67: {  	[sflag:s19] =	ssyncadd.s32 $0xFFFFF000  }
0x68: {  	[tilespmem:s18], [sflag:$0x7] =	stream.linear.gather [spmem:s10], $0x1000, $0x38;
	[tilespmem:$0x1E660] =	vst v63  }
0x69: {  	_ =	swait.ge [sflag:s19], $0x1000  }
0x6a: {  	[sflag:s19] =	ssyncset.done $0x0  }
0x6b: {  	s12 =	rddreg [dreg:$0xe];
	[sflag:s19] =	ssyncadd.s32 $0xFFFFF000  }
0x6c: {  	[hbm4b:s12+s4] =	stream.linear.scatter [tilespmem:s18], [sflag:$0x7], $0x1000, $0x38;
	[tilespmem:$0x1E660] =	vst v63  }
0x6d: {  	_ =	swait.ge [sflag:s19], $0x1000  }
0x6e: {  	[sflag:s19] =	ssyncset.done $0x0  }
0x6f: {  	[sflag:s19] =	ssyncadd.s32 $0xFFFFF000  }
0x70: {  	[tilespmem:s18], [sflag:$0x7] =	stream.linear.gather [spmem:s14], $0x1000, $0x38;
	[tilespmem:$0x1E660] =	vst v63  }
0x71: {  	_ =	swait.ge [sflag:s19], $0x1000  }
0x72: {  	[sflag:s19] =	ssyncset.done $0x0  }
0x73: {  	s13 =	rddreg [dreg:$0xf];
	[sflag:s19] =	ssyncadd.s32 $0xFFFFF000  }
0x74: {  	[hbm4b:s13+s4] =	stream.linear.scatter [tilespmem:s18], [sflag:$0x7], $0x1000, $0x38;
	[tilespmem:$0x1E660] =	vst v63  }
0x75: {  	_ =	swait.ge [sflag:s19], $0x1000  }
0x76: {  	[sflag:s19] =	ssyncset.done $0x0  }
0x77: {  	[sflag:s19] =	ssyncadd.s32 $0xFFFFF000  }
0x78: {  	[tilespmem:s18], [sflag:$0x7] =	stream.linear.gather [spmem:s15], $0x1000, $0x38;
	[tilespmem:$0x1E660] =	vst v63  }
0x79: {  	_ =	swait.ge [sflag:s19], $0x1000  }
0x7a: {  	[sflag:s19] =	ssyncset.done $0x0  }
0x7b: {  	s7 =	rddreg [dreg:$0x10];
	[sflag:s19] =	ssyncadd.s32 $0xFFFFF000  }
0x7c: {  	[hbm4b:s7+s4] =	stream.linear.scatter [tilespmem:s18], [sflag:$0x7], $0x1000, $0x38;
	[tilespmem:$0x1E660] =	vst v63  }
0x7d: {  	_ =	swait.ge [sflag:s19], $0x1000  }
0x7e: {  	[sflag:s19] =	ssyncset.done $0x0  }
0x7f: {  	[sflag:s19] =	ssyncadd.s32 $0xFFFFF000  }
0x80: {  	[tilespmem:s18], [sflag:$0x7] =	stream.linear.gather [spmem:s16], $0x1000, $0x38;
	[tilespmem:$0x1E660] =	vst v63  }
0x81: {  	_ =	swait.ge [sflag:s19], $0x1000  }
0x82: {  	[sflag:s19] =	ssyncset.done $0x0  }
0x83: {  	s8 =	rddreg [dreg:$0x12];
	[sflag:s19] =	ssyncadd.s32 $0xFFFFF000  }
0x84: {  	[hbm4b:s8+s4] =	stream.linear.scatter [tilespmem:s18], [sflag:$0x7], $0x1000, $0x38;
	[tilespmem:$0x1E660] =	vst v63  }
0x85: {  	_ =	swait.ge [sflag:s19], $0x1000  }
0x86: {  	[sflag:s19] =	ssyncset.done $0x0  }
0x87: {  	[sflag:s19] =	ssyncadd.s32 $0xFFFFF000  }
0x88: {  	[tilespmem:s18], [sflag:$0x7] =	stream.linear.gather [spmem:s17], $0x1000, $0x38;
	[tilespmem:$0x1E660] =	vst v63  }
0x89: {  	_ =	swait.ge [sflag:s19], $0x1000  }
0x8a: {  	[sflag:s19] =	ssyncset.done $0x0  }
0x8b: {  	s9 =	rddreg [dreg:$0x13];
	[sflag:s19] =	ssyncadd.s32 $0xFFFFF000  }
0x8c: {  	[hbm4b:s9+s4] =	stream.linear.scatter [tilespmem:s18], [sflag:$0x7], $0x1000, $0x38;
	[tilespmem:$0x1E660] =	vst v63  }
0x8d: {  	_ =	swait.ge [sflag:s19], $0x1000  }
0x8e: {  	[sflag:s19] =	ssyncset.done $0x0  }
0x8f: {  	s10 =	rddreg [dreg:$0x14];
	[sflag:s19] =	ssyncadd.s32 $0xFFFFF000  }
0x90: {  	[tilespmem:s20], [sflag:$0x7] =	stream.linear.gather [spmem:s10], $0x140, $0x38;
	[tilespmem:$0x1E660] =	vst v63  }
0x91: {  	_ =	swait.ge [sflag:s19], $0x140  }
0x92: {  	[sflag:s19] =	ssyncset.done $0x0  }
0x93: {  	s12 =	rddreg [dreg:$0x11];
	[sflag:s19] =	ssyncadd.s32 $0xFFFFFEC0  }
0x94: {  	[hbm4b:s12+s4] =	stream.linear.scatter [tilespmem:s20], [sflag:$0x7], $0x140, $0x38;
	[tilespmem:$0x1E660] =	vst v63  }
0x95: {  	_ =	swait.ge [sflag:s19], $0x140  }
0x96: {  	s0 =	sadd.s32 $0x1, s0;
	s13 =	rddreg [dreg:$0x15]  }
0x97: {  	p0 =	sne.s32 s0, s13  }
.Ltmp1:
0x98: {  	_ = 	snop;
	(pc) =	sbr.rel @!p0 .LBB2_10-.Ltmp1, $3  }
0x99: {  	_ =	sdelay $0x1  }
0x9a: {  	[sflag:s19] =	ssyncset.done $0x0  }
0x9b: {  	[sflag:s19] =	ssyncadd.s32 $0xFFFFFEC0  }
.LBB2_1:
0x9c: {  	s1 =	simm.s32 $0x0;
	s7 =	simm.s32 $0x200  }
.LBB2_2:
0x9d: {  	p0 =	sne.s32 s7, $0x3E00;
	[tilespmem:s1+$0x12370] =	vst v1  }
0x9e: {  	[tilespmem:s1+$0x12300] =	vst v1  }
0x9f: {  	[tilespmem:s1+$0x12310] =	vst v1  }
.Ltmp2:
0xa0: {  	[tilespmem:s1+$0x12320] =	vst v1;
	(pc) =	sbr.rel @p0 .LBB2_2-.Ltmp2, $4  }
0xa1: {  	[tilespmem:s1+$0x12330] =	vst v1  }
0xa2: {  	[tilespmem:s1+$0x12340] =	vst v1  }
0xa3: {  	[tilespmem:s1+$0x12350] =	vst v1  }
0xa4: {  	[tilespmem:s1+$0x12360] =	vst v1;
	s1 =	sshra.s32 s7, $0x2;
	s7 =	sadd.s32 $0x200, s7  }
0xa5: {  	[tilespmem:s1+$0x12370] =	vst v1  }
0xa6: {  	[tilespmem:s1+$0x12300] =	vst v1  }
0xa7: {  	[tilespmem:s1+$0x12310] =	vst v1  }
0xa8: {  	[tilespmem:s1+$0x12320] =	vst v1  }
0xa9: {  	[tilespmem:s1+$0x12330] =	vst v1  }
0xaa: {  	[tilespmem:s1+$0x12340] =	vst v1  }
0xab: {  	[tilespmem:s1+$0x12350] =	vst v1  }
0xac: {  	[tilespmem:s1+$0x12360] =	vst v1  }
0xad: {  	[spmem:s6] =	stream.linear.scatter [tilespmem:s18], [sflag:$0x7], $0x1000, $0x38;
	[tilespmem:$0x1E660] =	vst v63  }
0xae: {  	_ =	swait.ge [sflag:s19], $0x1000  }
0xaf: {  	[sflag:s19] =	ssyncset.done $0x0  }
0xb0: {  	s13 =	rddreg [dreg:$0x5];
	[sflag:s19] =	ssyncadd.s32 $0xFFFFF000  }
0xb1: {  	[spmem:s13] =	stream.linear.scatter [tilespmem:s18], [sflag:$0x7], $0x1000, $0x38;
	[tilespmem:$0x1E660] =	vst v63  }
0xb2: {  	_ =	swait.ge [sflag:s19], $0x1000  }
0xb3: {  	[sflag:s19] =	ssyncset.done $0x0  }
0xb4: {  	s7 =	rddreg [dreg:$0x16];
	[sflag:s19] =	ssyncadd.s32 $0xFFFFF000  }
0xb5: {  	[spmem:s7] =	stream.linear.scatter [tilespmem:s18], [sflag:$0x7], $0x1000, $0x38;
	[tilespmem:$0x1E660] =	vst v63  }
0xb6: {  	_ =	swait.ge [sflag:s19], $0x1000  }
0xb7: {  	[sflag:s19] =	ssyncset.done $0x0  }
0xb8: {  	s8 =	rddreg [dreg:$0x17];
	[sflag:s19] =	ssyncadd.s32 $0xFFFFF000  }
0xb9: {  	[spmem:s8] =	stream.linear.scatter [tilespmem:s18], [sflag:$0x7], $0x1000, $0x38;
	[tilespmem:$0x1E660] =	vst v63  }
0xba: {  	_ =	swait.ge [sflag:s19], $0x1000  }
0xbb: {  	[sflag:s19] =	ssyncset.done $0x0  }
0xbc: {  	s9 =	rddreg [dreg:$0x18];
	[sflag:s19] =	ssyncadd.s32 $0xFFFFF000  }
0xbd: {  	[spmem:s9] =	stream.linear.scatter [tilespmem:s18], [sflag:$0x7], $0x1000, $0x38;
	[tilespmem:$0x1E660] =	vst v63  }
0xbe: {  	_ =	swait.ge [sflag:s19], $0x1000  }
0xbf: {  	[sflag:s19] =	ssyncset.done $0x0  }
0xc0: {  	s10 =	rddreg [dreg:$0x19];
	[sflag:s19] =	ssyncadd.s32 $0xFFFFF000  }
0xc1: {  	[spmem:s10] =	stream.linear.scatter [tilespmem:s18], [sflag:$0x7], $0x1000, $0x38;
	[tilespmem:$0x1E660] =	vst v63  }
0xc2: {  	_ =	swait.ge [sflag:s19], $0x1000  }
0xc3: {  	[sflag:s19] =	ssyncset.done $0x0  }
0xc4: {  	s12 =	rddreg [dreg:$0x1a];
	[sflag:s19] =	ssyncadd.s32 $0xFFFFF000  }
0xc5: {  	[spmem:s12] =	stream.linear.scatter [tilespmem:s18], [sflag:$0x7], $0x1000, $0x38;
	[tilespmem:$0x1E660] =	vst v63  }
0xc6: {  	_ =	swait.ge [sflag:s19], $0x1000  }
0xc7: {  	[sflag:s19] =	ssyncset.done $0x0  }
0xc8: {  	s13 =	rddreg [dreg:$0x1b];
	[sflag:s19] =	ssyncadd.s32 $0xFFFFF000  }
0xc9: {  	[spmem:s13] =	stream.linear.scatter [tilespmem:s18], [sflag:$0x7], $0x1000, $0x38;
	[tilespmem:$0x1E660] =	vst v63  }
0xca: {  	_ =	swait.ge [sflag:s19], $0x1000  }
0xcb: {  	[sflag:s19] =	ssyncset.done $0x0  }
0xcc: {  	s7 =	rddreg [dreg:$0x1c];
	[sflag:s19] =	ssyncadd.s32 $0xFFFFF000  }
0xcd: {  	[spmem:s7] =	stream.linear.scatter [tilespmem:s18], [sflag:$0x7], $0x1000, $0x38;
	[tilespmem:$0x1E660] =	vst v63  }
0xce: {  	_ =	swait.ge [sflag:s19], $0x1000  }
0xcf: {  	[sflag:s19] =	ssyncset.done $0x0  }
0xd0: {  	s8 =	rddreg [dreg:$0x1d];
	[sflag:s19] =	ssyncadd.s32 $0xFFFFF000  }
0xd1: {  	[spmem:s8] =	stream.linear.scatter [tilespmem:s18], [sflag:$0x7], $0x1000, $0x38;
	[tilespmem:$0x1E660] =	vst v63  }
0xd2: {  	_ =	swait.ge [sflag:s19], $0x1000  }
0xd3: {  	[sflag:s19] =	ssyncset.done $0x0  }
0xd4: {  	s9 =	rddreg [dreg:$0x1e];
	[sflag:s19] =	ssyncadd.s32 $0xFFFFF000  }
0xd5: {  	[spmem:s9] =	stream.linear.scatter [tilespmem:s18], [sflag:$0x7], $0x1000, $0x38;
	[tilespmem:$0x1E660] =	vst v63  }
0xd6: {  	_ =	swait.ge [sflag:s19], $0x1000  }
0xd7: {  	[sflag:s19] =	ssyncset.done $0x0  }
0xd8: {  	[sflag:s19] =	ssyncadd.s32 $0xFFFFF000  }
0xd9: {  	[tilespmem:$0x1E300] =	vst v2  }
0xda: {  	[tilespmem:$0x1E310] =	vst v2  }
0xdb: {  	[tilespmem:$0x1E320] =	vst v2  }
0xdc: {  	[tilespmem:$0x1E330] =	vst v2  }
0xdd: {  	[tilespmem:$0x1E340] =	vst v2  }
0xde: {  	[tilespmem:$0x1E350] =	vst v2  }
0xdf: {  	[tilespmem:$0x1E360] =	vst v2  }
0xe0: {  	[tilespmem:$0x1E370] =	vst v2  }
0xe1: {  	[tilespmem:$0x1E380] =	vst v1  }
0xe2: {  	[tilespmem:$0x1E390] =	vst v1  }
0xe3: {  	[tilespmem:$0x1E3A0] =	vst v1  }
0xe4: {  	[tilespmem:$0x1E3B0] =	vst v1  }
0xe5: {  	[tilespmem:$0x1E3C0] =	vst v1  }
0xe6: {  	[tilespmem:$0x1E3D0] =	vst v1  }
0xe7: {  	[tilespmem:$0x1E3E0] =	vst v1  }
0xe8: {  	[tilespmem:$0x1E3F0] =	vst v1  }
0xe9: {  	[tilespmem:$0x1E400] =	vst v1  }
0xea: {  	[tilespmem:$0x1E410] =	vst v1  }
0xeb: {  	[tilespmem:$0x1E420] =	vst v1  }
0xec: {  	[tilespmem:$0x1E430] =	vst v1  }
0xed: {  	[tilespmem:$0x1E440] =	vst v1  }
0xee: {  	[tilespmem:$0x1E450] =	vst v1  }
0xef: {  	[tilespmem:$0x1E460] =	vst v1  }
0xf0: {  	[tilespmem:$0x1E470] =	vst v1  }
0xf1: {  	[tilespmem:$0x1E480] =	vst v1  }
0xf2: {  	[tilespmem:$0x1E490] =	vst v1  }
0xf3: {  	[tilespmem:$0x1E4A0] =	vst v1  }
0xf4: {  	[tilespmem:$0x1E4B0] =	vst v1  }
0xf5: {  	[tilespmem:$0x1E4C0] =	vst v1  }
0xf6: {  	s10 =	rddreg [dreg:$0x6];
	[tilespmem:$0x1E4D0] =	vst v1  }
0xf7: {  	[spmem:s10] =	stream.linear.scatter [tilespmem:s20], [sflag:$0x7], $0x160, $0x38;
	[tilespmem:$0x1E660] =	vst v63  }
0xf8: {  	_ =	swait.ge [sflag:s19], $0x160  }
0xf9: {  	[sflag:s19] =	ssyncset.done $0x0  }
0xfa: {  	s1 =	simm.s32 $0x0;
	s7 =	rddreg [dreg:$0x7];
	[sflag:s19] =	ssyncadd.s32 $0xFFFFFEA0  }
0xfb: {  	[tilespmem:s1], [sflag:$0x7] =	stream.strided.gather [hbm4b:s7+s21], $0x5000, s22, s21, $0x38;
	[tilespmem:$0x1E660] =	vst v63  }
0xfc: {  	_ =	swait.ge [sflag:s19], $0x5000  }
0xfd: {  	[sflag:s19] =	ssyncset.done $0x0  }
0xfe: {  	s12 =	rddreg [dreg:$0x8];
	[sflag:s19] =	ssyncadd.s32 $0xFFFFB000  }
0xff: {  	[tilespmem:s23], [sflag:$0x7] =	stream.strided.gather [hbm4b:s12+s21], $0x5000, s22, s21, $0x38;
	[tilespmem:$0x1E660] =	vst v63  }
0x100: {  	_ =	swait.ge [sflag:s19], $0x5000  }
0x101: {  	[sflag:s19] =	ssyncset.done $0x0  }
0x102: {  	s13 =	simm.s32 $0x0;
	[sflag:s19] =	ssyncadd.s32 $0xFFFFB000  }
0x103: {  	v22 =	vld [tilespmem:s13+$0x5180];
	_ =	sdelay $0x4  }
0x104: {  	v22 =	vsub.s32 v22, v0  }
0x105: {  	vm0 =	vlt.u32 v22, $0x1400  }
0x106: {  	v23 =	vsel vm0, $0x1, v4  }
0x107: {  	(xrf0) =	vadd.scan.msk.s32 $0xffff, v23;
	_ =	sdelay $0x5  }
0x108: {  	v24, _, _ =	vpop (xrf0)  }
0x109: {  	v23 =	vmov s1;
	v25 =	vxor.u32 $0x80000000, v24  }
0x10a: {  	v23 =	vadd.s32 $0xFFFFFFFF, v23;
	(xrf0) =	vmax.scan.msk.u32 $0xffff, v25  }
0x10b: {  	v23 =	vbroadcast v23, $0x0;
	_ =	sdelay $0x1  }
0x10c: {  	v23 =	vadd.s32 v24, v23  }
0x10d: {  	v23 =	vsel vm0, v23, v5  }
0x10e: {  	v63 =	vld [tilespmem:s13+$0x0]  }
0x10f: {  	v25, _, _ =	vpop (xrf0)  }
0x110: {  	(v2sf) =	vpush v25, $0xF;
	_ =	sdelay $0x1  }
0x111: {  	[tilespmem:v23+s23+$0x0] =	vst.idx.msk $0xffff, v22  }
0x112: {  	s8 =	simm.s32 $0x80;
	s7 =	simm.s32 $0x10;
	[tilespmem:v23+s4+$0x0] =	vst.idx.msk $0xffff, v63  }
.LBB2_4:
0x113: {  	p0 =	sne.s32 s8, $0x13FC0;
	v22 =	vld [tilespmem:s7+$0x5180];
	_ =	sdelay $0x4  }
0x114: {  	v22 =	vsub.s32 v22, v0  }
0x115: {  	vm0 =	vlt.u32 v22, $0x1400  }
0x116: {  	v23 =	vsel vm0, $0x1, v4  }
0x117: {  	(xrf0) =	vadd.scan.msk.s32 $0xffff, v23;
	_ =	sdelay $0x2  }
0x118: {  	s9 =	spop (v2sf)  }
0x119: {  	s1 =	sadd.s32 s9, s1  }
0x11a: {  	s1 =	sadd.s32 $0x80000000, s1  }
0x11b: {  	v23 =	vmov s1;
	v24, _, _ =	vpop (xrf0)  }
0x11c: {  	v23 =	vadd.s32 $0xFFFFFFFF, v23;
	v25 =	vxor.u32 $0x80000000, v24  }
0x11d: {  	v23 =	vbroadcast v23, $0x0;
	(xrf0) =	vmax.scan.msk.u32 $0xffff, v25;
	_ =	sdelay $0x1  }
0x11e: {  	v23 =	vadd.s32 v24, v23  }
0x11f: {  	v23 =	vsel vm0, v23, v5  }
0x120: {  	v24 =	vld [tilespmem:s7+$0x0];
	_ =	sdelay $0x1  }
.Ltmp3:
0x121: {  	v25, _, _ =	vpop (xrf0);
	(pc) =	sbr.rel @p0 .LBB2_4-.Ltmp3, $4  }
0x122: {  	(v2sf) =	vpush v25, $0xF  }
0x123: {  	[tilespmem:v23+s23+$0x0] =	vst.idx.msk $0xffff, v22  }
0x124: {  	[tilespmem:v23+s4+$0x0] =	vst.idx.msk $0xffff, v24  }
0x125: {  	s7 =	sshra.s32 s8, $0x2;
	s8 =	sadd.s32 $0x40, s8  }
0x126: {  	v22 =	vld [tilespmem:s7+$0x5180];
	_ =	sdelay $0x4  }
0x127: {  	v22 =	vsub.s32 v22, v0  }
0x128: {  	vm0 =	vlt.u32 v22, $0x1400  }
0x129: {  	v23 =	vsel vm0, $0x1, v4  }
0x12a: {  	(xrf0) =	vadd.scan.msk.s32 $0xffff, v23;
	_ =	sdelay $0x5  }
0x12b: {  	v23, _, _ =	vpop (xrf0)  }
0x12c: {  	v24 =	vxor.u32 $0x80000000, v23  }
0x12d: {  	(xrf0) =	vmax.scan.msk.u32 $0xffff, v24;
	_ =	sdelay $0x5  }
0x12e: {  	v24, _, _ =	vpop (xrf0)  }
0x12f: {  	(v2sf) =	vpush v24, $0xF;
	_ =	sdelay $0x7  }
0x130: {  	s8 =	spop (v2sf)  }
0x131: {  	s1 =	sadd.s32 s8, s1  }
0x132: {  	s1 =	sadd.s32 $0x80000000, s1  }
0x133: {  	v58 =	vmov s1  }
0x134: {  	v24 =	vadd.s32 $0xFFFFFFFF, v58  }
0x135: {  	v24 =	vbroadcast v24, $0x0;
	_ =	sdelay $0x1  }
0x136: {  	v23 =	vadd.s32 v23, v24;
	s13 =	spop (v2sf)  }
0x137: {  	v23 =	vsel vm0, v23, v5;
	s1 =	sadd.s32 s13, s1  }
0x138: {  	v59 =	vld [tilespmem:s7+$0x0];
	s1 =	sadd.s32 $0x80000000, s1  }
0x139: {  	v25 =	vadd.s32 s1, v3  }
0x13a: {  	s9 =	sadd.s32 $0x10, s1  }
0x13b: {  	v26 =	vadd.s32 s9, v3  }
0x13c: {  	[tilespmem:v23+s23+$0x0] =	vst.idx.msk $0xffff, v22;
	s10 =	sadd.s32 $0x20, s1  }
0x13d: {  	[tilespmem:v23+s4+$0x0] =	vst.idx.msk $0xffff, v59;
	v22 =	vadd.s32 s10, v3  }
0x13e: {  	s12 =	sadd.s32 $0x30, s1;
	[tilespmem:v25+s23+$0x0] =	vst.idx.msk $0xffff, v6  }
0x13f: {  	v23 =	vadd.s32 s12, v3;
	[tilespmem:v25+s4+$0x0] =	vst.idx.msk $0xffff, v4  }
0x140: {  	s13 =	sadd.s32 $0x40, s1;
	[tilespmem:v26+s23+$0x0] =	vst.idx.msk $0xffff, v7  }
0x141: {  	v60 =	vadd.s32 s13, v3;
	[tilespmem:v26+s4+$0x0] =	vst.idx.msk $0xffff, v4  }
0x142: {  	s8 =	sadd.s32 $0x50, s1;
	[tilespmem:v22+s23+$0x0] =	vst.idx.msk $0xffff, v8  }
0x143: {  	[tilespmem:v22+s4+$0x0] =	vst.idx.msk $0xffff, v4;
	v22 =	vadd.s32 s8, v3  }
0x144: {  	s9 =	sadd.s32 $0x60, s1;
	[tilespmem:v23+s23+$0x0] =	vst.idx.msk $0xffff, v9  }
0x145: {  	[tilespmem:v23+s4+$0x0] =	vst.idx.msk $0xffff, v4;
	v23 =	vadd.s32 s9, v3  }
0x146: {  	s10 =	sadd.s32 $0x70, s1;
	[tilespmem:v60+s23+$0x0] =	vst.idx.msk $0xffff, v10  }
0x147: {  	v61 =	vadd.s32 s10, v3;
	[tilespmem:v60+s4+$0x0] =	vst.idx.msk $0xffff, v4  }
0x148: {  	s12 =	sadd.s32 $0x80, s1;
	[tilespmem:v22+s23+$0x0] =	vst.idx.msk $0xffff, v11  }
0x149: {  	[tilespmem:v22+s4+$0x0] =	vst.idx.msk $0xffff, v4;
	v22 =	vadd.s32 s12, v3  }
0x14a: {  	s13 =	sadd.s32 $0x90, s1;
	[tilespmem:v23+s23+$0x0] =	vst.idx.msk $0xffff, v12  }
0x14b: {  	[tilespmem:v23+s4+$0x0] =	vst.idx.msk $0xffff, v4;
	v23 =	vadd.s32 s13, v3  }
0x14c: {  	s8 =	sadd.s32 $0xA0, s1;
	[tilespmem:v61+s23+$0x0] =	vst.idx.msk $0xffff, v13  }
0x14d: {  	v62 =	vadd.s32 s8, v3;
	[tilespmem:v61+s4+$0x0] =	vst.idx.msk $0xffff, v4  }
0x14e: {  	s9 =	sadd.s32 $0xB0, s1;
	[tilespmem:v22+s23+$0x0] =	vst.idx.msk $0xffff, v14  }
0x14f: {  	[tilespmem:v22+s4+$0x0] =	vst.idx.msk $0xffff, v4;
	v22 =	vadd.s32 s9, v3  }
0x150: {  	s10 =	sadd.s32 $0xC0, s1;
	[tilespmem:v23+s23+$0x0] =	vst.idx.msk $0xffff, v15  }
0x151: {  	[tilespmem:v23+s4+$0x0] =	vst.idx.msk $0xffff, v4;
	v23 =	vadd.s32 s10, v3  }
0x152: {  	s12 =	sadd.s32 $0xD0, s1;
	[tilespmem:v62+s23+$0x0] =	vst.idx.msk $0xffff, v16  }
0x153: {  	v63 =	vadd.s32 s12, v3;
	[tilespmem:v62+s4+$0x0] =	vst.idx.msk $0xffff, v4  }
0x154: {  	s13 =	sadd.s32 $0xE0, s1;
	[tilespmem:v22+s23+$0x0] =	vst.idx.msk $0xffff, v17  }
0x155: {  	p0 =	slt.s32 s1, $0x1;
	s9 =	sand.u32 $0x7F, s1;
	[tilespmem:v22+s4+$0x0] =	vst.idx.msk $0xffff, v4;
	v22 =	vadd.s32 s13, v3  }
0x156: {  	s8 =	sadd.s32 $0xF0, s1;
	p1 =	sne.s32 s9, $0x0;
	s10 =	sshra.s32 s1, $0x1F;
	[tilespmem:v23+s23+$0x0] =	vst.idx.msk $0xffff, v18  }
0x157: {  	p0 =	por !p0, !p1;
	s12 =	sshrl.u32 s10, $0x19;
	[tilespmem:v23+s4+$0x0] =	vst.idx.msk $0xffff, v4;
	v23 =	vadd.s32 s8, v3  }
0x158: {  	s7 =	simm.s32 $0x1;
	p0 =	por !p0, !p0;
	s1 =	sadd.s32 s12, s1;
	[tilespmem:v63+s23+$0x0] =	vst.idx.msk $0xffff, v19  }
0x159: {  	s7 =	simm.s32 @!p0 $0x0;
	s1 =	sshra.s32 s1, $0x7;
	[tilespmem:v63+s4+$0x0] =	vst.idx.msk $0xffff, v4  }
0x15a: {  	s1 =	ssub.s32 s1, s7;
	[tilespmem:v22+s23+$0x0] =	vst.idx.msk $0xffff, v20  }
0x15b: {  	s1 =	sadd.s32 $0x2, s1;
	[tilespmem:v22+s4+$0x0] =	vst.idx.msk $0xffff, v4  }
0x15c: {  	p0 =	slt.s32 s1, $0x1;
	[tilespmem:v23+s23+$0x0] =	vst.idx.msk $0xffff, v21  }
0x15d: {  	p1 =	seq.s32 @!p0 s1, $0x1;
	[tilespmem:v23+s4+$0x0] =	vst.idx.msk $0xffff, v4  }
0x15e: {  	s13 =	simm.s32 $0xA300;
	p1 =	por p1, p0;
	[bflag:$0x0] =	sbarrier.arrive $0xFFFF  }
0x15f: {  	[tilespmem:s13], [sflag:$0x1] =	stream.indirect.gather [hbm4b:s5+s21], $0x80, s4, s21, $0xb8;
	[tilespmem:$0x1E660] =	vst v63  }
0x160: {  	s7 =	simm.s32 @!p1 $0x80;
	s8 =	simm.s32 @!p1 $0xE300  }
0x161: {  	[tilespmem:s8], [sflag:$0x2] =	stream.indirect.gather @!p1 [hbm4b:s5+s7], $0x80, s7, s7, $0xb8;
	[tilespmem:$0x1E660] =	vst v63  }
0x162: {  	s7 =	simm.s32 @!p0 $0x1  }
0x163: {  	_ =	swait.ge @!p0 [sflag:s7], $0x4000  }
0x164: {  	s9 =	simm.s32 @!p0 $0xA300;
	[sflag:s7] =	ssyncset.done @!p0 $0x0  }
0x165: {  	s8 =	simm.s32 @!p0 $0x5180;
	[sflag:s7] =	ssyncadd.s32 @!p0 $0xFFFFC000;
	s7 =	simm.s32 @!p0 $0x80  }
0x166: {  	[spmem:s2] =	stream.indirect.scatter.add.f32 @!p0 [tilespmem:s9], [sflag:$0x3], $0x80, s8, s7, $0xb8;
	[tilespmem:$0x1E660] =	vst v63  }
0x167: {  	s9 =	simm.s32 @!p0 $0x1E300  }
0x168: {  	[spmem:s3] =	stream.indirect.scatter.add.f32 @!p0 [tilespmem:s9], [sflag:$0x5], $0x1, s8, s7, $0xb8;
	[tilespmem:$0x1E660] =	vst v63  }
0x169: {  	p0 =	slt.s32 s1, $0x2  }
0x16a: {  	p1 =	seq.s32 @!p0 s1, $0x2  }
0x16b: {  	p1 =	por p1, p0  }
0x16c: {  	s7 =	simm.s32 @!p1 $0x3  }
0x16d: {  	_ =	swait.ge @!p1 [sflag:s7], $0x4000  }
0x16e: {  	s8 =	simm.s32 @!p1 $0x100;
	[sflag:s7] =	ssyncset.done @!p1 $0x0  }
0x16f: {  	s9 =	simm.s32 @!p1 $0xA300;
	[sflag:s7] =	ssyncadd.s32 @!p1 $0xFFFFC000;
	s7 =	simm.s32 @!p1 $0x80  }
0x170: {  	[tilespmem:s9], [sflag:$0x1] =	stream.indirect.gather @!p1 [hbm4b:s5+s7], $0x80, s8, s7, $0xb8;
	[tilespmem:$0x1E660] =	vst v63  }
0x171: {  	s7 =	simm.s32 @!p0 $0x2  }
0x172: {  	_ =	swait.ge @!p0 [sflag:s7], $0x4000  }
0x173: {  	s8 =	simm.s32 @!p0 $0x5200;
	s9 =	simm.s32 @!p0 $0xE300;
	[sflag:s7] =	ssyncset.done @!p0 $0x0  }
.Ltmp4:
0x174: {  	[sflag:s7] =	ssyncadd.s32 @!p0 $0xFFFFC000;
	s7 =	simm.s32 @!p0 $0x80;
	(pc) =	sbr.rel .LBB2_6-.Ltmp4, $4  }
0x175: {  	[spmem:s2] =	stream.indirect.scatter.add.f32 @!p0 [tilespmem:s9], [sflag:$0x4], $0x80, s8, s7, $0xb8;
	[tilespmem:$0x1E660] =	vst v63  }
0x176: {  	s9 =	simm.s32 @!p0 $0x1E300  }
0x177: {  	[spmem:s3] =	stream.indirect.scatter.add.f32 @!p0 [tilespmem:s9], [sflag:$0x6], $0x1, s8, s7, $0xb8;
	[tilespmem:$0x1E660] =	vst v63  }
0x178: {  	s7 =	simm.s32 $0x3;
	s8 =	simm.s32 $0x180;
	s9 =	simm.s32 $0x5280  }
.LBB2_8:
0x179: {  	s7 =	sadd.s32 $0x1, s7  }
0x17a: {  	p0 =	sne.s32 s7, $0xA3  }
.Ltmp5:
0x17b: {  	_ = 	snop;
	(pc) =	sbr.rel @!p0 .LBB2_9-.Ltmp5, $2  }
0x17c: {  	_ =	sdelay $0x2  }
0x17d: {  	s8 =	sadd.s32 $0x80, s8;
	s9 =	sadd.s32 $0x80, s9  }
.LBB2_6:
0x17e: {  	s10 =	sadd.s32 $0xFFFFFFFF, s7  }
0x17f: {  	p0 =	sge.s32 s10, s1  }
0x180: {  	s10 =	sand.u32 @!p0 $0x1, s10  }
0x181: {  	p1 =	seq.s32 @!p0 s10, $0x1  }
0x182: {  	p2 =	por p1, p0  }
0x183: {  	p3 =	sge.u32 @!p2 s7, s1  }
0x184: {  	p3 =	por @!p0 p3, p1  }
0x185: {  	p3 =	por p3, p0  }
0x186: {  	s12 =	simm.s32 @!p3 $0x4  }
0x187: {  	_ =	swait.ge @!p3 [sflag:s12], $0x4000  }
0x188: {  	[sflag:s12] =	ssyncset.done @!p3 $0x0  }
0x189: {  	s13 =	simm.s32 @!p3 $0xE300;
	[sflag:s12] =	ssyncadd.s32 @!p3 $0xFFFFC000;
	s12 =	simm.s32 @!p3 $0x80  }
0x18a: {  	[tilespmem:s13], [sflag:$0x2] =	stream.indirect.gather @!p3 [hbm4b:s5+s12], $0x80, s8, s12, $0xb8;
	[tilespmem:$0x1E660] =	vst v63  }
0x18b: {  	s12 =	simm.s32 @!p2 $0x1  }
0x18c: {  	_ =	swait.ge @!p2 [sflag:s12], $0x4000  }
0x18d: {  	[sflag:s12] =	ssyncset.done @!p2 $0x0  }
0x18e: {  	s13 =	simm.s32 @!p2 $0xA300;
	[sflag:s12] =	ssyncadd.s32 @!p2 $0xFFFFC000;
	s12 =	simm.s32 @!p2 $0x80  }
0x18f: {  	[spmem:s2] =	stream.indirect.scatter.add.f32 @!p2 [tilespmem:s13], [sflag:$0x3], $0x80, s9, s12, $0xb8;
	[tilespmem:$0x1E660] =	vst v63  }
0x190: {  	s13 =	simm.s32 @!p2 $0x5  }
0x191: {  	_ =	swait.ge @!p2 [sflag:s13], $0x80  }
0x192: {  	[sflag:s13] =	ssyncset.done @!p2 $0x0  }
0x193: {  	[sflag:s13] =	ssyncadd.s32 @!p2 $0xFFFFFF80;
	s13 =	simm.s32 @!p2 $0x1E300  }
0x194: {  	[spmem:s3] =	stream.indirect.scatter.add.f32 @!p2 [tilespmem:s13], [sflag:$0x5], $0x1, s9, s12, $0xb8;
	[tilespmem:$0x1E660] =	vst v63  }
0x195: {  	p2 =	seq.s32 @!p2 s10, $0x0  }
0x196: {  	p1 =	por @!p0 p1, !p2  }
0x197: {  	p0 =	por p0, !p1  }
.Ltmp6:
0x198: {  	_ = 	snop;
	(pc) =	sbr.rel @p0 .LBB2_8-.Ltmp6, $1  }
0x199: {  	_ =	sdelay $0x3  }
0x19a: {  	p0 =	sge.s32 s7, s1  }
0x19b: {  	s10 =	simm.s32 @!p0 $0x3  }
0x19c: {  	_ =	swait.ge @!p0 [sflag:s10], $0x4000  }
0x19d: {  	[sflag:s10] =	ssyncset.done @!p0 $0x0  }
0x19e: {  	s12 =	simm.s32 @!p0 $0xA300;
	[sflag:s10] =	ssyncadd.s32 @!p0 $0xFFFFC000;
	s10 =	simm.s32 @!p0 $0x80  }
0x19f: {  	[tilespmem:s12], [sflag:$0x1] =	stream.indirect.gather @!p0 [hbm4b:s5+s10], $0x80, s8, s10, $0xb8;
	[tilespmem:$0x1E660] =	vst v63  }
0x1a0: {  	_ =	swait.ge [sflag:s29], $0x4000  }
0x1a1: {  	[sflag:s29] =	ssyncset.done $0x0  }
0x1a2: {  	[sflag:s29] =	ssyncadd.s32 $0xFFFFC000  }
0x1a3: {  	[spmem:s2] =	stream.indirect.scatter.add.f32 [tilespmem:s30], [sflag:$0x4], $0x80, s9, s21, $0xb8;
	[tilespmem:$0x1E660] =	vst v63  }
.Ltmp7:
0x1a4: {  	_ = 	snop;
	(pc) =	sbr.rel .LBB2_8-.Ltmp7, $4  }
0x1a5: {  	_ =	swait.ge [sflag:s28], $0x80  }
0x1a6: {  	[sflag:s28] =	ssyncset.done $0x0  }
0x1a7: {  	[sflag:s28] =	ssyncadd.s32 $0xFFFFFF80  }
0x1a8: {  	[spmem:s3] =	stream.indirect.scatter.add.f32 [tilespmem:s31], [sflag:$0x6], $0x1, s9, s21, $0xb8;
	[tilespmem:$0x1E660] =	vst v63  }
.LBB2_10:
0x1a9: {  	_ =	sfence.sel $0x180000  }
0x1aa: {  	[bflag:$0x0] =	sbarrier.arrive $0xFFFF  }
0x1ab: {  	_ =	strace $0x90000047  }
0x1ac: {  	s0 =	stileid.u32;
	[bflag:$0x2] =	sbarrier.arrive $0xFFFF  }
0x1ad: {  	p0 =	sne.s32 s0, $0x0;
	s0 =	rddreg [dreg:$0x4]  }
0x1ae: {  	s0 =	sadd.s32 @!p0 $0x100000, s0  }
0x1af: {  	[sflag:s0] =	ssyncadd.tile.s32 @!p0 $0x1;
	_ =	shalt  }
.Lfunc_end2:
_tile_overlayer_lowered:
.L_overlay_start_2:
0x1b0: {  	(tag) =	ssettag $0x2  }
0x1b1: {  	s0 =	rddreg [dreg:$0x0];
	s2 =	stileid.u32  }
0x1b2: {  	s1 =	rddreg [dreg:$0x1];
	p0 =	sne.s32 s2, $0x0  }
0x1b3: {  	s3 =	rddreg [dreg:$0x2];
	[bflag:$0x3] =	sbarrier.arrive $0xFFFF;
	s2 =	simm.s32 @!p0 $0x1C07  }
0x1b4: {  	[timem:s3], [sflag:s2] =	dma.local @!p0 [hbm:s0], s1  }
0x1b5: {  	s0 =	simm.s32 @!p0 $0x7  }
0x1b6: {  	_ =	swait.ge @!p0 [sflag:s0], s1  }
0x1b7: {  	s1 =	ssub.s32 @!p0 $0x0, s1;
	[sflag:s0] =	ssyncset.done @!p0 $0x0  }
0x1b8: {  	[sflag:s0] =	ssyncadd.s32 @!p0 s1  }
0x1b9: {  	[bflag:$0x3] =	sbarrier.arrive $0xFFFF  }
0x1ba: {  	_ =	shalt  }

// kernel: kernel.9.cloned.1.call-start
scs
__scs_entry_jumppad:
0x0: {  	(pc) =	sbr.rel $0x88, $3  }
0x1: {  	(tag) =	ssettag $0x0;
	lr =	simm.s32 $0x1  }
0x2: {  	[smem:$0x3F97] =	sst lr;
	_ =	strace $0xD0000000  }
0x3: {  	_ = 	snop  }
0x4: {  	_ = 	snop  }
0x5: {  	_ = 	snop  }
0x6: {  	_ = 	snop  }
0x7: {  	_ = 	snop  }
__scs_overlays_trampoline_lowered:
0x8: {  	[smem:$0x3FA6] =	sst s0  }
0x9: {  	[smem:$0x3FA7] =	sst s1  }
0xa: {  	[smem:$0x3FA8] =	sst s2  }
0xb: {  	[smem:$0x3FA9] =	sst s3  }
0xc: {  	[smem:$0x3FAA] =	sst s4  }
0xd: {  	[smem:$0x3FAB] =	sst s5  }
0xe: {  	[smem:$0x3FAC] =	sst s6  }
0xf: {  	[smem:$0x3FAD] =	sst s7  }
0x10: {  	[smem:$0x3FAE] =	sst s8  }
0x11: {  	[smem:$0x3FAF] =	sst s9;
	s0 =	simm.s32 @!p0 $0x0  }
0x12: {  	s1 =	sld [smem:$0x3F95];
	s0 =	simm.s32 @p0 $0x1  }
0x13: {  	[smem:$0x3FB0] =	sst s0;
	s0 =	simm.s32 @!p1 $0x0  }
0x14: {  	s2 =	sld [smem:$0x3F94];
	s0 =	simm.s32 @p1 $0x1  }
0x15: {  	[smem:$0x3FB1] =	sst s0;
	s0 =	simm.s32 @!p2 $0x0  }
0x16: {  	s3 =	sld [smem:$0x3FDB];
	s0 =	simm.s32 @p2 $0x1  }
0x17: {  	s4 =	simm.s32 $0x1BF5;
	[smem:$0x3FB3] =	sst s0  }
0x18: {  	s0 =	sld [smem:$0x3F96];
	_ =	swait.ge [sflag:s4], $0x0  }
0x19: {  	s7 =	sld [smem:$0x3F97]  }
0x1a: {  	s8 =	sadd.s32 $0xFFFFE003, lr  }
0x1b: {  	s9 =	sadd.s32 $0xFFFFFEF7, lr;
	s5 =	simm.s32 $0xFFFFFFFF;
	p2 =	slt.u32 s8, $0xFFFFF086  }
0x1c: {  	p1 =	slt.u32 s9, $0xF7A;
	s5 =	simm.s32 @!p2 $0x0  }
0x1d: {  	s5 =	simm.s32 @p1 $0x1;
	p0 =	seq.s32 s7, s2  }
0x1e: {  	s7 =	smul.u32 @!p0 $0xF7A, s2;
	p2 =	seq.s32 @!p0 s5, $0x0  }
0x1f: {  	s9 =	smul.u32 $0xF7A, s1;
	s8 =	simm.s32 @!p0 $0x1BF5;
	p2 =	por !p2, p0  }
0x20: {  	[sflag:s8] =	ssyncset.s32 @!p0 $0xFFFFF086;
	s6 =	sadd.s32 @!p0 s3, s7;
	s7 =	simm.s32 @!p0 $0x108  }
0x21: {  	s3 =	sadd.s32 s3, s9;
	s6 =	sadd.s32 @!p0 $0x88, s6;
	s7 =	simm.s32 @p2 $0x1082  }
0x22: {  	[simem:s7], [sflag:s8] =	dma.local @!p0 [hbm:s6], $0xF7A  }
0x23: {  	s9 =	sor.u32 $0xD0000000, s2;
	s6 =	simm.s32 $0x108;
	_ =	swait.ge @!p0 [sflag:s8], $0x0  }
0x24: {  	s3 =	sadd.s32 $0x88, s3;
	s6 =	simm.s32 @!p1 $0x1082;
	[sflag:s4] =	ssyncset.s32 $0xFFFFF086  }
0x25: {  	[simem:s6], [sflag:s4] =	dma.local [hbm:s3], $0xF7A  }
0x26: {  	[smem:$0x3F97] =	sst s1;
	(tag) =	ssettag s2;
	_ =	strace s9  }
0x27: {  	s1 =	sld [smem:$0x3FA7]  }
0x28: {  	s2 =	sld [smem:$0x3FA8]  }
0x29: {  	s4 =	sld [smem:$0x3FAA]  }
0x2a: {  	p0 =	seq.s32 s5, $0x0;
	s5 =	sld [smem:$0x3FAB]  }
0x2b: {  	s6 =	sld [smem:$0x3FAC]  }
0x2c: {  	s7 =	sld [smem:$0x3FAD]  }
0x2d: {  	s3 =	simm.s32 $0x108;
	s8 =	sld [smem:$0x3FAE]  }
0x2e: {  	s3 =	simm.s32 @!p0 $0x1082;
	s9 =	sld [smem:$0x3FAF]  }
0x2f: {  	lr =	sadd.s32 s0, s3;
	s0 =	sld [smem:$0x3FA6]  }
0x30: {  	s3 =	sld [smem:$0x3FA9]  }
0x31: {  	[smem:$0x3FB2] =	sst s10  }
0x32: {  	s10 =	sld [smem:$0x3FB0];
	_ =	sdelay $0x3  }
0x33: {  	p0 =	seq.s32 s10, $0x1;
	s10 =	sld [smem:$0x3FB2];
	_ =	sdelay $0x3  }
0x34: {  	[smem:$0x3FB2] =	sst s10  }
0x35: {  	s10 =	sld [smem:$0x3FB1];
	_ =	sdelay $0x3  }
0x36: {  	p1 =	seq.s32 s10, $0x1;
	s10 =	sld [smem:$0x3FB2];
	_ =	sdelay $0x3  }
0x37: {  	[smem:$0x3FB2] =	sst s10  }
0x38: {  	s10 =	sld [smem:$0x3FB3]  }
0x39: {  	_ = 	snop;
	(pc) =	sbr.ind lr, $3  }
0x3a: {  	_ = 	snop  }
0x3b: {  	_ = 	snop  }
0x3c: {  	p2 =	seq.s32 s10, $0x1;
	s10 =	sld [smem:$0x3FB2]  }
0x3d: {  	_ =	shalt  }
0x3e: {  	_ =	shalt  }
0x3f: {  	_ =	shalt  }
0x40: {  	_ =	shalt  }
0x41: {  	_ =	shalt  }
0x42: {  	_ =	shalt  }
0x43: {  	_ =	shalt  }
0x44: {  	_ =	shalt  }
0x45: {  	_ =	shalt  }
0x46: {  	_ =	shalt  }
0x47: {  	_ =	shalt  }
0x48: {  	_ =	shalt  }
0x49: {  	_ =	shalt  }
0x4a: {  	_ =	shalt  }
0x4b: {  	_ =	shalt  }
0x4c: {  	_ =	shalt  }
0x4d: {  	_ =	shalt  }
0x4e: {  	_ =	shalt  }
0x4f: {  	_ =	shalt  }
0x50: {  	_ =	shalt  }
0x51: {  	_ =	shalt  }
0x52: {  	_ =	shalt  }
0x53: {  	_ =	shalt  }
0x54: {  	_ =	shalt  }
0x55: {  	_ =	shalt  }
0x56: {  	_ =	shalt  }
0x57: {  	_ =	shalt  }
0x58: {  	_ =	shalt  }
0x59: {  	_ =	shalt  }
0x5a: {  	_ =	shalt  }
0x5b: {  	_ =	shalt  }
0x5c: {  	_ =	shalt  }
0x5d: {  	_ =	shalt  }
0x5e: {  	_ =	shalt  }
0x5f: {  	_ =	shalt  }
0x60: {  	_ =	shalt  }
0x61: {  	_ =	shalt  }
0x62: {  	_ =	shalt  }
0x63: {  	_ =	shalt  }
0x64: {  	_ =	shalt  }
0x65: {  	_ =	shalt  }
0x66: {  	_ =	shalt  }
0x67: {  	_ =	shalt  }
0x68: {  	_ =	shalt  }
0x69: {  	_ =	shalt  }
0x6a: {  	_ =	shalt  }
0x6b: {  	_ =	shalt  }
0x6c: {  	_ =	shalt  }
0x6d: {  	_ =	shalt  }
0x6e: {  	_ =	shalt  }
0x6f: {  	_ =	shalt  }
0x70: {  	_ =	shalt  }
0x71: {  	_ =	shalt  }
0x72: {  	_ =	shalt  }
0x73: {  	_ =	shalt  }
0x74: {  	_ =	shalt  }
0x75: {  	_ =	shalt  }
0x76: {  	_ =	shalt  }
0x77: {  	_ =	shalt  }
0x78: {  	_ =	shalt  }
0x79: {  	_ =	shalt  }
0x7a: {  	_ =	shalt  }
0x7b: {  	_ =	shalt  }
0x7c: {  	_ =	shalt  }
0x7d: {  	_ =	shalt  }
0x7e: {  	_ =	shalt  }
0x7f: {  	_ =	shalt  }
0x80: {  	_ =	shalt  }
0x81: {  	_ =	shalt  }
0x82: {  	_ =	shalt  }
0x83: {  	_ =	shalt  }
0x84: {  	_ =	shalt  }
0x85: {  	_ =	shalt  }
0x86: {  	_ =	shalt  }
0x87: {  	_ =	shalt  }
.Lfunc_end0:
.L_simem_size_0:
called_computation.1_lowered:
.L_overlay_start_0:
0x88: {  	s2 =	sld [smem:$0x3FD9]  }
0x89: {  	s3 =	sld [smem:$0x3FFE];
	_ =	sdelay $0x1  }
0x8a: {  	s1 =	srdreg.scid  }
0x8b: {  	s0 =	sand.u32 $0x1, s1  }
0x8c: {  	s16 =	sshll.u32 s0, $0xA;
	s2 =	sadd.s32 s3, s2  }
0x8d: {  	s2 =	sadd.s32 s2, s16  }
0x8e: {  	[smem:$0x3FBE] =	sst s2  }
0x8f: {  	_ = 	snop  }
0x90: {  	(tm) =	ssettm $0x1  }
0x91: {  	s17 =	sld [smem:$0x3FFB];
	_ =	sdelay $0x3  }
0x92: {  	_ =	strace s17  }
0x93: {  	s2 =	sld [smem:$0x3FFC];
	_ =	sdelay $0x3  }
0x94: {  	_ =	strace s2  }
0x95: {  	s2 =	sld [smem:$0x3FFD];
	_ =	sdelay $0x3  }
0x96: {  	_ =	strace s2  }
0x97: {  	_ =	strace $0x8FFFFFFF  }
0x98: {  	s18 =	sld [smem:$0x3FDB];
	_ =	sdelay $0x1  }
0x99: {  	s19 =	simm.s32 $_scs_section_size  }
0x9a: {  	s4 =	simm.s32 $_size__tile_overlayer_lowered;
	s5 =	simm.s32 $_tile_overlayer_lowered  }
0x9b: {  	s22 =	simm.s32 $0x1BFF;
	s21 =	sshll.u32 s5, $0x1;
	s2 =	sadd.s32 s19, s18  }
0x9c: {  	s6 =	simm.s32 $0x0;
	s20 =	sshll.u32 s4, $0x1;
	s4 =	sadd.s32 s21, s2  }
0x9d: {  	[timem:s6], [sflag:s22] =	dma.local [hbm:s4], s20  }
0x9e: {  	_ =	swait.ge [sflag:s22], s20  }
0x9f: {  	s3 =	ssub.s32 $0x0, s20;
	[sflag:s22] =	ssyncset.done $0x0  }
0xa0: {  	[sflag:s22] =	ssyncadd.s32 s3;
	_ =	sdelay $0x1  }
0xa1: {  	s23 =	simm.s32 $0x1B8B  }
0xa2: {  	_ =	swait.ge [sflag:s23], $0x1  }
0xa3: {  	[sflag:s23] =	ssyncset.done $0x0  }
0xa4: {  	s25 =	simm.s32 $0x1B8E;
	s24 =	sld [smem:$0x3FFE];
	[sflag:s23] =	ssyncadd.s32 $0xFFFFFFFF  }
0xa5: {  	s26 =	simm.s32 $execute0_lowered;
	[smem:$0x3FD2] =	sst s25  }
0xa6: {  	s4 =	sshll.u32 s26, $0x1;
	_ =	strace $0x80000049;
	[dreg:$0x1] =	wrdreg $0xFFFFFFFF  }
0xa7: {  	s28 =	simm.s32 $_size_execute0_lowered;
	s2 =	sadd.s32 s2, s4;
	[dreg:$0x0] =	wrdreg $0x0  }
0xa8: {  	s4 =	sshll.u32 s28, $0x1;
	[dreg:$0x2] =	wrdreg s2  }
0xa9: {  	[dreg:$0x3] =	wrdreg s4  }
0xaa: {  	[dreg:$0x4] =	wrdreg $0xC0  }
0xab: {  	_ =	task [dreg:s6], $0x5FFFF  }
0xac: {  	[dreg:$0x1] =	wrdreg $0xFFFFFFFF  }
0xad: {  	[dreg:$0x0] =	wrdreg $0x60  }
0xae: {  	[dreg:$0x2] =	wrdreg s24  }
0xaf: {  	[dreg:$0x3] =	wrdreg $0x133000  }
0xb0: {  	[dreg:$0x4] =	wrdreg $0x9  }
0xb1: {  	_ =	task.clear_ibuf [dreg:s6], $0x5FFFF;
	_ =	strace $0x90000049  }
0xb2: {  	s29 =	simm.s32 $0x9;
	_ =	strace $0x8000004B  }
0xb3: {  	_ =	swait.ge [sflag:s29], $0x1  }
0xb4: {  	[sflag:s29] =	ssyncadd.s32 $0xFFFFFFFF  }
0xb5: {  	_ =	strace $0x9000004B  }
0xb6: {  	_ =	sfence  }
0xb7: {  	s30 =	sld [smem:$0x0];
	_ =	sdelay $0x2  }
0xb8: {  	s31 =	sshll.u32 s1, $0xD;
	s1 =	sshrl.u32 s1, $0x2  }
0xb9: {  	s3 =	sand.u32 $0x4000, s31;
	s1 =	sadd.s32 s1, s30  }
0xba: {  	s0 =	sor.u32 s3, s0;
	s1 =	sshll.u32 s1, $0x11  }
0xbb: {  	s0 =	sor.u32 s1, s0  }
0xbc: {  	s0 =	sadd.s32 $0x8F2B, s0  }
0xbd: {  	[sflag:s0] =	ssyncadd.remote.s32 $0x1  }
0xbe: {  	_ =	sfence.sel $0xFFFF  }
0xbf: {  	[dreg:$0x0] =	wrdreg $0xFFFFFFFF;
	(pc) =	sbr.abs _section_cstart, $3  }
0xc0: {  	[dreg:$0x1] =	wrdreg $0xFFFFFFFF  }
0xc1: {  	_ =	task.clear_ibuf [dreg:s6], $0x2FFFF;
	_ =	strace $0x9FFFFFFF  }
0xc2: {  	(tm) =	ssettm $0x7FFFFFFF  }
0xc3: {  	_ =	shalt  }
tec
execute0_lowered:
.L_overlay_start_1:
0x0: {  	(tag) =	ssettag $0x1  }
0x1: {  	s0 =	rddreg [dreg:$0x0];
	s9 =	stileid.u32  }
0x2: {  	s2 =	rddreg [dreg:$0x1];
	s8 =	smul.u32 $0x140, s9  }
0x3: {  	s3 =	srdreg.scid;
	s1 =	sshrl.u32 s9, $0x3;
	s26 =	smul.u32 $0x2C000, s9  }
0x4: {  	s5 =	sand.u32 $0x1, s3;
	s4 =	sshll.u32 s9, $0x7;
	s1 =	smul.u32 $0x28000, s1  }
0x5: {  	s3 =	simm.s32 $0x0;
	s6 =	smul.u32 $0x1400, s5;
	s7 =	sand.u32 $0x380, s4  }
0x6: {  	s4 =	sadd.s32 $0x16A00, s0;
	s5 =	ssub.s32 $0x2, s5;
	s1 =	sor.u32 s7, s1  }
0x7: {  	s28 =	sshrl.u32 s5, $0x1;
	s25 =	sadd.s32 s8, s6;
	s1 =	sshrl.u32 s1, $0x3  }
0x8: {  	s8 =	sshrl.u32 s26, $0x2;
	s7 =	sshll.u32 s25, $0x4;
	s1 =	sadd.s32 s1, s0  }
0x9: {  	s0 =	sadd.s32 s7, s0;
	s7 =	ssub.s32 s5, s28;
	s5 =	sadd.s32 s8, s2  }
0xa: {  	[smem:$0x7FF] =	sst s3;
	s30 =	sadd.s32 $0x1000, s5  }
0xb: {  	_ =	strace $0x8000004A;
	s10 =	sadd.s32 $0x2000, s5;
	[dreg:$0x3] =	wrdreg s30  }
0xc: {  	s11 =	sadd.s32 $0x3000, s5;
	[dreg:$0x4] =	wrdreg s10  }
0xd: {  	s12 =	sadd.s32 $0x4000, s5;
	[dreg:$0x5] =	wrdreg s11  }
0xe: {  	s13 =	sadd.s32 $0x5000, s5;
	[dreg:$0x6] =	wrdreg s12  }
0xf: {  	s14 =	sadd.s32 $0xCA00, s1;
	[dreg:$0x7] =	wrdreg s13  }
0x10: {  	s1 =	sadd.s32 $0x2A00, s1;
	[dreg:$0x8] =	wrdreg s14  }
0x11: {  	s15 =	sadd.s32 $0x3EA00, s0;
	[dreg:$0x9] =	wrdreg s1  }
0x12: {  	s16 =	sadd.s32 $0x3EC00, s0;
	[dreg:$0xa] =	wrdreg s15  }
0x13: {  	s17 =	sadd.s32 $0x3EE00, s0;
	[dreg:$0xb] =	wrdreg s16  }
0x14: {  	s18 =	sadd.s32 $0x3F000, s0;
	[dreg:$0xc] =	wrdreg s17  }
0x15: {  	s19 =	sadd.s32 $0x3F200, s0;
	[dreg:$0xd] =	wrdreg s18  }
0x16: {  	s20 =	sadd.s32 $0x3F400, s0;
	[dreg:$0xe] =	wrdreg s19  }
0x17: {  	s21 =	sadd.s32 $0x3F600, s0;
	[dreg:$0xf] =	wrdreg s20  }
0x18: {  	s22 =	sadd.s32 $0x3F800, s0;
	[dreg:$0x10] =	wrdreg s21  }
0x19: {  	s23 =	sadd.s32 $0x3FA00, s0;
	[dreg:$0x11] =	wrdreg s22  }
0x1a: {  	s0 =	sadd.s32 $0x3FC00, s0;
	[dreg:$0x12] =	wrdreg s23  }
0x1b: {  	s24 =	smax.u32 s7, $0x1;
	[dreg:$0x13] =	wrdreg s0  }
0x1c: {  	s25 =	sadd.s32 $0x6000, s5;
	[dreg:$0x14] =	wrdreg s24  }
0x1d: {  	s29 =	smul.u32 $0x28000, s9;
	s26 =	sadd.s32 $0x7000, s5;
	[dreg:$0x15] =	wrdreg s25  }
0x1e: {  	s28 =	sadd.s32 $0x8000, s5;
	[dreg:$0x16] =	wrdreg s26  }
0x1f: {  	s8 =	sshrl.u32 s29, $0x2;
	s29 =	sadd.s32 $0x9000, s5;
	[dreg:$0x17] =	wrdreg s28  }
0x20: {  	s13 =	sadd.s32 s8, s2;
	[dreg:$0x18] =	wrdreg s29;
	s30 =	sadd.s32 $0xA000, s5  }
0x21: {  	v1 =	vimm.f32 $0.0e+00;
	v2 =	vlaneseq.u32;
	v3 =	vimm.s32 $0x0;
	s12 =	simm.s32 $0x12300;
	s14 =	simm.s32 $0x5;
	s15 =	simm.s32 $0x80  }
0x22: {  	v4 =	vor.u32 $0x5100, v2;
	v5 =	vor.u32 $0x1400, v2;
	v6 =	vor.u32 $0x1410, v2;
	s16 =	simm.s32 $0x400;
	s17 =	simm.s32 $0x5180;
	s18 =	simm.s32 $0x3  }
.Ltmp0:
0x23: {  	v7 =	vor.u32 $0x1420, v2;
	v8 =	vor.u32 $0x1430, v2;
	v9 =	vor.u32 $0x1440, v2;
	s19 =	simm.s32 $0x4;
	s20 =	simm.s32 $0x2;
	(pc) =	sbr.rel .LBB2_1-.Ltmp0, $4  }
0x24: {  	v10 =	vor.u32 $0x1450, v2;
	v11 =	vor.u32 $0x1460, v2;
	v12 =	vor.u32 $0x1470, v2;
	s21 =	simm.s32 $0xE300;
	s22 =	simm.s32 $0x0;
	[dreg:$0x19] =	wrdreg s30  }
0x25: {  	v13 =	vor.u32 $0x1480, v2;
	v14 =	vor.u32 $0x1490, v2;
	v15 =	vor.u32 $0x14A0, v2;
	s31 =	sadd.s32 $0x1000, s13;
	s1 =	sadd.s32 $0x2000, s13;
	s0 =	sadd.s32 $0x3000, s13  }
0x26: {  	v16 =	vor.u32 $0x14B0, v2;
	v17 =	vor.u32 $0x14C0, v2;
	v0 =	vmov s6;
	s6 =	sadd.s32 $0x4000, s13;
	s7 =	sadd.s32 $0x5000, s13;
	s8 =	sadd.s32 $0x6000, s13  }
0x27: {  	v18 =	vor.u32 $0x14D0, v2;
	v19 =	vor.u32 $0x14E0, v2;
	v20 =	vor.u32 $0x14F0, v2;
	s9 =	sadd.s32 $0x7000, s13;
	s10 =	sadd.s32 $0x8000, s13;
	s11 =	sadd.s32 $0x9000, s13  }
.LBB2_9:
0x28: {  	_ =	swait.ge [sflag:s18], $0x4000  }
0x29: {  	[sflag:s18] =	ssyncset.done $0x0  }
0x2a: {  	[sflag:s18] =	ssyncadd.s32 $0xFFFFC000  }
0x2b: {  	_ =	swait.ge [sflag:s19], $0x4000  }
0x2c: {  	[sflag:s19] =	ssyncset.done $0x0  }
0x2d: {  	[sflag:s19] =	ssyncadd.s32 $0xFFFFC000  }
0x2e: {  	[bflag:$0x0] =	sbarrier.arrive $0xFFFF  }
0x2f: {  	[tilespmem:s12], [sflag:$0x5] =	stream.linear.gather [spmem:s13], $0x1000, $0x38;
	[tilespmem:$0x1E300] =	vst v63  }
0x30: {  	_ =	swait.ge [sflag:s14], $0x1000  }
0x31: {  	[sflag:s14] =	ssyncset.done $0x0  }
0x32: {  	s23 =	rddreg [dreg:$0xa];
	[sflag:s14] =	ssyncadd.s32 $0xFFFFF000  }
0x33: {  	[hbm4b:s23+s3] =	stream.linear.scatter [tilespmem:s12], [sflag:$0x5], $0x1000, $0x38;
	[tilespmem:$0x1E300] =	vst v63  }
0x34: {  	_ =	swait.ge [sflag:s14], $0x1000  }
0x35: {  	[sflag:s14] =	ssyncset.done $0x0  }
0x36: {  	[sflag:s14] =	ssyncadd.s32 $0xFFFFF000  }
0x37: {  	[tilespmem:s12], [sflag:$0x5] =	stream.linear.gather [spmem:s31], $0x1000, $0x38;
	[tilespmem:$0x1E300] =	vst v63  }
0x38: {  	_ =	swait.ge [sflag:s14], $0x1000  }
0x39: {  	[sflag:s14] =	ssyncset.done $0x0  }
0x3a: {  	s26 =	rddreg [dreg:$0xb];
	[sflag:s14] =	ssyncadd.s32 $0xFFFFF000  }
0x3b: {  	[hbm4b:s26+s3] =	stream.linear.scatter [tilespmem:s12], [sflag:$0x5], $0x1000, $0x38;
	[tilespmem:$0x1E300] =	vst v63  }
0x3c: {  	_ =	swait.ge [sflag:s14], $0x1000  }
0x3d: {  	[sflag:s14] =	ssyncset.done $0x0  }
0x3e: {  	[sflag:s14] =	ssyncadd.s32 $0xFFFFF000  }
0x3f: {  	[tilespmem:s12], [sflag:$0x5] =	stream.linear.gather [spmem:s1], $0x1000, $0x38;
	[tilespmem:$0x1E300] =	vst v63  }
0x40: {  	_ =	swait.ge [sflag:s14], $0x1000  }
0x41: {  	[sflag:s14] =	ssyncset.done $0x0  }
0x42: {  	s28 =	rddreg [dreg:$0xc];
	[sflag:s14] =	ssyncadd.s32 $0xFFFFF000  }
0x43: {  	[hbm4b:s28+s3] =	stream.linear.scatter [tilespmem:s12], [sflag:$0x5], $0x1000, $0x38;
	[tilespmem:$0x1E300] =	vst v63  }
0x44: {  	_ =	swait.ge [sflag:s14], $0x1000  }
0x45: {  	[sflag:s14] =	ssyncset.done $0x0  }
0x46: {  	[sflag:s14] =	ssyncadd.s32 $0xFFFFF000  }
0x47: {  	[tilespmem:s12], [sflag:$0x5] =	stream.linear.gather [spmem:s0], $0x1000, $0x38;
	[tilespmem:$0x1E300] =	vst v63  }
0x48: {  	_ =	swait.ge [sflag:s14], $0x1000  }
0x49: {  	[sflag:s14] =	ssyncset.done $0x0  }
0x4a: {  	s29 =	rddreg [dreg:$0xd];
	[sflag:s14] =	ssyncadd.s32 $0xFFFFF000  }
0x4b: {  	[hbm4b:s29+s3] =	stream.linear.scatter [tilespmem:s12], [sflag:$0x5], $0x1000, $0x38;
	[tilespmem:$0x1E300] =	vst v63  }
0x4c: {  	_ =	swait.ge [sflag:s14], $0x1000  }
0x4d: {  	[sflag:s14] =	ssyncset.done $0x0  }
0x4e: {  	[sflag:s14] =	ssyncadd.s32 $0xFFFFF000  }
0x4f: {  	[tilespmem:s12], [sflag:$0x5] =	stream.linear.gather [spmem:s6], $0x1000, $0x38;
	[tilespmem:$0x1E300] =	vst v63  }
0x50: {  	_ =	swait.ge [sflag:s14], $0x1000  }
0x51: {  	[sflag:s14] =	ssyncset.done $0x0  }
0x52: {  	s30 =	rddreg [dreg:$0xe];
	[sflag:s14] =	ssyncadd.s32 $0xFFFFF000  }
0x53: {  	[hbm4b:s30+s3] =	stream.linear.scatter [tilespmem:s12], [sflag:$0x5], $0x1000, $0x38;
	[tilespmem:$0x1E300] =	vst v63  }
0x54: {  	_ =	swait.ge [sflag:s14], $0x1000  }
0x55: {  	[sflag:s14] =	ssyncset.done $0x0  }
0x56: {  	[sflag:s14] =	ssyncadd.s32 $0xFFFFF000  }
0x57: {  	[tilespmem:s12], [sflag:$0x5] =	stream.linear.gather [spmem:s7], $0x1000, $0x38;
	[tilespmem:$0x1E300] =	vst v63  }
0x58: {  	_ =	swait.ge [sflag:s14], $0x1000  }
0x59: {  	[sflag:s14] =	ssyncset.done $0x0  }
0x5a: {  	s24 =	rddreg [dreg:$0xf];
	[sflag:s14] =	ssyncadd.s32 $0xFFFFF000  }
0x5b: {  	[hbm4b:s24+s3] =	stream.linear.scatter [tilespmem:s12], [sflag:$0x5], $0x1000, $0x38;
	[tilespmem:$0x1E300] =	vst v63  }
0x5c: {  	_ =	swait.ge [sflag:s14], $0x1000  }
0x5d: {  	[sflag:s14] =	ssyncset.done $0x0  }
0x5e: {  	[sflag:s14] =	ssyncadd.s32 $0xFFFFF000  }
0x5f: {  	[tilespmem:s12], [sflag:$0x5] =	stream.linear.gather [spmem:s8], $0x1000, $0x38;
	[tilespmem:$0x1E300] =	vst v63  }
0x60: {  	_ =	swait.ge [sflag:s14], $0x1000  }
0x61: {  	[sflag:s14] =	ssyncset.done $0x0  }
0x62: {  	s25 =	rddreg [dreg:$0x10];
	[sflag:s14] =	ssyncadd.s32 $0xFFFFF000  }
0x63: {  	[hbm4b:s25+s3] =	stream.linear.scatter [tilespmem:s12], [sflag:$0x5], $0x1000, $0x38;
	[tilespmem:$0x1E300] =	vst v63  }
0x64: {  	_ =	swait.ge [sflag:s14], $0x1000  }
0x65: {  	[sflag:s14] =	ssyncset.done $0x0  }
0x66: {  	[sflag:s14] =	ssyncadd.s32 $0xFFFFF000  }
0x67: {  	[tilespmem:s12], [sflag:$0x5] =	stream.linear.gather [spmem:s9], $0x1000, $0x38;
	[tilespmem:$0x1E300] =	vst v63  }
0x68: {  	_ =	swait.ge [sflag:s14], $0x1000  }
0x69: {  	[sflag:s14] =	ssyncset.done $0x0  }
0x6a: {  	s26 =	rddreg [dreg:$0x11];
	[sflag:s14] =	ssyncadd.s32 $0xFFFFF000  }
0x6b: {  	[hbm4b:s26+s3] =	stream.linear.scatter [tilespmem:s12], [sflag:$0x5], $0x1000, $0x38;
	[tilespmem:$0x1E300] =	vst v63  }
0x6c: {  	_ =	swait.ge [sflag:s14], $0x1000  }
0x6d: {  	[sflag:s14] =	ssyncset.done $0x0  }
0x6e: {  	[sflag:s14] =	ssyncadd.s32 $0xFFFFF000  }
0x6f: {  	[tilespmem:s12], [sflag:$0x5] =	stream.linear.gather [spmem:s10], $0x1000, $0x38;
	[tilespmem:$0x1E300] =	vst v63  }
0x70: {  	_ =	swait.ge [sflag:s14], $0x1000  }
0x71: {  	[sflag:s14] =	ssyncset.done $0x0  }
0x72: {  	s28 =	rddreg [dreg:$0x12];
	[sflag:s14] =	ssyncadd.s32 $0xFFFFF000  }
0x73: {  	[hbm4b:s28+s3] =	stream.linear.scatter [tilespmem:s12], [sflag:$0x5], $0x1000, $0x38;
	[tilespmem:$0x1E300] =	vst v63  }
0x74: {  	_ =	swait.ge [sflag:s14], $0x1000  }
0x75: {  	[sflag:s14] =	ssyncset.done $0x0  }
0x76: {  	[sflag:s14] =	ssyncadd.s32 $0xFFFFF000  }
0x77: {  	[tilespmem:s12], [sflag:$0x5] =	stream.linear.gather [spmem:s11], $0x1000, $0x38;
	[tilespmem:$0x1E300] =	vst v63  }
0x78: {  	_ =	swait.ge [sflag:s14], $0x1000  }
0x79: {  	[sflag:s14] =	ssyncset.done $0x0  }
0x7a: {  	s29 =	rddreg [dreg:$0x13];
	[sflag:s14] =	ssyncadd.s32 $0xFFFFF000  }
0x7b: {  	[hbm4b:s29+s3] =	stream.linear.scatter [tilespmem:s12], [sflag:$0x5], $0x1000, $0x38;
	[tilespmem:$0x1E300] =	vst v63  }
0x7c: {  	_ =	swait.ge [sflag:s14], $0x1000  }
0x7d: {  	s22 =	sadd.s32 $0x1, s22;
	s30 =	rddreg [dreg:$0x14]  }
0x7e: {  	p0 =	sne.s32 s22, s30  }
.Ltmp1:
0x7f: {  	_ = 	snop;
	(pc) =	sbr.rel @!p0 .LBB2_10-.Ltmp1, $3  }
0x80: {  	_ =	sdelay $0x1  }
0x81: {  	[sflag:s14] =	ssyncset.done $0x0  }
0x82: {  	[sflag:s14] =	ssyncadd.s32 $0xFFFFF000  }
.LBB2_1:
0x83: {  	s23 =	simm.s32 $0x0;
	s24 =	simm.s32 $0x200  }
.LBB2_2:
0x84: {  	p0 =	sne.s32 s24, $0x3E00;
	[tilespmem:s23+$0x12370] =	vst v1  }
0x85: {  	[tilespmem:s23+$0x12300] =	vst v1  }
0x86: {  	[tilespmem:s23+$0x12310] =	vst v1  }
.Ltmp2:
0x87: {  	[tilespmem:s23+$0x12320] =	vst v1;
	(pc) =	sbr.rel @p0 .LBB2_2-.Ltmp2, $4  }
0x88: {  	[tilespmem:s23+$0x12330] =	vst v1  }
0x89: {  	[tilespmem:s23+$0x12340] =	vst v1  }
0x8a: {  	[tilespmem:s23+$0x12350] =	vst v1  }
0x8b: {  	[tilespmem:s23+$0x12360] =	vst v1;
	s23 =	sshra.s32 s24, $0x2;
	s24 =	sadd.s32 $0x200, s24  }
0x8c: {  	[tilespmem:s23+$0x12370] =	vst v1  }
0x8d: {  	[tilespmem:s23+$0x12300] =	vst v1  }
0x8e: {  	[tilespmem:s23+$0x12310] =	vst v1  }
0x8f: {  	[tilespmem:s23+$0x12320] =	vst v1  }
0x90: {  	[tilespmem:s23+$0x12330] =	vst v1  }
0x91: {  	[tilespmem:s23+$0x12340] =	vst v1  }
0x92: {  	[tilespmem:s23+$0x12350] =	vst v1  }
0x93: {  	[tilespmem:s23+$0x12360] =	vst v1  }
0x94: {  	[spmem:s5] =	stream.linear.scatter [tilespmem:s12], [sflag:$0x5], $0x1000, $0x38;
	[tilespmem:$0x1E300] =	vst v63  }
0x95: {  	_ =	swait.ge [sflag:s14], $0x1000  }
0x96: {  	[sflag:s14] =	ssyncset.done $0x0  }
0x97: {  	s24 =	rddreg [dreg:$0x3];
	[sflag:s14] =	ssyncadd.s32 $0xFFFFF000  }
0x98: {  	[spmem:s24] =	stream.linear.scatter [tilespmem:s12], [sflag:$0x5], $0x1000, $0x38;
	[tilespmem:$0x1E300] =	vst v63  }
0x99: {  	_ =	swait.ge [sflag:s14], $0x1000  }
0x9a: {  	[sflag:s14] =	ssyncset.done $0x0  }
0x9b: {  	s25 =	rddreg [dreg:$0x4];
	[sflag:s14] =	ssyncadd.s32 $0xFFFFF000  }
0x9c: {  	[spmem:s25] =	stream.linear.scatter [tilespmem:s12], [sflag:$0x5], $0x1000, $0x38;
	[tilespmem:$0x1E300] =	vst v63  }
0x9d: {  	_ =	swait.ge [sflag:s14], $0x1000  }
0x9e: {  	[sflag:s14] =	ssyncset.done $0x0  }
0x9f: {  	s26 =	rddreg [dreg:$0x5];
	[sflag:s14] =	ssyncadd.s32 $0xFFFFF000  }
0xa0: {  	[spmem:s26] =	stream.linear.scatter [tilespmem:s12], [sflag:$0x5], $0x1000, $0x38;
	[tilespmem:$0x1E300] =	vst v63  }
0xa1: {  	_ =	swait.ge [sflag:s14], $0x1000  }
0xa2: {  	[sflag:s14] =	ssyncset.done $0x0  }
0xa3: {  	s28 =	rddreg [dreg:$0x6];
	[sflag:s14] =	ssyncadd.s32 $0xFFFFF000  }
0xa4: {  	[spmem:s28] =	stream.linear.scatter [tilespmem:s12], [sflag:$0x5], $0x1000, $0x38;
	[tilespmem:$0x1E300] =	vst v63  }
0xa5: {  	_ =	swait.ge [sflag:s14], $0x1000  }
0xa6: {  	[sflag:s14] =	ssyncset.done $0x0  }
0xa7: {  	s29 =	rddreg [dreg:$0x7];
	[sflag:s14] =	ssyncadd.s32 $0xFFFFF000  }
0xa8: {  	[spmem:s29] =	stream.linear.scatter [tilespmem:s12], [sflag:$0x5], $0x1000, $0x38;
	[tilespmem:$0x1E300] =	vst v63  }
0xa9: {  	_ =	swait.ge [sflag:s14], $0x1000  }
0xaa: {  	[sflag:s14] =	ssyncset.done $0x0  }
0xab: {  	s30 =	rddreg [dreg:$0x15];
	[sflag:s14] =	ssyncadd.s32 $0xFFFFF000  }
0xac: {  	[spmem:s30] =	stream.linear.scatter [tilespmem:s12], [sflag:$0x5], $0x1000, $0x38;
	[tilespmem:$0x1E300] =	vst v63  }
0xad: {  	_ =	swait.ge [sflag:s14], $0x1000  }
0xae: {  	[sflag:s14] =	ssyncset.done $0x0  }
0xaf: {  	s24 =	rddreg [dreg:$0x16];
	[sflag:s14] =	ssyncadd.s32 $0xFFFFF000  }
0xb0: {  	[spmem:s24] =	stream.linear.scatter [tilespmem:s12], [sflag:$0x5], $0x1000, $0x38;
	[tilespmem:$0x1E300] =	vst v63  }
0xb1: {  	_ =	swait.ge [sflag:s14], $0x1000  }
0xb2: {  	[sflag:s14] =	ssyncset.done $0x0  }
0xb3: {  	s25 =	rddreg [dreg:$0x17];
	[sflag:s14] =	ssyncadd.s32 $0xFFFFF000  }
0xb4: {  	[spmem:s25] =	stream.linear.scatter [tilespmem:s12], [sflag:$0x5], $0x1000, $0x38;
	[tilespmem:$0x1E300] =	vst v63  }
0xb5: {  	_ =	swait.ge [sflag:s14], $0x1000  }
0xb6: {  	[sflag:s14] =	ssyncset.done $0x0  }
0xb7: {  	s26 =	rddreg [dreg:$0x18];
	[sflag:s14] =	ssyncadd.s32 $0xFFFFF000  }
0xb8: {  	[spmem:s26] =	stream.linear.scatter [tilespmem:s12], [sflag:$0x5], $0x1000, $0x38;
	[tilespmem:$0x1E300] =	vst v63  }
0xb9: {  	_ =	swait.ge [sflag:s14], $0x1000  }
0xba: {  	[sflag:s14] =	ssyncset.done $0x0  }
0xbb: {  	s28 =	rddreg [dreg:$0x19];
	[sflag:s14] =	ssyncadd.s32 $0xFFFFF000  }
0xbc: {  	[spmem:s28] =	stream.linear.scatter [tilespmem:s12], [sflag:$0x5], $0x1000, $0x38;
	[tilespmem:$0x1E300] =	vst v63  }
0xbd: {  	_ =	swait.ge [sflag:s14], $0x1000  }
0xbe: {  	[sflag:s14] =	ssyncset.done $0x0  }
0xbf: {  	s23 =	simm.s32 $0x0;
	s24 =	rddreg [dreg:$0x8];
	[sflag:s14] =	ssyncadd.s32 $0xFFFFF000  }
0xc0: {  	[tilespmem:s23], [sflag:$0x5] =	stream.strided.gather [hbm4b:s24+s15], $0x5000, s16, s15, $0x38;
	[tilespmem:$0x1E300] =	vst v63  }
0xc1: {  	_ =	swait.ge [sflag:s14], $0x5000  }
0xc2: {  	[sflag:s14] =	ssyncset.done $0x0  }
0xc3: {  	s29 =	rddreg [dreg:$0x9];
	[sflag:s14] =	ssyncadd.s32 $0xFFFFB000  }
0xc4: {  	[tilespmem:s17], [sflag:$0x5] =	stream.strided.gather [hbm4b:s29+s15], $0x5000, s16, s15, $0x38;
	[tilespmem:$0x1E300] =	vst v63  }
0xc5: {  	_ =	swait.ge [sflag:s14], $0x5000  }
0xc6: {  	[sflag:s14] =	ssyncset.done $0x0  }
0xc7: {  	s30 =	simm.s32 $0x0;
	[sflag:s14] =	ssyncadd.s32 $0xFFFFB000  }
0xc8: {  	v21 =	vld [tilespmem:s30+$0x5180];
	_ =	sdelay $0x4  }
0xc9: {  	v21 =	vsub.s32 v21, v0  }
0xca: {  	vm0 =	vlt.u32 v21, $0x1400  }
0xcb: {  	v22 =	vsel vm0, $0x1, v3  }
0xcc: {  	(xrf0) =	vadd.scan.msk.s32 $0xffff, v22;
	_ =	sdelay $0x5  }
0xcd: {  	v23, _, _ =	vpop (xrf0)  }
0xce: {  	v22 =	vmov s23;
	v24 =	vxor.u32 $0x80000000, v23  }
0xcf: {  	v22 =	vadd.s32 $0xFFFFFFFF, v22;
	(xrf0) =	vmax.scan.msk.u32 $0xffff, v24  }
0xd0: {  	v22 =	vbroadcast v22, $0x0;
	_ =	sdelay $0x1  }
0xd1: {  	v22 =	vadd.s32 v23, v22  }
0xd2: {  	v22 =	vsel vm0, v22, v4  }
0xd3: {  	v23 =	vld [tilespmem:s30+$0x0]  }
0xd4: {  	v24, _, _ =	vpop (xrf0)  }
0xd5: {  	(v2sf) =	vpush v24, $0xF;
	_ =	sdelay $0x1  }
0xd6: {  	[tilespmem:v22+s17+$0x0] =	vst.idx.msk $0xffff, v21  }
0xd7: {  	s25 =	simm.s32 $0x80;
	s24 =	simm.s32 $0x10;
	[tilespmem:v22+s3+$0x0] =	vst.idx.msk $0xffff, v23  }
.LBB2_4:
0xd8: {  	p0 =	sne.s32 s25, $0x13FC0;
	v21 =	vld [tilespmem:s24+$0x5180];
	_ =	sdelay $0x4  }
0xd9: {  	v21 =	vsub.s32 v21, v0  }
0xda: {  	vm0 =	vlt.u32 v21, $0x1400  }
0xdb: {  	v22 =	vsel vm0, $0x1, v3  }
0xdc: {  	(xrf0) =	vadd.scan.msk.s32 $0xffff, v22;
	_ =	sdelay $0x2  }
0xdd: {  	s26 =	spop (v2sf)  }
0xde: {  	s23 =	sadd.s32 s26, s23  }
0xdf: {  	s23 =	sadd.s32 $0x80000000, s23  }
0xe0: {  	v22 =	vmov s23;
	v23, _, _ =	vpop (xrf0)  }
0xe1: {  	v22 =	vadd.s32 $0xFFFFFFFF, v22;
	v24 =	vxor.u32 $0x80000000, v23  }
0xe2: {  	v22 =	vbroadcast v22, $0x0;
	(xrf0) =	vmax.scan.msk.u32 $0xffff, v24;
	_ =	sdelay $0x1  }
0xe3: {  	v22 =	vadd.s32 v23, v22  }
0xe4: {  	v22 =	vsel vm0, v22, v4  }
0xe5: {  	v23 =	vld [tilespmem:s24+$0x0];
	_ =	sdelay $0x1  }
.Ltmp3:
0xe6: {  	v24, _, _ =	vpop (xrf0);
	(pc) =	sbr.rel @p0 .LBB2_4-.Ltmp3, $4  }
0xe7: {  	(v2sf) =	vpush v24, $0xF  }
0xe8: {  	[tilespmem:v22+s17+$0x0] =	vst.idx.msk $0xffff, v21  }
0xe9: {  	[tilespmem:v22+s3+$0x0] =	vst.idx.msk $0xffff, v23  }
0xea: {  	s24 =	sshra.s32 s25, $0x2;
	s25 =	sadd.s32 $0x40, s25  }
0xeb: {  	v21 =	vld [tilespmem:s24+$0x5180];
	_ =	sdelay $0x4  }
0xec: {  	v21 =	vsub.s32 v21, v0  }
0xed: {  	vm0 =	vlt.u32 v21, $0x1400  }
0xee: {  	v22 =	vsel vm0, $0x1, v3  }
0xef: {  	(xrf0) =	vadd.scan.msk.s32 $0xffff, v22;
	_ =	sdelay $0x5  }
0xf0: {  	v22, _, _ =	vpop (xrf0)  }
0xf1: {  	v23 =	vxor.u32 $0x80000000, v22  }
0xf2: {  	(xrf0) =	vmax.scan.msk.u32 $0xffff, v23;
	_ =	sdelay $0x5  }
0xf3: {  	v23, _, _ =	vpop (xrf0)  }
0xf4: {  	(v2sf) =	vpush v23, $0xF;
	_ =	sdelay $0x7  }
0xf5: {  	s25 =	spop (v2sf)  }
0xf6: {  	s23 =	sadd.s32 s25, s23  }
0xf7: {  	s23 =	sadd.s32 $0x80000000, s23  }
0xf8: {  	v23 =	vmov s23  }
0xf9: {  	v23 =	vadd.s32 $0xFFFFFFFF, v23  }
0xfa: {  	v23 =	vbroadcast v23, $0x0;
	_ =	sdelay $0x1  }
0xfb: {  	v22 =	vadd.s32 v22, v23;
	s30 =	spop (v2sf)  }
0xfc: {  	v22 =	vsel vm0, v22, v4;
	s23 =	sadd.s32 s30, s23  }
0xfd: {  	v23 =	vld [tilespmem:s24+$0x0];
	s23 =	sadd.s32 $0x80000000, s23  }
0xfe: {  	v24 =	vadd.s32 s23, v2  }
0xff: {  	s26 =	sadd.s32 $0x10, s23  }
0x100: {  	v25 =	vadd.s32 s26, v2  }
0x101: {  	[tilespmem:v22+s17+$0x0] =	vst.idx.msk $0xffff, v21;
	s28 =	sadd.s32 $0x20, s23  }
0x102: {  	[tilespmem:v22+s3+$0x0] =	vst.idx.msk $0xffff, v23;
	v21 =	vadd.s32 s28, v2  }
0x103: {  	s29 =	sadd.s32 $0x30, s23;
	[tilespmem:v24+s17+$0x0] =	vst.idx.msk $0xffff, v5  }
0x104: {  	v22 =	vadd.s32 s29, v2;
	[tilespmem:v24+s3+$0x0] =	vst.idx.msk $0xffff, v3  }
0x105: {  	s30 =	sadd.s32 $0x40, s23;
	[tilespmem:v25+s17+$0x0] =	vst.idx.msk $0xffff, v6  }
0x106: {  	v23 =	vadd.s32 s30, v2;
	[tilespmem:v25+s3+$0x0] =	vst.idx.msk $0xffff, v3  }
0x107: {  	s25 =	sadd.s32 $0x50, s23;
	[tilespmem:v21+s17+$0x0] =	vst.idx.msk $0xffff, v7  }
0x108: {  	[tilespmem:v21+s3+$0x0] =	vst.idx.msk $0xffff, v3;
	v21 =	vadd.s32 s25, v2  }
0x109: {  	s26 =	sadd.s32 $0x60, s23;
	[tilespmem:v22+s17+$0x0] =	vst.idx.msk $0xffff, v8  }
0x10a: {  	[tilespmem:v22+s3+$0x0] =	vst.idx.msk $0xffff, v3;
	v22 =	vadd.s32 s26, v2  }
0x10b: {  	s28 =	sadd.s32 $0x70, s23;
	[tilespmem:v23+s17+$0x0] =	vst.idx.msk $0xffff, v9  }
0x10c: {  	[tilespmem:v23+s3+$0x0] =	vst.idx.msk $0xffff, v3;
	v23 =	vadd.s32 s28, v2  }
0x10d: {  	s29 =	sadd.s32 $0x80, s23;
	[tilespmem:v21+s17+$0x0] =	vst.idx.msk $0xffff, v10  }
0x10e: {  	[tilespmem:v21+s3+$0x0] =	vst.idx.msk $0xffff, v3;
	v21 =	vadd.s32 s29, v2  }
0x10f: {  	s30 =	sadd.s32 $0x90, s23;
	[tilespmem:v22+s17+$0x0] =	vst.idx.msk $0xffff, v11  }
0x110: {  	[tilespmem:v22+s3+$0x0] =	vst.idx.msk $0xffff, v3;
	v22 =	vadd.s32 s30, v2  }
0x111: {  	s25 =	sadd.s32 $0xA0, s23;
	[tilespmem:v23+s17+$0x0] =	vst.idx.msk $0xffff, v12  }
0x112: {  	[tilespmem:v23+s3+$0x0] =	vst.idx.msk $0xffff, v3;
	v23 =	vadd.s32 s25, v2  }
0x113: {  	s26 =	sadd.s32 $0xB0, s23;
	[tilespmem:v21+s17+$0x0] =	vst.idx.msk $0xffff, v13  }
0x114: {  	[tilespmem:v21+s3+$0x0] =	vst.idx.msk $0xffff, v3;
	v21 =	vadd.s32 s26, v2  }
0x115: {  	s28 =	sadd.s32 $0xC0, s23;
	[tilespmem:v22+s17+$0x0] =	vst.idx.msk $0xffff, v14  }
0x116: {  	[tilespmem:v22+s3+$0x0] =	vst.idx.msk $0xffff, v3;
	v22 =	vadd.s32 s28, v2  }
0x117: {  	s29 =	sadd.s32 $0xD0, s23;
	[tilespmem:v23+s17+$0x0] =	vst.idx.msk $0xffff, v15  }
0x118: {  	[tilespmem:v23+s3+$0x0] =	vst.idx.msk $0xffff, v3;
	v23 =	vadd.s32 s29, v2  }
0x119: {  	s30 =	sadd.s32 $0xE0, s23;
	[tilespmem:v21+s17+$0x0] =	vst.idx.msk $0xffff, v16  }
0x11a: {  	p0 =	slt.s32 s23, $0x1;
	s26 =	sand.u32 $0x7F, s23;
	[tilespmem:v21+s3+$0x0] =	vst.idx.msk $0xffff, v3;
	v21 =	vadd.s32 s30, v2  }
0x11b: {  	s25 =	sadd.s32 $0xF0, s23;
	p1 =	sne.s32 s26, $0x0;
	s28 =	sshra.s32 s23, $0x1F;
	[tilespmem:v22+s17+$0x0] =	vst.idx.msk $0xffff, v17  }
0x11c: {  	p0 =	por !p0, !p1;
	s29 =	sshrl.u32 s28, $0x19;
	[tilespmem:v22+s3+$0x0] =	vst.idx.msk $0xffff, v3;
	v22 =	vadd.s32 s25, v2  }
0x11d: {  	s24 =	simm.s32 $0x1;
	p0 =	por !p0, !p0;
	s23 =	sadd.s32 s29, s23;
	[tilespmem:v23+s17+$0x0] =	vst.idx.msk $0xffff, v18  }
0x11e: {  	s24 =	simm.s32 @!p0 $0x0;
	s23 =	sshra.s32 s23, $0x7;
	[tilespmem:v23+s3+$0x0] =	vst.idx.msk $0xffff, v3  }
0x11f: {  	s23 =	ssub.s32 s23, s24;
	[tilespmem:v21+s17+$0x0] =	vst.idx.msk $0xffff, v19  }
0x120: {  	s23 =	sadd.s32 $0x2, s23;
	[tilespmem:v21+s3+$0x0] =	vst.idx.msk $0xffff, v3  }
0x121: {  	p0 =	slt.s32 s23, $0x1;
	[tilespmem:v22+s17+$0x0] =	vst.idx.msk $0xffff, v20  }
0x122: {  	p1 =	seq.s32 @!p0 s23, $0x1;
	[tilespmem:v22+s3+$0x0] =	vst.idx.msk $0xffff, v3  }
0x123: {  	s30 =	simm.s32 $0xA300;
	p1 =	por p1, p0;
	[bflag:$0x0] =	sbarrier.arrive $0xFFFF  }
0x124: {  	[tilespmem:s30], [sflag:$0x1] =	stream.indirect.gather [hbm4b:s4+s15], $0x80, s3, s15, $0xb8;
	[tilespmem:$0x1E300] =	vst v63  }
0x125: {  	s24 =	simm.s32 @!p1 $0x80;
	s25 =	simm.s32 @!p1 $0xE300  }
0x126: {  	[tilespmem:s25], [sflag:$0x2] =	stream.indirect.gather @!p1 [hbm4b:s4+s24], $0x80, s24, s24, $0xb8;
	[tilespmem:$0x1E300] =	vst v63  }
0x127: {  	s24 =	simm.s32 @!p0 $0x1  }
.Ltmp4:
0x128: {  	_ =	swait.ge @!p0 [sflag:s24], $0x4000;
	(pc) =	sbr.rel .LBB2_6-.Ltmp4, $4  }
0x129: {  	s26 =	simm.s32 @!p0 $0xA300;
	[sflag:s24] =	ssyncset.done @!p0 $0x0  }
0x12a: {  	s25 =	simm.s32 @!p0 $0x5180;
	[sflag:s24] =	ssyncadd.s32 @!p0 $0xFFFFC000;
	s24 =	simm.s32 @!p0 $0x80  }
0x12b: {  	[spmem:s2] =	stream.indirect.scatter.add.f32 @!p0 [tilespmem:s26], [sflag:$0x3], $0x80, s25, s24, $0xb8;
	[tilespmem:$0x1E300] =	vst v63  }
0x12c: {  	s24 =	simm.s32 $0x2;
	s25 =	simm.s32 $0x100;
	s26 =	simm.s32 $0x5200  }
.LBB2_8:
0x12d: {  	s24 =	sadd.s32 $0x1, s24  }
0x12e: {  	p0 =	sne.s32 s24, $0xA3  }
.Ltmp5:
0x12f: {  	_ = 	snop;
	(pc) =	sbr.rel @!p0 .LBB2_9-.Ltmp5, $2  }
0x130: {  	_ =	sdelay $0x2  }
0x131: {  	s25 =	sadd.s32 $0x80, s25;
	s26 =	sadd.s32 $0x80, s26  }
.LBB2_6:
0x132: {  	s28 =	sadd.s32 $0xFFFFFFFF, s24  }
0x133: {  	p0 =	sge.s32 s28, s23  }
0x134: {  	s28 =	sand.u32 @!p0 $0x1, s28  }
0x135: {  	p1 =	seq.s32 @!p0 s28, $0x1  }
0x136: {  	p2 =	por p1, p0  }
0x137: {  	p3 =	sge.u32 @!p2 s24, s23  }
0x138: {  	p3 =	por @!p0 p3, p1  }
0x139: {  	p3 =	por p3, p0  }
0x13a: {  	s29 =	simm.s32 @!p3 $0x4  }
0x13b: {  	_ =	swait.ge @!p3 [sflag:s29], $0x4000  }
0x13c: {  	[sflag:s29] =	ssyncset.done @!p3 $0x0  }
0x13d: {  	s30 =	simm.s32 @!p3 $0xE300;
	[sflag:s29] =	ssyncadd.s32 @!p3 $0xFFFFC000;
	s29 =	simm.s32 @!p3 $0x80  }
0x13e: {  	[tilespmem:s30], [sflag:$0x2] =	stream.indirect.gather @!p3 [hbm4b:s4+s29], $0x80, s25, s29, $0xb8;
	[tilespmem:$0x1E300] =	vst v63  }
0x13f: {  	s29 =	simm.s32 @!p2 $0x1  }
0x140: {  	_ =	swait.ge @!p2 [sflag:s29], $0x4000  }
0x141: {  	[sflag:s29] =	ssyncset.done @!p2 $0x0  }
0x142: {  	s30 =	simm.s32 @!p2 $0xA300;
	[sflag:s29] =	ssyncadd.s32 @!p2 $0xFFFFC000;
	s29 =	simm.s32 @!p2 $0x80  }
0x143: {  	[spmem:s2] =	stream.indirect.scatter.add.f32 @!p2 [tilespmem:s30], [sflag:$0x3], $0x80, s26, s29, $0xb8;
	[tilespmem:$0x1E300] =	vst v63  }
0x144: {  	p2 =	seq.s32 @!p2 s28, $0x0  }
0x145: {  	p1 =	por @!p0 p1, !p2  }
0x146: {  	p0 =	por p0, !p1  }
.Ltmp6:
0x147: {  	_ = 	snop;
	(pc) =	sbr.rel @p0 .LBB2_8-.Ltmp6, $1  }
0x148: {  	_ =	sdelay $0x3  }
0x149: {  	p0 =	sge.s32 s24, s23  }
0x14a: {  	s28 =	simm.s32 @!p0 $0x3  }
0x14b: {  	_ =	swait.ge @!p0 [sflag:s28], $0x4000  }
0x14c: {  	[sflag:s28] =	ssyncset.done @!p0 $0x0  }
0x14d: {  	s29 =	simm.s32 @!p0 $0xA300;
	[sflag:s28] =	ssyncadd.s32 @!p0 $0xFFFFC000;
	s28 =	simm.s32 @!p0 $0x80  }
0x14e: {  	[tilespmem:s29], [sflag:$0x1] =	stream.indirect.gather @!p0 [hbm4b:s4+s28], $0x80, s25, s28, $0xb8;
	[tilespmem:$0x1E300] =	vst v63  }
.Ltmp7:
0x14f: {  	_ = 	snop;
	(pc) =	sbr.rel .LBB2_8-.Ltmp7, $4  }
0x150: {  	_ =	swait.ge [sflag:s20], $0x4000  }
0x151: {  	[sflag:s20] =	ssyncset.done $0x0  }
0x152: {  	[sflag:s20] =	ssyncadd.s32 $0xFFFFC000  }
0x153: {  	[spmem:s2] =	stream.indirect.scatter.add.f32 [tilespmem:s21], [sflag:$0x4], $0x80, s26, s15, $0xb8;
	[tilespmem:$0x1E300] =	vst v63  }
.LBB2_10:
0x154: {  	_ =	sfence.sel $0x180000  }
0x155: {  	[bflag:$0x0] =	sbarrier.arrive $0xFFFF  }
0x156: {  	_ =	strace $0x9000004A  }
0x157: {  	s0 =	stileid.u32;
	[bflag:$0x2] =	sbarrier.arrive $0xFFFF  }
0x158: {  	p0 =	sne.s32 s0, $0x0;
	s0 =	rddreg [dreg:$0x2]  }
0x159: {  	s0 =	sadd.s32 @!p0 $0x100000, s0  }
0x15a: {  	[sflag:s0] =	ssyncadd.tile.s32 @!p0 $0x1;
	_ =	shalt  }
.Lfunc_end2:
_tile_overlayer_lowered:
.L_overlay_start_2:
0x15b: {  	(tag) =	ssettag $0x2  }
0x15c: {  	s0 =	rddreg [dreg:$0x0];
	s2 =	stileid.u32  }
0x15d: {  	s1 =	rddreg [dreg:$0x1];
	p0 =	sne.s32 s2, $0x0  }
0x15e: {  	s3 =	rddreg [dreg:$0x2];
	[bflag:$0x3] =	sbarrier.arrive $0xFFFF;
	s2 =	simm.s32 @!p0 $0x1C05  }
0x15f: {  	[timem:s3], [sflag:s2] =	dma.local @!p0 [hbm:s0], s1  }
0x160: {  	s0 =	simm.s32 @!p0 $0x5  }
0x161: {  	_ =	swait.ge @!p0 [sflag:s0], s1  }
0x162: {  	s1 =	ssub.s32 @!p0 $0x0, s1;
	[sflag:s0] =	ssyncset.done @!p0 $0x0  }
0x163: {  	[sflag:s0] =	ssyncadd.s32 @!p0 s1  }
0x164: {  	[bflag:$0x3] =	sbarrier.arrive $0xFFFF  }
0x165: {  	_ =	shalt  }

</sc_bundles>
